<compile_context>
chip_gen: v7x
topology: tpu7x:2x2x1
jax: 0.10.2.dev20260603
libtpu: 0.0.44.dev20260713+nightly
codegen_flags: <defaults>
</compile_context>

<pallas_src>
import functools
import math

import jax
import jax.numpy as jnp
from jax import lax
from jax.experimental import pallas as pl
from jax.experimental.pallas import tpu as pltpu, tpu_sc as plsc

_B = 4096
_S = 200
_D = 32
_L = 16

_NC = 2
_NS = 16
_NW = _NC * _NS

_BPW = _B // _NW
_NBG = _BPW // _L

_SCALE = math.sqrt(float(_D))
_INV_SCALE = 1.0 / _SCALE


def _body(idxT_hbm, tok_hbm, pos_hbm, out_hbm,
          sidx, inb, outb, posb,
          gsem0, gsem1, gsem2, gsem3, wsem0, wsem1,
          isem0, isem1, isem2, isem3):
    wid = lax.axis_index("s") * _NC + lax.axis_index("c")
    gsems = (gsem0, gsem1, gsem2, gsem3)
    wsems = (wsem0, wsem1)
    isems = (isem0, isem1, isem2, isem3)

    pltpu.sync_copy(pos_hbm, posb)

    def _ps(i, carry):
        for j in range(8):
            v = posb[i, pl.ds(j * _L, _L)]
            posb[i, pl.ds(j * _L, _L)] = v * _INV_SCALE
        return carry

    lax.fori_loop(0, _S * _D // 128, _ps, 0)

    def _fire_idx(s, si):
        pltpu.async_copy(idxT_hbm.at[s, wid], sidx.at[si], isems[si])

    def _drain_idx(s, si):
        pltpu.make_async_copy(
            idxT_hbm.at[s, wid], sidx.at[si], isems[si]).wait()

    def _fire_gather(si):
        pltpu.async_copy(tok_hbm.at[sidx.at[si]], inb.at[si], gsems[si])

    def _drain_gather(si):
        pltpu.make_async_copy(
            tok_hbm.at[sidx.at[si]], inb.at[si], gsems[si]).wait()

    def _drain_write(sb):
        pltpu.make_async_copy(
            outb.at[sb], out_hbm.at[pl.ds(0, 4)], wsems[sb]).wait()

    pltpu.sync_copy(idxT_hbm.at[0, wid], sidx.at[0])
    pltpu.sync_copy(idxT_hbm.at[1, wid], sidx.at[1])
    _fire_gather(0)
    _fire_gather(1)
    _fire_idx(2, 2)

    def _step(s, s4, j):
        sb = j % 2
        si = j
        si2 = (j + 2) % 4
        si3 = (j + 3) % 4
        _drain_gather(si)

        @pl.when(s + 3 < _S)
        def _():
            _fire_idx(s + 3, si3)

        @pl.when(s + 2 < _S)
        def _():
            _drain_idx(s + 2, si2)

        @pl.when(s + 2 < _S)
        def _():
            _fire_gather(si2)

        @pl.when(s >= 2)
        def _():
            _drain_write(sb)

        pp0 = posb[s4, pl.ds(j * _D, _L)]
        pp1 = posb[s4, pl.ds(j * _D + _L, _L)]
        iota = lax.iota(jnp.int32, _L)

        def _bg(bg, carry):
            ivv = sidx[si, pl.ds(bg * _L, _L)]
            mv = jnp.where(ivv != 0, _SCALE, 0.0)
            bvec = iota + bg * _L
            ts = [plsc.load_gather(
                      inb.at[si],
                      [bvec, jnp.full((_L,), c, dtype=jnp.int32)])
                  for c in range(_D)]
            for c in range(_D):
                ppc = pp0[c] if c < _L else pp1[c - _L]
                outb[sb, c // 8, c % 8, pl.ds(bg * _L, _L)] = (ts[c] + ppc) * mv
            return carry

        lax.fori_loop(0, _NBG, _bg, 0)

        for ct in range(4):
            pltpu.async_copy(
                outb.at[sb, ct],
                out_hbm.at[(s * 4 + ct) * _NW + wid],
                wsems[sb],
            )

    def _s4loop(s4, carry):
        for j in range(4):
            _step(s4 * 4 + j, s4, j)
        return carry

    lax.fori_loop(0, _S // 4, _s4loop, 0)

    _drain_write(0)
    _drain_write(1)


_mesh = plsc.VectorSubcoreMesh(core_axis_name="c", subcore_axis_name="s")

_kern = functools.partial(
    pl.kernel,
    out_type=jax.ShapeDtypeStruct((_S * 4 * _NW, 8, 128), jnp.float32),
    mesh=_mesh,
    scratch_types=[
        pltpu.VMEM((4, _BPW), jnp.int32),
        pltpu.VMEM((4, _BPW, _D), jnp.float32),
        pltpu.VMEM((2, 4, 8, 128), jnp.float32),
        pltpu.VMEM((_S * _D // 128, 128), jnp.float32),
        pltpu.SemaphoreType.DMA,
        pltpu.SemaphoreType.DMA,
        pltpu.SemaphoreType.DMA,
        pltpu.SemaphoreType.DMA,
        pltpu.SemaphoreType.DMA,
        pltpu.SemaphoreType.DMA,
        pltpu.SemaphoreType.DMA,
        pltpu.SemaphoreType.DMA,
        pltpu.SemaphoreType.DMA,
        pltpu.SemaphoreType.DMA,
    ],
    compiler_params=pltpu.CompilerParams(
        use_tc_tiling_on_sc=False, needs_layout_passes=False),
)(_body)


@jax.jit
def kernel(inputs, token_table, position_table):
    idxT = inputs.transpose(1, 0).reshape(_S, _NW, _BPW)
    pos2 = position_table.reshape(_S * _D // 128, 128)
    out = _kern(idxT, token_table, pos2)
    out = out.reshape(_S, 4, _NW, 8, 128)
    out = out.transpose(2, 4, 0, 1, 3)
    return out.reshape(_B, _S, _D)

# --- scband reference (transcript-rebuilt; emitter-appended) ---
"""Pipeline reference for scband-positional-embedding-88347477279540 (READ-ONLY COPY).

The authoritative reference and input builder live on the scoring server;
editing this copy changes nothing except your own understanding.
"""

import jax, jax.numpy as jnp
import numpy as np

VOCAB = 1000000
EMBED_DIM = 32
SEQ_LEN = 200
BATCH = 4096


def setup_inputs(seed: int = 0) -> dict:
    key = jax.random.key(seed)
    k_idx, k_tok, k_pos = jax.random.split(key, 3)
    inputs = jax.random.randint(k_idx, (BATCH, SEQ_LEN), 0, VOCAB, dtype=jnp.int32)
    token_table = jax.random.normal(k_tok, (VOCAB, EMBED_DIM), dtype=jnp.float32) * 0.02
    position_table = jax.random.normal(k_pos, (SEQ_LEN, EMBED_DIM), dtype=jnp.float32) * 0.02
    return {"inputs": inputs, "token_table": token_table, "position_table": position_table}


def reference(inputs, token_table, position_table):
    length = inputs.shape[-1]
    positions = jnp.arange(length)
    embedded_tokens = jnp.take(token_table, inputs, axis=0)
    scale = jnp.sqrt(jnp.asarray(EMBED_DIM, dtype=jnp.float32))
    embedded_tokens = embedded_tokens * scale
    embedded_positions = jnp.take(position_table, positions, axis=0)
    full_embedding = embedded_tokens + embedded_positions[None, :, :]
    mask = jnp.not_equal(inputs, 0).astype(jnp.float32)[..., None]
    full_embedding = full_embedding * mask
    return full_embedding

if __name__ == "__main__":
    import jax
    _d = setup_inputs()
    print(jax.jit(kernel)(*tuple(_d.values())))

</pallas_src>

<mosaic_0001>
#map = affine_map<(d0, d1) -> (0, 0, 0)>
#map1 = affine_map<(d0, d1) -> (0, 0)>
module attributes {stable_mosaic.version = 14 : i64} {
  func.func @_body(%arg0: i32, %arg1: i32, %arg2: memref<200x32x128xi32, #tpu.memory_space<hbm>>, %arg3: memref<1000000x32xf32, #tpu.memory_space<hbm>>, %arg4: memref<50x128xf32, #tpu.memory_space<hbm>>, %arg5: memref<25600x8x128xf32, #tpu.memory_space<hbm>>, %arg6: memref<4x128xi32, #tpu.memory_space<vmem>>, %arg7: memref<4x128x32xf32, #tpu.memory_space<vmem>>, %arg8: memref<2x4x8x128xf32, #tpu.memory_space<vmem>>, %arg9: memref<50x128xf32, #tpu.memory_space<vmem>>, %arg10: memref<!tpu.dma_semaphore, #tpu.memory_space<semaphore_mem>>, %arg11: memref<!tpu.dma_semaphore, #tpu.memory_space<semaphore_mem>>, %arg12: memref<!tpu.dma_semaphore, #tpu.memory_space<semaphore_mem>>, %arg13: memref<!tpu.dma_semaphore, #tpu.memory_space<semaphore_mem>>, %arg14: memref<!tpu.dma_semaphore, #tpu.memory_space<semaphore_mem>>, %arg15: memref<!tpu.dma_semaphore, #tpu.memory_space<semaphore_mem>>, %arg16: memref<!tpu.dma_semaphore, #tpu.memory_space<semaphore_mem>>, %arg17: memref<!tpu.dma_semaphore, #tpu.memory_space<semaphore_mem>>, %arg18: memref<!tpu.dma_semaphore, #tpu.memory_space<semaphore_mem>>, %arg19: memref<!tpu.dma_semaphore, #tpu.memory_space<semaphore_mem>>) attributes {dimension_semantics = [#tpu.dimension_semantics<core_parallel>, #tpu.dimension_semantics<subcore_parallel>], iteration_bounds = array<i64: 2, 16>, scalar_prefetch = 0 : i64, scratch_operands = 14 : i64, tpu.core_type = #tpu.core_type<sc_vector_subcore>, window_params = [{transform_indices = #map}, {transform_indices = #map1}, {transform_indices = #map1}, {transform_indices = #map}]} {
    %mul3A = arith.constant 2 : i32
    %mul3A_0 = arith.muli %arg1, %mul3A : i32
    %add3A = arith.addi %mul3A_0, %arg0 : i32
    "tpu.region"() ({
      %run_scoped3A_89 = tpu.sem_alloc : memref<!tpu.dma_semaphore, #tpu.memory_space<semaphore_mem>>
      tpu.enqueue_dma source(%arg4 : memref<50x128xf32, #tpu.memory_space<hbm>>) target(%arg9 : memref<50x128xf32, #tpu.memory_space<vmem>>) target_semaphore(%run_scoped3A_89 : memref<!tpu.dma_semaphore, #tpu.memory_space<semaphore_mem>>)
      tpu.wait_dma2 semaphore(%run_scoped3A_89 : memref<!tpu.dma_semaphore, #tpu.memory_space<semaphore_mem>>) src(%arg4 : memref<50x128xf32, #tpu.memory_space<hbm>>) dst(%arg9 : memref<50x128xf32, #tpu.memory_space<vmem>>)
      tpu.yield
    }) : () -> ()
    %scan3A = arith.constant 0 : i32
    %scan3A_1 = arith.constant 0 : i32
    %scan3A_2 = arith.constant 50 : i32
    %scan3A_3 = arith.addi %scan3A_1, %scan3A_2 : i32
    %scan3A_4 = arith.constant 1 : i32
    scf.for %scan3A_89 = %scan3A_1 to %scan3A_3 step %scan3A_4  : i32 {
      %get3A = arith.index_cast %scan3A_89 : i32 to index
      %get3A_90 = arith.constant 0 : index
      %get3A_91 = tpu.vector_load %arg9[%get3A, %get3A_90] {strides = array<i32>} : memref<50x128xf32, #tpu.memory_space<vmem>>, vector<16xf32>,
      %mul3A_92 = arith.constant 0.176776692 : f32
      %mul3A_93 = vector.broadcast %mul3A_92 : f32 to vector<16xf32>
      %mul3A_94 = arith.mulf %get3A_91, %mul3A_93 : vector<16xf32>
      %swap3A = arith.index_cast %scan3A_89 : i32 to index
      %swap3A_95 = arith.constant 0 : index
      %swap3A_96 = tpu.vector_load %arg9[%swap3A, %swap3A_95] {strides = array<i32>} : memref<50x128xf32, #tpu.memory_space<vmem>>, vector<16xf32>,
      tpu.vector_store %arg9[%swap3A, %swap3A_95], %mul3A_94 {strides = array<i32>} : memref<50x128xf32, #tpu.memory_space<vmem>>, vector<16xf32>,
      %get3A_97 = arith.index_cast %scan3A_89 : i32 to index
      %get3A_98 = arith.constant 16 : index
      %get3A_99 = tpu.vector_load %arg9[%get3A_97, %get3A_98] {strides = array<i32>} : memref<50x128xf32, #tpu.memory_space<vmem>>, vector<16xf32>,
      %mul3A_100 = arith.constant 0.176776692 : f32
      %mul3A_101 = vector.broadcast %mul3A_100 : f32 to vector<16xf32>
      %mul3A_102 = arith.mulf %get3A_99, %mul3A_101 : vector<16xf32>
      %swap3A_103 = arith.index_cast %scan3A_89 : i32 to index
      %swap3A_104 = arith.constant 16 : index
      %swap3A_105 = tpu.vector_load %arg9[%swap3A_103, %swap3A_104] {strides = array<i32>} : memref<50x128xf32, #tpu.memory_space<vmem>>, vector<16xf32>,
      tpu.vector_store %arg9[%swap3A_103, %swap3A_104], %mul3A_102 {strides = array<i32>} : memref<50x128xf32, #tpu.memory_space<vmem>>, vector<16xf32>,
      %get3A_106 = arith.index_cast %scan3A_89 : i32 to index
      %get3A_107 = arith.constant 32 : index
      %get3A_108 = tpu.vector_load %arg9[%get3A_106, %get3A_107] {strides = array<i32>} : memref<50x128xf32, #tpu.memory_space<vmem>>, vector<16xf32>,
      %mul3A_109 = arith.constant 0.176776692 : f32
      %mul3A_110 = vector.broadcast %mul3A_109 : f32 to vector<16xf32>
      %mul3A_111 = arith.mulf %get3A_108, %mul3A_110 : vector<16xf32>
      %swap3A_112 = arith.index_cast %scan3A_89 : i32 to index
      %swap3A_113 = arith.constant 32 : index
      %swap3A_114 = tpu.vector_load %arg9[%swap3A_112, %swap3A_113] {strides = array<i32>} : memref<50x128xf32, #tpu.memory_space<vmem>>, vector<16xf32>,
      tpu.vector_store %arg9[%swap3A_112, %swap3A_113], %mul3A_111 {strides = array<i32>} : memref<50x128xf32, #tpu.memory_space<vmem>>, vector<16xf32>,
      %get3A_115 = arith.index_cast %scan3A_89 : i32 to index
      %get3A_116 = arith.constant 48 : index
      %get3A_117 = tpu.vector_load %arg9[%get3A_115, %get3A_116] {strides = array<i32>} : memref<50x128xf32, #tpu.memory_space<vmem>>, vector<16xf32>,
      %mul3A_118 = arith.constant 0.176776692 : f32
      %mul3A_119 = vector.broadcast %mul3A_118 : f32 to vector<16xf32>
      %mul3A_120 = arith.mulf %get3A_117, %mul3A_119 : vector<16xf32>
      %swap3A_121 = arith.index_cast %scan3A_89 : i32 to index
      %swap3A_122 = arith.constant 48 : index
      %swap3A_123 = tpu.vector_load %arg9[%swap3A_121, %swap3A_122] {strides = array<i32>} : memref<50x128xf32, #tpu.memory_space<vmem>>, vector<16xf32>,
      tpu.vector_store %arg9[%swap3A_121, %swap3A_122], %mul3A_120 {strides = array<i32>} : memref<50x128xf32, #tpu.memory_space<vmem>>, vector<16xf32>,
      %get3A_124 = arith.index_cast %scan3A_89 : i32 to index
      %get3A_125 = arith.constant 64 : index
      %get3A_126 = tpu.vector_load %arg9[%get3A_124, %get3A_125] {strides = array<i32>} : memref<50x128xf32, #tpu.memory_space<vmem>>, vector<16xf32>,
      %mul3A_127 = arith.constant 0.176776692 : f32
      %mul3A_128 = vector.broadcast %mul3A_127 : f32 to vector<16xf32>
      %mul3A_129 = arith.mulf %get3A_126, %mul3A_128 : vector<16xf32>
      %swap3A_130 = arith.index_cast %scan3A_89 : i32 to index
      %swap3A_131 = arith.constant 64 : index
      %swap3A_132 = tpu.vector_load %arg9[%swap3A_130, %swap3A_131] {strides = array<i32>} : memref<50x128xf32, #tpu.memory_space<vmem>>, vector<16xf32>,
      tpu.vector_store %arg9[%swap3A_130, %swap3A_131], %mul3A_129 {strides = array<i32>} : memref<50x128xf32, #tpu.memory_space<vmem>>, vector<16xf32>,
      %get3A_133 = arith.index_cast %scan3A_89 : i32 to index
      %get3A_134 = arith.constant 80 : index
      %get3A_135 = tpu.vector_load %arg9[%get3A_133, %get3A_134] {strides = array<i32>} : memref<50x128xf32, #tpu.memory_space<vmem>>, vector<16xf32>,
      %mul3A_136 = arith.constant 0.176776692 : f32
      %mul3A_137 = vector.broadcast %mul3A_136 : f32 to vector<16xf32>
      %mul3A_138 = arith.mulf %get3A_135, %mul3A_137 : vector<16xf32>
      %swap3A_139 = arith.index_cast %scan3A_89 : i32 to index
      %swap3A_140 = arith.constant 80 : index
      %swap3A_141 = tpu.vector_load %arg9[%swap3A_139, %swap3A_140] {strides = array<i32>} : memref<50x128xf32, #tpu.memory_space<vmem>>, vector<16xf32>,
      tpu.vector_store %arg9[%swap3A_139, %swap3A_140], %mul3A_138 {strides = array<i32>} : memref<50x128xf32, #tpu.memory_space<vmem>>, vector<16xf32>,
      %get3A_142 = arith.index_cast %scan3A_89 : i32 to index
      %get3A_143 = arith.constant 96 : index
      %get3A_144 = tpu.vector_load %arg9[%get3A_142, %get3A_143] {strides = array<i32>} : memref<50x128xf32, #tpu.memory_space<vmem>>, vector<16xf32>,
      %mul3A_145 = arith.constant 0.176776692 : f32
      %mul3A_146 = vector.broadcast %mul3A_145 : f32 to vector<16xf32>
      %mul3A_147 = arith.mulf %get3A_144, %mul3A_146 : vector<16xf32>
      %swap3A_148 = arith.index_cast %scan3A_89 : i32 to index
      %swap3A_149 = arith.constant 96 : index
      %swap3A_150 = tpu.vector_load %arg9[%swap3A_148, %swap3A_149] {strides = array<i32>} : memref<50x128xf32, #tpu.memory_space<vmem>>, vector<16xf32>,
      tpu.vector_store %arg9[%swap3A_148, %swap3A_149], %mul3A_147 {strides = array<i32>} : memref<50x128xf32, #tpu.memory_space<vmem>>, vector<16xf32>,
      %get3A_151 = arith.index_cast %scan3A_89 : i32 to index
      %get3A_152 = arith.constant 112 : index
      %get3A_153 = tpu.vector_load %arg9[%get3A_151, %get3A_152] {strides = array<i32>} : memref<50x128xf32, #tpu.memory_space<vmem>>, vector<16xf32>,
      %mul3A_154 = arith.constant 0.176776692 : f32
      %mul3A_155 = vector.broadcast %mul3A_154 : f32 to vector<16xf32>
      %mul3A_156 = arith.mulf %get3A_153, %mul3A_155 : vector<16xf32>
      %swap3A_157 = arith.index_cast %scan3A_89 : i32 to index
      %swap3A_158 = arith.constant 112 : index
      %swap3A_159 = tpu.vector_load %arg9[%swap3A_157, %swap3A_158] {strides = array<i32>} : memref<50x128xf32, #tpu.memory_space<vmem>>, vector<16xf32>,
      tpu.vector_store %arg9[%swap3A_157, %swap3A_158], %mul3A_156 {strides = array<i32>} : memref<50x128xf32, #tpu.memory_space<vmem>>, vector<16xf32>,
    }
    %scan3A_5 = arith.constant 50 : i32
    %run_scoped3A = arith.constant 0 : i32
    %run_scoped3A_6 = arith.constant 0 : i32
    "tpu.region"() ({
      %run_scoped3A_89 = tpu.sem_alloc : memref<!tpu.dma_semaphore, #tpu.memory_space<semaphore_mem>>
      %dma_start3A_90 = arith.constant 0 : i32
      %dma_start3A_91 = tpu.memref_slice %arg6[%run_scoped3A_6, %dma_start3A_90] : memref<4x128xi32, #tpu.memory_space<vmem>> -> memref<1x128xi32, #tpu.memory_space<vmem>>
      %dma_start3A_92 = tpu.memref_squeeze %dma_start3A_91 : memref<1x128xi32, #tpu.memory_space<vmem>> -> memref<128xi32, #tpu.memory_space<vmem>>
      %dma_start3A_93 = arith.constant 0 : i32
      %dma_start3A_94 = tpu.memref_slice %arg2[%run_scoped3A, %add3A, %dma_start3A_93] : memref<200x32x128xi32, #tpu.memory_space<hbm>> -> memref<1x1x128xi32, #tpu.memory_space<hbm>>
      %dma_start3A_95 = tpu.memref_squeeze %dma_start3A_94 : memref<1x1x128xi32, #tpu.memory_space<hbm>> -> memref<128xi32, #tpu.memory_space<hbm>>
      %dma_start3A_96 = arith.constant 0 : i32
      %dma_start3A_97 = tpu.memref_slice %arg6[%run_scoped3A_6, %dma_start3A_96] : memref<4x128xi32, #tpu.memory_space<vmem>> -> memref<1x128xi32, #tpu.memory_space<vmem>>
      %dma_start3A_98 = tpu.memref_squeeze %dma_start3A_97 : memref<1x128xi32, #tpu.memory_space<vmem>> -> memref<128xi32, #tpu.memory_space<vmem>>
      %dma_start3A_99 = arith.constant 0 : i32
      %dma_start3A_100 = tpu.memref_slice %arg2[%run_scoped3A, %add3A, %dma_start3A_99] : memref<200x32x128xi32, #tpu.memory_space<hbm>> -> memref<1x1x128xi32, #tpu.memory_space<hbm>>
      %dma_start3A_101 = tpu.memref_squeeze %dma_start3A_100 : memref<1x1x128xi32, #tpu.memory_space<hbm>> -> memref<128xi32, #tpu.memory_space<hbm>>
      tpu.enqueue_dma source(%dma_start3A_101 : memref<128xi32, #tpu.memory_space<hbm>>) target(%dma_start3A_98 : memref<128xi32, #tpu.memory_space<vmem>>) target_semaphore(%run_scoped3A_89 : memref<!tpu.dma_semaphore, #tpu.memory_space<semaphore_mem>>)
      %dma_wait3A_102 = arith.constant 0 : i32
      %dma_wait3A_103 = tpu.memref_slice %arg6[%run_scoped3A_6, %dma_wait3A_102] : memref<4x128xi32, #tpu.memory_space<vmem>> -> memref<1x128xi32, #tpu.memory_space<vmem>>
      %dma_wait3A_104 = tpu.memref_squeeze %dma_wait3A_103 : memref<1x128xi32, #tpu.memory_space<vmem>> -> memref<128xi32, #tpu.memory_space<vmem>>
      %dma_wait3A_105 = arith.constant 0 : i32
      %dma_wait3A_106 = tpu.memref_slice %arg2[%run_scoped3A, %add3A, %dma_wait3A_105] : memref<200x32x128xi32, #tpu.memory_space<hbm>> -> memref<1x1x128xi32, #tpu.memory_space<hbm>>
      %dma_wait3A_107 = tpu.memref_squeeze %dma_wait3A_106 : memref<1x1x128xi32, #tpu.memory_space<hbm>> -> memref<128xi32, #tpu.memory_space<hbm>>
      %dma_wait3A_108 = arith.constant 0 : i32
      %dma_wait3A_109 = tpu.memref_slice %arg6[%run_scoped3A_6, %dma_wait3A_108] : memref<4x128xi32, #tpu.memory_space<vmem>> -> memref<1x128xi32, #tpu.memory_space<vmem>>
      %dma_wait3A_110 = tpu.memref_squeeze %dma_wait3A_109 : memref<1x128xi32, #tpu.memory_space<vmem>> -> memref<128xi32, #tpu.memory_space<vmem>>
      %dma_wait3A_111 = arith.constant 0 : i32
      %dma_wait3A_112 = tpu.memref_slice %arg2[%run_scoped3A, %add3A, %dma_wait3A_111] : memref<200x32x128xi32, #tpu.memory_space<hbm>> -> memref<1x1x128xi32, #tpu.memory_space<hbm>>
      %dma_wait3A_113 = tpu.memref_squeeze %dma_wait3A_112 : memref<1x1x128xi32, #tpu.memory_space<hbm>> -> memref<128xi32, #tpu.memory_space<hbm>>
      tpu.wait_dma2 semaphore(%run_scoped3A_89 : memref<!tpu.dma_semaphore, #tpu.memory_space<semaphore_mem>>) src(%dma_wait3A_113 : memref<128xi32, #tpu.memory_space<hbm>>) dst(%dma_wait3A_110 : memref<128xi32, #tpu.memory_space<vmem>>)
      tpu.yield
    }) : () -> ()
    %run_scoped3A_7 = arith.constant 1 : i32
    %run_scoped3A_8 = arith.constant 1 : i32
    "tpu.region"() ({
      %run_scoped3A_89 = tpu.sem_alloc : memref<!tpu.dma_semaphore, #tpu.memory_space<semaphore_mem>>
      %dma_start3A_90 = arith.constant 0 : i32
      %dma_start3A_91 = tpu.memref_slice %arg6[%run_scoped3A_8, %dma_start3A_90] : memref<4x128xi32, #tpu.memory_space<vmem>> -> memref<1x128xi32, #tpu.memory_space<vmem>>
      %dma_start3A_92 = tpu.memref_squeeze %dma_start3A_91 : memref<1x128xi32, #tpu.memory_space<vmem>> -> memref<128xi32, #tpu.memory_space<vmem>>
      %dma_start3A_93 = arith.constant 0 : i32
      %dma_start3A_94 = tpu.memref_slice %arg2[%run_scoped3A_7, %add3A, %dma_start3A_93] : memref<200x32x128xi32, #tpu.memory_space<hbm>> -> memref<1x1x128xi32, #tpu.memory_space<hbm>>
      %dma_start3A_95 = tpu.memref_squeeze %dma_start3A_94 : memref<1x1x128xi32, #tpu.memory_space<hbm>> -> memref<128xi32, #tpu.memory_space<hbm>>
      %dma_start3A_96 = arith.constant 0 : i32
      %dma_start3A_97 = tpu.memref_slice %arg6[%run_scoped3A_8, %dma_start3A_96] : memref<4x128xi32, #tpu.memory_space<vmem>> -> memref<1x128xi32, #tpu.memory_space<vmem>>
      %dma_start3A_98 = tpu.memref_squeeze %dma_start3A_97 : memref<1x128xi32, #tpu.memory_space<vmem>> -> memref<128xi32, #tpu.memory_space<vmem>>
      %dma_start3A_99 = arith.constant 0 : i32
      %dma_start3A_100 = tpu.memref_slice %arg2[%run_scoped3A_7, %add3A, %dma_start3A_99] : memref<200x32x128xi32, #tpu.memory_space<hbm>> -> memref<1x1x128xi32, #tpu.memory_space<hbm>>
      %dma_start3A_101 = tpu.memref_squeeze %dma_start3A_100 : memref<1x1x128xi32, #tpu.memory_space<hbm>> -> memref<128xi32, #tpu.memory_space<hbm>>
      tpu.enqueue_dma source(%dma_start3A_101 : memref<128xi32, #tpu.memory_space<hbm>>) target(%dma_start3A_98 : memref<128xi32, #tpu.memory_space<vmem>>) target_semaphore(%run_scoped3A_89 : memref<!tpu.dma_semaphore, #tpu.memory_space<semaphore_mem>>)
      %dma_wait3A_102 = arith.constant 0 : i32
      %dma_wait3A_103 = tpu.memref_slice %arg6[%run_scoped3A_8, %dma_wait3A_102] : memref<4x128xi32, #tpu.memory_space<vmem>> -> memref<1x128xi32, #tpu.memory_space<vmem>>
      %dma_wait3A_104 = tpu.memref_squeeze %dma_wait3A_103 : memref<1x128xi32, #tpu.memory_space<vmem>> -> memref<128xi32, #tpu.memory_space<vmem>>
      %dma_wait3A_105 = arith.constant 0 : i32
      %dma_wait3A_106 = tpu.memref_slice %arg2[%run_scoped3A_7, %add3A, %dma_wait3A_105] : memref<200x32x128xi32, #tpu.memory_space<hbm>> -> memref<1x1x128xi32, #tpu.memory_space<hbm>>
      %dma_wait3A_107 = tpu.memref_squeeze %dma_wait3A_106 : memref<1x1x128xi32, #tpu.memory_space<hbm>> -> memref<128xi32, #tpu.memory_space<hbm>>
      %dma_wait3A_108 = arith.constant 0 : i32
      %dma_wait3A_109 = tpu.memref_slice %arg6[%run_scoped3A_8, %dma_wait3A_108] : memref<4x128xi32, #tpu.memory_space<vmem>> -> memref<1x128xi32, #tpu.memory_space<vmem>>
      %dma_wait3A_110 = tpu.memref_squeeze %dma_wait3A_109 : memref<1x128xi32, #tpu.memory_space<vmem>> -> memref<128xi32, #tpu.memory_space<vmem>>
      %dma_wait3A_111 = arith.constant 0 : i32
      %dma_wait3A_112 = tpu.memref_slice %arg2[%run_scoped3A_7, %add3A, %dma_wait3A_111] : memref<200x32x128xi32, #tpu.memory_space<hbm>> -> memref<1x1x128xi32, #tpu.memory_space<hbm>>
      %dma_wait3A_113 = tpu.memref_squeeze %dma_wait3A_112 : memref<1x1x128xi32, #tpu.memory_space<hbm>> -> memref<128xi32, #tpu.memory_space<hbm>>
      tpu.wait_dma2 semaphore(%run_scoped3A_89 : memref<!tpu.dma_semaphore, #tpu.memory_space<semaphore_mem>>) src(%dma_wait3A_113 : memref<128xi32, #tpu.memory_space<hbm>>) dst(%dma_wait3A_110 : memref<128xi32, #tpu.memory_space<vmem>>)
      tpu.yield
    }) : () -> ()
    %dma_start3A = arith.constant 0 : i32
    %dma_start3A_9 = arith.constant 0 : i32
    %dma_start3A_10 = arith.constant 0 : i32
    %dma_start3A_11 = arith.constant 0 : i32
    %dma_start3A_12 = tpu.memref_slice %arg7[%dma_start3A_9, %dma_start3A_10, %dma_start3A_11] : memref<4x128x32xf32, #tpu.memory_space<vmem>> -> memref<1x128x32xf32, #tpu.memory_space<vmem>>
    %dma_start3A_13 = tpu.memref_squeeze %dma_start3A_12 : memref<1x128x32xf32, #tpu.memory_space<vmem>> -> memref<128x32xf32, #tpu.memory_space<vmem>>
    %dma_start3A_14 = arith.constant 0 : i32
    %dma_start3A_15 = tpu.memref_slice %arg6[%dma_start3A, %dma_start3A_14] : memref<4x128xi32, #tpu.memory_space<vmem>> -> memref<1x128xi32, #tpu.memory_space<vmem>>
    %dma_start3A_16 = tpu.memref_squeeze %dma_start3A_15 : memref<1x128xi32, #tpu.memory_space<vmem>> -> memref<128xi32, #tpu.memory_space<vmem>>
    %dma_start3A_17 = arith.constant 0 : i32
    %dma_start3A_18 = arith.constant 0 : i32
    %dma_start3A_19 = tpu.memref_slice %arg3[%dma_start3A_17, %dma_start3A_18] : memref<1000000x32xf32, #tpu.memory_space<hbm>> -> memref<1000000x32xf32, #tpu.memory_space<hbm>>
    tpu.enqueue_indirect_dma source(%dma_start3A_19 : memref<1000000x32xf32, #tpu.memory_space<hbm>>) target(%dma_start3A_13 : memref<128x32xf32, #tpu.memory_space<vmem>>) offsets(%dma_start3A_16 : memref<128xi32, #tpu.memory_space<vmem>>) semaphore(%arg10 : memref<!tpu.dma_semaphore, #tpu.memory_space<semaphore_mem>>)
    %dma_start3A_20 = arith.constant 1 : i32
    %dma_start3A_21 = arith.constant 1 : i32
    %dma_start3A_22 = arith.constant 0 : i32
    %dma_start3A_23 = arith.constant 0 : i32
    %dma_start3A_24 = tpu.memref_slice %arg7[%dma_start3A_21, %dma_start3A_22, %dma_start3A_23] : memref<4x128x32xf32, #tpu.memory_space<vmem>> -> memref<1x128x32xf32, #tpu.memory_space<vmem>>
    %dma_start3A_25 = tpu.memref_squeeze %dma_start3A_24 : memref<1x128x32xf32, #tpu.memory_space<vmem>> -> memref<128x32xf32, #tpu.memory_space<vmem>>
    %dma_start3A_26 = arith.constant 0 : i32
    %dma_start3A_27 = tpu.memref_slice %arg6[%dma_start3A_20, %dma_start3A_26] : memref<4x128xi32, #tpu.memory_space<vmem>> -> memref<1x128xi32, #tpu.memory_space<vmem>>
    %dma_start3A_28 = tpu.memref_squeeze %dma_start3A_27 : memref<1x128xi32, #tpu.memory_space<vmem>> -> memref<128xi32, #tpu.memory_space<vmem>>
    %dma_start3A_29 = arith.constant 0 : i32
    %dma_start3A_30 = arith.constant 0 : i32
    %dma_start3A_31 = tpu.memref_slice %arg3[%dma_start3A_29, %dma_start3A_30] : memref<1000000x32xf32, #tpu.memory_space<hbm>> -> memref<1000000x32xf32, #tpu.memory_space<hbm>>
    tpu.enqueue_indirect_dma source(%dma_start3A_31 : memref<1000000x32xf32, #tpu.memory_space<hbm>>) target(%dma_start3A_25 : memref<128x32xf32, #tpu.memory_space<vmem>>) offsets(%dma_start3A_28 : memref<128xi32, #tpu.memory_space<vmem>>) semaphore(%arg11 : memref<!tpu.dma_semaphore, #tpu.memory_space<semaphore_mem>>)
    %dma_start3A_32 = arith.constant 2 : i32
    %dma_start3A_33 = arith.constant 2 : i32
    %dma_start3A_34 = arith.constant 0 : i32
    %dma_start3A_35 = tpu.memref_slice %arg6[%dma_start3A_33, %dma_start3A_34] : memref<4x128xi32, #tpu.memory_space<vmem>> -> memref<1x128xi32, #tpu.memory_space<vmem>>
    %dma_start3A_36 = tpu.memref_squeeze %dma_start3A_35 : memref<1x128xi32, #tpu.memory_space<vmem>> -> memref<128xi32, #tpu.memory_space<vmem>>
    %dma_start3A_37 = arith.constant 0 : i32
    %dma_start3A_38 = tpu.memref_slice %arg2[%dma_start3A_32, %add3A, %dma_start3A_37] : memref<200x32x128xi32, #tpu.memory_space<hbm>> -> memref<1x1x128xi32, #tpu.memory_space<hbm>>
    %dma_start3A_39 = tpu.memref_squeeze %dma_start3A_38 : memref<1x1x128xi32, #tpu.memory_space<hbm>> -> memref<128xi32, #tpu.memory_space<hbm>>
    %dma_start3A_40 = arith.constant 0 : i32
    %dma_start3A_41 = tpu.memref_slice %arg6[%dma_start3A_33, %dma_start3A_40] : memref<4x128xi32, #tpu.memory_space<vmem>> -> memref<1x128xi32, #tpu.memory_space<vmem>>
    %dma_start3A_42 = tpu.memref_squeeze %dma_start3A_41 : memref<1x128xi32, #tpu.memory_space<vmem>> -> memref<128xi32, #tpu.memory_space<vmem>>
    %dma_start3A_43 = arith.constant 0 : i32
    %dma_start3A_44 = tpu.memref_slice %arg2[%dma_start3A_32, %add3A, %dma_start3A_43] : memref<200x32x128xi32, #tpu.memory_space<hbm>> -> memref<1x1x128xi32, #tpu.memory_space<hbm>>
    %dma_start3A_45 = tpu.memref_squeeze %dma_start3A_44 : memref<1x1x128xi32, #tpu.memory_space<hbm>> -> memref<128xi32, #tpu.memory_space<hbm>>
    tpu.enqueue_dma source(%dma_start3A_45 : memref<128xi32, #tpu.memory_space<hbm>>) target(%dma_start3A_42 : memref<128xi32, #tpu.memory_space<vmem>>) target_semaphore(%arg18 : memref<!tpu.dma_semaphore, #tpu.memory_space<semaphore_mem>>)
    %scan3A_46 = arith.constant 0 : i32
    %scan3A_47 = arith.constant 0 : i32
    %scan3A_48 = arith.constant 50 : i32
    %scan3A_49 = arith.addi %scan3A_47, %scan3A_48 : i32
    %scan3A_50 = arith.constant 1 : i32
    scf.for %scan3A_89 = %scan3A_47 to %scan3A_49 step %scan3A_50  : i32 {
      %mul3A_90 = arith.constant 4 : i32
      %mul3A_91 = arith.muli %scan3A_89, %mul3A_90 : i32
      %add3A_92 = arith.constant 0 : i32
      %add3A_93 = arith.addi %mul3A_91, %add3A_92 : i32
      %dma_wait3A_94 = arith.constant 0 : i32
      %dma_wait3A_95 = arith.constant 0 : i32
      %dma_wait3A_96 = arith.constant 0 : i32
      %dma_wait3A_97 = arith.constant 0 : i32
      %dma_wait3A_98 = tpu.memref_slice %arg7[%dma_wait3A_95, %dma_wait3A_96, %dma_wait3A_97] : memref<4x128x32xf32, #tpu.memory_space<vmem>> -> memref<1x128x32xf32, #tpu.memory_space<vmem>>
      %dma_wait3A_99 = tpu.memref_squeeze %dma_wait3A_98 : memref<1x128x32xf32, #tpu.memory_space<vmem>> -> memref<128x32xf32, #tpu.memory_space<vmem>>
      %dma_wait3A_100 = arith.constant 0 : i32
      %dma_wait3A_101 = tpu.memref_slice %arg6[%dma_wait3A_94, %dma_wait3A_100] : memref<4x128xi32, #tpu.memory_space<vmem>> -> memref<1x128xi32, #tpu.memory_space<vmem>>
      %dma_wait3A_102 = tpu.memref_squeeze %dma_wait3A_101 : memref<1x128xi32, #tpu.memory_space<vmem>> -> memref<128xi32, #tpu.memory_space<vmem>>
      %dma_wait3A_103 = arith.constant 0 : i32
      %dma_wait3A_104 = arith.constant 0 : i32
      %dma_wait3A_105 = tpu.memref_slice %arg3[%dma_wait3A_103, %dma_wait3A_104] : memref<1000000x32xf32, #tpu.memory_space<hbm>> -> memref<1000000x32xf32, #tpu.memory_space<hbm>>
      tpu.wait_indirect_dma semaphore(%arg10 : memref<!tpu.dma_semaphore, #tpu.memory_space<semaphore_mem>>) src(%dma_wait3A_105 : memref<1000000x32xf32, #tpu.memory_space<hbm>>) dst(%dma_wait3A_99 : memref<128x32xf32, #tpu.memory_space<vmem>>)
      %add3A_106 = arith.constant 3 : i32
      %add3A_107 = arith.addi %add3A_93, %add3A_106 : i32
      %lt3A = arith.constant 200 : i32
      %lt3A_108 = arith.cmpi slt, %add3A_107, %lt3A : i32
      %convert_element_type3A = arith.extui %lt3A_108 : i1 to i32
      %cond3A = arith.constant 0 : i32
      %cond3A_109 = arith.cmpi ne, %convert_element_type3A, %cond3A : i32
      scf.if %cond3A_109 {
        %add3A_704 = arith.constant 3 : i32
        %add3A_705 = arith.addi %add3A_93, %add3A_704 : i32
        %dma_start3A_706 = arith.constant 3 : i32
        %dma_start3A_707 = arith.constant 0 : i32
        %dma_start3A_708 = tpu.memref_slice %arg6[%dma_start3A_706, %dma_start3A_707] : memref<4x128xi32, #tpu.memory_space<vmem>> -> memref<1x128xi32, #tpu.memory_space<vmem>>
        %dma_start3A_709 = tpu.memref_squeeze %dma_start3A_708 : memref<1x128xi32, #tpu.memory_space<vmem>> -> memref<128xi32, #tpu.memory_space<vmem>>
        %dma_start3A_710 = arith.constant 0 : i32
        %dma_start3A_711 = tpu.memref_slice %arg2[%add3A_705, %add3A, %dma_start3A_710] : memref<200x32x128xi32, #tpu.memory_space<hbm>> -> memref<1x1x128xi32, #tpu.memory_space<hbm>>
        %dma_start3A_712 = tpu.memref_squeeze %dma_start3A_711 : memref<1x1x128xi32, #tpu.memory_space<hbm>> -> memref<128xi32, #tpu.memory_space<hbm>>
        %dma_start3A_713 = arith.constant 0 : i32
        %dma_start3A_714 = tpu.memref_slice %arg6[%dma_start3A_706, %dma_start3A_713] : memref<4x128xi32, #tpu.memory_space<vmem>> -> memref<1x128xi32, #tpu.memory_space<vmem>>
        %dma_start3A_715 = tpu.memref_squeeze %dma_start3A_714 : memref<1x128xi32, #tpu.memory_space<vmem>> -> memref<128xi32, #tpu.memory_space<vmem>>
        %dma_start3A_716 = arith.constant 0 : i32
        %dma_start3A_717 = tpu.memref_slice %arg2[%add3A_705, %add3A, %dma_start3A_716] : memref<200x32x128xi32, #tpu.memory_space<hbm>> -> memref<1x1x128xi32, #tpu.memory_space<hbm>>
        %dma_start3A_718 = tpu.memref_squeeze %dma_start3A_717 : memref<1x1x128xi32, #tpu.memory_space<hbm>> -> memref<128xi32, #tpu.memory_space<hbm>>
        tpu.enqueue_dma source(%dma_start3A_718 : memref<128xi32, #tpu.memory_space<hbm>>) target(%dma_start3A_715 : memref<128xi32, #tpu.memory_space<vmem>>) target_semaphore(%arg19 : memref<!tpu.dma_semaphore, #tpu.memory_space<semaphore_mem>>)
      } else {
      }
      %add3A_110 = arith.constant 2 : i32
      %add3A_111 = arith.addi %add3A_93, %add3A_110 : i32
      %lt3A_112 = arith.constant 200 : i32
      %lt3A_113 = arith.cmpi slt, %add3A_111, %lt3A_112 : i32
      %convert_element_type3A_114 = arith.extui %lt3A_113 : i1 to i32
      %cond3A_115 = arith.constant 0 : i32
      %cond3A_116 = arith.cmpi ne, %convert_element_type3A_114, %cond3A_115 : i32
      scf.if %cond3A_116 {
        %add3A_704 = arith.constant 2 : i32
        %add3A_705 = arith.addi %add3A_93, %add3A_704 : i32
        %dma_wait3A_706 = arith.constant 2 : i32
        %dma_wait3A_707 = arith.constant 0 : i32
        %dma_wait3A_708 = tpu.memref_slice %arg6[%dma_wait3A_706, %dma_wait3A_707] : memref<4x128xi32, #tpu.memory_space<vmem>> -> memref<1x128xi32, #tpu.memory_space<vmem>>
        %dma_wait3A_709 = tpu.memref_squeeze %dma_wait3A_708 : memref<1x128xi32, #tpu.memory_space<vmem>> -> memref<128xi32, #tpu.memory_space<vmem>>
        %dma_wait3A_710 = arith.constant 0 : i32
        %dma_wait3A_711 = tpu.memref_slice %arg2[%add3A_705, %add3A, %dma_wait3A_710] : memref<200x32x128xi32, #tpu.memory_space<hbm>> -> memref<1x1x128xi32, #tpu.memory_space<hbm>>
        %dma_wait3A_712 = tpu.memref_squeeze %dma_wait3A_711 : memref<1x1x128xi32, #tpu.memory_space<hbm>> -> memref<128xi32, #tpu.memory_space<hbm>>
        %dma_wait3A_713 = arith.constant 0 : i32
        %dma_wait3A_714 = tpu.memref_slice %arg6[%dma_wait3A_706, %dma_wait3A_713] : memref<4x128xi32, #tpu.memory_space<vmem>> -> memref<1x128xi32, #tpu.memory_space<vmem>>
        %dma_wait3A_715 = tpu.memref_squeeze %dma_wait3A_714 : memref<1x128xi32, #tpu.memory_space<vmem>> -> memref<128xi32, #tpu.memory_space<vmem>>
        %dma_wait3A_716 = arith.constant 0 : i32
        %dma_wait3A_717 = tpu.memref_slice %arg2[%add3A_705, %add3A, %dma_wait3A_716] : memref<200x32x128xi32, #tpu.memory_space<hbm>> -> memref<1x1x128xi32, #tpu.memory_space<hbm>>
        %dma_wait3A_718 = tpu.memref_squeeze %dma_wait3A_717 : memref<1x1x128xi32, #tpu.memory_space<hbm>> -> memref<128xi32, #tpu.memory_space<hbm>>
        tpu.wait_dma2 semaphore(%arg18 : memref<!tpu.dma_semaphore, #tpu.memory_space<semaphore_mem>>) src(%dma_wait3A_718 : memref<128xi32, #tpu.memory_space<hbm>>) dst(%dma_wait3A_715 : memref<128xi32, #tpu.memory_space<vmem>>)
      } else {
      }
      %add3A_117 = arith.constant 2 : i32
      %add3A_118 = arith.addi %add3A_93, %add3A_117 : i32
      %lt3A_119 = arith.constant 200 : i32
      %lt3A_120 = arith.cmpi slt, %add3A_118, %lt3A_119 : i32
      %convert_element_type3A_121 = arith.extui %lt3A_120 : i1 to i32
      %cond3A_122 = arith.constant 0 : i32
      %cond3A_123 = arith.cmpi ne, %convert_element_type3A_121, %cond3A_122 : i32
      scf.if %cond3A_123 {
        %dma_start3A_704 = arith.constant 2 : i32
        %dma_start3A_705 = arith.constant 2 : i32
        %dma_start3A_706 = arith.constant 0 : i32
        %dma_start3A_707 = arith.constant 0 : i32
        %dma_start3A_708 = tpu.memref_slice %arg7[%dma_start3A_705, %dma_start3A_706, %dma_start3A_707] : memref<4x128x32xf32, #tpu.memory_space<vmem>> -> memref<1x128x32xf32, #tpu.memory_space<vmem>>
        %dma_start3A_709 = tpu.memref_squeeze %dma_start3A_708 : memref<1x128x32xf32, #tpu.memory_space<vmem>> -> memref<128x32xf32, #tpu.memory_space<vmem>>
        %dma_start3A_710 = arith.constant 0 : i32
        %dma_start3A_711 = tpu.memref_slice %arg6[%dma_start3A_704, %dma_start3A_710] : memref<4x128xi32, #tpu.memory_space<vmem>> -> memref<1x128xi32, #tpu.memory_space<vmem>>
        %dma_start3A_712 = tpu.memref_squeeze %dma_start3A_711 : memref<1x128xi32, #tpu.memory_space<vmem>> -> memref<128xi32, #tpu.memory_space<vmem>>
        %dma_start3A_713 = arith.constant 0 : i32
        %dma_start3A_714 = arith.constant 0 : i32
        %dma_start3A_715 = tpu.memref_slice %arg3[%dma_start3A_713, %dma_start3A_714] : memref<1000000x32xf32, #tpu.memory_space<hbm>> -> memref<1000000x32xf32, #tpu.memory_space<hbm>>
        tpu.enqueue_indirect_dma source(%dma_start3A_715 : memref<1000000x32xf32, #tpu.memory_space<hbm>>) target(%dma_start3A_709 : memref<128x32xf32, #tpu.memory_space<vmem>>) offsets(%dma_start3A_712 : memref<128xi32, #tpu.memory_space<vmem>>) semaphore(%arg12 : memref<!tpu.dma_semaphore, #tpu.memory_space<semaphore_mem>>)
      } else {
      }
      %ge3A = arith.constant 2 : i32
      %ge3A_124 = arith.cmpi sge, %add3A_93, %ge3A : i32
      %convert_element_type3A_125 = arith.extui %ge3A_124 : i1 to i32
      %cond3A_126 = arith.constant 0 : i32
      %cond3A_127 = arith.cmpi ne, %convert_element_type3A_125, %cond3A_126 : i32
      scf.if %cond3A_127 {
        %dma_wait3A_704 = arith.constant 0 : i32
        %dma_wait3A_705 = arith.constant 0 : i32
        %dma_wait3A_706 = arith.constant 0 : i32
        %dma_wait3A_707 = arith.constant 0 : i32
        %dma_wait3A_708 = tpu.memref_slice %arg8[%dma_wait3A_704, %dma_wait3A_705, %dma_wait3A_706, %dma_wait3A_707] : memref<2x4x8x128xf32, #tpu.memory_space<vmem>> -> memref<1x4x8x128xf32, #tpu.memory_space<vmem>>
        %dma_wait3A_709 = tpu.memref_squeeze %dma_wait3A_708 : memref<1x4x8x128xf32, #tpu.memory_space<vmem>> -> memref<4x8x128xf32, #tpu.memory_space<vmem>>
        %dma_wait3A_710 = arith.constant 0 : i32
        %dma_wait3A_711 = arith.constant 0 : i32
        %dma_wait3A_712 = arith.constant 0 : i32
        %dma_wait3A_713 = tpu.memref_slice %arg5[%dma_wait3A_710, %dma_wait3A_711, %dma_wait3A_712] : memref<25600x8x128xf32, #tpu.memory_space<hbm>> -> memref<4x8x128xf32, #tpu.memory_space<hbm>>
        %dma_wait3A_714 = arith.constant 0 : i32
        %dma_wait3A_715 = arith.constant 0 : i32
        %dma_wait3A_716 = arith.constant 0 : i32
        %dma_wait3A_717 = tpu.memref_slice %arg5[%dma_wait3A_714, %dma_wait3A_715, %dma_wait3A_716] : memref<25600x8x128xf32, #tpu.memory_space<hbm>> -> memref<4x8x128xf32, #tpu.memory_space<hbm>>
        %dma_wait3A_718 = arith.constant 0 : i32
        %dma_wait3A_719 = arith.constant 0 : i32
        %dma_wait3A_720 = arith.constant 0 : i32
        %dma_wait3A_721 = tpu.memref_slice %arg8[%dma_wait3A_704, %dma_wait3A_718, %dma_wait3A_719, %dma_wait3A_720] : memref<2x4x8x128xf32, #tpu.memory_space<vmem>> -> memref<1x4x8x128xf32, #tpu.memory_space<vmem>>
        %dma_wait3A_722 = tpu.memref_squeeze %dma_wait3A_721 : memref<1x4x8x128xf32, #tpu.memory_space<vmem>> -> memref<4x8x128xf32, #tpu.memory_space<vmem>>
        tpu.wait_dma2 semaphore(%arg14 : memref<!tpu.dma_semaphore, #tpu.memory_space<semaphore_mem>>) src(%dma_wait3A_722 : memref<4x8x128xf32, #tpu.memory_space<vmem>>) dst(%dma_wait3A_717 : memref<4x8x128xf32, #tpu.memory_space<hbm>>)
      } else {
      }
      %get3A = arith.index_cast %scan3A_89 : i32 to index
      %get3A_128 = arith.constant 0 : index
      %get3A_129 = tpu.vector_load %arg9[%get3A, %get3A_128] {strides = array<i32>} : memref<50x128xf32, #tpu.memory_space<vmem>>, vector<16xf32>,
      %get3A_130 = arith.index_cast %scan3A_89 : i32 to index
      %get3A_131 = arith.constant 16 : index
      %get3A_132 = tpu.vector_load %arg9[%get3A_130, %get3A_131] {strides = array<i32>} : memref<50x128xf32, #tpu.memory_space<vmem>>, vector<16xf32>,
      %iota3A = tpu.iota {dimensions = array<i32: 0>} : vector<16xi32>
      %scan3A_133 = arith.constant 0 : i32
      %scan3A_134 = arith.constant 0 : i32
      %scan3A_135 = arith.constant 8 : i32
      %scan3A_136 = arith.addi %scan3A_134, %scan3A_135 : i32
      %scan3A_137 = arith.constant 1 : i32
      scf.for %scan3A_704 = %scan3A_134 to %scan3A_136 step %scan3A_137  : i32 {
        %mul3A_705 = arith.constant 16 : i32
        %mul3A_706 = arith.muli %scan3A_704, %mul3A_705 : i32
        %get3A_707 = arith.constant 0 : i32
        %get3A_708 = arith.index_cast %get3A_707 : i32 to index
        %get3A_709 = arith.index_cast %mul3A_706 : i32 to index
        %get3A_710 = tpu.vector_load %arg6[%get3A_708, %get3A_709] {strides = array<i32>} : memref<4x128xi32, #tpu.memory_space<vmem>>, vector<16xi32>,
        %ne3A = arith.constant 0 : i32
        %ne3A_711 = vector.broadcast %ne3A : i32 to vector<16xi32>
        %ne3A_712 = arith.cmpi ne, %get3A_710, %ne3A_711 : vector<16xi32>
        %jit3A = arith.constant 5.65685415 : f32
        %jit3A_713 = arith.constant 0.000000e+00 : f32
        %broadcast_in_dim3A = vector.broadcast %jit3A : f32 to vector<16xf32>
        %broadcast_in_dim3A_714 = vector.broadcast %jit3A_713 : f32 to vector<16xf32>
        %select_n3A = arith.select %ne3A_712, %broadcast_in_dim3A, %broadcast_in_dim3A_714 : vector<16xi1>, vector<16xf32>
        %mul3A_715 = arith.constant 16 : i32
        %mul3A_716 = arith.muli %scan3A_704, %mul3A_715 : i32
        %add3A_717 = vector.broadcast %mul3A_716 : i32 to vector<16xi32>
        %add3A_718 = arith.addi %iota3A, %add3A_717 : vector<16xi32>
        %broadcast_in_dim3A_719 = arith.constant 0 : i32
        %broadcast_in_dim3A_720 = vector.broadcast %broadcast_in_dim3A_719 : i32 to vector<16xi32>
        %gather3A = arith.constant 0 : i32
        %gather3A_721 = arith.constant 0 : i32
        %gather3A_722 = arith.constant 0 : i32
        %gather3A_723 = tpu.memref_slice %arg7[%gather3A, %gather3A_721, %gather3A_722] : memref<4x128x32xf32, #tpu.memory_space<vmem>> -> memref<1x128x32xf32, #tpu.memory_space<vmem>>
        %gather3A_724 = tpu.memref_squeeze %gather3A_723 : memref<1x128x32xf32, #tpu.memory_space<vmem>> -> memref<128x32xf32, #tpu.memory_space<vmem>>
        %gather3A_725 = tpu.vector_load_idx %gather3A_724[%add3A_718, %broadcast_in_dim3A_720] : memref<128x32xf32, #tpu.memory_space<vmem>>[vector<16xi32>, vector<16xi32>], vector<16xf32>,
        %broadcast_in_dim3A_726 = arith.constant 1 : i32
        %broadcast_in_dim3A_727 = vector.broadcast %broadcast_in_dim3A_726 : i32 to vector<16xi32>
        %gather3A_728 = arith.constant 0 : i32
        %gather3A_729 = arith.constant 0 : i32
        %gather3A_730 = arith.constant 0 : i32
        %gather3A_731 = tpu.memref_slice %arg7[%gather3A_728, %gather3A_729, %gather3A_730] : memref<4x128x32xf32, #tpu.memory_space<vmem>> -> memref<1x128x32xf32, #tpu.memory_space<vmem>>
        %gather3A_732 = tpu.memref_squeeze %gather3A_731 : memref<1x128x32xf32, #tpu.memory_space<vmem>> -> memref<128x32xf32, #tpu.memory_space<vmem>>
        %gather3A_733 = tpu.vector_load_idx %gather3A_732[%add3A_718, %broadcast_in_dim3A_727] : memref<128x32xf32, #tpu.memory_space<vmem>>[vector<16xi32>, vector<16xi32>], vector<16xf32>,
        %broadcast_in_dim3A_734 = arith.constant 2 : i32
        %broadcast_in_dim3A_735 = vector.broadcast %broadcast_in_dim3A_734 : i32 to vector<16xi32>
        %gather3A_736 = arith.constant 0 : i32
        %gather3A_737 = arith.constant 0 : i32
        %gather3A_738 = arith.constant 0 : i32
        %gather3A_739 = tpu.memref_slice %arg7[%gather3A_736, %gather3A_737, %gather3A_738] : memref<4x128x32xf32, #tpu.memory_space<vmem>> -> memref<1x128x32xf32, #tpu.memory_space<vmem>>
        %gather3A_740 = tpu.memref_squeeze %gather3A_739 : memref<1x128x32xf32, #tpu.memory_space<vmem>> -> memref<128x32xf32, #tpu.memory_space<vmem>>
        %gather3A_741 = tpu.vector_load_idx %gather3A_740[%add3A_718, %broadcast_in_dim3A_735] : memref<128x32xf32, #tpu.memory_space<vmem>>[vector<16xi32>, vector<16xi32>], vector<16xf32>,
        %broadcast_in_dim3A_742 = arith.constant 3 : i32
        %broadcast_in_dim3A_743 = vector.broadcast %broadcast_in_dim3A_742 : i32 to vector<16xi32>
        %gather3A_744 = arith.constant 0 : i32
        %gather3A_745 = arith.constant 0 : i32
        %gather3A_746 = arith.constant 0 : i32
        %gather3A_747 = tpu.memref_slice %arg7[%gather3A_744, %gather3A_745, %gather3A_746] : memref<4x128x32xf32, #tpu.memory_space<vmem>> -> memref<1x128x32xf32, #tpu.memory_space<vmem>>
        %gather3A_748 = tpu.memref_squeeze %gather3A_747 : memref<1x128x32xf32, #tpu.memory_space<vmem>> -> memref<128x32xf32, #tpu.memory_space<vmem>>
        %gather3A_749 = tpu.vector_load_idx %gather3A_748[%add3A_718, %broadcast_in_dim3A_743] : memref<128x32xf32, #tpu.memory_space<vmem>>[vector<16xi32>, vector<16xi32>], vector<16xf32>,
        %broadcast_in_dim3A_750 = arith.constant 4 : i32
        %broadcast_in_dim3A_751 = vector.broadcast %broadcast_in_dim3A_750 : i32 to vector<16xi32>
        %gather3A_752 = arith.constant 0 : i32
        %gather3A_753 = arith.constant 0 : i32
        %gather3A_754 = arith.constant 0 : i32
        %gather3A_755 = tpu.memref_slice %arg7[%gather3A_752, %gather3A_753, %gather3A_754] : memref<4x128x32xf32, #tpu.memory_space<vmem>> -> memref<1x128x32xf32, #tpu.memory_space<vmem>>
        %gather3A_756 = tpu.memref_squeeze %gather3A_755 : memref<1x128x32xf32, #tpu.memory_space<vmem>> -> memref<128x32xf32, #tpu.memory_space<vmem>>
        %gather3A_757 = tpu.vector_load_idx %gather3A_756[%add3A_718, %broadcast_in_dim3A_751] : memref<128x32xf32, #tpu.memory_space<vmem>>[vector<16xi32>, vector<16xi32>], vector<16xf32>,
        %broadcast_in_dim3A_758 = arith.constant 5 : i32
        %broadcast_in_dim3A_759 = vector.broadcast %broadcast_in_dim3A_758 : i32 to vector<16xi32>
        %gather3A_760 = arith.constant 0 : i32
        %gather3A_761 = arith.constant 0 : i32
        %gather3A_762 = arith.constant 0 : i32
        %gather3A_763 = tpu.memref_slice %arg7[%gather3A_760, %gather3A_761, %gather3A_762] : memref<4x128x32xf32, #tpu.memory_space<vmem>> -> memref<1x128x32xf32, #tpu.memory_space<vmem>>
        %gather3A_764 = tpu.memref_squeeze %gather3A_763 : memref<1x128x32xf32, #tpu.memory_space<vmem>> -> memref<128x32xf32, #tpu.memory_space<vmem>>
        %gather3A_765 = tpu.vector_load_idx %gather3A_764[%add3A_718, %broadcast_in_dim3A_759] : memref<128x32xf32, #tpu.memory_space<vmem>>[vector<16xi32>, vector<16xi32>], vector<16xf32>,
        %broadcast_in_dim3A_766 = arith.constant 6 : i32
        %broadcast_in_dim3A_767 = vector.broadcast %broadcast_in_dim3A_766 : i32 to vector<16xi32>
        %gather3A_768 = arith.constant 0 : i32
        %gather3A_769 = arith.constant 0 : i32
        %gather3A_770 = arith.constant 0 : i32
        %gather3A_771 = tpu.memref_slice %arg7[%gather3A_768, %gather3A_769, %gather3A_770] : memref<4x128x32xf32, #tpu.memory_space<vmem>> -> memref<1x128x32xf32, #tpu.memory_space<vmem>>
        %gather3A_772 = tpu.memref_squeeze %gather3A_771 : memref<1x128x32xf32, #tpu.memory_space<vmem>> -> memref<128x32xf32, #tpu.memory_space<vmem>>
        %gather3A_773 = tpu.vector_load_idx %gather3A_772[%add3A_718, %broadcast_in_dim3A_767] : memref<128x32xf32, #tpu.memory_space<vmem>>[vector<16xi32>, vector<16xi32>], vector<16xf32>,
        %broadcast_in_dim3A_774 = arith.constant 7 : i32
        %broadcast_in_dim3A_775 = vector.broadcast %broadcast_in_dim3A_774 : i32 to vector<16xi32>
        %gather3A_776 = arith.constant 0 : i32
        %gather3A_777 = arith.constant 0 : i32
        %gather3A_778 = arith.constant 0 : i32
        %gather3A_779 = tpu.memref_slice %arg7[%gather3A_776, %gather3A_777, %gather3A_778] : memref<4x128x32xf32, #tpu.memory_space<vmem>> -> memref<1x128x32xf32, #tpu.memory_space<vmem>>
        %gather3A_780 = tpu.memref_squeeze %gather3A_779 : memref<1x128x32xf32, #tpu.memory_space<vmem>> -> memref<128x32xf32, #tpu.memory_space<vmem>>
        %gather3A_781 = tpu.vector_load_idx %gather3A_780[%add3A_718, %broadcast_in_dim3A_775] : memref<128x32xf32, #tpu.memory_space<vmem>>[vector<16xi32>, vector<16xi32>], vector<16xf32>,
        %broadcast_in_dim3A_782 = arith.constant 8 : i32
        %broadcast_in_dim3A_783 = vector.broadcast %broadcast_in_dim3A_782 : i32 to vector<16xi32>
        %gather3A_784 = arith.constant 0 : i32
        %gather3A_785 = arith.constant 0 : i32
        %gather3A_786 = arith.constant 0 : i32
        %gather3A_787 = tpu.memref_slice %arg7[%gather3A_784, %gather3A_785, %gather3A_786] : memref<4x128x32xf32, #tpu.memory_space<vmem>> -> memref<1x128x32xf32, #tpu.memory_space<vmem>>
        %gather3A_788 = tpu.memref_squeeze %gather3A_787 : memref<1x128x32xf32, #tpu.memory_space<vmem>> -> memref<128x32xf32, #tpu.memory_space<vmem>>
        %gather3A_789 = tpu.vector_load_idx %gather3A_788[%add3A_718, %broadcast_in_dim3A_783] : memref<128x32xf32, #tpu.memory_space<vmem>>[vector<16xi32>, vector<16xi32>], vector<16xf32>,
        %broadcast_in_dim3A_790 = arith.constant 9 : i32
        %broadcast_in_dim3A_791 = vector.broadcast %broadcast_in_dim3A_790 : i32 to vector<16xi32>
        %gather3A_792 = arith.constant 0 : i32
        %gather3A_793 = arith.constant 0 : i32
        %gather3A_794 = arith.constant 0 : i32
        %gather3A_795 = tpu.memref_slice %arg7[%gather3A_792, %gather3A_793, %gather3A_794] : memref<4x128x32xf32, #tpu.memory_space<vmem>> -> memref<1x128x32xf32, #tpu.memory_space<vmem>>
        %gather3A_796 = tpu.memref_squeeze %gather3A_795 : memref<1x128x32xf32, #tpu.memory_space<vmem>> -> memref<128x32xf32, #tpu.memory_space<vmem>>
        %gather3A_797 = tpu.vector_load_idx %gather3A_796[%add3A_718, %broadcast_in_dim3A_791] : memref<128x32xf32, #tpu.memory_space<vmem>>[vector<16xi32>, vector<16xi32>], vector<16xf32>,
        %broadcast_in_dim3A_798 = arith.constant 10 : i32
        %broadcast_in_dim3A_799 = vector.broadcast %broadcast_in_dim3A_798 : i32 to vector<16xi32>
        %gather3A_800 = arith.constant 0 : i32
        %gather3A_801 = arith.constant 0 : i32
        %gather3A_802 = arith.constant 0 : i32
        %gather3A_803 = tpu.memref_slice %arg7[%gather3A_800, %gather3A_801, %gather3A_802] : memref<4x128x32xf32, #tpu.memory_space<vmem>> -> memref<1x128x32xf32, #tpu.memory_space<vmem>>
        %gather3A_804 = tpu.memref_squeeze %gather3A_803 : memref<1x128x32xf32, #tpu.memory_space<vmem>> -> memref<128x32xf32, #tpu.memory_space<vmem>>
        %gather3A_805 = tpu.vector_load_idx %gather3A_804[%add3A_718, %broadcast_in_dim3A_799] : memref<128x32xf32, #tpu.memory_space<vmem>>[vector<16xi32>, vector<16xi32>], vector<16xf32>,
        %broadcast_in_dim3A_806 = arith.constant 11 : i32
        %broadcast_in_dim3A_807 = vector.broadcast %broadcast_in_dim3A_806 : i32 to vector<16xi32>
        %gather3A_808 = arith.constant 0 : i32
        %gather3A_809 = arith.constant 0 : i32
        %gather3A_810 = arith.constant 0 : i32
        %gather3A_811 = tpu.memref_slice %arg7[%gather3A_808, %gather3A_809, %gather3A_810] : memref<4x128x32xf32, #tpu.memory_space<vmem>> -> memref<1x128x32xf32, #tpu.memory_space<vmem>>
        %gather3A_812 = tpu.memref_squeeze %gather3A_811 : memref<1x128x32xf32, #tpu.memory_space<vmem>> -> memref<128x32xf32, #tpu.memory_space<vmem>>
        %gather3A_813 = tpu.vector_load_idx %gather3A_812[%add3A_718, %broadcast_in_dim3A_807] : memref<128x32xf32, #tpu.memory_space<vmem>>[vector<16xi32>, vector<16xi32>], vector<16xf32>,
        %broadcast_in_dim3A_814 = arith.constant 12 : i32
        %broadcast_in_dim3A_815 = vector.broadcast %broadcast_in_dim3A_814 : i32 to vector<16xi32>
        %gather3A_816 = arith.constant 0 : i32
        %gather3A_817 = arith.constant 0 : i32
        %gather3A_818 = arith.constant 0 : i32
        %gather3A_819 = tpu.memref_slice %arg7[%gather3A_816, %gather3A_817, %gather3A_818] : memref<4x128x32xf32, #tpu.memory_space<vmem>> -> memref<1x128x32xf32, #tpu.memory_space<vmem>>
        %gather3A_820 = tpu.memref_squeeze %gather3A_819 : memref<1x128x32xf32, #tpu.memory_space<vmem>> -> memref<128x32xf32, #tpu.memory_space<vmem>>
        %gather3A_821 = tpu.vector_load_idx %gather3A_820[%add3A_718, %broadcast_in_dim3A_815] : memref<128x32xf32, #tpu.memory_space<vmem>>[vector<16xi32>, vector<16xi32>], vector<16xf32>,
        %broadcast_in_dim3A_822 = arith.constant 13 : i32
        %broadcast_in_dim3A_823 = vector.broadcast %broadcast_in_dim3A_822 : i32 to vector<16xi32>
        %gather3A_824 = arith.constant 0 : i32
        %gather3A_825 = arith.constant 0 : i32
        %gather3A_826 = arith.constant 0 : i32
        %gather3A_827 = tpu.memref_slice %arg7[%gather3A_824, %gather3A_825, %gather3A_826] : memref<4x128x32xf32, #tpu.memory_space<vmem>> -> memref<1x128x32xf32, #tpu.memory_space<vmem>>
        %gather3A_828 = tpu.memref_squeeze %gather3A_827 : memref<1x128x32xf32, #tpu.memory_space<vmem>> -> memref<128x32xf32, #tpu.memory_space<vmem>>
        %gather3A_829 = tpu.vector_load_idx %gather3A_828[%add3A_718, %broadcast_in_dim3A_823] : memref<128x32xf32, #tpu.memory_space<vmem>>[vector<16xi32>, vector<16xi32>], vector<16xf32>,
        %broadcast_in_dim3A_830 = arith.constant 14 : i32
        %broadcast_in_dim3A_831 = vector.broadcast %broadcast_in_dim3A_830 : i32 to vector<16xi32>
        %gather3A_832 = arith.constant 0 : i32
        %gather3A_833 = arith.constant 0 : i32
        %gather3A_834 = arith.constant 0 : i32
        %gather3A_835 = tpu.memref_slice %arg7[%gather3A_832, %gather3A_833, %gather3A_834] : memref<4x128x32xf32, #tpu.memory_space<vmem>> -> memref<1x128x32xf32, #tpu.memory_space<vmem>>
        %gather3A_836 = tpu.memref_squeeze %gather3A_835 : memref<1x128x32xf32, #tpu.memory_space<vmem>> -> memref<128x32xf32, #tpu.memory_space<vmem>>
        %gather3A_837 = tpu.vector_load_idx %gather3A_836[%add3A_718, %broadcast_in_dim3A_831] : memref<128x32xf32, #tpu.memory_space<vmem>>[vector<16xi32>, vector<16xi32>], vector<16xf32>,
        %broadcast_in_dim3A_838 = arith.constant 15 : i32
        %broadcast_in_dim3A_839 = vector.broadcast %broadcast_in_dim3A_838 : i32 to vector<16xi32>
        %gather3A_840 = arith.constant 0 : i32
        %gather3A_841 = arith.constant 0 : i32
        %gather3A_842 = arith.constant 0 : i32
        %gather3A_843 = tpu.memref_slice %arg7[%gather3A_840, %gather3A_841, %gather3A_842] : memref<4x128x32xf32, #tpu.memory_space<vmem>> -> memref<1x128x32xf32, #tpu.memory_space<vmem>>
        %gather3A_844 = tpu.memref_squeeze %gather3A_843 : memref<1x128x32xf32, #tpu.memory_space<vmem>> -> memref<128x32xf32, #tpu.memory_space<vmem>>
        %gather3A_845 = tpu.vector_load_idx %gather3A_844[%add3A_718, %broadcast_in_dim3A_839] : memref<128x32xf32, #tpu.memory_space<vmem>>[vector<16xi32>, vector<16xi32>], vector<16xf32>,
        %broadcast_in_dim3A_846 = arith.constant 16 : i32
        %broadcast_in_dim3A_847 = vector.broadcast %broadcast_in_dim3A_846 : i32 to vector<16xi32>
        %gather3A_848 = arith.constant 0 : i32
        %gather3A_849 = arith.constant 0 : i32
        %gather3A_850 = arith.constant 0 : i32
        %gather3A_851 = tpu.memref_slice %arg7[%gather3A_848, %gather3A_849, %gather3A_850] : memref<4x128x32xf32, #tpu.memory_space<vmem>> -> memref<1x128x32xf32, #tpu.memory_space<vmem>>
        %gather3A_852 = tpu.memref_squeeze %gather3A_851 : memref<1x128x32xf32, #tpu.memory_space<vmem>> -> memref<128x32xf32, #tpu.memory_space<vmem>>
        %gather3A_853 = tpu.vector_load_idx %gather3A_852[%add3A_718, %broadcast_in_dim3A_847] : memref<128x32xf32, #tpu.memory_space<vmem>>[vector<16xi32>, vector<16xi32>], vector<16xf32>,
        %broadcast_in_dim3A_854 = arith.constant 17 : i32
        %broadcast_in_dim3A_855 = vector.broadcast %broadcast_in_dim3A_854 : i32 to vector<16xi32>
        %gather3A_856 = arith.constant 0 : i32
        %gather3A_857 = arith.constant 0 : i32
        %gather3A_858 = arith.constant 0 : i32
        %gather3A_859 = tpu.memref_slice %arg7[%gather3A_856, %gather3A_857, %gather3A_858] : memref<4x128x32xf32, #tpu.memory_space<vmem>> -> memref<1x128x32xf32, #tpu.memory_space<vmem>>
        %gather3A_860 = tpu.memref_squeeze %gather3A_859 : memref<1x128x32xf32, #tpu.memory_space<vmem>> -> memref<128x32xf32, #tpu.memory_space<vmem>>
        %gather3A_861 = tpu.vector_load_idx %gather3A_860[%add3A_718, %broadcast_in_dim3A_855] : memref<128x32xf32, #tpu.memory_space<vmem>>[vector<16xi32>, vector<16xi32>], vector<16xf32>,
        %broadcast_in_dim3A_862 = arith.constant 18 : i32
        %broadcast_in_dim3A_863 = vector.broadcast %broadcast_in_dim3A_862 : i32 to vector<16xi32>
        %gather3A_864 = arith.constant 0 : i32
        %gather3A_865 = arith.constant 0 : i32
        %gather3A_866 = arith.constant 0 : i32
        %gather3A_867 = tpu.memref_slice %arg7[%gather3A_864, %gather3A_865, %gather3A_866] : memref<4x128x32xf32, #tpu.memory_space<vmem>> -> memref<1x128x32xf32, #tpu.memory_space<vmem>>
        %gather3A_868 = tpu.memref_squeeze %gather3A_867 : memref<1x128x32xf32, #tpu.memory_space<vmem>> -> memref<128x32xf32, #tpu.memory_space<vmem>>
        %gather3A_869 = tpu.vector_load_idx %gather3A_868[%add3A_718, %broadcast_in_dim3A_863] : memref<128x32xf32, #tpu.memory_space<vmem>>[vector<16xi32>, vector<16xi32>], vector<16xf32>,
        %broadcast_in_dim3A_870 = arith.constant 19 : i32
        %broadcast_in_dim3A_871 = vector.broadcast %broadcast_in_dim3A_870 : i32 to vector<16xi32>
        %gather3A_872 = arith.constant 0 : i32
        %gather3A_873 = arith.constant 0 : i32
        %gather3A_874 = arith.constant 0 : i32
        %gather3A_875 = tpu.memref_slice %arg7[%gather3A_872, %gather3A_873, %gather3A_874] : memref<4x128x32xf32, #tpu.memory_space<vmem>> -> memref<1x128x32xf32, #tpu.memory_space<vmem>>
        %gather3A_876 = tpu.memref_squeeze %gather3A_875 : memref<1x128x32xf32, #tpu.memory_space<vmem>> -> memref<128x32xf32, #tpu.memory_space<vmem>>
        %gather3A_877 = tpu.vector_load_idx %gather3A_876[%add3A_718, %broadcast_in_dim3A_871] : memref<128x32xf32, #tpu.memory_space<vmem>>[vector<16xi32>, vector<16xi32>], vector<16xf32>,
        %broadcast_in_dim3A_878 = arith.constant 20 : i32
        %broadcast_in_dim3A_879 = vector.broadcast %broadcast_in_dim3A_878 : i32 to vector<16xi32>
        %gather3A_880 = arith.constant 0 : i32
        %gather3A_881 = arith.constant 0 : i32
        %gather3A_882 = arith.constant 0 : i32
        %gather3A_883 = tpu.memref_slice %arg7[%gather3A_880, %gather3A_881, %gather3A_882] : memref<4x128x32xf32, #tpu.memory_space<vmem>> -> memref<1x128x32xf32, #tpu.memory_space<vmem>>
        %gather3A_884 = tpu.memref_squeeze %gather3A_883 : memref<1x128x32xf32, #tpu.memory_space<vmem>> -> memref<128x32xf32, #tpu.memory_space<vmem>>
        %gather3A_885 = tpu.vector_load_idx %gather3A_884[%add3A_718, %broadcast_in_dim3A_879] : memref<128x32xf32, #tpu.memory_space<vmem>>[vector<16xi32>, vector<16xi32>], vector<16xf32>,
        %broadcast_in_dim3A_886 = arith.constant 21 : i32
        %broadcast_in_dim3A_887 = vector.broadcast %broadcast_in_dim3A_886 : i32 to vector<16xi32>
        %gather3A_888 = arith.constant 0 : i32
        %gather3A_889 = arith.constant 0 : i32
        %gather3A_890 = arith.constant 0 : i32
        %gather3A_891 = tpu.memref_slice %arg7[%gather3A_888, %gather3A_889, %gather3A_890] : memref<4x128x32xf32, #tpu.memory_space<vmem>> -> memref<1x128x32xf32, #tpu.memory_space<vmem>>
        %gather3A_892 = tpu.memref_squeeze %gather3A_891 : memref<1x128x32xf32, #tpu.memory_space<vmem>> -> memref<128x32xf32, #tpu.memory_space<vmem>>
        %gather3A_893 = tpu.vector_load_idx %gather3A_892[%add3A_718, %broadcast_in_dim3A_887] : memref<128x32xf32, #tpu.memory_space<vmem>>[vector<16xi32>, vector<16xi32>], vector<16xf32>,
        %broadcast_in_dim3A_894 = arith.constant 22 : i32
        %broadcast_in_dim3A_895 = vector.broadcast %broadcast_in_dim3A_894 : i32 to vector<16xi32>
        %gather3A_896 = arith.constant 0 : i32
        %gather3A_897 = arith.constant 0 : i32
        %gather3A_898 = arith.constant 0 : i32
        %gather3A_899 = tpu.memref_slice %arg7[%gather3A_896, %gather3A_897, %gather3A_898] : memref<4x128x32xf32, #tpu.memory_space<vmem>> -> memref<1x128x32xf32, #tpu.memory_space<vmem>>
        %gather3A_900 = tpu.memref_squeeze %gather3A_899 : memref<1x128x32xf32, #tpu.memory_space<vmem>> -> memref<128x32xf32, #tpu.memory_space<vmem>>
        %gather3A_901 = tpu.vector_load_idx %gather3A_900[%add3A_718, %broadcast_in_dim3A_895] : memref<128x32xf32, #tpu.memory_space<vmem>>[vector<16xi32>, vector<16xi32>], vector<16xf32>,
        %broadcast_in_dim3A_902 = arith.constant 23 : i32
        %broadcast_in_dim3A_903 = vector.broadcast %broadcast_in_dim3A_902 : i32 to vector<16xi32>
        %gather3A_904 = arith.constant 0 : i32
        %gather3A_905 = arith.constant 0 : i32
        %gather3A_906 = arith.constant 0 : i32
        %gather3A_907 = tpu.memref_slice %arg7[%gather3A_904, %gather3A_905, %gather3A_906] : memref<4x128x32xf32, #tpu.memory_space<vmem>> -> memref<1x128x32xf32, #tpu.memory_space<vmem>>
        %gather3A_908 = tpu.memref_squeeze %gather3A_907 : memref<1x128x32xf32, #tpu.memory_space<vmem>> -> memref<128x32xf32, #tpu.memory_space<vmem>>
        %gather3A_909 = tpu.vector_load_idx %gather3A_908[%add3A_718, %broadcast_in_dim3A_903] : memref<128x32xf32, #tpu.memory_space<vmem>>[vector<16xi32>, vector<16xi32>], vector<16xf32>,
        %broadcast_in_dim3A_910 = arith.constant 24 : i32
        %broadcast_in_dim3A_911 = vector.broadcast %broadcast_in_dim3A_910 : i32 to vector<16xi32>
        %gather3A_912 = arith.constant 0 : i32
        %gather3A_913 = arith.constant 0 : i32
        %gather3A_914 = arith.constant 0 : i32
        %gather3A_915 = tpu.memref_slice %arg7[%gather3A_912, %gather3A_913, %gather3A_914] : memref<4x128x32xf32, #tpu.memory_space<vmem>> -> memref<1x128x32xf32, #tpu.memory_space<vmem>>
        %gather3A_916 = tpu.memref_squeeze %gather3A_915 : memref<1x128x32xf32, #tpu.memory_space<vmem>> -> memref<128x32xf32, #tpu.memory_space<vmem>>
        %gather3A_917 = tpu.vector_load_idx %gather3A_916[%add3A_718, %broadcast_in_dim3A_911] : memref<128x32xf32, #tpu.memory_space<vmem>>[vector<16xi32>, vector<16xi32>], vector<16xf32>,
        %broadcast_in_dim3A_918 = arith.constant 25 : i32
        %broadcast_in_dim3A_919 = vector.broadcast %broadcast_in_dim3A_918 : i32 to vector<16xi32>
        %gather3A_920 = arith.constant 0 : i32
        %gather3A_921 = arith.constant 0 : i32
        %gather3A_922 = arith.constant 0 : i32
        %gather3A_923 = tpu.memref_slice %arg7[%gather3A_920, %gather3A_921, %gather3A_922] : memref<4x128x32xf32, #tpu.memory_space<vmem>> -> memref<1x128x32xf32, #tpu.memory_space<vmem>>
        %gather3A_924 = tpu.memref_squeeze %gather3A_923 : memref<1x128x32xf32, #tpu.memory_space<vmem>> -> memref<128x32xf32, #tpu.memory_space<vmem>>
        %gather3A_925 = tpu.vector_load_idx %gather3A_924[%add3A_718, %broadcast_in_dim3A_919] : memref<128x32xf32, #tpu.memory_space<vmem>>[vector<16xi32>, vector<16xi32>], vector<16xf32>,
        %broadcast_in_dim3A_926 = arith.constant 26 : i32
        %broadcast_in_dim3A_927 = vector.broadcast %broadcast_in_dim3A_926 : i32 to vector<16xi32>
        %gather3A_928 = arith.constant 0 : i32
        %gather3A_929 = arith.constant 0 : i32
        %gather3A_930 = arith.constant 0 : i32
        %gather3A_931 = tpu.memref_slice %arg7[%gather3A_928, %gather3A_929, %gather3A_930] : memref<4x128x32xf32, #tpu.memory_space<vmem>> -> memref<1x128x32xf32, #tpu.memory_space<vmem>>
        %gather3A_932 = tpu.memref_squeeze %gather3A_931 : memref<1x128x32xf32, #tpu.memory_space<vmem>> -> memref<128x32xf32, #tpu.memory_space<vmem>>
        %gather3A_933 = tpu.vector_load_idx %gather3A_932[%add3A_718, %broadcast_in_dim3A_927] : memref<128x32xf32, #tpu.memory_space<vmem>>[vector<16xi32>, vector<16xi32>], vector<16xf32>,
        %broadcast_in_dim3A_934 = arith.constant 27 : i32
        %broadcast_in_dim3A_935 = vector.broadcast %broadcast_in_dim3A_934 : i32 to vector<16xi32>
        %gather3A_936 = arith.constant 0 : i32
        %gather3A_937 = arith.constant 0 : i32
        %gather3A_938 = arith.constant 0 : i32
        %gather3A_939 = tpu.memref_slice %arg7[%gather3A_936, %gather3A_937, %gather3A_938] : memref<4x128x32xf32, #tpu.memory_space<vmem>> -> memref<1x128x32xf32, #tpu.memory_space<vmem>>
        %gather3A_940 = tpu.memref_squeeze %gather3A_939 : memref<1x128x32xf32, #tpu.memory_space<vmem>> -> memref<128x32xf32, #tpu.memory_space<vmem>>
        %gather3A_941 = tpu.vector_load_idx %gather3A_940[%add3A_718, %broadcast_in_dim3A_935] : memref<128x32xf32, #tpu.memory_space<vmem>>[vector<16xi32>, vector<16xi32>], vector<16xf32>,
        %broadcast_in_dim3A_942 = arith.constant 28 : i32
        %broadcast_in_dim3A_943 = vector.broadcast %broadcast_in_dim3A_942 : i32 to vector<16xi32>
        %gather3A_944 = arith.constant 0 : i32
        %gather3A_945 = arith.constant 0 : i32
        %gather3A_946 = arith.constant 0 : i32
        %gather3A_947 = tpu.memref_slice %arg7[%gather3A_944, %gather3A_945, %gather3A_946] : memref<4x128x32xf32, #tpu.memory_space<vmem>> -> memref<1x128x32xf32, #tpu.memory_space<vmem>>
        %gather3A_948 = tpu.memref_squeeze %gather3A_947 : memref<1x128x32xf32, #tpu.memory_space<vmem>> -> memref<128x32xf32, #tpu.memory_space<vmem>>
        %gather3A_949 = tpu.vector_load_idx %gather3A_948[%add3A_718, %broadcast_in_dim3A_943] : memref<128x32xf32, #tpu.memory_space<vmem>>[vector<16xi32>, vector<16xi32>], vector<16xf32>,
        %broadcast_in_dim3A_950 = arith.constant 29 : i32
        %broadcast_in_dim3A_951 = vector.broadcast %broadcast_in_dim3A_950 : i32 to vector<16xi32>
        %gather3A_952 = arith.constant 0 : i32
        %gather3A_953 = arith.constant 0 : i32
        %gather3A_954 = arith.constant 0 : i32
        %gather3A_955 = tpu.memref_slice %arg7[%gather3A_952, %gather3A_953, %gather3A_954] : memref<4x128x32xf32, #tpu.memory_space<vmem>> -> memref<1x128x32xf32, #tpu.memory_space<vmem>>
        %gather3A_956 = tpu.memref_squeeze %gather3A_955 : memref<1x128x32xf32, #tpu.memory_space<vmem>> -> memref<128x32xf32, #tpu.memory_space<vmem>>
        %gather3A_957 = tpu.vector_load_idx %gather3A_956[%add3A_718, %broadcast_in_dim3A_951] : memref<128x32xf32, #tpu.memory_space<vmem>>[vector<16xi32>, vector<16xi32>], vector<16xf32>,
        %broadcast_in_dim3A_958 = arith.constant 30 : i32
        %broadcast_in_dim3A_959 = vector.broadcast %broadcast_in_dim3A_958 : i32 to vector<16xi32>
        %gather3A_960 = arith.constant 0 : i32
        %gather3A_961 = arith.constant 0 : i32
        %gather3A_962 = arith.constant 0 : i32
        %gather3A_963 = tpu.memref_slice %arg7[%gather3A_960, %gather3A_961, %gather3A_962] : memref<4x128x32xf32, #tpu.memory_space<vmem>> -> memref<1x128x32xf32, #tpu.memory_space<vmem>>
        %gather3A_964 = tpu.memref_squeeze %gather3A_963 : memref<1x128x32xf32, #tpu.memory_space<vmem>> -> memref<128x32xf32, #tpu.memory_space<vmem>>
        %gather3A_965 = tpu.vector_load_idx %gather3A_964[%add3A_718, %broadcast_in_dim3A_959] : memref<128x32xf32, #tpu.memory_space<vmem>>[vector<16xi32>, vector<16xi32>], vector<16xf32>,
        %broadcast_in_dim3A_966 = arith.constant 31 : i32
        %broadcast_in_dim3A_967 = vector.broadcast %broadcast_in_dim3A_966 : i32 to vector<16xi32>
        %gather3A_968 = arith.constant 0 : i32
        %gather3A_969 = arith.constant 0 : i32
        %gather3A_970 = arith.constant 0 : i32
        %gather3A_971 = tpu.memref_slice %arg7[%gather3A_968, %gather3A_969, %gather3A_970] : memref<4x128x32xf32, #tpu.memory_space<vmem>> -> memref<1x128x32xf32, #tpu.memory_space<vmem>>
        %gather3A_972 = tpu.memref_squeeze %gather3A_971 : memref<1x128x32xf32, #tpu.memory_space<vmem>> -> memref<128x32xf32, #tpu.memory_space<vmem>>
        %gather3A_973 = tpu.vector_load_idx %gather3A_972[%add3A_718, %broadcast_in_dim3A_967] : memref<128x32xf32, #tpu.memory_space<vmem>>[vector<16xi32>, vector<16xi32>], vector<16xf32>,
        %slice3A = vector.extract_strided_slice %get3A_129 {offsets = [0], sizes = [1], strides = [1]} : vector<16xf32> to vector<1xf32>
        %squeeze3A = vector.extract %slice3A[0] : f32 from vector<1xf32>
        %add3A_974 = vector.broadcast %squeeze3A : f32 to vector<16xf32>
        %add3A_975 = arith.addf %gather3A_725, %add3A_974 : vector<16xf32>
        %mul3A_976 = arith.mulf %add3A_975, %select_n3A : vector<16xf32>
        %mul3A_977 = arith.constant 16 : i32
        %mul3A_978 = arith.muli %scan3A_704, %mul3A_977 : i32
        %swap3A = arith.constant 0 : i32
        %swap3A_979 = arith.constant 0 : i32
        %swap3A_980 = arith.constant 0 : i32
        %swap3A_981 = arith.index_cast %swap3A : i32 to index
        %swap3A_982 = arith.index_cast %swap3A_979 : i32 to index
        %swap3A_983 = arith.index_cast %swap3A_980 : i32 to index
        %swap3A_984 = arith.index_cast %mul3A_978 : i32 to index
        %swap3A_985 = tpu.vector_load %arg8[%swap3A_981, %swap3A_982, %swap3A_983, %swap3A_984] {strides = array<i32>} : memref<2x4x8x128xf32, #tpu.memory_space<vmem>>, vector<16xf32>,
        tpu.vector_store %arg8[%swap3A_981, %swap3A_982, %swap3A_983, %swap3A_984], %mul3A_976 {strides = array<i32>} : memref<2x4x8x128xf32, #tpu.memory_space<vmem>>, vector<16xf32>,
        %slice3A_986 = vector.extract_strided_slice %get3A_129 {offsets = [1], sizes = [1], strides = [1]} : vector<16xf32> to vector<1xf32>
        %squeeze3A_987 = vector.extract %slice3A_986[0] : f32 from vector<1xf32>
        %add3A_988 = vector.broadcast %squeeze3A_987 : f32 to vector<16xf32>
        %add3A_989 = arith.addf %gather3A_733, %add3A_988 : vector<16xf32>
        %mul3A_990 = arith.mulf %add3A_989, %select_n3A : vector<16xf32>
        %mul3A_991 = arith.constant 16 : i32
        %mul3A_992 = arith.muli %scan3A_704, %mul3A_991 : i32
        %swap3A_993 = arith.constant 0 : i32
        %swap3A_994 = arith.constant 0 : i32
        %swap3A_995 = arith.constant 1 : i32
        %swap3A_996 = arith.index_cast %swap3A_993 : i32 to index
        %swap3A_997 = arith.index_cast %swap3A_994 : i32 to index
        %swap3A_998 = arith.index_cast %swap3A_995 : i32 to index
        %swap3A_999 = arith.index_cast %mul3A_992 : i32 to index
        %swap3A_1000 = tpu.vector_load %arg8[%swap3A_996, %swap3A_997, %swap3A_998, %swap3A_999] {strides = array<i32>} : memref<2x4x8x128xf32, #tpu.memory_space<vmem>>, vector<16xf32>,
        tpu.vector_store %arg8[%swap3A_996, %swap3A_997, %swap3A_998, %swap3A_999], %mul3A_990 {strides = array<i32>} : memref<2x4x8x128xf32, #tpu.memory_space<vmem>>, vector<16xf32>,
        %slice3A_1001 = vector.extract_strided_slice %get3A_129 {offsets = [2], sizes = [1], strides = [1]} : vector<16xf32> to vector<1xf32>
        %squeeze3A_1002 = vector.extract %slice3A_1001[0] : f32 from vector<1xf32>
        %add3A_1003 = vector.broadcast %squeeze3A_1002 : f32 to vector<16xf32>
        %add3A_1004 = arith.addf %gather3A_741, %add3A_1003 : vector<16xf32>
        %mul3A_1005 = arith.mulf %add3A_1004, %select_n3A : vector<16xf32>
        %mul3A_1006 = arith.constant 16 : i32
        %mul3A_1007 = arith.muli %scan3A_704, %mul3A_1006 : i32
        %swap3A_1008 = arith.constant 0 : i32
        %swap3A_1009 = arith.constant 0 : i32
        %swap3A_1010 = arith.constant 2 : i32
        %swap3A_1011 = arith.index_cast %swap3A_1008 : i32 to index
        %swap3A_1012 = arith.index_cast %swap3A_1009 : i32 to index
        %swap3A_1013 = arith.index_cast %swap3A_1010 : i32 to index
        %swap3A_1014 = arith.index_cast %mul3A_1007 : i32 to index
        %swap3A_1015 = tpu.vector_load %arg8[%swap3A_1011, %swap3A_1012, %swap3A_1013, %swap3A_1014] {strides = array<i32>} : memref<2x4x8x128xf32, #tpu.memory_space<vmem>>, vector<16xf32>,
        tpu.vector_store %arg8[%swap3A_1011, %swap3A_1012, %swap3A_1013, %swap3A_1014], %mul3A_1005 {strides = array<i32>} : memref<2x4x8x128xf32, #tpu.memory_space<vmem>>, vector<16xf32>,
        %slice3A_1016 = vector.extract_strided_slice %get3A_129 {offsets = [3], sizes = [1], strides = [1]} : vector<16xf32> to vector<1xf32>
        %squeeze3A_1017 = vector.extract %slice3A_1016[0] : f32 from vector<1xf32>
        %add3A_1018 = vector.broadcast %squeeze3A_1017 : f32 to vector<16xf32>
        %add3A_1019 = arith.addf %gather3A_749, %add3A_1018 : vector<16xf32>
        %mul3A_1020 = arith.mulf %add3A_1019, %select_n3A : vector<16xf32>
        %mul3A_1021 = arith.constant 16 : i32
        %mul3A_1022 = arith.muli %scan3A_704, %mul3A_1021 : i32
        %swap3A_1023 = arith.constant 0 : i32
        %swap3A_1024 = arith.constant 0 : i32
        %swap3A_1025 = arith.constant 3 : i32
        %swap3A_1026 = arith.index_cast %swap3A_1023 : i32 to index
        %swap3A_1027 = arith.index_cast %swap3A_1024 : i32 to index
        %swap3A_1028 = arith.index_cast %swap3A_1025 : i32 to index
        %swap3A_1029 = arith.index_cast %mul3A_1022 : i32 to index
        %swap3A_1030 = tpu.vector_load %arg8[%swap3A_1026, %swap3A_1027, %swap3A_1028, %swap3A_1029] {strides = array<i32>} : memref<2x4x8x128xf32, #tpu.memory_space<vmem>>, vector<16xf32>,
        tpu.vector_store %arg8[%swap3A_1026, %swap3A_1027, %swap3A_1028, %swap3A_1029], %mul3A_1020 {strides = array<i32>} : memref<2x4x8x128xf32, #tpu.memory_space<vmem>>, vector<16xf32>,
        %slice3A_1031 = vector.extract_strided_slice %get3A_129 {offsets = [4], sizes = [1], strides = [1]} : vector<16xf32> to vector<1xf32>
        %squeeze3A_1032 = vector.extract %slice3A_1031[0] : f32 from vector<1xf32>
        %add3A_1033 = vector.broadcast %squeeze3A_1032 : f32 to vector<16xf32>
        %add3A_1034 = arith.addf %gather3A_757, %add3A_1033 : vector<16xf32>
        %mul3A_1035 = arith.mulf %add3A_1034, %select_n3A : vector<16xf32>
        %mul3A_1036 = arith.constant 16 : i32
        %mul3A_1037 = arith.muli %scan3A_704, %mul3A_1036 : i32
        %swap3A_1038 = arith.constant 0 : i32
        %swap3A_1039 = arith.constant 0 : i32
        %swap3A_1040 = arith.constant 4 : i32
        %swap3A_1041 = arith.index_cast %swap3A_1038 : i32 to index
        %swap3A_1042 = arith.index_cast %swap3A_1039 : i32 to index
        %swap3A_1043 = arith.index_cast %swap3A_1040 : i32 to index
        %swap3A_1044 = arith.index_cast %mul3A_1037 : i32 to index
        %swap3A_1045 = tpu.vector_load %arg8[%swap3A_1041, %swap3A_1042, %swap3A_1043, %swap3A_1044] {strides = array<i32>} : memref<2x4x8x128xf32, #tpu.memory_space<vmem>>, vector<16xf32>,
        tpu.vector_store %arg8[%swap3A_1041, %swap3A_1042, %swap3A_1043, %swap3A_1044], %mul3A_1035 {strides = array<i32>} : memref<2x4x8x128xf32, #tpu.memory_space<vmem>>, vector<16xf32>,
        %slice3A_1046 = vector.extract_strided_slice %get3A_129 {offsets = [5], sizes = [1], strides = [1]} : vector<16xf32> to vector<1xf32>
        %squeeze3A_1047 = vector.extract %slice3A_1046[0] : f32 from vector<1xf32>
        %add3A_1048 = vector.broadcast %squeeze3A_1047 : f32 to vector<16xf32>
        %add3A_1049 = arith.addf %gather3A_765, %add3A_1048 : vector<16xf32>
        %mul3A_1050 = arith.mulf %add3A_1049, %select_n3A : vector<16xf32>
        %mul3A_1051 = arith.constant 16 : i32
        %mul3A_1052 = arith.muli %scan3A_704, %mul3A_1051 : i32
        %swap3A_1053 = arith.constant 0 : i32
        %swap3A_1054 = arith.constant 0 : i32
        %swap3A_1055 = arith.constant 5 : i32
        %swap3A_1056 = arith.index_cast %swap3A_1053 : i32 to index
        %swap3A_1057 = arith.index_cast %swap3A_1054 : i32 to index
        %swap3A_1058 = arith.index_cast %swap3A_1055 : i32 to index
        %swap3A_1059 = arith.index_cast %mul3A_1052 : i32 to index
        %swap3A_1060 = tpu.vector_load %arg8[%swap3A_1056, %swap3A_1057, %swap3A_1058, %swap3A_1059] {strides = array<i32>} : memref<2x4x8x128xf32, #tpu.memory_space<vmem>>, vector<16xf32>,
        tpu.vector_store %arg8[%swap3A_1056, %swap3A_1057, %swap3A_1058, %swap3A_1059], %mul3A_1050 {strides = array<i32>} : memref<2x4x8x128xf32, #tpu.memory_space<vmem>>, vector<16xf32>,
        %slice3A_1061 = vector.extract_strided_slice %get3A_129 {offsets = [6], sizes = [1], strides = [1]} : vector<16xf32> to vector<1xf32>
        %squeeze3A_1062 = vector.extract %slice3A_1061[0] : f32 from vector<1xf32>
        %add3A_1063 = vector.broadcast %squeeze3A_1062 : f32 to vector<16xf32>
        %add3A_1064 = arith.addf %gather3A_773, %add3A_1063 : vector<16xf32>
        %mul3A_1065 = arith.mulf %add3A_1064, %select_n3A : vector<16xf32>
        %mul3A_1066 = arith.constant 16 : i32
        %mul3A_1067 = arith.muli %scan3A_704, %mul3A_1066 : i32
        %swap3A_1068 = arith.constant 0 : i32
        %swap3A_1069 = arith.constant 0 : i32
        %swap3A_1070 = arith.constant 6 : i32
        %swap3A_1071 = arith.index_cast %swap3A_1068 : i32 to index
        %swap3A_1072 = arith.index_cast %swap3A_1069 : i32 to index
        %swap3A_1073 = arith.index_cast %swap3A_1070 : i32 to index
        %swap3A_1074 = arith.index_cast %mul3A_1067 : i32 to index
        %swap3A_1075 = tpu.vector_load %arg8[%swap3A_1071, %swap3A_1072, %swap3A_1073, %swap3A_1074] {strides = array<i32>} : memref<2x4x8x128xf32, #tpu.memory_space<vmem>>, vector<16xf32>,
        tpu.vector_store %arg8[%swap3A_1071, %swap3A_1072, %swap3A_1073, %swap3A_1074], %mul3A_1065 {strides = array<i32>} : memref<2x4x8x128xf32, #tpu.memory_space<vmem>>, vector<16xf32>,
        %slice3A_1076 = vector.extract_strided_slice %get3A_129 {offsets = [7], sizes = [1], strides = [1]} : vector<16xf32> to vector<1xf32>
        %squeeze3A_1077 = vector.extract %slice3A_1076[0] : f32 from vector<1xf32>
        %add3A_1078 = vector.broadcast %squeeze3A_1077 : f32 to vector<16xf32>
        %add3A_1079 = arith.addf %gather3A_781, %add3A_1078 : vector<16xf32>
        %mul3A_1080 = arith.mulf %add3A_1079, %select_n3A : vector<16xf32>
        %mul3A_1081 = arith.constant 16 : i32
        %mul3A_1082 = arith.muli %scan3A_704, %mul3A_1081 : i32
        %swap3A_1083 = arith.constant 0 : i32
        %swap3A_1084 = arith.constant 0 : i32
        %swap3A_1085 = arith.constant 7 : i32
        %swap3A_1086 = arith.index_cast %swap3A_1083 : i32 to index
        %swap3A_1087 = arith.index_cast %swap3A_1084 : i32 to index
        %swap3A_1088 = arith.index_cast %swap3A_1085 : i32 to index
        %swap3A_1089 = arith.index_cast %mul3A_1082 : i32 to index
        %swap3A_1090 = tpu.vector_load %arg8[%swap3A_1086, %swap3A_1087, %swap3A_1088, %swap3A_1089] {strides = array<i32>} : memref<2x4x8x128xf32, #tpu.memory_space<vmem>>, vector<16xf32>,
        tpu.vector_store %arg8[%swap3A_1086, %swap3A_1087, %swap3A_1088, %swap3A_1089], %mul3A_1080 {strides = array<i32>} : memref<2x4x8x128xf32, #tpu.memory_space<vmem>>, vector<16xf32>,
        %slice3A_1091 = vector.extract_strided_slice %get3A_129 {offsets = [8], sizes = [1], strides = [1]} : vector<16xf32> to vector<1xf32>
        %squeeze3A_1092 = vector.extract %slice3A_1091[0] : f32 from vector<1xf32>
        %add3A_1093 = vector.broadcast %squeeze3A_1092 : f32 to vector<16xf32>
        %add3A_1094 = arith.addf %gather3A_789, %add3A_1093 : vector<16xf32>
        %mul3A_1095 = arith.mulf %add3A_1094, %select_n3A : vector<16xf32>
        %mul3A_1096 = arith.constant 16 : i32
        %mul3A_1097 = arith.muli %scan3A_704, %mul3A_1096 : i32
        %swap3A_1098 = arith.constant 0 : i32
        %swap3A_1099 = arith.constant 1 : i32
        %swap3A_1100 = arith.constant 0 : i32
        %swap3A_1101 = arith.index_cast %swap3A_1098 : i32 to index
        %swap3A_1102 = arith.index_cast %swap3A_1099 : i32 to index
        %swap3A_1103 = arith.index_cast %swap3A_1100 : i32 to index
        %swap3A_1104 = arith.index_cast %mul3A_1097 : i32 to index
        %swap3A_1105 = tpu.vector_load %arg8[%swap3A_1101, %swap3A_1102, %swap3A_1103, %swap3A_1104] {strides = array<i32>} : memref<2x4x8x128xf32, #tpu.memory_space<vmem>>, vector<16xf32>,
        tpu.vector_store %arg8[%swap3A_1101, %swap3A_1102, %swap3A_1103, %swap3A_1104], %mul3A_1095 {strides = array<i32>} : memref<2x4x8x128xf32, #tpu.memory_space<vmem>>, vector<16xf32>,
        %slice3A_1106 = vector.extract_strided_slice %get3A_129 {offsets = [9], sizes = [1], strides = [1]} : vector<16xf32> to vector<1xf32>
        %squeeze3A_1107 = vector.extract %slice3A_1106[0] : f32 from vector<1xf32>
        %add3A_1108 = vector.broadcast %squeeze3A_1107 : f32 to vector<16xf32>
        %add3A_1109 = arith.addf %gather3A_797, %add3A_1108 : vector<16xf32>
        %mul3A_1110 = arith.mulf %add3A_1109, %select_n3A : vector<16xf32>
        %mul3A_1111 = arith.constant 16 : i32
        %mul3A_1112 = arith.muli %scan3A_704, %mul3A_1111 : i32
        %swap3A_1113 = arith.constant 0 : i32
        %swap3A_1114 = arith.constant 1 : i32
        %swap3A_1115 = arith.constant 1 : i32
        %swap3A_1116 = arith.index_cast %swap3A_1113 : i32 to index
        %swap3A_1117 = arith.index_cast %swap3A_1114 : i32 to index
        %swap3A_1118 = arith.index_cast %swap3A_1115 : i32 to index
        %swap3A_1119 = arith.index_cast %mul3A_1112 : i32 to index
        %swap3A_1120 = tpu.vector_load %arg8[%swap3A_1116, %swap3A_1117, %swap3A_1118, %swap3A_1119] {strides = array<i32>} : memref<2x4x8x128xf32, #tpu.memory_space<vmem>>, vector<16xf32>,
        tpu.vector_store %arg8[%swap3A_1116, %swap3A_1117, %swap3A_1118, %swap3A_1119], %mul3A_1110 {strides = array<i32>} : memref<2x4x8x128xf32, #tpu.memory_space<vmem>>, vector<16xf32>,
        %slice3A_1121 = vector.extract_strided_slice %get3A_129 {offsets = [10], sizes = [1], strides = [1]} : vector<16xf32> to vector<1xf32>
        %squeeze3A_1122 = vector.extract %slice3A_1121[0] : f32 from vector<1xf32>
        %add3A_1123 = vector.broadcast %squeeze3A_1122 : f32 to vector<16xf32>
        %add3A_1124 = arith.addf %gather3A_805, %add3A_1123 : vector<16xf32>
        %mul3A_1125 = arith.mulf %add3A_1124, %select_n3A : vector<16xf32>
        %mul3A_1126 = arith.constant 16 : i32
        %mul3A_1127 = arith.muli %scan3A_704, %mul3A_1126 : i32
        %swap3A_1128 = arith.constant 0 : i32
        %swap3A_1129 = arith.constant 1 : i32
        %swap3A_1130 = arith.constant 2 : i32
        %swap3A_1131 = arith.index_cast %swap3A_1128 : i32 to index
        %swap3A_1132 = arith.index_cast %swap3A_1129 : i32 to index
        %swap3A_1133 = arith.index_cast %swap3A_1130 : i32 to index
        %swap3A_1134 = arith.index_cast %mul3A_1127 : i32 to index
        %swap3A_1135 = tpu.vector_load %arg8[%swap3A_1131, %swap3A_1132, %swap3A_1133, %swap3A_1134] {strides = array<i32>} : memref<2x4x8x128xf32, #tpu.memory_space<vmem>>, vector<16xf32>,
        tpu.vector_store %arg8[%swap3A_1131, %swap3A_1132, %swap3A_1133, %swap3A_1134], %mul3A_1125 {strides = array<i32>} : memref<2x4x8x128xf32, #tpu.memory_space<vmem>>, vector<16xf32>,
        %slice3A_1136 = vector.extract_strided_slice %get3A_129 {offsets = [11], sizes = [1], strides = [1]} : vector<16xf32> to vector<1xf32>
        %squeeze3A_1137 = vector.extract %slice3A_1136[0] : f32 from vector<1xf32>
        %add3A_1138 = vector.broadcast %squeeze3A_1137 : f32 to vector<16xf32>
        %add3A_1139 = arith.addf %gather3A_813, %add3A_1138 : vector<16xf32>
        %mul3A_1140 = arith.mulf %add3A_1139, %select_n3A : vector<16xf32>
        %mul3A_1141 = arith.constant 16 : i32
        %mul3A_1142 = arith.muli %scan3A_704, %mul3A_1141 : i32
        %swap3A_1143 = arith.constant 0 : i32
        %swap3A_1144 = arith.constant 1 : i32
        %swap3A_1145 = arith.constant 3 : i32
        %swap3A_1146 = arith.index_cast %swap3A_1143 : i32 to index
        %swap3A_1147 = arith.index_cast %swap3A_1144 : i32 to index
        %swap3A_1148 = arith.index_cast %swap3A_1145 : i32 to index
        %swap3A_1149 = arith.index_cast %mul3A_1142 : i32 to index
        %swap3A_1150 = tpu.vector_load %arg8[%swap3A_1146, %swap3A_1147, %swap3A_1148, %swap3A_1149] {strides = array<i32>} : memref<2x4x8x128xf32, #tpu.memory_space<vmem>>, vector<16xf32>,
        tpu.vector_store %arg8[%swap3A_1146, %swap3A_1147, %swap3A_1148, %swap3A_1149], %mul3A_1140 {strides = array<i32>} : memref<2x4x8x128xf32, #tpu.memory_space<vmem>>, vector<16xf32>,
        %slice3A_1151 = vector.extract_strided_slice %get3A_129 {offsets = [12], sizes = [1], strides = [1]} : vector<16xf32> to vector<1xf32>
        %squeeze3A_1152 = vector.extract %slice3A_1151[0] : f32 from vector<1xf32>
        %add3A_1153 = vector.broadcast %squeeze3A_1152 : f32 to vector<16xf32>
        %add3A_1154 = arith.addf %gather3A_821, %add3A_1153 : vector<16xf32>
        %mul3A_1155 = arith.mulf %add3A_1154, %select_n3A : vector<16xf32>
        %mul3A_1156 = arith.constant 16 : i32
        %mul3A_1157 = arith.muli %scan3A_704, %mul3A_1156 : i32
        %swap3A_1158 = arith.constant 0 : i32
        %swap3A_1159 = arith.constant 1 : i32
        %swap3A_1160 = arith.constant 4 : i32
        %swap3A_1161 = arith.index_cast %swap3A_1158 : i32 to index
        %swap3A_1162 = arith.index_cast %swap3A_1159 : i32 to index
        %swap3A_1163 = arith.index_cast %swap3A_1160 : i32 to index
        %swap3A_1164 = arith.index_cast %mul3A_1157 : i32 to index
        %swap3A_1165 = tpu.vector_load %arg8[%swap3A_1161, %swap3A_1162, %swap3A_1163, %swap3A_1164] {strides = array<i32>} : memref<2x4x8x128xf32, #tpu.memory_space<vmem>>, vector<16xf32>,
        tpu.vector_store %arg8[%swap3A_1161, %swap3A_1162, %swap3A_1163, %swap3A_1164], %mul3A_1155 {strides = array<i32>} : memref<2x4x8x128xf32, #tpu.memory_space<vmem>>, vector<16xf32>,
        %slice3A_1166 = vector.extract_strided_slice %get3A_129 {offsets = [13], sizes = [1], strides = [1]} : vector<16xf32> to vector<1xf32>
        %squeeze3A_1167 = vector.extract %slice3A_1166[0] : f32 from vector<1xf32>
        %add3A_1168 = vector.broadcast %squeeze3A_1167 : f32 to vector<16xf32>
        %add3A_1169 = arith.addf %gather3A_829, %add3A_1168 : vector<16xf32>
        %mul3A_1170 = arith.mulf %add3A_1169, %select_n3A : vector<16xf32>
        %mul3A_1171 = arith.constant 16 : i32
        %mul3A_1172 = arith.muli %scan3A_704, %mul3A_1171 : i32
        %swap3A_1173 = arith.constant 0 : i32
        %swap3A_1174 = arith.constant 1 : i32
        %swap3A_1175 = arith.constant 5 : i32
        %swap3A_1176 = arith.index_cast %swap3A_1173 : i32 to index
        %swap3A_1177 = arith.index_cast %swap3A_1174 : i32 to index
        %swap3A_1178 = arith.index_cast %swap3A_1175 : i32 to index
        %swap3A_1179 = arith.index_cast %mul3A_1172 : i32 to index
        %swap3A_1180 = tpu.vector_load %arg8[%swap3A_1176, %swap3A_1177, %swap3A_1178, %swap3A_1179] {strides = array<i32>} : memref<2x4x8x128xf32, #tpu.memory_space<vmem>>, vector<16xf32>,
        tpu.vector_store %arg8[%swap3A_1176, %swap3A_1177, %swap3A_1178, %swap3A_1179], %mul3A_1170 {strides = array<i32>} : memref<2x4x8x128xf32, #tpu.memory_space<vmem>>, vector<16xf32>,
        %slice3A_1181 = vector.extract_strided_slice %get3A_129 {offsets = [14], sizes = [1], strides = [1]} : vector<16xf32> to vector<1xf32>
        %squeeze3A_1182 = vector.extract %slice3A_1181[0] : f32 from vector<1xf32>
        %add3A_1183 = vector.broadcast %squeeze3A_1182 : f32 to vector<16xf32>
        %add3A_1184 = arith.addf %gather3A_837, %add3A_1183 : vector<16xf32>
        %mul3A_1185 = arith.mulf %add3A_1184, %select_n3A : vector<16xf32>
        %mul3A_1186 = arith.constant 16 : i32
        %mul3A_1187 = arith.muli %scan3A_704, %mul3A_1186 : i32
        %swap3A_1188 = arith.constant 0 : i32
        %swap3A_1189 = arith.constant 1 : i32
        %swap3A_1190 = arith.constant 6 : i32
        %swap3A_1191 = arith.index_cast %swap3A_1188 : i32 to index
        %swap3A_1192 = arith.index_cast %swap3A_1189 : i32 to index
        %swap3A_1193 = arith.index_cast %swap3A_1190 : i32 to index
        %swap3A_1194 = arith.index_cast %mul3A_1187 : i32 to index
        %swap3A_1195 = tpu.vector_load %arg8[%swap3A_1191, %swap3A_1192, %swap3A_1193, %swap3A_1194] {strides = array<i32>} : memref<2x4x8x128xf32, #tpu.memory_space<vmem>>, vector<16xf32>,
        tpu.vector_store %arg8[%swap3A_1191, %swap3A_1192, %swap3A_1193, %swap3A_1194], %mul3A_1185 {strides = array<i32>} : memref<2x4x8x128xf32, #tpu.memory_space<vmem>>, vector<16xf32>,
        %slice3A_1196 = vector.extract_strided_slice %get3A_129 {offsets = [15], sizes = [1], strides = [1]} : vector<16xf32> to vector<1xf32>
        %squeeze3A_1197 = vector.extract %slice3A_1196[0] : f32 from vector<1xf32>
        %add3A_1198 = vector.broadcast %squeeze3A_1197 : f32 to vector<16xf32>
        %add3A_1199 = arith.addf %gather3A_845, %add3A_1198 : vector<16xf32>
        %mul3A_1200 = arith.mulf %add3A_1199, %select_n3A : vector<16xf32>
        %mul3A_1201 = arith.constant 16 : i32
        %mul3A_1202 = arith.muli %scan3A_704, %mul3A_1201 : i32
        %swap3A_1203 = arith.constant 0 : i32
        %swap3A_1204 = arith.constant 1 : i32
        %swap3A_1205 = arith.constant 7 : i32
        %swap3A_1206 = arith.index_cast %swap3A_1203 : i32 to index
        %swap3A_1207 = arith.index_cast %swap3A_1204 : i32 to index
        %swap3A_1208 = arith.index_cast %swap3A_1205 : i32 to index
        %swap3A_1209 = arith.index_cast %mul3A_1202 : i32 to index
        %swap3A_1210 = tpu.vector_load %arg8[%swap3A_1206, %swap3A_1207, %swap3A_1208, %swap3A_1209] {strides = array<i32>} : memref<2x4x8x128xf32, #tpu.memory_space<vmem>>, vector<16xf32>,
        tpu.vector_store %arg8[%swap3A_1206, %swap3A_1207, %swap3A_1208, %swap3A_1209], %mul3A_1200 {strides = array<i32>} : memref<2x4x8x128xf32, #tpu.memory_space<vmem>>, vector<16xf32>,
        %slice3A_1211 = vector.extract_strided_slice %get3A_132 {offsets = [0], sizes = [1], strides = [1]} : vector<16xf32> to vector<1xf32>
        %squeeze3A_1212 = vector.extract %slice3A_1211[0] : f32 from vector<1xf32>
        %add3A_1213 = vector.broadcast %squeeze3A_1212 : f32 to vector<16xf32>
        %add3A_1214 = arith.addf %gather3A_853, %add3A_1213 : vector<16xf32>
        %mul3A_1215 = arith.mulf %add3A_1214, %select_n3A : vector<16xf32>
        %mul3A_1216 = arith.constant 16 : i32
        %mul3A_1217 = arith.muli %scan3A_704, %mul3A_1216 : i32
        %swap3A_1218 = arith.constant 0 : i32
        %swap3A_1219 = arith.constant 2 : i32
        %swap3A_1220 = arith.constant 0 : i32
        %swap3A_1221 = arith.index_cast %swap3A_1218 : i32 to index
        %swap3A_1222 = arith.index_cast %swap3A_1219 : i32 to index
        %swap3A_1223 = arith.index_cast %swap3A_1220 : i32 to index
        %swap3A_1224 = arith.index_cast %mul3A_1217 : i32 to index
        %swap3A_1225 = tpu.vector_load %arg8[%swap3A_1221, %swap3A_1222, %swap3A_1223, %swap3A_1224] {strides = array<i32>} : memref<2x4x8x128xf32, #tpu.memory_space<vmem>>, vector<16xf32>,
        tpu.vector_store %arg8[%swap3A_1221, %swap3A_1222, %swap3A_1223, %swap3A_1224], %mul3A_1215 {strides = array<i32>} : memref<2x4x8x128xf32, #tpu.memory_space<vmem>>, vector<16xf32>,
        %slice3A_1226 = vector.extract_strided_slice %get3A_132 {offsets = [1], sizes = [1], strides = [1]} : vector<16xf32> to vector<1xf32>
        %squeeze3A_1227 = vector.extract %slice3A_1226[0] : f32 from vector<1xf32>
        %add3A_1228 = vector.broadcast %squeeze3A_1227 : f32 to vector<16xf32>
        %add3A_1229 = arith.addf %gather3A_861, %add3A_1228 : vector<16xf32>
        %mul3A_1230 = arith.mulf %add3A_1229, %select_n3A : vector<16xf32>
        %mul3A_1231 = arith.constant 16 : i32
        %mul3A_1232 = arith.muli %scan3A_704, %mul3A_1231 : i32
        %swap3A_1233 = arith.constant 0 : i32
        %swap3A_1234 = arith.constant 2 : i32
        %swap3A_1235 = arith.constant 1 : i32
        %swap3A_1236 = arith.index_cast %swap3A_1233 : i32 to index
        %swap3A_1237 = arith.index_cast %swap3A_1234 : i32 to index
        %swap3A_1238 = arith.index_cast %swap3A_1235 : i32 to index
        %swap3A_1239 = arith.index_cast %mul3A_1232 : i32 to index
        %swap3A_1240 = tpu.vector_load %arg8[%swap3A_1236, %swap3A_1237, %swap3A_1238, %swap3A_1239] {strides = array<i32>} : memref<2x4x8x128xf32, #tpu.memory_space<vmem>>, vector<16xf32>,
        tpu.vector_store %arg8[%swap3A_1236, %swap3A_1237, %swap3A_1238, %swap3A_1239], %mul3A_1230 {strides = array<i32>} : memref<2x4x8x128xf32, #tpu.memory_space<vmem>>, vector<16xf32>,
        %slice3A_1241 = vector.extract_strided_slice %get3A_132 {offsets = [2], sizes = [1], strides = [1]} : vector<16xf32> to vector<1xf32>
        %squeeze3A_1242 = vector.extract %slice3A_1241[0] : f32 from vector<1xf32>
        %add3A_1243 = vector.broadcast %squeeze3A_1242 : f32 to vector<16xf32>
        %add3A_1244 = arith.addf %gather3A_869, %add3A_1243 : vector<16xf32>
        %mul3A_1245 = arith.mulf %add3A_1244, %select_n3A : vector<16xf32>
        %mul3A_1246 = arith.constant 16 : i32
        %mul3A_1247 = arith.muli %scan3A_704, %mul3A_1246 : i32
        %swap3A_1248 = arith.constant 0 : i32
        %swap3A_1249 = arith.constant 2 : i32
        %swap3A_1250 = arith.constant 2 : i32
        %swap3A_1251 = arith.index_cast %swap3A_1248 : i32 to index
        %swap3A_1252 = arith.index_cast %swap3A_1249 : i32 to index
        %swap3A_1253 = arith.index_cast %swap3A_1250 : i32 to index
        %swap3A_1254 = arith.index_cast %mul3A_1247 : i32 to index
        %swap3A_1255 = tpu.vector_load %arg8[%swap3A_1251, %swap3A_1252, %swap3A_1253, %swap3A_1254] {strides = array<i32>} : memref<2x4x8x128xf32, #tpu.memory_space<vmem>>, vector<16xf32>,
        tpu.vector_store %arg8[%swap3A_1251, %swap3A_1252, %swap3A_1253, %swap3A_1254], %mul3A_1245 {strides = array<i32>} : memref<2x4x8x128xf32, #tpu.memory_space<vmem>>, vector<16xf32>,
        %slice3A_1256 = vector.extract_strided_slice %get3A_132 {offsets = [3], sizes = [1], strides = [1]} : vector<16xf32> to vector<1xf32>
        %squeeze3A_1257 = vector.extract %slice3A_1256[0] : f32 from vector<1xf32>
        %add3A_1258 = vector.broadcast %squeeze3A_1257 : f32 to vector<16xf32>
        %add3A_1259 = arith.addf %gather3A_877, %add3A_1258 : vector<16xf32>
        %mul3A_1260 = arith.mulf %add3A_1259, %select_n3A : vector<16xf32>
        %mul3A_1261 = arith.constant 16 : i32
        %mul3A_1262 = arith.muli %scan3A_704, %mul3A_1261 : i32
        %swap3A_1263 = arith.constant 0 : i32
        %swap3A_1264 = arith.constant 2 : i32
        %swap3A_1265 = arith.constant 3 : i32
        %swap3A_1266 = arith.index_cast %swap3A_1263 : i32 to index
        %swap3A_1267 = arith.index_cast %swap3A_1264 : i32 to index
        %swap3A_1268 = arith.index_cast %swap3A_1265 : i32 to index
        %swap3A_1269 = arith.index_cast %mul3A_1262 : i32 to index
        %swap3A_1270 = tpu.vector_load %arg8[%swap3A_1266, %swap3A_1267, %swap3A_1268, %swap3A_1269] {strides = array<i32>} : memref<2x4x8x128xf32, #tpu.memory_space<vmem>>, vector<16xf32>,
        tpu.vector_store %arg8[%swap3A_1266, %swap3A_1267, %swap3A_1268, %swap3A_1269], %mul3A_1260 {strides = array<i32>} : memref<2x4x8x128xf32, #tpu.memory_space<vmem>>, vector<16xf32>,
        %slice3A_1271 = vector.extract_strided_slice %get3A_132 {offsets = [4], sizes = [1], strides = [1]} : vector<16xf32> to vector<1xf32>
        %squeeze3A_1272 = vector.extract %slice3A_1271[0] : f32 from vector<1xf32>
        %add3A_1273 = vector.broadcast %squeeze3A_1272 : f32 to vector<16xf32>
        %add3A_1274 = arith.addf %gather3A_885, %add3A_1273 : vector<16xf32>
        %mul3A_1275 = arith.mulf %add3A_1274, %select_n3A : vector<16xf32>
        %mul3A_1276 = arith.constant 16 : i32
        %mul3A_1277 = arith.muli %scan3A_704, %mul3A_1276 : i32
        %swap3A_1278 = arith.constant 0 : i32
        %swap3A_1279 = arith.constant 2 : i32
        %swap3A_1280 = arith.constant 4 : i32
        %swap3A_1281 = arith.index_cast %swap3A_1278 : i32 to index
        %swap3A_1282 = arith.index_cast %swap3A_1279 : i32 to index
        %swap3A_1283 = arith.index_cast %swap3A_1280 : i32 to index
        %swap3A_1284 = arith.index_cast %mul3A_1277 : i32 to index
        %swap3A_1285 = tpu.vector_load %arg8[%swap3A_1281, %swap3A_1282, %swap3A_1283, %swap3A_1284] {strides = array<i32>} : memref<2x4x8x128xf32, #tpu.memory_space<vmem>>, vector<16xf32>,
        tpu.vector_store %arg8[%swap3A_1281, %swap3A_1282, %swap3A_1283, %swap3A_1284], %mul3A_1275 {strides = array<i32>} : memref<2x4x8x128xf32, #tpu.memory_space<vmem>>, vector<16xf32>,
        %slice3A_1286 = vector.extract_strided_slice %get3A_132 {offsets = [5], sizes = [1], strides = [1]} : vector<16xf32> to vector<1xf32>
        %squeeze3A_1287 = vector.extract %slice3A_1286[0] : f32 from vector<1xf32>
        %add3A_1288 = vector.broadcast %squeeze3A_1287 : f32 to vector<16xf32>
        %add3A_1289 = arith.addf %gather3A_893, %add3A_1288 : vector<16xf32>
        %mul3A_1290 = arith.mulf %add3A_1289, %select_n3A : vector<16xf32>
        %mul3A_1291 = arith.constant 16 : i32
        %mul3A_1292 = arith.muli %scan3A_704, %mul3A_1291 : i32
        %swap3A_1293 = arith.constant 0 : i32
        %swap3A_1294 = arith.constant 2 : i32
        %swap3A_1295 = arith.constant 5 : i32
        %swap3A_1296 = arith.index_cast %swap3A_1293 : i32 to index
        %swap3A_1297 = arith.index_cast %swap3A_1294 : i32 to index
        %swap3A_1298 = arith.index_cast %swap3A_1295 : i32 to index
        %swap3A_1299 = arith.index_cast %mul3A_1292 : i32 to index
        %swap3A_1300 = tpu.vector_load %arg8[%swap3A_1296, %swap3A_1297, %swap3A_1298, %swap3A_1299] {strides = array<i32>} : memref<2x4x8x128xf32, #tpu.memory_space<vmem>>, vector<16xf32>,
        tpu.vector_store %arg8[%swap3A_1296, %swap3A_1297, %swap3A_1298, %swap3A_1299], %mul3A_1290 {strides = array<i32>} : memref<2x4x8x128xf32, #tpu.memory_space<vmem>>, vector<16xf32>,
        %slice3A_1301 = vector.extract_strided_slice %get3A_132 {offsets = [6], sizes = [1], strides = [1]} : vector<16xf32> to vector<1xf32>
        %squeeze3A_1302 = vector.extract %slice3A_1301[0] : f32 from vector<1xf32>
        %add3A_1303 = vector.broadcast %squeeze3A_1302 : f32 to vector<16xf32>
        %add3A_1304 = arith.addf %gather3A_901, %add3A_1303 : vector<16xf32>
        %mul3A_1305 = arith.mulf %add3A_1304, %select_n3A : vector<16xf32>
        %mul3A_1306 = arith.constant 16 : i32
        %mul3A_1307 = arith.muli %scan3A_704, %mul3A_1306 : i32
        %swap3A_1308 = arith.constant 0 : i32
        %swap3A_1309 = arith.constant 2 : i32
        %swap3A_1310 = arith.constant 6 : i32
        %swap3A_1311 = arith.index_cast %swap3A_1308 : i32 to index
        %swap3A_1312 = arith.index_cast %swap3A_1309 : i32 to index
        %swap3A_1313 = arith.index_cast %swap3A_1310 : i32 to index
        %swap3A_1314 = arith.index_cast %mul3A_1307 : i32 to index
        %swap3A_1315 = tpu.vector_load %arg8[%swap3A_1311, %swap3A_1312, %swap3A_1313, %swap3A_1314] {strides = array<i32>} : memref<2x4x8x128xf32, #tpu.memory_space<vmem>>, vector<16xf32>,
        tpu.vector_store %arg8[%swap3A_1311, %swap3A_1312, %swap3A_1313, %swap3A_1314], %mul3A_1305 {strides = array<i32>} : memref<2x4x8x128xf32, #tpu.memory_space<vmem>>, vector<16xf32>,
        %slice3A_1316 = vector.extract_strided_slice %get3A_132 {offsets = [7], sizes = [1], strides = [1]} : vector<16xf32> to vector<1xf32>
        %squeeze3A_1317 = vector.extract %slice3A_1316[0] : f32 from vector<1xf32>
        %add3A_1318 = vector.broadcast %squeeze3A_1317 : f32 to vector<16xf32>
        %add3A_1319 = arith.addf %gather3A_909, %add3A_1318 : vector<16xf32>
        %mul3A_1320 = arith.mulf %add3A_1319, %select_n3A : vector<16xf32>
        %mul3A_1321 = arith.constant 16 : i32
        %mul3A_1322 = arith.muli %scan3A_704, %mul3A_1321 : i32
        %swap3A_1323 = arith.constant 0 : i32
        %swap3A_1324 = arith.constant 2 : i32
        %swap3A_1325 = arith.constant 7 : i32
        %swap3A_1326 = arith.index_cast %swap3A_1323 : i32 to index
        %swap3A_1327 = arith.index_cast %swap3A_1324 : i32 to index
        %swap3A_1328 = arith.index_cast %swap3A_1325 : i32 to index
        %swap3A_1329 = arith.index_cast %mul3A_1322 : i32 to index
        %swap3A_1330 = tpu.vector_load %arg8[%swap3A_1326, %swap3A_1327, %swap3A_1328, %swap3A_1329] {strides = array<i32>} : memref<2x4x8x128xf32, #tpu.memory_space<vmem>>, vector<16xf32>,
        tpu.vector_store %arg8[%swap3A_1326, %swap3A_1327, %swap3A_1328, %swap3A_1329], %mul3A_1320 {strides = array<i32>} : memref<2x4x8x128xf32, #tpu.memory_space<vmem>>, vector<16xf32>,
        %slice3A_1331 = vector.extract_strided_slice %get3A_132 {offsets = [8], sizes = [1], strides = [1]} : vector<16xf32> to vector<1xf32>
        %squeeze3A_1332 = vector.extract %slice3A_1331[0] : f32 from vector<1xf32>
        %add3A_1333 = vector.broadcast %squeeze3A_1332 : f32 to vector<16xf32>
        %add3A_1334 = arith.addf %gather3A_917, %add3A_1333 : vector<16xf32>
        %mul3A_1335 = arith.mulf %add3A_1334, %select_n3A : vector<16xf32>
        %mul3A_1336 = arith.constant 16 : i32
        %mul3A_1337 = arith.muli %scan3A_704, %mul3A_1336 : i32
        %swap3A_1338 = arith.constant 0 : i32
        %swap3A_1339 = arith.constant 3 : i32
        %swap3A_1340 = arith.constant 0 : i32
        %swap3A_1341 = arith.index_cast %swap3A_1338 : i32 to index
        %swap3A_1342 = arith.index_cast %swap3A_1339 : i32 to index
        %swap3A_1343 = arith.index_cast %swap3A_1340 : i32 to index
        %swap3A_1344 = arith.index_cast %mul3A_1337 : i32 to index
        %swap3A_1345 = tpu.vector_load %arg8[%swap3A_1341, %swap3A_1342, %swap3A_1343, %swap3A_1344] {strides = array<i32>} : memref<2x4x8x128xf32, #tpu.memory_space<vmem>>, vector<16xf32>,
        tpu.vector_store %arg8[%swap3A_1341, %swap3A_1342, %swap3A_1343, %swap3A_1344], %mul3A_1335 {strides = array<i32>} : memref<2x4x8x128xf32, #tpu.memory_space<vmem>>, vector<16xf32>,
        %slice3A_1346 = vector.extract_strided_slice %get3A_132 {offsets = [9], sizes = [1], strides = [1]} : vector<16xf32> to vector<1xf32>
        %squeeze3A_1347 = vector.extract %slice3A_1346[0] : f32 from vector<1xf32>
        %add3A_1348 = vector.broadcast %squeeze3A_1347 : f32 to vector<16xf32>
        %add3A_1349 = arith.addf %gather3A_925, %add3A_1348 : vector<16xf32>
        %mul3A_1350 = arith.mulf %add3A_1349, %select_n3A : vector<16xf32>
        %mul3A_1351 = arith.constant 16 : i32
        %mul3A_1352 = arith.muli %scan3A_704, %mul3A_1351 : i32
        %swap3A_1353 = arith.constant 0 : i32
        %swap3A_1354 = arith.constant 3 : i32
        %swap3A_1355 = arith.constant 1 : i32
        %swap3A_1356 = arith.index_cast %swap3A_1353 : i32 to index
        %swap3A_1357 = arith.index_cast %swap3A_1354 : i32 to index
        %swap3A_1358 = arith.index_cast %swap3A_1355 : i32 to index
        %swap3A_1359 = arith.index_cast %mul3A_1352 : i32 to index
        %swap3A_1360 = tpu.vector_load %arg8[%swap3A_1356, %swap3A_1357, %swap3A_1358, %swap3A_1359] {strides = array<i32>} : memref<2x4x8x128xf32, #tpu.memory_space<vmem>>, vector<16xf32>,
        tpu.vector_store %arg8[%swap3A_1356, %swap3A_1357, %swap3A_1358, %swap3A_1359], %mul3A_1350 {strides = array<i32>} : memref<2x4x8x128xf32, #tpu.memory_space<vmem>>, vector<16xf32>,
        %slice3A_1361 = vector.extract_strided_slice %get3A_132 {offsets = [10], sizes = [1], strides = [1]} : vector<16xf32> to vector<1xf32>
        %squeeze3A_1362 = vector.extract %slice3A_1361[0] : f32 from vector<1xf32>
        %add3A_1363 = vector.broadcast %squeeze3A_1362 : f32 to vector<16xf32>
        %add3A_1364 = arith.addf %gather3A_933, %add3A_1363 : vector<16xf32>
        %mul3A_1365 = arith.mulf %add3A_1364, %select_n3A : vector<16xf32>
        %mul3A_1366 = arith.constant 16 : i32
        %mul3A_1367 = arith.muli %scan3A_704, %mul3A_1366 : i32
        %swap3A_1368 = arith.constant 0 : i32
        %swap3A_1369 = arith.constant 3 : i32
        %swap3A_1370 = arith.constant 2 : i32
        %swap3A_1371 = arith.index_cast %swap3A_1368 : i32 to index
        %swap3A_1372 = arith.index_cast %swap3A_1369 : i32 to index
        %swap3A_1373 = arith.index_cast %swap3A_1370 : i32 to index
        %swap3A_1374 = arith.index_cast %mul3A_1367 : i32 to index
        %swap3A_1375 = tpu.vector_load %arg8[%swap3A_1371, %swap3A_1372, %swap3A_1373, %swap3A_1374] {strides = array<i32>} : memref<2x4x8x128xf32, #tpu.memory_space<vmem>>, vector<16xf32>,
        tpu.vector_store %arg8[%swap3A_1371, %swap3A_1372, %swap3A_1373, %swap3A_1374], %mul3A_1365 {strides = array<i32>} : memref<2x4x8x128xf32, #tpu.memory_space<vmem>>, vector<16xf32>,
        %slice3A_1376 = vector.extract_strided_slice %get3A_132 {offsets = [11], sizes = [1], strides = [1]} : vector<16xf32> to vector<1xf32>
        %squeeze3A_1377 = vector.extract %slice3A_1376[0] : f32 from vector<1xf32>
        %add3A_1378 = vector.broadcast %squeeze3A_1377 : f32 to vector<16xf32>
        %add3A_1379 = arith.addf %gather3A_941, %add3A_1378 : vector<16xf32>
        %mul3A_1380 = arith.mulf %add3A_1379, %select_n3A : vector<16xf32>
        %mul3A_1381 = arith.constant 16 : i32
        %mul3A_1382 = arith.muli %scan3A_704, %mul3A_1381 : i32
        %swap3A_1383 = arith.constant 0 : i32
        %swap3A_1384 = arith.constant 3 : i32
        %swap3A_1385 = arith.constant 3 : i32
        %swap3A_1386 = arith.index_cast %swap3A_1383 : i32 to index
        %swap3A_1387 = arith.index_cast %swap3A_1384 : i32 to index
        %swap3A_1388 = arith.index_cast %swap3A_1385 : i32 to index
        %swap3A_1389 = arith.index_cast %mul3A_1382 : i32 to index
        %swap3A_1390 = tpu.vector_load %arg8[%swap3A_1386, %swap3A_1387, %swap3A_1388, %swap3A_1389] {strides = array<i32>} : memref<2x4x8x128xf32, #tpu.memory_space<vmem>>, vector<16xf32>,
        tpu.vector_store %arg8[%swap3A_1386, %swap3A_1387, %swap3A_1388, %swap3A_1389], %mul3A_1380 {strides = array<i32>} : memref<2x4x8x128xf32, #tpu.memory_space<vmem>>, vector<16xf32>,
        %slice3A_1391 = vector.extract_strided_slice %get3A_132 {offsets = [12], sizes = [1], strides = [1]} : vector<16xf32> to vector<1xf32>
        %squeeze3A_1392 = vector.extract %slice3A_1391[0] : f32 from vector<1xf32>
        %add3A_1393 = vector.broadcast %squeeze3A_1392 : f32 to vector<16xf32>
        %add3A_1394 = arith.addf %gather3A_949, %add3A_1393 : vector<16xf32>
        %mul3A_1395 = arith.mulf %add3A_1394, %select_n3A : vector<16xf32>
        %mul3A_1396 = arith.constant 16 : i32
        %mul3A_1397 = arith.muli %scan3A_704, %mul3A_1396 : i32
        %swap3A_1398 = arith.constant 0 : i32
        %swap3A_1399 = arith.constant 3 : i32
        %swap3A_1400 = arith.constant 4 : i32
        %swap3A_1401 = arith.index_cast %swap3A_1398 : i32 to index
        %swap3A_1402 = arith.index_cast %swap3A_1399 : i32 to index
        %swap3A_1403 = arith.index_cast %swap3A_1400 : i32 to index
        %swap3A_1404 = arith.index_cast %mul3A_1397 : i32 to index
        %swap3A_1405 = tpu.vector_load %arg8[%swap3A_1401, %swap3A_1402, %swap3A_1403, %swap3A_1404] {strides = array<i32>} : memref<2x4x8x128xf32, #tpu.memory_space<vmem>>, vector<16xf32>,
        tpu.vector_store %arg8[%swap3A_1401, %swap3A_1402, %swap3A_1403, %swap3A_1404], %mul3A_1395 {strides = array<i32>} : memref<2x4x8x128xf32, #tpu.memory_space<vmem>>, vector<16xf32>,
        %slice3A_1406 = vector.extract_strided_slice %get3A_132 {offsets = [13], sizes = [1], strides = [1]} : vector<16xf32> to vector<1xf32>
        %squeeze3A_1407 = vector.extract %slice3A_1406[0] : f32 from vector<1xf32>
        %add3A_1408 = vector.broadcast %squeeze3A_1407 : f32 to vector<16xf32>
        %add3A_1409 = arith.addf %gather3A_957, %add3A_1408 : vector<16xf32>
        %mul3A_1410 = arith.mulf %add3A_1409, %select_n3A : vector<16xf32>
        %mul3A_1411 = arith.constant 16 : i32
        %mul3A_1412 = arith.muli %scan3A_704, %mul3A_1411 : i32
        %swap3A_1413 = arith.constant 0 : i32
        %swap3A_1414 = arith.constant 3 : i32
        %swap3A_1415 = arith.constant 5 : i32
        %swap3A_1416 = arith.index_cast %swap3A_1413 : i32 to index
        %swap3A_1417 = arith.index_cast %swap3A_1414 : i32 to index
        %swap3A_1418 = arith.index_cast %swap3A_1415 : i32 to index
        %swap3A_1419 = arith.index_cast %mul3A_1412 : i32 to index
        %swap3A_1420 = tpu.vector_load %arg8[%swap3A_1416, %swap3A_1417, %swap3A_1418, %swap3A_1419] {strides = array<i32>} : memref<2x4x8x128xf32, #tpu.memory_space<vmem>>, vector<16xf32>,
        tpu.vector_store %arg8[%swap3A_1416, %swap3A_1417, %swap3A_1418, %swap3A_1419], %mul3A_1410 {strides = array<i32>} : memref<2x4x8x128xf32, #tpu.memory_space<vmem>>, vector<16xf32>,
        %slice3A_1421 = vector.extract_strided_slice %get3A_132 {offsets = [14], sizes = [1], strides = [1]} : vector<16xf32> to vector<1xf32>
        %squeeze3A_1422 = vector.extract %slice3A_1421[0] : f32 from vector<1xf32>
        %add3A_1423 = vector.broadcast %squeeze3A_1422 : f32 to vector<16xf32>
        %add3A_1424 = arith.addf %gather3A_965, %add3A_1423 : vector<16xf32>
        %mul3A_1425 = arith.mulf %add3A_1424, %select_n3A : vector<16xf32>
        %mul3A_1426 = arith.constant 16 : i32
        %mul3A_1427 = arith.muli %scan3A_704, %mul3A_1426 : i32
        %swap3A_1428 = arith.constant 0 : i32
        %swap3A_1429 = arith.constant 3 : i32
        %swap3A_1430 = arith.constant 6 : i32
        %swap3A_1431 = arith.index_cast %swap3A_1428 : i32 to index
        %swap3A_1432 = arith.index_cast %swap3A_1429 : i32 to index
        %swap3A_1433 = arith.index_cast %swap3A_1430 : i32 to index
        %swap3A_1434 = arith.index_cast %mul3A_1427 : i32 to index
        %swap3A_1435 = tpu.vector_load %arg8[%swap3A_1431, %swap3A_1432, %swap3A_1433, %swap3A_1434] {strides = array<i32>} : memref<2x4x8x128xf32, #tpu.memory_space<vmem>>, vector<16xf32>,
        tpu.vector_store %arg8[%swap3A_1431, %swap3A_1432, %swap3A_1433, %swap3A_1434], %mul3A_1425 {strides = array<i32>} : memref<2x4x8x128xf32, #tpu.memory_space<vmem>>, vector<16xf32>,
        %slice3A_1436 = vector.extract_strided_slice %get3A_132 {offsets = [15], sizes = [1], strides = [1]} : vector<16xf32> to vector<1xf32>
        %squeeze3A_1437 = vector.extract %slice3A_1436[0] : f32 from vector<1xf32>
        %add3A_1438 = vector.broadcast %squeeze3A_1437 : f32 to vector<16xf32>
        %add3A_1439 = arith.addf %gather3A_973, %add3A_1438 : vector<16xf32>
        %mul3A_1440 = arith.mulf %add3A_1439, %select_n3A : vector<16xf32>
        %mul3A_1441 = arith.constant 16 : i32
        %mul3A_1442 = arith.muli %scan3A_704, %mul3A_1441 : i32
        %swap3A_1443 = arith.constant 0 : i32
        %swap3A_1444 = arith.constant 3 : i32
        %swap3A_1445 = arith.constant 7 : i32
        %swap3A_1446 = arith.index_cast %swap3A_1443 : i32 to index
        %swap3A_1447 = arith.index_cast %swap3A_1444 : i32 to index
        %swap3A_1448 = arith.index_cast %swap3A_1445 : i32 to index
        %swap3A_1449 = arith.index_cast %mul3A_1442 : i32 to index
        %swap3A_1450 = tpu.vector_load %arg8[%swap3A_1446, %swap3A_1447, %swap3A_1448, %swap3A_1449] {strides = array<i32>} : memref<2x4x8x128xf32, #tpu.memory_space<vmem>>, vector<16xf32>,
        tpu.vector_store %arg8[%swap3A_1446, %swap3A_1447, %swap3A_1448, %swap3A_1449], %mul3A_1440 {strides = array<i32>} : memref<2x4x8x128xf32, #tpu.memory_space<vmem>>, vector<16xf32>,
      }
      %scan3A_138 = arith.constant 8 : i32
      %mul3A_139 = arith.constant 4 : i32
      %mul3A_140 = arith.muli %add3A_93, %mul3A_139 : i32
      %add3A_141 = arith.constant 0 : i32
      %add3A_142 = arith.addi %mul3A_140, %add3A_141 : i32
      %mul3A_143 = arith.constant 32 : i32
      %mul3A_144 = arith.muli %add3A_142, %mul3A_143 : i32
      %add3A_145 = arith.addi %mul3A_144, %add3A : i32
      %dma_start3A_146 = arith.constant 0 : i32
      %dma_start3A_147 = arith.constant 0 : i32
      %dma_start3A_148 = arith.constant 0 : i32
      %dma_start3A_149 = arith.constant 0 : i32
      %dma_start3A_150 = tpu.memref_slice %arg8[%dma_start3A_146, %dma_start3A_147, %dma_start3A_148, %dma_start3A_149] : memref<2x4x8x128xf32, #tpu.memory_space<vmem>> -> memref<1x1x8x128xf32, #tpu.memory_space<vmem>>
      %dma_start3A_151 = tpu.memref_squeeze %dma_start3A_150 : memref<1x1x8x128xf32, #tpu.memory_space<vmem>> -> memref<8x128xf32, #tpu.memory_space<vmem>>
      %dma_start3A_152 = arith.constant 0 : i32
      %dma_start3A_153 = arith.constant 0 : i32
      %dma_start3A_154 = tpu.memref_slice %arg5[%add3A_145, %dma_start3A_152, %dma_start3A_153] : memref<25600x8x128xf32, #tpu.memory_space<hbm>> -> memref<1x8x128xf32, #tpu.memory_space<hbm>>
      %dma_start3A_155 = tpu.memref_squeeze %dma_start3A_154 : memref<1x8x128xf32, #tpu.memory_space<hbm>> -> memref<8x128xf32, #tpu.memory_space<hbm>>
      %dma_start3A_156 = arith.constant 0 : i32
      %dma_start3A_157 = arith.constant 0 : i32
      %dma_start3A_158 = tpu.memref_slice %arg5[%add3A_145, %dma_start3A_156, %dma_start3A_157] : memref<25600x8x128xf32, #tpu.memory_space<hbm>> -> memref<1x8x128xf32, #tpu.memory_space<hbm>>
      %dma_start3A_159 = tpu.memref_squeeze %dma_start3A_158 : memref<1x8x128xf32, #tpu.memory_space<hbm>> -> memref<8x128xf32, #tpu.memory_space<hbm>>
      %dma_start3A_160 = arith.constant 0 : i32
      %dma_start3A_161 = arith.constant 0 : i32
      %dma_start3A_162 = tpu.memref_slice %arg8[%dma_start3A_146, %dma_start3A_147, %dma_start3A_160, %dma_start3A_161] : memref<2x4x8x128xf32, #tpu.memory_space<vmem>> -> memref<1x1x8x128xf32, #tpu.memory_space<vmem>>
      %dma_start3A_163 = tpu.memref_squeeze %dma_start3A_162 : memref<1x1x8x128xf32, #tpu.memory_space<vmem>> -> memref<8x128xf32, #tpu.memory_space<vmem>>
      tpu.enqueue_dma source(%dma_start3A_163 : memref<8x128xf32, #tpu.memory_space<vmem>>) target(%dma_start3A_159 : memref<8x128xf32, #tpu.memory_space<hbm>>) target_semaphore(%arg14 : memref<!tpu.dma_semaphore, #tpu.memory_space<semaphore_mem>>)
      %mul3A_164 = arith.constant 4 : i32
      %mul3A_165 = arith.muli %add3A_93, %mul3A_164 : i32
      %add3A_166 = arith.constant 1 : i32
      %add3A_167 = arith.addi %mul3A_165, %add3A_166 : i32
      %mul3A_168 = arith.constant 32 : i32
      %mul3A_169 = arith.muli %add3A_167, %mul3A_168 : i32
      %add3A_170 = arith.addi %mul3A_169, %add3A : i32
      %dma_start3A_171 = arith.constant 0 : i32
      %dma_start3A_172 = arith.constant 1 : i32
      %dma_start3A_173 = arith.constant 0 : i32
      %dma_start3A_174 = arith.constant 0 : i32
      %dma_start3A_175 = tpu.memref_slice %arg8[%dma_start3A_171, %dma_start3A_172, %dma_start3A_173, %dma_start3A_174] : memref<2x4x8x128xf32, #tpu.memory_space<vmem>> -> memref<1x1x8x128xf32, #tpu.memory_space<vmem>>
      %dma_start3A_176 = tpu.memref_squeeze %dma_start3A_175 : memref<1x1x8x128xf32, #tpu.memory_space<vmem>> -> memref<8x128xf32, #tpu.memory_space<vmem>>
      %dma_start3A_177 = arith.constant 0 : i32
      %dma_start3A_178 = arith.constant 0 : i32
      %dma_start3A_179 = tpu.memref_slice %arg5[%add3A_170, %dma_start3A_177, %dma_start3A_178] : memref<25600x8x128xf32, #tpu.memory_space<hbm>> -> memref<1x8x128xf32, #tpu.memory_space<hbm>>
      %dma_start3A_180 = tpu.memref_squeeze %dma_start3A_179 : memref<1x8x128xf32, #tpu.memory_space<hbm>> -> memref<8x128xf32, #tpu.memory_space<hbm>>
      %dma_start3A_181 = arith.constant 0 : i32
      %dma_start3A_182 = arith.constant 0 : i32
      %dma_start3A_183 = tpu.memref_slice %arg5[%add3A_170, %dma_start3A_181, %dma_start3A_182] : memref<25600x8x128xf32, #tpu.memory_space<hbm>> -> memref<1x8x128xf32, #tpu.memory_space<hbm>>
      %dma_start3A_184 = tpu.memref_squeeze %dma_start3A_183 : memref<1x8x128xf32, #tpu.memory_space<hbm>> -> memref<8x128xf32, #tpu.memory_space<hbm>>
      %dma_start3A_185 = arith.constant 0 : i32
      %dma_start3A_186 = arith.constant 0 : i32
      %dma_start3A_187 = tpu.memref_slice %arg8[%dma_start3A_171, %dma_start3A_172, %dma_start3A_185, %dma_start3A_186] : memref<2x4x8x128xf32, #tpu.memory_space<vmem>> -> memref<1x1x8x128xf32, #tpu.memory_space<vmem>>
      %dma_start3A_188 = tpu.memref_squeeze %dma_start3A_187 : memref<1x1x8x128xf32, #tpu.memory_space<vmem>> -> memref<8x128xf32, #tpu.memory_space<vmem>>
      tpu.enqueue_dma source(%dma_start3A_188 : memref<8x128xf32, #tpu.memory_space<vmem>>) target(%dma_start3A_184 : memref<8x128xf32, #tpu.memory_space<hbm>>) target_semaphore(%arg14 : memref<!tpu.dma_semaphore, #tpu.memory_space<semaphore_mem>>)
      %mul3A_189 = arith.constant 4 : i32
      %mul3A_190 = arith.muli %add3A_93, %mul3A_189 : i32
      %add3A_191 = arith.constant 2 : i32
      %add3A_192 = arith.addi %mul3A_190, %add3A_191 : i32
      %mul3A_193 = arith.constant 32 : i32
      %mul3A_194 = arith.muli %add3A_192, %mul3A_193 : i32
      %add3A_195 = arith.addi %mul3A_194, %add3A : i32
      %dma_start3A_196 = arith.constant 0 : i32
      %dma_start3A_197 = arith.constant 2 : i32
      %dma_start3A_198 = arith.constant 0 : i32
      %dma_start3A_199 = arith.constant 0 : i32
      %dma_start3A_200 = tpu.memref_slice %arg8[%dma_start3A_196, %dma_start3A_197, %dma_start3A_198, %dma_start3A_199] : memref<2x4x8x128xf32, #tpu.memory_space<vmem>> -> memref<1x1x8x128xf32, #tpu.memory_space<vmem>>
      %dma_start3A_201 = tpu.memref_squeeze %dma_start3A_200 : memref<1x1x8x128xf32, #tpu.memory_space<vmem>> -> memref<8x128xf32, #tpu.memory_space<vmem>>
      %dma_start3A_202 = arith.constant 0 : i32
      %dma_start3A_203 = arith.constant 0 : i32
      %dma_start3A_204 = tpu.memref_slice %arg5[%add3A_195, %dma_start3A_202, %dma_start3A_203] : memref<25600x8x128xf32, #tpu.memory_space<hbm>> -> memref<1x8x128xf32, #tpu.memory_space<hbm>>
      %dma_start3A_205 = tpu.memref_squeeze %dma_start3A_204 : memref<1x8x128xf32, #tpu.memory_space<hbm>> -> memref<8x128xf32, #tpu.memory_space<hbm>>
      %dma_start3A_206 = arith.constant 0 : i32
      %dma_start3A_207 = arith.constant 0 : i32
      %dma_start3A_208 = tpu.memref_slice %arg5[%add3A_195, %dma_start3A_206, %dma_start3A_207] : memref<25600x8x128xf32, #tpu.memory_space<hbm>> -> memref<1x8x128xf32, #tpu.memory_space<hbm>>
      %dma_start3A_209 = tpu.memref_squeeze %dma_start3A_208 : memref<1x8x128xf32, #tpu.memory_space<hbm>> -> memref<8x128xf32, #tpu.memory_space<hbm>>
      %dma_start3A_210 = arith.constant 0 : i32
      %dma_start3A_211 = arith.constant 0 : i32
      %dma_start3A_212 = tpu.memref_slice %arg8[%dma_start3A_196, %dma_start3A_197, %dma_start3A_210, %dma_start3A_211] : memref<2x4x8x128xf32, #tpu.memory_space<vmem>> -> memref<1x1x8x128xf32, #tpu.memory_space<vmem>>
      %dma_start3A_213 = tpu.memref_squeeze %dma_start3A_212 : memref<1x1x8x128xf32, #tpu.memory_space<vmem>> -> memref<8x128xf32, #tpu.memory_space<vmem>>
      tpu.enqueue_dma source(%dma_start3A_213 : memref<8x128xf32, #tpu.memory_space<vmem>>) target(%dma_start3A_209 : memref<8x128xf32, #tpu.memory_space<hbm>>) target_semaphore(%arg14 : memref<!tpu.dma_semaphore, #tpu.memory_space<semaphore_mem>>)
      %mul3A_214 = arith.constant 4 : i32
      %mul3A_215 = arith.muli %add3A_93, %mul3A_214 : i32
      %add3A_216 = arith.constant 3 : i32
      %add3A_217 = arith.addi %mul3A_215, %add3A_216 : i32
      %mul3A_218 = arith.constant 32 : i32
      %mul3A_219 = arith.muli %add3A_217, %mul3A_218 : i32
      %add3A_220 = arith.addi %mul3A_219, %add3A : i32
      %dma_start3A_221 = arith.constant 0 : i32
      %dma_start3A_222 = arith.constant 3 : i32
      %dma_start3A_223 = arith.constant 0 : i32
      %dma_start3A_224 = arith.constant 0 : i32
      %dma_start3A_225 = tpu.memref_slice %arg8[%dma_start3A_221, %dma_start3A_222, %dma_start3A_223, %dma_start3A_224] : memref<2x4x8x128xf32, #tpu.memory_space<vmem>> -> memref<1x1x8x128xf32, #tpu.memory_space<vmem>>
      %dma_start3A_226 = tpu.memref_squeeze %dma_start3A_225 : memref<1x1x8x128xf32, #tpu.memory_space<vmem>> -> memref<8x128xf32, #tpu.memory_space<vmem>>
      %dma_start3A_227 = arith.constant 0 : i32
      %dma_start3A_228 = arith.constant 0 : i32
      %dma_start3A_229 = tpu.memref_slice %arg5[%add3A_220, %dma_start3A_227, %dma_start3A_228] : memref<25600x8x128xf32, #tpu.memory_space<hbm>> -> memref<1x8x128xf32, #tpu.memory_space<hbm>>
      %dma_start3A_230 = tpu.memref_squeeze %dma_start3A_229 : memref<1x8x128xf32, #tpu.memory_space<hbm>> -> memref<8x128xf32, #tpu.memory_space<hbm>>
      %dma_start3A_231 = arith.constant 0 : i32
      %dma_start3A_232 = arith.constant 0 : i32
      %dma_start3A_233 = tpu.memref_slice %arg5[%add3A_220, %dma_start3A_231, %dma_start3A_232] : memref<25600x8x128xf32, #tpu.memory_space<hbm>> -> memref<1x8x128xf32, #tpu.memory_space<hbm>>
      %dma_start3A_234 = tpu.memref_squeeze %dma_start3A_233 : memref<1x8x128xf32, #tpu.memory_space<hbm>> -> memref<8x128xf32, #tpu.memory_space<hbm>>
      %dma_start3A_235 = arith.constant 0 : i32
      %dma_start3A_236 = arith.constant 0 : i32
      %dma_start3A_237 = tpu.memref_slice %arg8[%dma_start3A_221, %dma_start3A_222, %dma_start3A_235, %dma_start3A_236] : memref<2x4x8x128xf32, #tpu.memory_space<vmem>> -> memref<1x1x8x128xf32, #tpu.memory_space<vmem>>
      %dma_start3A_238 = tpu.memref_squeeze %dma_start3A_237 : memref<1x1x8x128xf32, #tpu.memory_space<vmem>> -> memref<8x128xf32, #tpu.memory_space<vmem>>
      tpu.enqueue_dma source(%dma_start3A_238 : memref<8x128xf32, #tpu.memory_space<vmem>>) target(%dma_start3A_234 : memref<8x128xf32, #tpu.memory_space<hbm>>) target_semaphore(%arg14 : memref<!tpu.dma_semaphore, #tpu.memory_space<semaphore_mem>>)
      %mul3A_239 = arith.constant 4 : i32
      %mul3A_240 = arith.muli %scan3A_89, %mul3A_239 : i32
      %add3A_241 = arith.constant 1 : i32
      %add3A_242 = arith.addi %mul3A_240, %add3A_241 : i32
      %dma_wait3A_243 = arith.constant 1 : i32
      %dma_wait3A_244 = arith.constant 1 : i32
      %dma_wait3A_245 = arith.constant 0 : i32
      %dma_wait3A_246 = arith.constant 0 : i32
      %dma_wait3A_247 = tpu.memref_slice %arg7[%dma_wait3A_244, %dma_wait3A_245, %dma_wait3A_246] : memref<4x128x32xf32, #tpu.memory_space<vmem>> -> memref<1x128x32xf32, #tpu.memory_space<vmem>>
      %dma_wait3A_248 = tpu.memref_squeeze %dma_wait3A_247 : memref<1x128x32xf32, #tpu.memory_space<vmem>> -> memref<128x32xf32, #tpu.memory_space<vmem>>
      %dma_wait3A_249 = arith.constant 0 : i32
      %dma_wait3A_250 = tpu.memref_slice %arg6[%dma_wait3A_243, %dma_wait3A_249] : memref<4x128xi32, #tpu.memory_space<vmem>> -> memref<1x128xi32, #tpu.memory_space<vmem>>
      %dma_wait3A_251 = tpu.memref_squeeze %dma_wait3A_250 : memref<1x128xi32, #tpu.memory_space<vmem>> -> memref<128xi32, #tpu.memory_space<vmem>>
      %dma_wait3A_252 = arith.constant 0 : i32
      %dma_wait3A_253 = arith.constant 0 : i32
      %dma_wait3A_254 = tpu.memref_slice %arg3[%dma_wait3A_252, %dma_wait3A_253] : memref<1000000x32xf32, #tpu.memory_space<hbm>> -> memref<1000000x32xf32, #tpu.memory_space<hbm>>
      tpu.wait_indirect_dma semaphore(%arg11 : memref<!tpu.dma_semaphore, #tpu.memory_space<semaphore_mem>>) src(%dma_wait3A_254 : memref<1000000x32xf32, #tpu.memory_space<hbm>>) dst(%dma_wait3A_248 : memref<128x32xf32, #tpu.memory_space<vmem>>)
      %add3A_255 = arith.constant 3 : i32
      %add3A_256 = arith.addi %add3A_242, %add3A_255 : i32
      %lt3A_257 = arith.constant 200 : i32
      %lt3A_258 = arith.cmpi slt, %add3A_256, %lt3A_257 : i32
      %convert_element_type3A_259 = arith.extui %lt3A_258 : i1 to i32
      %cond3A_260 = arith.constant 0 : i32
      %cond3A_261 = arith.cmpi ne, %convert_element_type3A_259, %cond3A_260 : i32
      scf.if %cond3A_261 {
        %add3A_704 = arith.constant 3 : i32
        %add3A_705 = arith.addi %add3A_242, %add3A_704 : i32
        %dma_start3A_706 = arith.constant 0 : i32
        %dma_start3A_707 = arith.constant 0 : i32
        %dma_start3A_708 = tpu.memref_slice %arg6[%dma_start3A_706, %dma_start3A_707] : memref<4x128xi32, #tpu.memory_space<vmem>> -> memref<1x128xi32, #tpu.memory_space<vmem>>
        %dma_start3A_709 = tpu.memref_squeeze %dma_start3A_708 : memref<1x128xi32, #tpu.memory_space<vmem>> -> memref<128xi32, #tpu.memory_space<vmem>>
        %dma_start3A_710 = arith.constant 0 : i32
        %dma_start3A_711 = tpu.memref_slice %arg2[%add3A_705, %add3A, %dma_start3A_710] : memref<200x32x128xi32, #tpu.memory_space<hbm>> -> memref<1x1x128xi32, #tpu.memory_space<hbm>>
        %dma_start3A_712 = tpu.memref_squeeze %dma_start3A_711 : memref<1x1x128xi32, #tpu.memory_space<hbm>> -> memref<128xi32, #tpu.memory_space<hbm>>
        %dma_start3A_713 = arith.constant 0 : i32
        %dma_start3A_714 = tpu.memref_slice %arg6[%dma_start3A_706, %dma_start3A_713] : memref<4x128xi32, #tpu.memory_space<vmem>> -> memref<1x128xi32, #tpu.memory_space<vmem>>
        %dma_start3A_715 = tpu.memref_squeeze %dma_start3A_714 : memref<1x128xi32, #tpu.memory_space<vmem>> -> memref<128xi32, #tpu.memory_space<vmem>>
        %dma_start3A_716 = arith.constant 0 : i32
        %dma_start3A_717 = tpu.memref_slice %arg2[%add3A_705, %add3A, %dma_start3A_716] : memref<200x32x128xi32, #tpu.memory_space<hbm>> -> memref<1x1x128xi32, #tpu.memory_space<hbm>>
        %dma_start3A_718 = tpu.memref_squeeze %dma_start3A_717 : memref<1x1x128xi32, #tpu.memory_space<hbm>> -> memref<128xi32, #tpu.memory_space<hbm>>
        tpu.enqueue_dma source(%dma_start3A_718 : memref<128xi32, #tpu.memory_space<hbm>>) target(%dma_start3A_715 : memref<128xi32, #tpu.memory_space<vmem>>) target_semaphore(%arg16 : memref<!tpu.dma_semaphore, #tpu.memory_space<semaphore_mem>>)
      } else {
      }
      %add3A_262 = arith.constant 2 : i32
      %add3A_263 = arith.addi %add3A_242, %add3A_262 : i32
      %lt3A_264 = arith.constant 200 : i32
      %lt3A_265 = arith.cmpi slt, %add3A_263, %lt3A_264 : i32
      %convert_element_type3A_266 = arith.extui %lt3A_265 : i1 to i32
      %cond3A_267 = arith.constant 0 : i32
      %cond3A_268 = arith.cmpi ne, %convert_element_type3A_266, %cond3A_267 : i32
      scf.if %cond3A_268 {
        %add3A_704 = arith.constant 2 : i32
        %add3A_705 = arith.addi %add3A_242, %add3A_704 : i32
        %dma_wait3A_706 = arith.constant 3 : i32
        %dma_wait3A_707 = arith.constant 0 : i32
        %dma_wait3A_708 = tpu.memref_slice %arg6[%dma_wait3A_706, %dma_wait3A_707] : memref<4x128xi32, #tpu.memory_space<vmem>> -> memref<1x128xi32, #tpu.memory_space<vmem>>
        %dma_wait3A_709 = tpu.memref_squeeze %dma_wait3A_708 : memref<1x128xi32, #tpu.memory_space<vmem>> -> memref<128xi32, #tpu.memory_space<vmem>>
        %dma_wait3A_710 = arith.constant 0 : i32
        %dma_wait3A_711 = tpu.memref_slice %arg2[%add3A_705, %add3A, %dma_wait3A_710] : memref<200x32x128xi32, #tpu.memory_space<hbm>> -> memref<1x1x128xi32, #tpu.memory_space<hbm>>
        %dma_wait3A_712 = tpu.memref_squeeze %dma_wait3A_711 : memref<1x1x128xi32, #tpu.memory_space<hbm>> -> memref<128xi32, #tpu.memory_space<hbm>>
        %dma_wait3A_713 = arith.constant 0 : i32
        %dma_wait3A_714 = tpu.memref_slice %arg6[%dma_wait3A_706, %dma_wait3A_713] : memref<4x128xi32, #tpu.memory_space<vmem>> -> memref<1x128xi32, #tpu.memory_space<vmem>>
        %dma_wait3A_715 = tpu.memref_squeeze %dma_wait3A_714 : memref<1x128xi32, #tpu.memory_space<vmem>> -> memref<128xi32, #tpu.memory_space<vmem>>
        %dma_wait3A_716 = arith.constant 0 : i32
        %dma_wait3A_717 = tpu.memref_slice %arg2[%add3A_705, %add3A, %dma_wait3A_716] : memref<200x32x128xi32, #tpu.memory_space<hbm>> -> memref<1x1x128xi32, #tpu.memory_space<hbm>>
        %dma_wait3A_718 = tpu.memref_squeeze %dma_wait3A_717 : memref<1x1x128xi32, #tpu.memory_space<hbm>> -> memref<128xi32, #tpu.memory_space<hbm>>
        tpu.wait_dma2 semaphore(%arg19 : memref<!tpu.dma_semaphore, #tpu.memory_space<semaphore_mem>>) src(%dma_wait3A_718 : memref<128xi32, #tpu.memory_space<hbm>>) dst(%dma_wait3A_715 : memref<128xi32, #tpu.memory_space<vmem>>)
      } else {
      }
      %add3A_269 = arith.constant 2 : i32
      %add3A_270 = arith.addi %add3A_242, %add3A_269 : i32
      %lt3A_271 = arith.constant 200 : i32
      %lt3A_272 = arith.cmpi slt, %add3A_270, %lt3A_271 : i32
      %convert_element_type3A_273 = arith.extui %lt3A_272 : i1 to i32
      %cond3A_274 = arith.constant 0 : i32
      %cond3A_275 = arith.cmpi ne, %convert_element_type3A_273, %cond3A_274 : i32
      scf.if %cond3A_275 {
        %dma_start3A_704 = arith.constant 3 : i32
        %dma_start3A_705 = arith.constant 3 : i32
        %dma_start3A_706 = arith.constant 0 : i32
        %dma_start3A_707 = arith.constant 0 : i32
        %dma_start3A_708 = tpu.memref_slice %arg7[%dma_start3A_705, %dma_start3A_706, %dma_start3A_707] : memref<4x128x32xf32, #tpu.memory_space<vmem>> -> memref<1x128x32xf32, #tpu.memory_space<vmem>>
        %dma_start3A_709 = tpu.memref_squeeze %dma_start3A_708 : memref<1x128x32xf32, #tpu.memory_space<vmem>> -> memref<128x32xf32, #tpu.memory_space<vmem>>
        %dma_start3A_710 = arith.constant 0 : i32
        %dma_start3A_711 = tpu.memref_slice %arg6[%dma_start3A_704, %dma_start3A_710] : memref<4x128xi32, #tpu.memory_space<vmem>> -> memref<1x128xi32, #tpu.memory_space<vmem>>
        %dma_start3A_712 = tpu.memref_squeeze %dma_start3A_711 : memref<1x128xi32, #tpu.memory_space<vmem>> -> memref<128xi32, #tpu.memory_space<vmem>>
        %dma_start3A_713 = arith.constant 0 : i32
        %dma_start3A_714 = arith.constant 0 : i32
        %dma_start3A_715 = tpu.memref_slice %arg3[%dma_start3A_713, %dma_start3A_714] : memref<1000000x32xf32, #tpu.memory_space<hbm>> -> memref<1000000x32xf32, #tpu.memory_space<hbm>>
        tpu.enqueue_indirect_dma source(%dma_start3A_715 : memref<1000000x32xf32, #tpu.memory_space<hbm>>) target(%dma_start3A_709 : memref<128x32xf32, #tpu.memory_space<vmem>>) offsets(%dma_start3A_712 : memref<128xi32, #tpu.memory_space<vmem>>) semaphore(%arg13 : memref<!tpu.dma_semaphore, #tpu.memory_space<semaphore_mem>>)
      } else {
      }
      %ge3A_276 = arith.constant 2 : i32
      %ge3A_277 = arith.cmpi sge, %add3A_242, %ge3A_276 : i32
      %convert_element_type3A_278 = arith.extui %ge3A_277 : i1 to i32
      %cond3A_279 = arith.constant 0 : i32
      %cond3A_280 = arith.cmpi ne, %convert_element_type3A_278, %cond3A_279 : i32
      scf.if %cond3A_280 {
        %dma_wait3A_704 = arith.constant 1 : i32
        %dma_wait3A_705 = arith.constant 0 : i32
        %dma_wait3A_706 = arith.constant 0 : i32
        %dma_wait3A_707 = arith.constant 0 : i32
        %dma_wait3A_708 = tpu.memref_slice %arg8[%dma_wait3A_704, %dma_wait3A_705, %dma_wait3A_706, %dma_wait3A_707] : memref<2x4x8x128xf32, #tpu.memory_space<vmem>> -> memref<1x4x8x128xf32, #tpu.memory_space<vmem>>
        %dma_wait3A_709 = tpu.memref_squeeze %dma_wait3A_708 : memref<1x4x8x128xf32, #tpu.memory_space<vmem>> -> memref<4x8x128xf32, #tpu.memory_space<vmem>>
        %dma_wait3A_710 = arith.constant 0 : i32
        %dma_wait3A_711 = arith.constant 0 : i32
        %dma_wait3A_712 = arith.constant 0 : i32
        %dma_wait3A_713 = tpu.memref_slice %arg5[%dma_wait3A_710, %dma_wait3A_711, %dma_wait3A_712] : memref<25600x8x128xf32, #tpu.memory_space<hbm>> -> memref<4x8x128xf32, #tpu.memory_space<hbm>>
        %dma_wait3A_714 = arith.constant 0 : i32
        %dma_wait3A_715 = arith.constant 0 : i32
        %dma_wait3A_716 = arith.constant 0 : i32
        %dma_wait3A_717 = tpu.memref_slice %arg5[%dma_wait3A_714, %dma_wait3A_715, %dma_wait3A_716] : memref<25600x8x128xf32, #tpu.memory_space<hbm>> -> memref<4x8x128xf32, #tpu.memory_space<hbm>>
        %dma_wait3A_718 = arith.constant 0 : i32
        %dma_wait3A_719 = arith.constant 0 : i32
        %dma_wait3A_720 = arith.constant 0 : i32
        %dma_wait3A_721 = tpu.memref_slice %arg8[%dma_wait3A_704, %dma_wait3A_718, %dma_wait3A_719, %dma_wait3A_720] : memref<2x4x8x128xf32, #tpu.memory_space<vmem>> -> memref<1x4x8x128xf32, #tpu.memory_space<vmem>>
        %dma_wait3A_722 = tpu.memref_squeeze %dma_wait3A_721 : memref<1x4x8x128xf32, #tpu.memory_space<vmem>> -> memref<4x8x128xf32, #tpu.memory_space<vmem>>
        tpu.wait_dma2 semaphore(%arg15 : memref<!tpu.dma_semaphore, #tpu.memory_space<semaphore_mem>>) src(%dma_wait3A_722 : memref<4x8x128xf32, #tpu.memory_space<vmem>>) dst(%dma_wait3A_717 : memref<4x8x128xf32, #tpu.memory_space<hbm>>)
      } else {
      }
      %get3A_281 = arith.index_cast %scan3A_89 : i32 to index
      %get3A_282 = arith.constant 32 : index
      %get3A_283 = tpu.vector_load %arg9[%get3A_281, %get3A_282] {strides = array<i32>} : memref<50x128xf32, #tpu.memory_space<vmem>>, vector<16xf32>,
      %get3A_284 = arith.index_cast %scan3A_89 : i32 to index
      %get3A_285 = arith.constant 48 : index
      %get3A_286 = tpu.vector_load %arg9[%get3A_284, %get3A_285] {strides = array<i32>} : memref<50x128xf32, #tpu.memory_space<vmem>>, vector<16xf32>,
      %iota3A_287 = tpu.iota {dimensions = array<i32: 0>} : vector<16xi32>
      %scan3A_288 = arith.constant 0 : i32
      %scan3A_289 = arith.constant 0 : i32
      %scan3A_290 = arith.constant 8 : i32
      %scan3A_291 = arith.addi %scan3A_289, %scan3A_290 : i32
      %scan3A_292 = arith.constant 1 : i32
      scf.for %scan3A_704 = %scan3A_289 to %scan3A_291 step %scan3A_292  : i32 {
        %mul3A_705 = arith.constant 16 : i32
        %mul3A_706 = arith.muli %scan3A_704, %mul3A_705 : i32
        %get3A_707 = arith.constant 1 : i32
        %get3A_708 = arith.index_cast %get3A_707 : i32 to index
        %get3A_709 = arith.index_cast %mul3A_706 : i32 to index
        %get3A_710 = tpu.vector_load %arg6[%get3A_708, %get3A_709] {strides = array<i32>} : memref<4x128xi32, #tpu.memory_space<vmem>>, vector<16xi32>,
        %ne3A = arith.constant 0 : i32
        %ne3A_711 = vector.broadcast %ne3A : i32 to vector<16xi32>
        %ne3A_712 = arith.cmpi ne, %get3A_710, %ne3A_711 : vector<16xi32>
        %jit3A = arith.constant 5.65685415 : f32
        %jit3A_713 = arith.constant 0.000000e+00 : f32
        %broadcast_in_dim3A = vector.broadcast %jit3A : f32 to vector<16xf32>
        %broadcast_in_dim3A_714 = vector.broadcast %jit3A_713 : f32 to vector<16xf32>
        %select_n3A = arith.select %ne3A_712, %broadcast_in_dim3A, %broadcast_in_dim3A_714 : vector<16xi1>, vector<16xf32>
        %mul3A_715 = arith.constant 16 : i32
        %mul3A_716 = arith.muli %scan3A_704, %mul3A_715 : i32
        %add3A_717 = vector.broadcast %mul3A_716 : i32 to vector<16xi32>
        %add3A_718 = arith.addi %iota3A_287, %add3A_717 : vector<16xi32>
        %broadcast_in_dim3A_719 = arith.constant 0 : i32
        %broadcast_in_dim3A_720 = vector.broadcast %broadcast_in_dim3A_719 : i32 to vector<16xi32>
        %gather3A = arith.constant 1 : i32
        %gather3A_721 = arith.constant 0 : i32
        %gather3A_722 = arith.constant 0 : i32
        %gather3A_723 = tpu.memref_slice %arg7[%gather3A, %gather3A_721, %gather3A_722] : memref<4x128x32xf32, #tpu.memory_space<vmem>> -> memref<1x128x32xf32, #tpu.memory_space<vmem>>
        %gather3A_724 = tpu.memref_squeeze %gather3A_723 : memref<1x128x32xf32, #tpu.memory_space<vmem>> -> memref<128x32xf32, #tpu.memory_space<vmem>>
        %gather3A_725 = tpu.vector_load_idx %gather3A_724[%add3A_718, %broadcast_in_dim3A_720] : memref<128x32xf32, #tpu.memory_space<vmem>>[vector<16xi32>, vector<16xi32>], vector<16xf32>,
        %broadcast_in_dim3A_726 = arith.constant 1 : i32
        %broadcast_in_dim3A_727 = vector.broadcast %broadcast_in_dim3A_726 : i32 to vector<16xi32>
        %gather3A_728 = arith.constant 1 : i32
        %gather3A_729 = arith.constant 0 : i32
        %gather3A_730 = arith.constant 0 : i32
        %gather3A_731 = tpu.memref_slice %arg7[%gather3A_728, %gather3A_729, %gather3A_730] : memref<4x128x32xf32, #tpu.memory_space<vmem>> -> memref<1x128x32xf32, #tpu.memory_space<vmem>>
        %gather3A_732 = tpu.memref_squeeze %gather3A_731 : memref<1x128x32xf32, #tpu.memory_space<vmem>> -> memref<128x32xf32, #tpu.memory_space<vmem>>
        %gather3A_733 = tpu.vector_load_idx %gather3A_732[%add3A_718, %broadcast_in_dim3A_727] : memref<128x32xf32, #tpu.memory_space<vmem>>[vector<16xi32>, vector<16xi32>], vector<16xf32>,
        %broadcast_in_dim3A_734 = arith.constant 2 : i32
        %broadcast_in_dim3A_735 = vector.broadcast %broadcast_in_dim3A_734 : i32 to vector<16xi32>
        %gather3A_736 = arith.constant 1 : i32
        %gather3A_737 = arith.constant 0 : i32
        %gather3A_738 = arith.constant 0 : i32
        %gather3A_739 = tpu.memref_slice %arg7[%gather3A_736, %gather3A_737, %gather3A_738] : memref<4x128x32xf32, #tpu.memory_space<vmem>> -> memref<1x128x32xf32, #tpu.memory_space<vmem>>
        %gather3A_740 = tpu.memref_squeeze %gather3A_739 : memref<1x128x32xf32, #tpu.memory_space<vmem>> -> memref<128x32xf32, #tpu.memory_space<vmem>>
        %gather3A_741 = tpu.vector_load_idx %gather3A_740[%add3A_718, %broadcast_in_dim3A_735] : memref<128x32xf32, #tpu.memory_space<vmem>>[vector<16xi32>, vector<16xi32>], vector<16xf32>,
        %broadcast_in_dim3A_742 = arith.constant 3 : i32
        %broadcast_in_dim3A_743 = vector.broadcast %broadcast_in_dim3A_742 : i32 to vector<16xi32>
        %gather3A_744 = arith.constant 1 : i32
        %gather3A_745 = arith.constant 0 : i32
        %gather3A_746 = arith.constant 0 : i32
        %gather3A_747 = tpu.memref_slice %arg7[%gather3A_744, %gather3A_745, %gather3A_746] : memref<4x128x32xf32, #tpu.memory_space<vmem>> -> memref<1x128x32xf32, #tpu.memory_space<vmem>>
        %gather3A_748 = tpu.memref_squeeze %gather3A_747 : memref<1x128x32xf32, #tpu.memory_space<vmem>> -> memref<128x32xf32, #tpu.memory_space<vmem>>
        %gather3A_749 = tpu.vector_load_idx %gather3A_748[%add3A_718, %broadcast_in_dim3A_743] : memref<128x32xf32, #tpu.memory_space<vmem>>[vector<16xi32>, vector<16xi32>], vector<16xf32>,
        %broadcast_in_dim3A_750 = arith.constant 4 : i32
        %broadcast_in_dim3A_751 = vector.broadcast %broadcast_in_dim3A_750 : i32 to vector<16xi32>
        %gather3A_752 = arith.constant 1 : i32
        %gather3A_753 = arith.constant 0 : i32
        %gather3A_754 = arith.constant 0 : i32
        %gather3A_755 = tpu.memref_slice %arg7[%gather3A_752, %gather3A_753, %gather3A_754] : memref<4x128x32xf32, #tpu.memory_space<vmem>> -> memref<1x128x32xf32, #tpu.memory_space<vmem>>
        %gather3A_756 = tpu.memref_squeeze %gather3A_755 : memref<1x128x32xf32, #tpu.memory_space<vmem>> -> memref<128x32xf32, #tpu.memory_space<vmem>>
        %gather3A_757 = tpu.vector_load_idx %gather3A_756[%add3A_718, %broadcast_in_dim3A_751] : memref<128x32xf32, #tpu.memory_space<vmem>>[vector<16xi32>, vector<16xi32>], vector<16xf32>,
        %broadcast_in_dim3A_758 = arith.constant 5 : i32
        %broadcast_in_dim3A_759 = vector.broadcast %broadcast_in_dim3A_758 : i32 to vector<16xi32>
        %gather3A_760 = arith.constant 1 : i32
        %gather3A_761 = arith.constant 0 : i32
        %gather3A_762 = arith.constant 0 : i32
        %gather3A_763 = tpu.memref_slice %arg7[%gather3A_760, %gather3A_761, %gather3A_762] : memref<4x128x32xf32, #tpu.memory_space<vmem>> -> memref<1x128x32xf32, #tpu.memory_space<vmem>>
        %gather3A_764 = tpu.memref_squeeze %gather3A_763 : memref<1x128x32xf32, #tpu.memory_space<vmem>> -> memref<128x32xf32, #tpu.memory_space<vmem>>
        %gather3A_765 = tpu.vector_load_idx %gather3A_764[%add3A_718, %broadcast_in_dim3A_759] : memref<128x32xf32, #tpu.memory_space<vmem>>[vector<16xi32>, vector<16xi32>], vector<16xf32>,
        %broadcast_in_dim3A_766 = arith.constant 6 : i32
        %broadcast_in_dim3A_767 = vector.broadcast %broadcast_in_dim3A_766 : i32 to vector<16xi32>
        %gather3A_768 = arith.constant 1 : i32
        %gather3A_769 = arith.constant 0 : i32
        %gather3A_770 = arith.constant 0 : i32
        %gather3A_771 = tpu.memref_slice %arg7[%gather3A_768, %gather3A_769, %gather3A_770] : memref<4x128x32xf32, #tpu.memory_space<vmem>> -> memref<1x128x32xf32, #tpu.memory_space<vmem>>
        %gather3A_772 = tpu.memref_squeeze %gather3A_771 : memref<1x128x32xf32, #tpu.memory_space<vmem>> -> memref<128x32xf32, #tpu.memory_space<vmem>>
        %gather3A_773 = tpu.vector_load_idx %gather3A_772[%add3A_718, %broadcast_in_dim3A_767] : memref<128x32xf32, #tpu.memory_space<vmem>>[vector<16xi32>, vector<16xi32>], vector<16xf32>,
        %broadcast_in_dim3A_774 = arith.constant 7 : i32
        %broadcast_in_dim3A_775 = vector.broadcast %broadcast_in_dim3A_774 : i32 to vector<16xi32>
        %gather3A_776 = arith.constant 1 : i32
        %gather3A_777 = arith.constant 0 : i32
        %gather3A_778 = arith.constant 0 : i32
        %gather3A_779 = tpu.memref_slice %arg7[%gather3A_776, %gather3A_777, %gather3A_778] : memref<4x128x32xf32, #tpu.memory_space<vmem>> -> memref<1x128x32xf32, #tpu.memory_space<vmem>>
        %gather3A_780 = tpu.memref_squeeze %gather3A_779 : memref<1x128x32xf32, #tpu.memory_space<vmem>> -> memref<128x32xf32, #tpu.memory_space<vmem>>
        %gather3A_781 = tpu.vector_load_idx %gather3A_780[%add3A_718, %broadcast_in_dim3A_775] : memref<128x32xf32, #tpu.memory_space<vmem>>[vector<16xi32>, vector<16xi32>], vector<16xf32>,
        %broadcast_in_dim3A_782 = arith.constant 8 : i32
        %broadcast_in_dim3A_783 = vector.broadcast %broadcast_in_dim3A_782 : i32 to vector<16xi32>
        %gather3A_784 = arith.constant 1 : i32
        %gather3A_785 = arith.constant 0 : i32
        %gather3A_786 = arith.constant 0 : i32
        %gather3A_787 = tpu.memref_slice %arg7[%gather3A_784, %gather3A_785, %gather3A_786] : memref<4x128x32xf32, #tpu.memory_space<vmem>> -> memref<1x128x32xf32, #tpu.memory_space<vmem>>
        %gather3A_788 = tpu.memref_squeeze %gather3A_787 : memref<1x128x32xf32, #tpu.memory_space<vmem>> -> memref<128x32xf32, #tpu.memory_space<vmem>>
        %gather3A_789 = tpu.vector_load_idx %gather3A_788[%add3A_718, %broadcast_in_dim3A_783] : memref<128x32xf32, #tpu.memory_space<vmem>>[vector<16xi32>, vector<16xi32>], vector<16xf32>,
        %broadcast_in_dim3A_790 = arith.constant 9 : i32
        %broadcast_in_dim3A_791 = vector.broadcast %broadcast_in_dim3A_790 : i32 to vector<16xi32>
        %gather3A_792 = arith.constant 1 : i32
        %gather3A_793 = arith.constant 0 : i32
        %gather3A_794 = arith.constant 0 : i32
        %gather3A_795 = tpu.memref_slice %arg7[%gather3A_792, %gather3A_793, %gather3A_794] : memref<4x128x32xf32, #tpu.memory_space<vmem>> -> memref<1x128x32xf32, #tpu.memory_space<vmem>>
        %gather3A_796 = tpu.memref_squeeze %gather3A_795 : memref<1x128x32xf32, #tpu.memory_space<vmem>> -> memref<128x32xf32, #tpu.memory_space<vmem>>
        %gather3A_797 = tpu.vector_load_idx %gather3A_796[%add3A_718, %broadcast_in_dim3A_791] : memref<128x32xf32, #tpu.memory_space<vmem>>[vector<16xi32>, vector<16xi32>], vector<16xf32>,
        %broadcast_in_dim3A_798 = arith.constant 10 : i32
        %broadcast_in_dim3A_799 = vector.broadcast %broadcast_in_dim3A_798 : i32 to vector<16xi32>
        %gather3A_800 = arith.constant 1 : i32
        %gather3A_801 = arith.constant 0 : i32
        %gather3A_802 = arith.constant 0 : i32
        %gather3A_803 = tpu.memref_slice %arg7[%gather3A_800, %gather3A_801, %gather3A_802] : memref<4x128x32xf32, #tpu.memory_space<vmem>> -> memref<1x128x32xf32, #tpu.memory_space<vmem>>
        %gather3A_804 = tpu.memref_squeeze %gather3A_803 : memref<1x128x32xf32, #tpu.memory_space<vmem>> -> memref<128x32xf32, #tpu.memory_space<vmem>>
        %gather3A_805 = tpu.vector_load_idx %gather3A_804[%add3A_718, %broadcast_in_dim3A_799] : memref<128x32xf32, #tpu.memory_space<vmem>>[vector<16xi32>, vector<16xi32>], vector<16xf32>,
        %broadcast_in_dim3A_806 = arith.constant 11 : i32
        %broadcast_in_dim3A_807 = vector.broadcast %broadcast_in_dim3A_806 : i32 to vector<16xi32>
        %gather3A_808 = arith.constant 1 : i32
        %gather3A_809 = arith.constant 0 : i32
        %gather3A_810 = arith.constant 0 : i32
        %gather3A_811 = tpu.memref_slice %arg7[%gather3A_808, %gather3A_809, %gather3A_810] : memref<4x128x32xf32, #tpu.memory_space<vmem>> -> memref<1x128x32xf32, #tpu.memory_space<vmem>>
        %gather3A_812 = tpu.memref_squeeze %gather3A_811 : memref<1x128x32xf32, #tpu.memory_space<vmem>> -> memref<128x32xf32, #tpu.memory_space<vmem>>
        %gather3A_813 = tpu.vector_load_idx %gather3A_812[%add3A_718, %broadcast_in_dim3A_807] : memref<128x32xf32, #tpu.memory_space<vmem>>[vector<16xi32>, vector<16xi32>], vector<16xf32>,
        %broadcast_in_dim3A_814 = arith.constant 12 : i32
        %broadcast_in_dim3A_815 = vector.broadcast %broadcast_in_dim3A_814 : i32 to vector<16xi32>
        %gather3A_816 = arith.constant 1 : i32
        %gather3A_817 = arith.constant 0 : i32
        %gather3A_818 = arith.constant 0 : i32
        %gather3A_819 = tpu.memref_slice %arg7[%gather3A_816, %gather3A_817, %gather3A_818] : memref<4x128x32xf32, #tpu.memory_space<vmem>> -> memref<1x128x32xf32, #tpu.memory_space<vmem>>
        %gather3A_820 = tpu.memref_squeeze %gather3A_819 : memref<1x128x32xf32, #tpu.memory_space<vmem>> -> memref<128x32xf32, #tpu.memory_space<vmem>>
        %gather3A_821 = tpu.vector_load_idx %gather3A_820[%add3A_718, %broadcast_in_dim3A_815] : memref<128x32xf32, #tpu.memory_space<vmem>>[vector<16xi32>, vector<16xi32>], vector<16xf32>,
        %broadcast_in_dim3A_822 = arith.constant 13 : i32
        %broadcast_in_dim3A_823 = vector.broadcast %broadcast_in_dim3A_822 : i32 to vector<16xi32>
        %gather3A_824 = arith.constant 1 : i32
        %gather3A_825 = arith.constant 0 : i32
        %gather3A_826 = arith.constant 0 : i32
        %gather3A_827 = tpu.memref_slice %arg7[%gather3A_824, %gather3A_825, %gather3A_826] : memref<4x128x32xf32, #tpu.memory_space<vmem>> -> memref<1x128x32xf32, #tpu.memory_space<vmem>>
        %gather3A_828 = tpu.memref_squeeze %gather3A_827 : memref<1x128x32xf32, #tpu.memory_space<vmem>> -> memref<128x32xf32, #tpu.memory_space<vmem>>
        %gather3A_829 = tpu.vector_load_idx %gather3A_828[%add3A_718, %broadcast_in_dim3A_823] : memref<128x32xf32, #tpu.memory_space<vmem>>[vector<16xi32>, vector<16xi32>], vector<16xf32>,
        %broadcast_in_dim3A_830 = arith.constant 14 : i32
        %broadcast_in_dim3A_831 = vector.broadcast %broadcast_in_dim3A_830 : i32 to vector<16xi32>
        %gather3A_832 = arith.constant 1 : i32
        %gather3A_833 = arith.constant 0 : i32
        %gather3A_834 = arith.constant 0 : i32
        %gather3A_835 = tpu.memref_slice %arg7[%gather3A_832, %gather3A_833, %gather3A_834] : memref<4x128x32xf32, #tpu.memory_space<vmem>> -> memref<1x128x32xf32, #tpu.memory_space<vmem>>
        %gather3A_836 = tpu.memref_squeeze %gather3A_835 : memref<1x128x32xf32, #tpu.memory_space<vmem>> -> memref<128x32xf32, #tpu.memory_space<vmem>>
        %gather3A_837 = tpu.vector_load_idx %gather3A_836[%add3A_718, %broadcast_in_dim3A_831] : memref<128x32xf32, #tpu.memory_space<vmem>>[vector<16xi32>, vector<16xi32>], vector<16xf32>,
        %broadcast_in_dim3A_838 = arith.constant 15 : i32
        %broadcast_in_dim3A_839 = vector.broadcast %broadcast_in_dim3A_838 : i32 to vector<16xi32>
        %gather3A_840 = arith.constant 1 : i32
        %gather3A_841 = arith.constant 0 : i32
        %gather3A_842 = arith.constant 0 : i32
        %gather3A_843 = tpu.memref_slice %arg7[%gather3A_840, %gather3A_841, %gather3A_842] : memref<4x128x32xf32, #tpu.memory_space<vmem>> -> memref<1x128x32xf32, #tpu.memory_space<vmem>>
        %gather3A_844 = tpu.memref_squeeze %gather3A_843 : memref<1x128x32xf32, #tpu.memory_space<vmem>> -> memref<128x32xf32, #tpu.memory_space<vmem>>
        %gather3A_845 = tpu.vector_load_idx %gather3A_844[%add3A_718, %broadcast_in_dim3A_839] : memref<128x32xf32, #tpu.memory_space<vmem>>[vector<16xi32>, vector<16xi32>], vector<16xf32>,
        %broadcast_in_dim3A_846 = arith.constant 16 : i32
        %broadcast_in_dim3A_847 = vector.broadcast %broadcast_in_dim3A_846 : i32 to vector<16xi32>
        %gather3A_848 = arith.constant 1 : i32
        %gather3A_849 = arith.constant 0 : i32
        %gather3A_850 = arith.constant 0 : i32
        %gather3A_851 = tpu.memref_slice %arg7[%gather3A_848, %gather3A_849, %gather3A_850] : memref<4x128x32xf32, #tpu.memory_space<vmem>> -> memref<1x128x32xf32, #tpu.memory_space<vmem>>
        %gather3A_852 = tpu.memref_squeeze %gather3A_851 : memref<1x128x32xf32, #tpu.memory_space<vmem>> -> memref<128x32xf32, #tpu.memory_space<vmem>>
        %gather3A_853 = tpu.vector_load_idx %gather3A_852[%add3A_718, %broadcast_in_dim3A_847] : memref<128x32xf32, #tpu.memory_space<vmem>>[vector<16xi32>, vector<16xi32>], vector<16xf32>,
        %broadcast_in_dim3A_854 = arith.constant 17 : i32
        %broadcast_in_dim3A_855 = vector.broadcast %broadcast_in_dim3A_854 : i32 to vector<16xi32>
        %gather3A_856 = arith.constant 1 : i32
        %gather3A_857 = arith.constant 0 : i32
        %gather3A_858 = arith.constant 0 : i32
        %gather3A_859 = tpu.memref_slice %arg7[%gather3A_856, %gather3A_857, %gather3A_858] : memref<4x128x32xf32, #tpu.memory_space<vmem>> -> memref<1x128x32xf32, #tpu.memory_space<vmem>>
        %gather3A_860 = tpu.memref_squeeze %gather3A_859 : memref<1x128x32xf32, #tpu.memory_space<vmem>> -> memref<128x32xf32, #tpu.memory_space<vmem>>
        %gather3A_861 = tpu.vector_load_idx %gather3A_860[%add3A_718, %broadcast_in_dim3A_855] : memref<128x32xf32, #tpu.memory_space<vmem>>[vector<16xi32>, vector<16xi32>], vector<16xf32>,
        %broadcast_in_dim3A_862 = arith.constant 18 : i32
        %broadcast_in_dim3A_863 = vector.broadcast %broadcast_in_dim3A_862 : i32 to vector<16xi32>
        %gather3A_864 = arith.constant 1 : i32
        %gather3A_865 = arith.constant 0 : i32
        %gather3A_866 = arith.constant 0 : i32
        %gather3A_867 = tpu.memref_slice %arg7[%gather3A_864, %gather3A_865, %gather3A_866] : memref<4x128x32xf32, #tpu.memory_space<vmem>> -> memref<1x128x32xf32, #tpu.memory_space<vmem>>
        %gather3A_868 = tpu.memref_squeeze %gather3A_867 : memref<1x128x32xf32, #tpu.memory_space<vmem>> -> memref<128x32xf32, #tpu.memory_space<vmem>>
        %gather3A_869 = tpu.vector_load_idx %gather3A_868[%add3A_718, %broadcast_in_dim3A_863] : memref<128x32xf32, #tpu.memory_space<vmem>>[vector<16xi32>, vector<16xi32>], vector<16xf32>,
        %broadcast_in_dim3A_870 = arith.constant 19 : i32
        %broadcast_in_dim3A_871 = vector.broadcast %broadcast_in_dim3A_870 : i32 to vector<16xi32>
        %gather3A_872 = arith.constant 1 : i32
        %gather3A_873 = arith.constant 0 : i32
        %gather3A_874 = arith.constant 0 : i32
        %gather3A_875 = tpu.memref_slice %arg7[%gather3A_872, %gather3A_873, %gather3A_874] : memref<4x128x32xf32, #tpu.memory_space<vmem>> -> memref<1x128x32xf32, #tpu.memory_space<vmem>>
        %gather3A_876 = tpu.memref_squeeze %gather3A_875 : memref<1x128x32xf32, #tpu.memory_space<vmem>> -> memref<128x32xf32, #tpu.memory_space<vmem>>
        %gather3A_877 = tpu.vector_load_idx %gather3A_876[%add3A_718, %broadcast_in_dim3A_871] : memref<128x32xf32, #tpu.memory_space<vmem>>[vector<16xi32>, vector<16xi32>], vector<16xf32>,
        %broadcast_in_dim3A_878 = arith.constant 20 : i32
        %broadcast_in_dim3A_879 = vector.broadcast %broadcast_in_dim3A_878 : i32 to vector<16xi32>
        %gather3A_880 = arith.constant 1 : i32
        %gather3A_881 = arith.constant 0 : i32
        %gather3A_882 = arith.constant 0 : i32
        %gather3A_883 = tpu.memref_slice %arg7[%gather3A_880, %gather3A_881, %gather3A_882] : memref<4x128x32xf32, #tpu.memory_space<vmem>> -> memref<1x128x32xf32, #tpu.memory_space<vmem>>
        %gather3A_884 = tpu.memref_squeeze %gather3A_883 : memref<1x128x32xf32, #tpu.memory_space<vmem>> -> memref<128x32xf32, #tpu.memory_space<vmem>>
        %gather3A_885 = tpu.vector_load_idx %gather3A_884[%add3A_718, %broadcast_in_dim3A_879] : memref<128x32xf32, #tpu.memory_space<vmem>>[vector<16xi32>, vector<16xi32>], vector<16xf32>,
        %broadcast_in_dim3A_886 = arith.constant 21 : i32
        %broadcast_in_dim3A_887 = vector.broadcast %broadcast_in_dim3A_886 : i32 to vector<16xi32>
        %gather3A_888 = arith.constant 1 : i32
        %gather3A_889 = arith.constant 0 : i32
        %gather3A_890 = arith.constant 0 : i32
        %gather3A_891 = tpu.memref_slice %arg7[%gather3A_888, %gather3A_889, %gather3A_890] : memref<4x128x32xf32, #tpu.memory_space<vmem>> -> memref<1x128x32xf32, #tpu.memory_space<vmem>>
        %gather3A_892 = tpu.memref_squeeze %gather3A_891 : memref<1x128x32xf32, #tpu.memory_space<vmem>> -> memref<128x32xf32, #tpu.memory_space<vmem>>
        %gather3A_893 = tpu.vector_load_idx %gather3A_892[%add3A_718, %broadcast_in_dim3A_887] : memref<128x32xf32, #tpu.memory_space<vmem>>[vector<16xi32>, vector<16xi32>], vector<16xf32>,
        %broadcast_in_dim3A_894 = arith.constant 22 : i32
        %broadcast_in_dim3A_895 = vector.broadcast %broadcast_in_dim3A_894 : i32 to vector<16xi32>
        %gather3A_896 = arith.constant 1 : i32
        %gather3A_897 = arith.constant 0 : i32
        %gather3A_898 = arith.constant 0 : i32
        %gather3A_899 = tpu.memref_slice %arg7[%gather3A_896, %gather3A_897, %gather3A_898] : memref<4x128x32xf32, #tpu.memory_space<vmem>> -> memref<1x128x32xf32, #tpu.memory_space<vmem>>
        %gather3A_900 = tpu.memref_squeeze %gather3A_899 : memref<1x128x32xf32, #tpu.memory_space<vmem>> -> memref<128x32xf32, #tpu.memory_space<vmem>>
        %gather3A_901 = tpu.vector_load_idx %gather3A_900[%add3A_718, %broadcast_in_dim3A_895] : memref<128x32xf32, #tpu.memory_space<vmem>>[vector<16xi32>, vector<16xi32>], vector<16xf32>,
        %broadcast_in_dim3A_902 = arith.constant 23 : i32
        %broadcast_in_dim3A_903 = vector.broadcast %broadcast_in_dim3A_902 : i32 to vector<16xi32>
        %gather3A_904 = arith.constant 1 : i32
        %gather3A_905 = arith.constant 0 : i32
        %gather3A_906 = arith.constant 0 : i32
        %gather3A_907 = tpu.memref_slice %arg7[%gather3A_904, %gather3A_905, %gather3A_906] : memref<4x128x32xf32, #tpu.memory_space<vmem>> -> memref<1x128x32xf32, #tpu.memory_space<vmem>>
        %gather3A_908 = tpu.memref_squeeze %gather3A_907 : memref<1x128x32xf32, #tpu.memory_space<vmem>> -> memref<128x32xf32, #tpu.memory_space<vmem>>
        %gather3A_909 = tpu.vector_load_idx %gather3A_908[%add3A_718, %broadcast_in_dim3A_903] : memref<128x32xf32, #tpu.memory_space<vmem>>[vector<16xi32>, vector<16xi32>], vector<16xf32>,
        %broadcast_in_dim3A_910 = arith.constant 24 : i32
        %broadcast_in_dim3A_911 = vector.broadcast %broadcast_in_dim3A_910 : i32 to vector<16xi32>
        %gather3A_912 = arith.constant 1 : i32
        %gather3A_913 = arith.constant 0 : i32
        %gather3A_914 = arith.constant 0 : i32
        %gather3A_915 = tpu.memref_slice %arg7[%gather3A_912, %gather3A_913, %gather3A_914] : memref<4x128x32xf32, #tpu.memory_space<vmem>> -> memref<1x128x32xf32, #tpu.memory_space<vmem>>
        %gather3A_916 = tpu.memref_squeeze %gather3A_915 : memref<1x128x32xf32, #tpu.memory_space<vmem>> -> memref<128x32xf32, #tpu.memory_space<vmem>>
        %gather3A_917 = tpu.vector_load_idx %gather3A_916[%add3A_718, %broadcast_in_dim3A_911] : memref<128x32xf32, #tpu.memory_space<vmem>>[vector<16xi32>, vector<16xi32>], vector<16xf32>,
        %broadcast_in_dim3A_918 = arith.constant 25 : i32
        %broadcast_in_dim3A_919 = vector.broadcast %broadcast_in_dim3A_918 : i32 to vector<16xi32>
        %gather3A_920 = arith.constant 1 : i32
        %gather3A_921 = arith.constant 0 : i32
        %gather3A_922 = arith.constant 0 : i32
        %gather3A_923 = tpu.memref_slice %arg7[%gather3A_920, %gather3A_921, %gather3A_922] : memref<4x128x32xf32, #tpu.memory_space<vmem>> -> memref<1x128x32xf32, #tpu.memory_space<vmem>>
        %gather3A_924 = tpu.memref_squeeze %gather3A_923 : memref<1x128x32xf32, #tpu.memory_space<vmem>> -> memref<128x32xf32, #tpu.memory_space<vmem>>
        %gather3A_925 = tpu.vector_load_idx %gather3A_924[%add3A_718, %broadcast_in_dim3A_919] : memref<128x32xf32, #tpu.memory_space<vmem>>[vector<16xi32>, vector<16xi32>], vector<16xf32>,
        %broadcast_in_dim3A_926 = arith.constant 26 : i32
        %broadcast_in_dim3A_927 = vector.broadcast %broadcast_in_dim3A_926 : i32 to vector<16xi32>
        %gather3A_928 = arith.constant 1 : i32
        %gather3A_929 = arith.constant 0 : i32
        %gather3A_930 = arith.constant 0 : i32
        %gather3A_931 = tpu.memref_slice %arg7[%gather3A_928, %gather3A_929, %gather3A_930] : memref<4x128x32xf32, #tpu.memory_space<vmem>> -> memref<1x128x32xf32, #tpu.memory_space<vmem>>
        %gather3A_932 = tpu.memref_squeeze %gather3A_931 : memref<1x128x32xf32, #tpu.memory_space<vmem>> -> memref<128x32xf32, #tpu.memory_space<vmem>>
        %gather3A_933 = tpu.vector_load_idx %gather3A_932[%add3A_718, %broadcast_in_dim3A_927] : memref<128x32xf32, #tpu.memory_space<vmem>>[vector<16xi32>, vector<16xi32>], vector<16xf32>,
        %broadcast_in_dim3A_934 = arith.constant 27 : i32
        %broadcast_in_dim3A_935 = vector.broadcast %broadcast_in_dim3A_934 : i32 to vector<16xi32>
        %gather3A_936 = arith.constant 1 : i32
        %gather3A_937 = arith.constant 0 : i32
        %gather3A_938 = arith.constant 0 : i32
        %gather3A_939 = tpu.memref_slice %arg7[%gather3A_936, %gather3A_937, %gather3A_938] : memref<4x128x32xf32, #tpu.memory_space<vmem>> -> memref<1x128x32xf32, #tpu.memory_space<vmem>>
        %gather3A_940 = tpu.memref_squeeze %gather3A_939 : memref<1x128x32xf32, #tpu.memory_space<vmem>> -> memref<128x32xf32, #tpu.memory_space<vmem>>
        %gather3A_941 = tpu.vector_load_idx %gather3A_940[%add3A_718, %broadcast_in_dim3A_935] : memref<128x32xf32, #tpu.memory_space<vmem>>[vector<16xi32>, vector<16xi32>], vector<16xf32>,
        %broadcast_in_dim3A_942 = arith.constant 28 : i32
        %broadcast_in_dim3A_943 = vector.broadcast %broadcast_in_dim3A_942 : i32 to vector<16xi32>
        %gather3A_944 = arith.constant 1 : i32
        %gather3A_945 = arith.constant 0 : i32
        %gather3A_946 = arith.constant 0 : i32
        %gather3A_947 = tpu.memref_slice %arg7[%gather3A_944, %gather3A_945, %gather3A_946] : memref<4x128x32xf32, #tpu.memory_space<vmem>> -> memref<1x128x32xf32, #tpu.memory_space<vmem>>
        %gather3A_948 = tpu.memref_squeeze %gather3A_947 : memref<1x128x32xf32, #tpu.memory_space<vmem>> -> memref<128x32xf32, #tpu.memory_space<vmem>>
        %gather3A_949 = tpu.vector_load_idx %gather3A_948[%add3A_718, %broadcast_in_dim3A_943] : memref<128x32xf32, #tpu.memory_space<vmem>>[vector<16xi32>, vector<16xi32>], vector<16xf32>,
        %broadcast_in_dim3A_950 = arith.constant 29 : i32
        %broadcast_in_dim3A_951 = vector.broadcast %broadcast_in_dim3A_950 : i32 to vector<16xi32>
        %gather3A_952 = arith.constant 1 : i32
        %gather3A_953 = arith.constant 0 : i32
        %gather3A_954 = arith.constant 0 : i32
        %gather3A_955 = tpu.memref_slice %arg7[%gather3A_952, %gather3A_953, %gather3A_954] : memref<4x128x32xf32, #tpu.memory_space<vmem>> -> memref<1x128x32xf32, #tpu.memory_space<vmem>>
        %gather3A_956 = tpu.memref_squeeze %gather3A_955 : memref<1x128x32xf32, #tpu.memory_space<vmem>> -> memref<128x32xf32, #tpu.memory_space<vmem>>
        %gather3A_957 = tpu.vector_load_idx %gather3A_956[%add3A_718, %broadcast_in_dim3A_951] : memref<128x32xf32, #tpu.memory_space<vmem>>[vector<16xi32>, vector<16xi32>], vector<16xf32>,
        %broadcast_in_dim3A_958 = arith.constant 30 : i32
        %broadcast_in_dim3A_959 = vector.broadcast %broadcast_in_dim3A_958 : i32 to vector<16xi32>
        %gather3A_960 = arith.constant 1 : i32
        %gather3A_961 = arith.constant 0 : i32
        %gather3A_962 = arith.constant 0 : i32
        %gather3A_963 = tpu.memref_slice %arg7[%gather3A_960, %gather3A_961, %gather3A_962] : memref<4x128x32xf32, #tpu.memory_space<vmem>> -> memref<1x128x32xf32, #tpu.memory_space<vmem>>
        %gather3A_964 = tpu.memref_squeeze %gather3A_963 : memref<1x128x32xf32, #tpu.memory_space<vmem>> -> memref<128x32xf32, #tpu.memory_space<vmem>>
        %gather3A_965 = tpu.vector_load_idx %gather3A_964[%add3A_718, %broadcast_in_dim3A_959] : memref<128x32xf32, #tpu.memory_space<vmem>>[vector<16xi32>, vector<16xi32>], vector<16xf32>,
        %broadcast_in_dim3A_966 = arith.constant 31 : i32
        %broadcast_in_dim3A_967 = vector.broadcast %broadcast_in_dim3A_966 : i32 to vector<16xi32>
        %gather3A_968 = arith.constant 1 : i32
        %gather3A_969 = arith.constant 0 : i32
        %gather3A_970 = arith.constant 0 : i32
        %gather3A_971 = tpu.memref_slice %arg7[%gather3A_968, %gather3A_969, %gather3A_970] : memref<4x128x32xf32, #tpu.memory_space<vmem>> -> memref<1x128x32xf32, #tpu.memory_space<vmem>>
        %gather3A_972 = tpu.memref_squeeze %gather3A_971 : memref<1x128x32xf32, #tpu.memory_space<vmem>> -> memref<128x32xf32, #tpu.memory_space<vmem>>
        %gather3A_973 = tpu.vector_load_idx %gather3A_972[%add3A_718, %broadcast_in_dim3A_967] : memref<128x32xf32, #tpu.memory_space<vmem>>[vector<16xi32>, vector<16xi32>], vector<16xf32>,
        %slice3A = vector.extract_strided_slice %get3A_283 {offsets = [0], sizes = [1], strides = [1]} : vector<16xf32> to vector<1xf32>
        %squeeze3A = vector.extract %slice3A[0] : f32 from vector<1xf32>
        %add3A_974 = vector.broadcast %squeeze3A : f32 to vector<16xf32>
        %add3A_975 = arith.addf %gather3A_725, %add3A_974 : vector<16xf32>
        %mul3A_976 = arith.mulf %add3A_975, %select_n3A : vector<16xf32>
        %mul3A_977 = arith.constant 16 : i32
        %mul3A_978 = arith.muli %scan3A_704, %mul3A_977 : i32
        %swap3A = arith.constant 1 : i32
        %swap3A_979 = arith.constant 0 : i32
        %swap3A_980 = arith.constant 0 : i32
        %swap3A_981 = arith.index_cast %swap3A : i32 to index
        %swap3A_982 = arith.index_cast %swap3A_979 : i32 to index
        %swap3A_983 = arith.index_cast %swap3A_980 : i32 to index
        %swap3A_984 = arith.index_cast %mul3A_978 : i32 to index
        %swap3A_985 = tpu.vector_load %arg8[%swap3A_981, %swap3A_982, %swap3A_983, %swap3A_984] {strides = array<i32>} : memref<2x4x8x128xf32, #tpu.memory_space<vmem>>, vector<16xf32>,
        tpu.vector_store %arg8[%swap3A_981, %swap3A_982, %swap3A_983, %swap3A_984], %mul3A_976 {strides = array<i32>} : memref<2x4x8x128xf32, #tpu.memory_space<vmem>>, vector<16xf32>,
        %slice3A_986 = vector.extract_strided_slice %get3A_283 {offsets = [1], sizes = [1], strides = [1]} : vector<16xf32> to vector<1xf32>
        %squeeze3A_987 = vector.extract %slice3A_986[0] : f32 from vector<1xf32>
        %add3A_988 = vector.broadcast %squeeze3A_987 : f32 to vector<16xf32>
        %add3A_989 = arith.addf %gather3A_733, %add3A_988 : vector<16xf32>
        %mul3A_990 = arith.mulf %add3A_989, %select_n3A : vector<16xf32>
        %mul3A_991 = arith.constant 16 : i32
        %mul3A_992 = arith.muli %scan3A_704, %mul3A_991 : i32
        %swap3A_993 = arith.constant 1 : i32
        %swap3A_994 = arith.constant 0 : i32
        %swap3A_995 = arith.constant 1 : i32
        %swap3A_996 = arith.index_cast %swap3A_993 : i32 to index
        %swap3A_997 = arith.index_cast %swap3A_994 : i32 to index
        %swap3A_998 = arith.index_cast %swap3A_995 : i32 to index
        %swap3A_999 = arith.index_cast %mul3A_992 : i32 to index
        %swap3A_1000 = tpu.vector_load %arg8[%swap3A_996, %swap3A_997, %swap3A_998, %swap3A_999] {strides = array<i32>} : memref<2x4x8x128xf32, #tpu.memory_space<vmem>>, vector<16xf32>,
        tpu.vector_store %arg8[%swap3A_996, %swap3A_997, %swap3A_998, %swap3A_999], %mul3A_990 {strides = array<i32>} : memref<2x4x8x128xf32, #tpu.memory_space<vmem>>, vector<16xf32>,
        %slice3A_1001 = vector.extract_strided_slice %get3A_283 {offsets = [2], sizes = [1], strides = [1]} : vector<16xf32> to vector<1xf32>
        %squeeze3A_1002 = vector.extract %slice3A_1001[0] : f32 from vector<1xf32>
        %add3A_1003 = vector.broadcast %squeeze3A_1002 : f32 to vector<16xf32>
        %add3A_1004 = arith.addf %gather3A_741, %add3A_1003 : vector<16xf32>
        %mul3A_1005 = arith.mulf %add3A_1004, %select_n3A : vector<16xf32>
        %mul3A_1006 = arith.constant 16 : i32
        %mul3A_1007 = arith.muli %scan3A_704, %mul3A_1006 : i32
        %swap3A_1008 = arith.constant 1 : i32
        %swap3A_1009 = arith.constant 0 : i32
        %swap3A_1010 = arith.constant 2 : i32
        %swap3A_1011 = arith.index_cast %swap3A_1008 : i32 to index
        %swap3A_1012 = arith.index_cast %swap3A_1009 : i32 to index
        %swap3A_1013 = arith.index_cast %swap3A_1010 : i32 to index
        %swap3A_1014 = arith.index_cast %mul3A_1007 : i32 to index
        %swap3A_1015 = tpu.vector_load %arg8[%swap3A_1011, %swap3A_1012, %swap3A_1013, %swap3A_1014] {strides = array<i32>} : memref<2x4x8x128xf32, #tpu.memory_space<vmem>>, vector<16xf32>,
        tpu.vector_store %arg8[%swap3A_1011, %swap3A_1012, %swap3A_1013, %swap3A_1014], %mul3A_1005 {strides = array<i32>} : memref<2x4x8x128xf32, #tpu.memory_space<vmem>>, vector<16xf32>,
        %slice3A_1016 = vector.extract_strided_slice %get3A_283 {offsets = [3], sizes = [1], strides = [1]} : vector<16xf32> to vector<1xf32>
        %squeeze3A_1017 = vector.extract %slice3A_1016[0] : f32 from vector<1xf32>
        %add3A_1018 = vector.broadcast %squeeze3A_1017 : f32 to vector<16xf32>
        %add3A_1019 = arith.addf %gather3A_749, %add3A_1018 : vector<16xf32>
        %mul3A_1020 = arith.mulf %add3A_1019, %select_n3A : vector<16xf32>
        %mul3A_1021 = arith.constant 16 : i32
        %mul3A_1022 = arith.muli %scan3A_704, %mul3A_1021 : i32
        %swap3A_1023 = arith.constant 1 : i32
        %swap3A_1024 = arith.constant 0 : i32
        %swap3A_1025 = arith.constant 3 : i32
        %swap3A_1026 = arith.index_cast %swap3A_1023 : i32 to index
        %swap3A_1027 = arith.index_cast %swap3A_1024 : i32 to index
        %swap3A_1028 = arith.index_cast %swap3A_1025 : i32 to index
        %swap3A_1029 = arith.index_cast %mul3A_1022 : i32 to index
        %swap3A_1030 = tpu.vector_load %arg8[%swap3A_1026, %swap3A_1027, %swap3A_1028, %swap3A_1029] {strides = array<i32>} : memref<2x4x8x128xf32, #tpu.memory_space<vmem>>, vector<16xf32>,
        tpu.vector_store %arg8[%swap3A_1026, %swap3A_1027, %swap3A_1028, %swap3A_1029], %mul3A_1020 {strides = array<i32>} : memref<2x4x8x128xf32, #tpu.memory_space<vmem>>, vector<16xf32>,
        %slice3A_1031 = vector.extract_strided_slice %get3A_283 {offsets = [4], sizes = [1], strides = [1]} : vector<16xf32> to vector<1xf32>
        %squeeze3A_1032 = vector.extract %slice3A_1031[0] : f32 from vector<1xf32>
        %add3A_1033 = vector.broadcast %squeeze3A_1032 : f32 to vector<16xf32>
        %add3A_1034 = arith.addf %gather3A_757, %add3A_1033 : vector<16xf32>
        %mul3A_1035 = arith.mulf %add3A_1034, %select_n3A : vector<16xf32>
        %mul3A_1036 = arith.constant 16 : i32
        %mul3A_1037 = arith.muli %scan3A_704, %mul3A_1036 : i32
        %swap3A_1038 = arith.constant 1 : i32
        %swap3A_1039 = arith.constant 0 : i32
        %swap3A_1040 = arith.constant 4 : i32
        %swap3A_1041 = arith.index_cast %swap3A_1038 : i32 to index
        %swap3A_1042 = arith.index_cast %swap3A_1039 : i32 to index
        %swap3A_1043 = arith.index_cast %swap3A_1040 : i32 to index
        %swap3A_1044 = arith.index_cast %mul3A_1037 : i32 to index
        %swap3A_1045 = tpu.vector_load %arg8[%swap3A_1041, %swap3A_1042, %swap3A_1043, %swap3A_1044] {strides = array<i32>} : memref<2x4x8x128xf32, #tpu.memory_space<vmem>>, vector<16xf32>,
        tpu.vector_store %arg8[%swap3A_1041, %swap3A_1042, %swap3A_1043, %swap3A_1044], %mul3A_1035 {strides = array<i32>} : memref<2x4x8x128xf32, #tpu.memory_space<vmem>>, vector<16xf32>,
        %slice3A_1046 = vector.extract_strided_slice %get3A_283 {offsets = [5], sizes = [1], strides = [1]} : vector<16xf32> to vector<1xf32>
        %squeeze3A_1047 = vector.extract %slice3A_1046[0] : f32 from vector<1xf32>
        %add3A_1048 = vector.broadcast %squeeze3A_1047 : f32 to vector<16xf32>
        %add3A_1049 = arith.addf %gather3A_765, %add3A_1048 : vector<16xf32>
        %mul3A_1050 = arith.mulf %add3A_1049, %select_n3A : vector<16xf32>
        %mul3A_1051 = arith.constant 16 : i32
        %mul3A_1052 = arith.muli %scan3A_704, %mul3A_1051 : i32
        %swap3A_1053 = arith.constant 1 : i32
        %swap3A_1054 = arith.constant 0 : i32
        %swap3A_1055 = arith.constant 5 : i32
        %swap3A_1056 = arith.index_cast %swap3A_1053 : i32 to index
        %swap3A_1057 = arith.index_cast %swap3A_1054 : i32 to index
        %swap3A_1058 = arith.index_cast %swap3A_1055 : i32 to index
        %swap3A_1059 = arith.index_cast %mul3A_1052 : i32 to index
        %swap3A_1060 = tpu.vector_load %arg8[%swap3A_1056, %swap3A_1057, %swap3A_1058, %swap3A_1059] {strides = array<i32>} : memref<2x4x8x128xf32, #tpu.memory_space<vmem>>, vector<16xf32>,
        tpu.vector_store %arg8[%swap3A_1056, %swap3A_1057, %swap3A_1058, %swap3A_1059], %mul3A_1050 {strides = array<i32>} : memref<2x4x8x128xf32, #tpu.memory_space<vmem>>, vector<16xf32>,
        %slice3A_1061 = vector.extract_strided_slice %get3A_283 {offsets = [6], sizes = [1], strides = [1]} : vector<16xf32> to vector<1xf32>
        %squeeze3A_1062 = vector.extract %slice3A_1061[0] : f32 from vector<1xf32>
        %add3A_1063 = vector.broadcast %squeeze3A_1062 : f32 to vector<16xf32>
        %add3A_1064 = arith.addf %gather3A_773, %add3A_1063 : vector<16xf32>
        %mul3A_1065 = arith.mulf %add3A_1064, %select_n3A : vector<16xf32>
        %mul3A_1066 = arith.constant 16 : i32
        %mul3A_1067 = arith.muli %scan3A_704, %mul3A_1066 : i32
        %swap3A_1068 = arith.constant 1 : i32
        %swap3A_1069 = arith.constant 0 : i32
        %swap3A_1070 = arith.constant 6 : i32
        %swap3A_1071 = arith.index_cast %swap3A_1068 : i32 to index
        %swap3A_1072 = arith.index_cast %swap3A_1069 : i32 to index
        %swap3A_1073 = arith.index_cast %swap3A_1070 : i32 to index
        %swap3A_1074 = arith.index_cast %mul3A_1067 : i32 to index
        %swap3A_1075 = tpu.vector_load %arg8[%swap3A_1071, %swap3A_1072, %swap3A_1073, %swap3A_1074] {strides = array<i32>} : memref<2x4x8x128xf32, #tpu.memory_space<vmem>>, vector<16xf32>,
        tpu.vector_store %arg8[%swap3A_1071, %swap3A_1072, %swap3A_1073, %swap3A_1074], %mul3A_1065 {strides = array<i32>} : memref<2x4x8x128xf32, #tpu.memory_space<vmem>>, vector<16xf32>,
        %slice3A_1076 = vector.extract_strided_slice %get3A_283 {offsets = [7], sizes = [1], strides = [1]} : vector<16xf32> to vector<1xf32>
        %squeeze3A_1077 = vector.extract %slice3A_1076[0] : f32 from vector<1xf32>
        %add3A_1078 = vector.broadcast %squeeze3A_1077 : f32 to vector<16xf32>
        %add3A_1079 = arith.addf %gather3A_781, %add3A_1078 : vector<16xf32>
        %mul3A_1080 = arith.mulf %add3A_1079, %select_n3A : vector<16xf32>
        %mul3A_1081 = arith.constant 16 : i32
        %mul3A_1082 = arith.muli %scan3A_704, %mul3A_1081 : i32
        %swap3A_1083 = arith.constant 1 : i32
        %swap3A_1084 = arith.constant 0 : i32
        %swap3A_1085 = arith.constant 7 : i32
        %swap3A_1086 = arith.index_cast %swap3A_1083 : i32 to index
        %swap3A_1087 = arith.index_cast %swap3A_1084 : i32 to index
        %swap3A_1088 = arith.index_cast %swap3A_1085 : i32 to index
        %swap3A_1089 = arith.index_cast %mul3A_1082 : i32 to index
        %swap3A_1090 = tpu.vector_load %arg8[%swap3A_1086, %swap3A_1087, %swap3A_1088, %swap3A_1089] {strides = array<i32>} : memref<2x4x8x128xf32, #tpu.memory_space<vmem>>, vector<16xf32>,
        tpu.vector_store %arg8[%swap3A_1086, %swap3A_1087, %swap3A_1088, %swap3A_1089], %mul3A_1080 {strides = array<i32>} : memref<2x4x8x128xf32, #tpu.memory_space<vmem>>, vector<16xf32>,
        %slice3A_1091 = vector.extract_strided_slice %get3A_283 {offsets = [8], sizes = [1], strides = [1]} : vector<16xf32> to vector<1xf32>
        %squeeze3A_1092 = vector.extract %slice3A_1091[0] : f32 from vector<1xf32>
        %add3A_1093 = vector.broadcast %squeeze3A_1092 : f32 to vector<16xf32>
        %add3A_1094 = arith.addf %gather3A_789, %add3A_1093 : vector<16xf32>
        %mul3A_1095 = arith.mulf %add3A_1094, %select_n3A : vector<16xf32>
        %mul3A_1096 = arith.constant 16 : i32
        %mul3A_1097 = arith.muli %scan3A_704, %mul3A_1096 : i32
        %swap3A_1098 = arith.constant 1 : i32
        %swap3A_1099 = arith.constant 1 : i32
        %swap3A_1100 = arith.constant 0 : i32
        %swap3A_1101 = arith.index_cast %swap3A_1098 : i32 to index
        %swap3A_1102 = arith.index_cast %swap3A_1099 : i32 to index
        %swap3A_1103 = arith.index_cast %swap3A_1100 : i32 to index
        %swap3A_1104 = arith.index_cast %mul3A_1097 : i32 to index
        %swap3A_1105 = tpu.vector_load %arg8[%swap3A_1101, %swap3A_1102, %swap3A_1103, %swap3A_1104] {strides = array<i32>} : memref<2x4x8x128xf32, #tpu.memory_space<vmem>>, vector<16xf32>,
        tpu.vector_store %arg8[%swap3A_1101, %swap3A_1102, %swap3A_1103, %swap3A_1104], %mul3A_1095 {strides = array<i32>} : memref<2x4x8x128xf32, #tpu.memory_space<vmem>>, vector<16xf32>,
        %slice3A_1106 = vector.extract_strided_slice %get3A_283 {offsets = [9], sizes = [1], strides = [1]} : vector<16xf32> to vector<1xf32>
        %squeeze3A_1107 = vector.extract %slice3A_1106[0] : f32 from vector<1xf32>
        %add3A_1108 = vector.broadcast %squeeze3A_1107 : f32 to vector<16xf32>
        %add3A_1109 = arith.addf %gather3A_797, %add3A_1108 : vector<16xf32>
        %mul3A_1110 = arith.mulf %add3A_1109, %select_n3A : vector<16xf32>
        %mul3A_1111 = arith.constant 16 : i32
        %mul3A_1112 = arith.muli %scan3A_704, %mul3A_1111 : i32
        %swap3A_1113 = arith.constant 1 : i32
        %swap3A_1114 = arith.constant 1 : i32
        %swap3A_1115 = arith.constant 1 : i32
        %swap3A_1116 = arith.index_cast %swap3A_1113 : i32 to index
        %swap3A_1117 = arith.index_cast %swap3A_1114 : i32 to index
        %swap3A_1118 = arith.index_cast %swap3A_1115 : i32 to index
        %swap3A_1119 = arith.index_cast %mul3A_1112 : i32 to index
        %swap3A_1120 = tpu.vector_load %arg8[%swap3A_1116, %swap3A_1117, %swap3A_1118, %swap3A_1119] {strides = array<i32>} : memref<2x4x8x128xf32, #tpu.memory_space<vmem>>, vector<16xf32>,
        tpu.vector_store %arg8[%swap3A_1116, %swap3A_1117, %swap3A_1118, %swap3A_1119], %mul3A_1110 {strides = array<i32>} : memref<2x4x8x128xf32, #tpu.memory_space<vmem>>, vector<16xf32>,
        %slice3A_1121 = vector.extract_strided_slice %get3A_283 {offsets = [10], sizes = [1], strides = [1]} : vector<16xf32> to vector<1xf32>
        %squeeze3A_1122 = vector.extract %slice3A_1121[0] : f32 from vector<1xf32>
        %add3A_1123 = vector.broadcast %squeeze3A_1122 : f32 to vector<16xf32>
        %add3A_1124 = arith.addf %gather3A_805, %add3A_1123 : vector<16xf32>
        %mul3A_1125 = arith.mulf %add3A_1124, %select_n3A : vector<16xf32>
        %mul3A_1126 = arith.constant 16 : i32
        %mul3A_1127 = arith.muli %scan3A_704, %mul3A_1126 : i32
        %swap3A_1128 = arith.constant 1 : i32
        %swap3A_1129 = arith.constant 1 : i32
        %swap3A_1130 = arith.constant 2 : i32
        %swap3A_1131 = arith.index_cast %swap3A_1128 : i32 to index
        %swap3A_1132 = arith.index_cast %swap3A_1129 : i32 to index
        %swap3A_1133 = arith.index_cast %swap3A_1130 : i32 to index
        %swap3A_1134 = arith.index_cast %mul3A_1127 : i32 to index
        %swap3A_1135 = tpu.vector_load %arg8[%swap3A_1131, %swap3A_1132, %swap3A_1133, %swap3A_1134] {strides = array<i32>} : memref<2x4x8x128xf32, #tpu.memory_space<vmem>>, vector<16xf32>,
        tpu.vector_store %arg8[%swap3A_1131, %swap3A_1132, %swap3A_1133, %swap3A_1134], %mul3A_1125 {strides = array<i32>} : memref<2x4x8x128xf32, #tpu.memory_space<vmem>>, vector<16xf32>,
        %slice3A_1136 = vector.extract_strided_slice %get3A_283 {offsets = [11], sizes = [1], strides = [1]} : vector<16xf32> to vector<1xf32>
        %squeeze3A_1137 = vector.extract %slice3A_1136[0] : f32 from vector<1xf32>
        %add3A_1138 = vector.broadcast %squeeze3A_1137 : f32 to vector<16xf32>
        %add3A_1139 = arith.addf %gather3A_813, %add3A_1138 : vector<16xf32>
        %mul3A_1140 = arith.mulf %add3A_1139, %select_n3A : vector<16xf32>
        %mul3A_1141 = arith.constant 16 : i32
        %mul3A_1142 = arith.muli %scan3A_704, %mul3A_1141 : i32
        %swap3A_1143 = arith.constant 1 : i32
        %swap3A_1144 = arith.constant 1 : i32
        %swap3A_1145 = arith.constant 3 : i32
        %swap3A_1146 = arith.index_cast %swap3A_1143 : i32 to index
        %swap3A_1147 = arith.index_cast %swap3A_1144 : i32 to index
        %swap3A_1148 = arith.index_cast %swap3A_1145 : i32 to index
        %swap3A_1149 = arith.index_cast %mul3A_1142 : i32 to index
        %swap3A_1150 = tpu.vector_load %arg8[%swap3A_1146, %swap3A_1147, %swap3A_1148, %swap3A_1149] {strides = array<i32>} : memref<2x4x8x128xf32, #tpu.memory_space<vmem>>, vector<16xf32>,
        tpu.vector_store %arg8[%swap3A_1146, %swap3A_1147, %swap3A_1148, %swap3A_1149], %mul3A_1140 {strides = array<i32>} : memref<2x4x8x128xf32, #tpu.memory_space<vmem>>, vector<16xf32>,
        %slice3A_1151 = vector.extract_strided_slice %get3A_283 {offsets = [12], sizes = [1], strides = [1]} : vector<16xf32> to vector<1xf32>
        %squeeze3A_1152 = vector.extract %slice3A_1151[0] : f32 from vector<1xf32>
        %add3A_1153 = vector.broadcast %squeeze3A_1152 : f32 to vector<16xf32>
        %add3A_1154 = arith.addf %gather3A_821, %add3A_1153 : vector<16xf32>
        %mul3A_1155 = arith.mulf %add3A_1154, %select_n3A : vector<16xf32>
        %mul3A_1156 = arith.constant 16 : i32
        %mul3A_1157 = arith.muli %scan3A_704, %mul3A_1156 : i32
        %swap3A_1158 = arith.constant 1 : i32
        %swap3A_1159 = arith.constant 1 : i32
        %swap3A_1160 = arith.constant 4 : i32
        %swap3A_1161 = arith.index_cast %swap3A_1158 : i32 to index
        %swap3A_1162 = arith.index_cast %swap3A_1159 : i32 to index
        %swap3A_1163 = arith.index_cast %swap3A_1160 : i32 to index
        %swap3A_1164 = arith.index_cast %mul3A_1157 : i32 to index
        %swap3A_1165 = tpu.vector_load %arg8[%swap3A_1161, %swap3A_1162, %swap3A_1163, %swap3A_1164] {strides = array<i32>} : memref<2x4x8x128xf32, #tpu.memory_space<vmem>>, vector<16xf32>,
        tpu.vector_store %arg8[%swap3A_1161, %swap3A_1162, %swap3A_1163, %swap3A_1164], %mul3A_1155 {strides = array<i32>} : memref<2x4x8x128xf32, #tpu.memory_space<vmem>>, vector<16xf32>,
        %slice3A_1166 = vector.extract_strided_slice %get3A_283 {offsets = [13], sizes = [1], strides = [1]} : vector<16xf32> to vector<1xf32>
        %squeeze3A_1167 = vector.extract %slice3A_1166[0] : f32 from vector<1xf32>
        %add3A_1168 = vector.broadcast %squeeze3A_1167 : f32 to vector<16xf32>
        %add3A_1169 = arith.addf %gather3A_829, %add3A_1168 : vector<16xf32>
        %mul3A_1170 = arith.mulf %add3A_1169, %select_n3A : vector<16xf32>
        %mul3A_1171 = arith.constant 16 : i32
        %mul3A_1172 = arith.muli %scan3A_704, %mul3A_1171 : i32
        %swap3A_1173 = arith.constant 1 : i32
        %swap3A_1174 = arith.constant 1 : i32
        %swap3A_1175 = arith.constant 5 : i32
        %swap3A_1176 = arith.index_cast %swap3A_1173 : i32 to index
        %swap3A_1177 = arith.index_cast %swap3A_1174 : i32 to index
        %swap3A_1178 = arith.index_cast %swap3A_1175 : i32 to index
        %swap3A_1179 = arith.index_cast %mul3A_1172 : i32 to index
        %swap3A_1180 = tpu.vector_load %arg8[%swap3A_1176, %swap3A_1177, %swap3A_1178, %swap3A_1179] {strides = array<i32>} : memref<2x4x8x128xf32, #tpu.memory_space<vmem>>, vector<16xf32>,
        tpu.vector_store %arg8[%swap3A_1176, %swap3A_1177, %swap3A_1178, %swap3A_1179], %mul3A_1170 {strides = array<i32>} : memref<2x4x8x128xf32, #tpu.memory_space<vmem>>, vector<16xf32>,
        %slice3A_1181 = vector.extract_strided_slice %get3A_283 {offsets = [14], sizes = [1], strides = [1]} : vector<16xf32> to vector<1xf32>
        %squeeze3A_1182 = vector.extract %slice3A_1181[0] : f32 from vector<1xf32>
        %add3A_1183 = vector.broadcast %squeeze3A_1182 : f32 to vector<16xf32>
        %add3A_1184 = arith.addf %gather3A_837, %add3A_1183 : vector<16xf32>
        %mul3A_1185 = arith.mulf %add3A_1184, %select_n3A : vector<16xf32>
        %mul3A_1186 = arith.constant 16 : i32
        %mul3A_1187 = arith.muli %scan3A_704, %mul3A_1186 : i32
        %swap3A_1188 = arith.constant 1 : i32
        %swap3A_1189 = arith.constant 1 : i32
        %swap3A_1190 = arith.constant 6 : i32
        %swap3A_1191 = arith.index_cast %swap3A_1188 : i32 to index
        %swap3A_1192 = arith.index_cast %swap3A_1189 : i32 to index
        %swap3A_1193 = arith.index_cast %swap3A_1190 : i32 to index
        %swap3A_1194 = arith.index_cast %mul3A_1187 : i32 to index
        %swap3A_1195 = tpu.vector_load %arg8[%swap3A_1191, %swap3A_1192, %swap3A_1193, %swap3A_1194] {strides = array<i32>} : memref<2x4x8x128xf32, #tpu.memory_space<vmem>>, vector<16xf32>,
        tpu.vector_store %arg8[%swap3A_1191, %swap3A_1192, %swap3A_1193, %swap3A_1194], %mul3A_1185 {strides = array<i32>} : memref<2x4x8x128xf32, #tpu.memory_space<vmem>>, vector<16xf32>,
        %slice3A_1196 = vector.extract_strided_slice %get3A_283 {offsets = [15], sizes = [1], strides = [1]} : vector<16xf32> to vector<1xf32>
        %squeeze3A_1197 = vector.extract %slice3A_1196[0] : f32 from vector<1xf32>
        %add3A_1198 = vector.broadcast %squeeze3A_1197 : f32 to vector<16xf32>
        %add3A_1199 = arith.addf %gather3A_845, %add3A_1198 : vector<16xf32>
        %mul3A_1200 = arith.mulf %add3A_1199, %select_n3A : vector<16xf32>
        %mul3A_1201 = arith.constant 16 : i32
        %mul3A_1202 = arith.muli %scan3A_704, %mul3A_1201 : i32
        %swap3A_1203 = arith.constant 1 : i32
        %swap3A_1204 = arith.constant 1 : i32
        %swap3A_1205 = arith.constant 7 : i32
        %swap3A_1206 = arith.index_cast %swap3A_1203 : i32 to index
        %swap3A_1207 = arith.index_cast %swap3A_1204 : i32 to index
        %swap3A_1208 = arith.index_cast %swap3A_1205 : i32 to index
        %swap3A_1209 = arith.index_cast %mul3A_1202 : i32 to index
        %swap3A_1210 = tpu.vector_load %arg8[%swap3A_1206, %swap3A_1207, %swap3A_1208, %swap3A_1209] {strides = array<i32>} : memref<2x4x8x128xf32, #tpu.memory_space<vmem>>, vector<16xf32>,
        tpu.vector_store %arg8[%swap3A_1206, %swap3A_1207, %swap3A_1208, %swap3A_1209], %mul3A_1200 {strides = array<i32>} : memref<2x4x8x128xf32, #tpu.memory_space<vmem>>, vector<16xf32>,
        %slice3A_1211 = vector.extract_strided_slice %get3A_286 {offsets = [0], sizes = [1], strides = [1]} : vector<16xf32> to vector<1xf32>
        %squeeze3A_1212 = vector.extract %slice3A_1211[0] : f32 from vector<1xf32>
        %add3A_1213 = vector.broadcast %squeeze3A_1212 : f32 to vector<16xf32>
        %add3A_1214 = arith.addf %gather3A_853, %add3A_1213 : vector<16xf32>
        %mul3A_1215 = arith.mulf %add3A_1214, %select_n3A : vector<16xf32>
        %mul3A_1216 = arith.constant 16 : i32
        %mul3A_1217 = arith.muli %scan3A_704, %mul3A_1216 : i32
        %swap3A_1218 = arith.constant 1 : i32
        %swap3A_1219 = arith.constant 2 : i32
        %swap3A_1220 = arith.constant 0 : i32
        %swap3A_1221 = arith.index_cast %swap3A_1218 : i32 to index
        %swap3A_1222 = arith.index_cast %swap3A_1219 : i32 to index
        %swap3A_1223 = arith.index_cast %swap3A_1220 : i32 to index
        %swap3A_1224 = arith.index_cast %mul3A_1217 : i32 to index
        %swap3A_1225 = tpu.vector_load %arg8[%swap3A_1221, %swap3A_1222, %swap3A_1223, %swap3A_1224] {strides = array<i32>} : memref<2x4x8x128xf32, #tpu.memory_space<vmem>>, vector<16xf32>,
        tpu.vector_store %arg8[%swap3A_1221, %swap3A_1222, %swap3A_1223, %swap3A_1224], %mul3A_1215 {strides = array<i32>} : memref<2x4x8x128xf32, #tpu.memory_space<vmem>>, vector<16xf32>,
        %slice3A_1226 = vector.extract_strided_slice %get3A_286 {offsets = [1], sizes = [1], strides = [1]} : vector<16xf32> to vector<1xf32>
        %squeeze3A_1227 = vector.extract %slice3A_1226[0] : f32 from vector<1xf32>
        %add3A_1228 = vector.broadcast %squeeze3A_1227 : f32 to vector<16xf32>
        %add3A_1229 = arith.addf %gather3A_861, %add3A_1228 : vector<16xf32>
        %mul3A_1230 = arith.mulf %add3A_1229, %select_n3A : vector<16xf32>
        %mul3A_1231 = arith.constant 16 : i32
        %mul3A_1232 = arith.muli %scan3A_704, %mul3A_1231 : i32
        %swap3A_1233 = arith.constant 1 : i32
        %swap3A_1234 = arith.constant 2 : i32
        %swap3A_1235 = arith.constant 1 : i32
        %swap3A_1236 = arith.index_cast %swap3A_1233 : i32 to index
        %swap3A_1237 = arith.index_cast %swap3A_1234 : i32 to index
        %swap3A_1238 = arith.index_cast %swap3A_1235 : i32 to index
        %swap3A_1239 = arith.index_cast %mul3A_1232 : i32 to index
        %swap3A_1240 = tpu.vector_load %arg8[%swap3A_1236, %swap3A_1237, %swap3A_1238, %swap3A_1239] {strides = array<i32>} : memref<2x4x8x128xf32, #tpu.memory_space<vmem>>, vector<16xf32>,
        tpu.vector_store %arg8[%swap3A_1236, %swap3A_1237, %swap3A_1238, %swap3A_1239], %mul3A_1230 {strides = array<i32>} : memref<2x4x8x128xf32, #tpu.memory_space<vmem>>, vector<16xf32>,
        %slice3A_1241 = vector.extract_strided_slice %get3A_286 {offsets = [2], sizes = [1], strides = [1]} : vector<16xf32> to vector<1xf32>
        %squeeze3A_1242 = vector.extract %slice3A_1241[0] : f32 from vector<1xf32>
        %add3A_1243 = vector.broadcast %squeeze3A_1242 : f32 to vector<16xf32>
        %add3A_1244 = arith.addf %gather3A_869, %add3A_1243 : vector<16xf32>
        %mul3A_1245 = arith.mulf %add3A_1244, %select_n3A : vector<16xf32>
        %mul3A_1246 = arith.constant 16 : i32
        %mul3A_1247 = arith.muli %scan3A_704, %mul3A_1246 : i32
        %swap3A_1248 = arith.constant 1 : i32
        %swap3A_1249 = arith.constant 2 : i32
        %swap3A_1250 = arith.constant 2 : i32
        %swap3A_1251 = arith.index_cast %swap3A_1248 : i32 to index
        %swap3A_1252 = arith.index_cast %swap3A_1249 : i32 to index
        %swap3A_1253 = arith.index_cast %swap3A_1250 : i32 to index
        %swap3A_1254 = arith.index_cast %mul3A_1247 : i32 to index
        %swap3A_1255 = tpu.vector_load %arg8[%swap3A_1251, %swap3A_1252, %swap3A_1253, %swap3A_1254] {strides = array<i32>} : memref<2x4x8x128xf32, #tpu.memory_space<vmem>>, vector<16xf32>,
        tpu.vector_store %arg8[%swap3A_1251, %swap3A_1252, %swap3A_1253, %swap3A_1254], %mul3A_1245 {strides = array<i32>} : memref<2x4x8x128xf32, #tpu.memory_space<vmem>>, vector<16xf32>,
        %slice3A_1256 = vector.extract_strided_slice %get3A_286 {offsets = [3], sizes = [1], strides = [1]} : vector<16xf32> to vector<1xf32>
        %squeeze3A_1257 = vector.extract %slice3A_1256[0] : f32 from vector<1xf32>
        %add3A_1258 = vector.broadcast %squeeze3A_1257 : f32 to vector<16xf32>
        %add3A_1259 = arith.addf %gather3A_877, %add3A_1258 : vector<16xf32>
        %mul3A_1260 = arith.mulf %add3A_1259, %select_n3A : vector<16xf32>
        %mul3A_1261 = arith.constant 16 : i32
        %mul3A_1262 = arith.muli %scan3A_704, %mul3A_1261 : i32
        %swap3A_1263 = arith.constant 1 : i32
        %swap3A_1264 = arith.constant 2 : i32
        %swap3A_1265 = arith.constant 3 : i32
        %swap3A_1266 = arith.index_cast %swap3A_1263 : i32 to index
        %swap3A_1267 = arith.index_cast %swap3A_1264 : i32 to index
        %swap3A_1268 = arith.index_cast %swap3A_1265 : i32 to index
        %swap3A_1269 = arith.index_cast %mul3A_1262 : i32 to index
        %swap3A_1270 = tpu.vector_load %arg8[%swap3A_1266, %swap3A_1267, %swap3A_1268, %swap3A_1269] {strides = array<i32>} : memref<2x4x8x128xf32, #tpu.memory_space<vmem>>, vector<16xf32>,
        tpu.vector_store %arg8[%swap3A_1266, %swap3A_1267, %swap3A_1268, %swap3A_1269], %mul3A_1260 {strides = array<i32>} : memref<2x4x8x128xf32, #tpu.memory_space<vmem>>, vector<16xf32>,
        %slice3A_1271 = vector.extract_strided_slice %get3A_286 {offsets = [4], sizes = [1], strides = [1]} : vector<16xf32> to vector<1xf32>
        %squeeze3A_1272 = vector.extract %slice3A_1271[0] : f32 from vector<1xf32>
        %add3A_1273 = vector.broadcast %squeeze3A_1272 : f32 to vector<16xf32>
        %add3A_1274 = arith.addf %gather3A_885, %add3A_1273 : vector<16xf32>
        %mul3A_1275 = arith.mulf %add3A_1274, %select_n3A : vector<16xf32>
        %mul3A_1276 = arith.constant 16 : i32
        %mul3A_1277 = arith.muli %scan3A_704, %mul3A_1276 : i32
        %swap3A_1278 = arith.constant 1 : i32
        %swap3A_1279 = arith.constant 2 : i32
        %swap3A_1280 = arith.constant 4 : i32
        %swap3A_1281 = arith.index_cast %swap3A_1278 : i32 to index
        %swap3A_1282 = arith.index_cast %swap3A_1279 : i32 to index
        %swap3A_1283 = arith.index_cast %swap3A_1280 : i32 to index
        %swap3A_1284 = arith.index_cast %mul3A_1277 : i32 to index
        %swap3A_1285 = tpu.vector_load %arg8[%swap3A_1281, %swap3A_1282, %swap3A_1283, %swap3A_1284] {strides = array<i32>} : memref<2x4x8x128xf32, #tpu.memory_space<vmem>>, vector<16xf32>,
        tpu.vector_store %arg8[%swap3A_1281, %swap3A_1282, %swap3A_1283, %swap3A_1284], %mul3A_1275 {strides = array<i32>} : memref<2x4x8x128xf32, #tpu.memory_space<vmem>>, vector<16xf32>,
        %slice3A_1286 = vector.extract_strided_slice %get3A_286 {offsets = [5], sizes = [1], strides = [1]} : vector<16xf32> to vector<1xf32>
        %squeeze3A_1287 = vector.extract %slice3A_1286[0] : f32 from vector<1xf32>
        %add3A_1288 = vector.broadcast %squeeze3A_1287 : f32 to vector<16xf32>
        %add3A_1289 = arith.addf %gather3A_893, %add3A_1288 : vector<16xf32>
        %mul3A_1290 = arith.mulf %add3A_1289, %select_n3A : vector<16xf32>
        %mul3A_1291 = arith.constant 16 : i32
        %mul3A_1292 = arith.muli %scan3A_704, %mul3A_1291 : i32
        %swap3A_1293 = arith.constant 1 : i32
        %swap3A_1294 = arith.constant 2 : i32
        %swap3A_1295 = arith.constant 5 : i32
        %swap3A_1296 = arith.index_cast %swap3A_1293 : i32 to index
        %swap3A_1297 = arith.index_cast %swap3A_1294 : i32 to index
        %swap3A_1298 = arith.index_cast %swap3A_1295 : i32 to index
        %swap3A_1299 = arith.index_cast %mul3A_1292 : i32 to index
        %swap3A_1300 = tpu.vector_load %arg8[%swap3A_1296, %swap3A_1297, %swap3A_1298, %swap3A_1299] {strides = array<i32>} : memref<2x4x8x128xf32, #tpu.memory_space<vmem>>, vector<16xf32>,
        tpu.vector_store %arg8[%swap3A_1296, %swap3A_1297, %swap3A_1298, %swap3A_1299], %mul3A_1290 {strides = array<i32>} : memref<2x4x8x128xf32, #tpu.memory_space<vmem>>, vector<16xf32>,
        %slice3A_1301 = vector.extract_strided_slice %get3A_286 {offsets = [6], sizes = [1], strides = [1]} : vector<16xf32> to vector<1xf32>
        %squeeze3A_1302 = vector.extract %slice3A_1301[0] : f32 from vector<1xf32>
        %add3A_1303 = vector.broadcast %squeeze3A_1302 : f32 to vector<16xf32>
        %add3A_1304 = arith.addf %gather3A_901, %add3A_1303 : vector<16xf32>
        %mul3A_1305 = arith.mulf %add3A_1304, %select_n3A : vector<16xf32>
        %mul3A_1306 = arith.constant 16 : i32
        %mul3A_1307 = arith.muli %scan3A_704, %mul3A_1306 : i32
        %swap3A_1308 = arith.constant 1 : i32
        %swap3A_1309 = arith.constant 2 : i32
        %swap3A_1310 = arith.constant 6 : i32
        %swap3A_1311 = arith.index_cast %swap3A_1308 : i32 to index
        %swap3A_1312 = arith.index_cast %swap3A_1309 : i32 to index
        %swap3A_1313 = arith.index_cast %swap3A_1310 : i32 to index
        %swap3A_1314 = arith.index_cast %mul3A_1307 : i32 to index
        %swap3A_1315 = tpu.vector_load %arg8[%swap3A_1311, %swap3A_1312, %swap3A_1313, %swap3A_1314] {strides = array<i32>} : memref<2x4x8x128xf32, #tpu.memory_space<vmem>>, vector<16xf32>,
        tpu.vector_store %arg8[%swap3A_1311, %swap3A_1312, %swap3A_1313, %swap3A_1314], %mul3A_1305 {strides = array<i32>} : memref<2x4x8x128xf32, #tpu.memory_space<vmem>>, vector<16xf32>,
        %slice3A_1316 = vector.extract_strided_slice %get3A_286 {offsets = [7], sizes = [1], strides = [1]} : vector<16xf32> to vector<1xf32>
        %squeeze3A_1317 = vector.extract %slice3A_1316[0] : f32 from vector<1xf32>
        %add3A_1318 = vector.broadcast %squeeze3A_1317 : f32 to vector<16xf32>
        %add3A_1319 = arith.addf %gather3A_909, %add3A_1318 : vector<16xf32>
        %mul3A_1320 = arith.mulf %add3A_1319, %select_n3A : vector<16xf32>
        %mul3A_1321 = arith.constant 16 : i32
        %mul3A_1322 = arith.muli %scan3A_704, %mul3A_1321 : i32
        %swap3A_1323 = arith.constant 1 : i32
        %swap3A_1324 = arith.constant 2 : i32
        %swap3A_1325 = arith.constant 7 : i32
        %swap3A_1326 = arith.index_cast %swap3A_1323 : i32 to index
        %swap3A_1327 = arith.index_cast %swap3A_1324 : i32 to index
        %swap3A_1328 = arith.index_cast %swap3A_1325 : i32 to index
        %swap3A_1329 = arith.index_cast %mul3A_1322 : i32 to index
        %swap3A_1330 = tpu.vector_load %arg8[%swap3A_1326, %swap3A_1327, %swap3A_1328, %swap3A_1329] {strides = array<i32>} : memref<2x4x8x128xf32, #tpu.memory_space<vmem>>, vector<16xf32>,
        tpu.vector_store %arg8[%swap3A_1326, %swap3A_1327, %swap3A_1328, %swap3A_1329], %mul3A_1320 {strides = array<i32>} : memref<2x4x8x128xf32, #tpu.memory_space<vmem>>, vector<16xf32>,
        %slice3A_1331 = vector.extract_strided_slice %get3A_286 {offsets = [8], sizes = [1], strides = [1]} : vector<16xf32> to vector<1xf32>
        %squeeze3A_1332 = vector.extract %slice3A_1331[0] : f32 from vector<1xf32>
        %add3A_1333 = vector.broadcast %squeeze3A_1332 : f32 to vector<16xf32>
        %add3A_1334 = arith.addf %gather3A_917, %add3A_1333 : vector<16xf32>
        %mul3A_1335 = arith.mulf %add3A_1334, %select_n3A : vector<16xf32>
        %mul3A_1336 = arith.constant 16 : i32
        %mul3A_1337 = arith.muli %scan3A_704, %mul3A_1336 : i32
        %swap3A_1338 = arith.constant 1 : i32
        %swap3A_1339 = arith.constant 3 : i32
        %swap3A_1340 = arith.constant 0 : i32
        %swap3A_1341 = arith.index_cast %swap3A_1338 : i32 to index
        %swap3A_1342 = arith.index_cast %swap3A_1339 : i32 to index
        %swap3A_1343 = arith.index_cast %swap3A_1340 : i32 to index
        %swap3A_1344 = arith.index_cast %mul3A_1337 : i32 to index
        %swap3A_1345 = tpu.vector_load %arg8[%swap3A_1341, %swap3A_1342, %swap3A_1343, %swap3A_1344] {strides = array<i32>} : memref<2x4x8x128xf32, #tpu.memory_space<vmem>>, vector<16xf32>,
        tpu.vector_store %arg8[%swap3A_1341, %swap3A_1342, %swap3A_1343, %swap3A_1344], %mul3A_1335 {strides = array<i32>} : memref<2x4x8x128xf32, #tpu.memory_space<vmem>>, vector<16xf32>,
        %slice3A_1346 = vector.extract_strided_slice %get3A_286 {offsets = [9], sizes = [1], strides = [1]} : vector<16xf32> to vector<1xf32>
        %squeeze3A_1347 = vector.extract %slice3A_1346[0] : f32 from vector<1xf32>
        %add3A_1348 = vector.broadcast %squeeze3A_1347 : f32 to vector<16xf32>
        %add3A_1349 = arith.addf %gather3A_925, %add3A_1348 : vector<16xf32>
        %mul3A_1350 = arith.mulf %add3A_1349, %select_n3A : vector<16xf32>
        %mul3A_1351 = arith.constant 16 : i32
        %mul3A_1352 = arith.muli %scan3A_704, %mul3A_1351 : i32
        %swap3A_1353 = arith.constant 1 : i32
        %swap3A_1354 = arith.constant 3 : i32
        %swap3A_1355 = arith.constant 1 : i32
        %swap3A_1356 = arith.index_cast %swap3A_1353 : i32 to index
        %swap3A_1357 = arith.index_cast %swap3A_1354 : i32 to index
        %swap3A_1358 = arith.index_cast %swap3A_1355 : i32 to index
        %swap3A_1359 = arith.index_cast %mul3A_1352 : i32 to index
        %swap3A_1360 = tpu.vector_load %arg8[%swap3A_1356, %swap3A_1357, %swap3A_1358, %swap3A_1359] {strides = array<i32>} : memref<2x4x8x128xf32, #tpu.memory_space<vmem>>, vector<16xf32>,
        tpu.vector_store %arg8[%swap3A_1356, %swap3A_1357, %swap3A_1358, %swap3A_1359], %mul3A_1350 {strides = array<i32>} : memref<2x4x8x128xf32, #tpu.memory_space<vmem>>, vector<16xf32>,
        %slice3A_1361 = vector.extract_strided_slice %get3A_286 {offsets = [10], sizes = [1], strides = [1]} : vector<16xf32> to vector<1xf32>
        %squeeze3A_1362 = vector.extract %slice3A_1361[0] : f32 from vector<1xf32>
        %add3A_1363 = vector.broadcast %squeeze3A_1362 : f32 to vector<16xf32>
        %add3A_1364 = arith.addf %gather3A_933, %add3A_1363 : vector<16xf32>
        %mul3A_1365 = arith.mulf %add3A_1364, %select_n3A : vector<16xf32>
        %mul3A_1366 = arith.constant 16 : i32
        %mul3A_1367 = arith.muli %scan3A_704, %mul3A_1366 : i32
        %swap3A_1368 = arith.constant 1 : i32
        %swap3A_1369 = arith.constant 3 : i32
        %swap3A_1370 = arith.constant 2 : i32
        %swap3A_1371 = arith.index_cast %swap3A_1368 : i32 to index
        %swap3A_1372 = arith.index_cast %swap3A_1369 : i32 to index
        %swap3A_1373 = arith.index_cast %swap3A_1370 : i32 to index
        %swap3A_1374 = arith.index_cast %mul3A_1367 : i32 to index
        %swap3A_1375 = tpu.vector_load %arg8[%swap3A_1371, %swap3A_1372, %swap3A_1373, %swap3A_1374] {strides = array<i32>} : memref<2x4x8x128xf32, #tpu.memory_space<vmem>>, vector<16xf32>,
        tpu.vector_store %arg8[%swap3A_1371, %swap3A_1372, %swap3A_1373, %swap3A_1374], %mul3A_1365 {strides = array<i32>} : memref<2x4x8x128xf32, #tpu.memory_space<vmem>>, vector<16xf32>,
        %slice3A_1376 = vector.extract_strided_slice %get3A_286 {offsets = [11], sizes = [1], strides = [1]} : vector<16xf32> to vector<1xf32>
        %squeeze3A_1377 = vector.extract %slice3A_1376[0] : f32 from vector<1xf32>
        %add3A_1378 = vector.broadcast %squeeze3A_1377 : f32 to vector<16xf32>
        %add3A_1379 = arith.addf %gather3A_941, %add3A_1378 : vector<16xf32>
        %mul3A_1380 = arith.mulf %add3A_1379, %select_n3A : vector<16xf32>
        %mul3A_1381 = arith.constant 16 : i32
        %mul3A_1382 = arith.muli %scan3A_704, %mul3A_1381 : i32
        %swap3A_1383 = arith.constant 1 : i32
        %swap3A_1384 = arith.constant 3 : i32
        %swap3A_1385 = arith.constant 3 : i32
        %swap3A_1386 = arith.index_cast %swap3A_1383 : i32 to index
        %swap3A_1387 = arith.index_cast %swap3A_1384 : i32 to index
        %swap3A_1388 = arith.index_cast %swap3A_1385 : i32 to index
        %swap3A_1389 = arith.index_cast %mul3A_1382 : i32 to index
        %swap3A_1390 = tpu.vector_load %arg8[%swap3A_1386, %swap3A_1387, %swap3A_1388, %swap3A_1389] {strides = array<i32>} : memref<2x4x8x128xf32, #tpu.memory_space<vmem>>, vector<16xf32>,
        tpu.vector_store %arg8[%swap3A_1386, %swap3A_1387, %swap3A_1388, %swap3A_1389], %mul3A_1380 {strides = array<i32>} : memref<2x4x8x128xf32, #tpu.memory_space<vmem>>, vector<16xf32>,
        %slice3A_1391 = vector.extract_strided_slice %get3A_286 {offsets = [12], sizes = [1], strides = [1]} : vector<16xf32> to vector<1xf32>
        %squeeze3A_1392 = vector.extract %slice3A_1391[0] : f32 from vector<1xf32>
        %add3A_1393 = vector.broadcast %squeeze3A_1392 : f32 to vector<16xf32>
        %add3A_1394 = arith.addf %gather3A_949, %add3A_1393 : vector<16xf32>
        %mul3A_1395 = arith.mulf %add3A_1394, %select_n3A : vector<16xf32>
        %mul3A_1396 = arith.constant 16 : i32
        %mul3A_1397 = arith.muli %scan3A_704, %mul3A_1396 : i32
        %swap3A_1398 = arith.constant 1 : i32
        %swap3A_1399 = arith.constant 3 : i32
        %swap3A_1400 = arith.constant 4 : i32
        %swap3A_1401 = arith.index_cast %swap3A_1398 : i32 to index
        %swap3A_1402 = arith.index_cast %swap3A_1399 : i32 to index
        %swap3A_1403 = arith.index_cast %swap3A_1400 : i32 to index
        %swap3A_1404 = arith.index_cast %mul3A_1397 : i32 to index
        %swap3A_1405 = tpu.vector_load %arg8[%swap3A_1401, %swap3A_1402, %swap3A_1403, %swap3A_1404] {strides = array<i32>} : memref<2x4x8x128xf32, #tpu.memory_space<vmem>>, vector<16xf32>,
        tpu.vector_store %arg8[%swap3A_1401, %swap3A_1402, %swap3A_1403, %swap3A_1404], %mul3A_1395 {strides = array<i32>} : memref<2x4x8x128xf32, #tpu.memory_space<vmem>>, vector<16xf32>,
        %slice3A_1406 = vector.extract_strided_slice %get3A_286 {offsets = [13], sizes = [1], strides = [1]} : vector<16xf32> to vector<1xf32>
        %squeeze3A_1407 = vector.extract %slice3A_1406[0] : f32 from vector<1xf32>
        %add3A_1408 = vector.broadcast %squeeze3A_1407 : f32 to vector<16xf32>
        %add3A_1409 = arith.addf %gather3A_957, %add3A_1408 : vector<16xf32>
        %mul3A_1410 = arith.mulf %add3A_1409, %select_n3A : vector<16xf32>
        %mul3A_1411 = arith.constant 16 : i32
        %mul3A_1412 = arith.muli %scan3A_704, %mul3A_1411 : i32
        %swap3A_1413 = arith.constant 1 : i32
        %swap3A_1414 = arith.constant 3 : i32
        %swap3A_1415 = arith.constant 5 : i32
        %swap3A_1416 = arith.index_cast %swap3A_1413 : i32 to index
        %swap3A_1417 = arith.index_cast %swap3A_1414 : i32 to index
        %swap3A_1418 = arith.index_cast %swap3A_1415 : i32 to index
        %swap3A_1419 = arith.index_cast %mul3A_1412 : i32 to index
        %swap3A_1420 = tpu.vector_load %arg8[%swap3A_1416, %swap3A_1417, %swap3A_1418, %swap3A_1419] {strides = array<i32>} : memref<2x4x8x128xf32, #tpu.memory_space<vmem>>, vector<16xf32>,
        tpu.vector_store %arg8[%swap3A_1416, %swap3A_1417, %swap3A_1418, %swap3A_1419], %mul3A_1410 {strides = array<i32>} : memref<2x4x8x128xf32, #tpu.memory_space<vmem>>, vector<16xf32>,
        %slice3A_1421 = vector.extract_strided_slice %get3A_286 {offsets = [14], sizes = [1], strides = [1]} : vector<16xf32> to vector<1xf32>
        %squeeze3A_1422 = vector.extract %slice3A_1421[0] : f32 from vector<1xf32>
        %add3A_1423 = vector.broadcast %squeeze3A_1422 : f32 to vector<16xf32>
        %add3A_1424 = arith.addf %gather3A_965, %add3A_1423 : vector<16xf32>
        %mul3A_1425 = arith.mulf %add3A_1424, %select_n3A : vector<16xf32>
        %mul3A_1426 = arith.constant 16 : i32
        %mul3A_1427 = arith.muli %scan3A_704, %mul3A_1426 : i32
        %swap3A_1428 = arith.constant 1 : i32
        %swap3A_1429 = arith.constant 3 : i32
        %swap3A_1430 = arith.constant 6 : i32
        %swap3A_1431 = arith.index_cast %swap3A_1428 : i32 to index
        %swap3A_1432 = arith.index_cast %swap3A_1429 : i32 to index
        %swap3A_1433 = arith.index_cast %swap3A_1430 : i32 to index
        %swap3A_1434 = arith.index_cast %mul3A_1427 : i32 to index
        %swap3A_1435 = tpu.vector_load %arg8[%swap3A_1431, %swap3A_1432, %swap3A_1433, %swap3A_1434] {strides = array<i32>} : memref<2x4x8x128xf32, #tpu.memory_space<vmem>>, vector<16xf32>,
        tpu.vector_store %arg8[%swap3A_1431, %swap3A_1432, %swap3A_1433, %swap3A_1434], %mul3A_1425 {strides = array<i32>} : memref<2x4x8x128xf32, #tpu.memory_space<vmem>>, vector<16xf32>,
        %slice3A_1436 = vector.extract_strided_slice %get3A_286 {offsets = [15], sizes = [1], strides = [1]} : vector<16xf32> to vector<1xf32>
        %squeeze3A_1437 = vector.extract %slice3A_1436[0] : f32 from vector<1xf32>
        %add3A_1438 = vector.broadcast %squeeze3A_1437 : f32 to vector<16xf32>
        %add3A_1439 = arith.addf %gather3A_973, %add3A_1438 : vector<16xf32>
        %mul3A_1440 = arith.mulf %add3A_1439, %select_n3A : vector<16xf32>
        %mul3A_1441 = arith.constant 16 : i32
        %mul3A_1442 = arith.muli %scan3A_704, %mul3A_1441 : i32
        %swap3A_1443 = arith.constant 1 : i32
        %swap3A_1444 = arith.constant 3 : i32
        %swap3A_1445 = arith.constant 7 : i32
        %swap3A_1446 = arith.index_cast %swap3A_1443 : i32 to index
        %swap3A_1447 = arith.index_cast %swap3A_1444 : i32 to index
        %swap3A_1448 = arith.index_cast %swap3A_1445 : i32 to index
        %swap3A_1449 = arith.index_cast %mul3A_1442 : i32 to index
        %swap3A_1450 = tpu.vector_load %arg8[%swap3A_1446, %swap3A_1447, %swap3A_1448, %swap3A_1449] {strides = array<i32>} : memref<2x4x8x128xf32, #tpu.memory_space<vmem>>, vector<16xf32>,
        tpu.vector_store %arg8[%swap3A_1446, %swap3A_1447, %swap3A_1448, %swap3A_1449], %mul3A_1440 {strides = array<i32>} : memref<2x4x8x128xf32, #tpu.memory_space<vmem>>, vector<16xf32>,
      }
      %scan3A_293 = arith.constant 8 : i32
      %mul3A_294 = arith.constant 4 : i32
      %mul3A_295 = arith.muli %add3A_242, %mul3A_294 : i32
      %add3A_296 = arith.constant 0 : i32
      %add3A_297 = arith.addi %mul3A_295, %add3A_296 : i32
      %mul3A_298 = arith.constant 32 : i32
      %mul3A_299 = arith.muli %add3A_297, %mul3A_298 : i32
      %add3A_300 = arith.addi %mul3A_299, %add3A : i32
      %dma_start3A_301 = arith.constant 1 : i32
      %dma_start3A_302 = arith.constant 0 : i32
      %dma_start3A_303 = arith.constant 0 : i32
      %dma_start3A_304 = arith.constant 0 : i32
      %dma_start3A_305 = tpu.memref_slice %arg8[%dma_start3A_301, %dma_start3A_302, %dma_start3A_303, %dma_start3A_304] : memref<2x4x8x128xf32, #tpu.memory_space<vmem>> -> memref<1x1x8x128xf32, #tpu.memory_space<vmem>>
      %dma_start3A_306 = tpu.memref_squeeze %dma_start3A_305 : memref<1x1x8x128xf32, #tpu.memory_space<vmem>> -> memref<8x128xf32, #tpu.memory_space<vmem>>
      %dma_start3A_307 = arith.constant 0 : i32
      %dma_start3A_308 = arith.constant 0 : i32
      %dma_start3A_309 = tpu.memref_slice %arg5[%add3A_300, %dma_start3A_307, %dma_start3A_308] : memref<25600x8x128xf32, #tpu.memory_space<hbm>> -> memref<1x8x128xf32, #tpu.memory_space<hbm>>
      %dma_start3A_310 = tpu.memref_squeeze %dma_start3A_309 : memref<1x8x128xf32, #tpu.memory_space<hbm>> -> memref<8x128xf32, #tpu.memory_space<hbm>>
      %dma_start3A_311 = arith.constant 0 : i32
      %dma_start3A_312 = arith.constant 0 : i32
      %dma_start3A_313 = tpu.memref_slice %arg5[%add3A_300, %dma_start3A_311, %dma_start3A_312] : memref<25600x8x128xf32, #tpu.memory_space<hbm>> -> memref<1x8x128xf32, #tpu.memory_space<hbm>>
      %dma_start3A_314 = tpu.memref_squeeze %dma_start3A_313 : memref<1x8x128xf32, #tpu.memory_space<hbm>> -> memref<8x128xf32, #tpu.memory_space<hbm>>
      %dma_start3A_315 = arith.constant 0 : i32
      %dma_start3A_316 = arith.constant 0 : i32
      %dma_start3A_317 = tpu.memref_slice %arg8[%dma_start3A_301, %dma_start3A_302, %dma_start3A_315, %dma_start3A_316] : memref<2x4x8x128xf32, #tpu.memory_space<vmem>> -> memref<1x1x8x128xf32, #tpu.memory_space<vmem>>
      %dma_start3A_318 = tpu.memref_squeeze %dma_start3A_317 : memref<1x1x8x128xf32, #tpu.memory_space<vmem>> -> memref<8x128xf32, #tpu.memory_space<vmem>>
      tpu.enqueue_dma source(%dma_start3A_318 : memref<8x128xf32, #tpu.memory_space<vmem>>) target(%dma_start3A_314 : memref<8x128xf32, #tpu.memory_space<hbm>>) target_semaphore(%arg15 : memref<!tpu.dma_semaphore, #tpu.memory_space<semaphore_mem>>)
      %mul3A_319 = arith.constant 4 : i32
      %mul3A_320 = arith.muli %add3A_242, %mul3A_319 : i32
      %add3A_321 = arith.constant 1 : i32
      %add3A_322 = arith.addi %mul3A_320, %add3A_321 : i32
      %mul3A_323 = arith.constant 32 : i32
      %mul3A_324 = arith.muli %add3A_322, %mul3A_323 : i32
      %add3A_325 = arith.addi %mul3A_324, %add3A : i32
      %dma_start3A_326 = arith.constant 1 : i32
      %dma_start3A_327 = arith.constant 1 : i32
      %dma_start3A_328 = arith.constant 0 : i32
      %dma_start3A_329 = arith.constant 0 : i32
      %dma_start3A_330 = tpu.memref_slice %arg8[%dma_start3A_326, %dma_start3A_327, %dma_start3A_328, %dma_start3A_329] : memref<2x4x8x128xf32, #tpu.memory_space<vmem>> -> memref<1x1x8x128xf32, #tpu.memory_space<vmem>>
      %dma_start3A_331 = tpu.memref_squeeze %dma_start3A_330 : memref<1x1x8x128xf32, #tpu.memory_space<vmem>> -> memref<8x128xf32, #tpu.memory_space<vmem>>
      %dma_start3A_332 = arith.constant 0 : i32
      %dma_start3A_333 = arith.constant 0 : i32
      %dma_start3A_334 = tpu.memref_slice %arg5[%add3A_325, %dma_start3A_332, %dma_start3A_333] : memref<25600x8x128xf32, #tpu.memory_space<hbm>> -> memref<1x8x128xf32, #tpu.memory_space<hbm>>
      %dma_start3A_335 = tpu.memref_squeeze %dma_start3A_334 : memref<1x8x128xf32, #tpu.memory_space<hbm>> -> memref<8x128xf32, #tpu.memory_space<hbm>>
      %dma_start3A_336 = arith.constant 0 : i32
      %dma_start3A_337 = arith.constant 0 : i32
      %dma_start3A_338 = tpu.memref_slice %arg5[%add3A_325, %dma_start3A_336, %dma_start3A_337] : memref<25600x8x128xf32, #tpu.memory_space<hbm>> -> memref<1x8x128xf32, #tpu.memory_space<hbm>>
      %dma_start3A_339 = tpu.memref_squeeze %dma_start3A_338 : memref<1x8x128xf32, #tpu.memory_space<hbm>> -> memref<8x128xf32, #tpu.memory_space<hbm>>
      %dma_start3A_340 = arith.constant 0 : i32
      %dma_start3A_341 = arith.constant 0 : i32
      %dma_start3A_342 = tpu.memref_slice %arg8[%dma_start3A_326, %dma_start3A_327, %dma_start3A_340, %dma_start3A_341] : memref<2x4x8x128xf32, #tpu.memory_space<vmem>> -> memref<1x1x8x128xf32, #tpu.memory_space<vmem>>
      %dma_start3A_343 = tpu.memref_squeeze %dma_start3A_342 : memref<1x1x8x128xf32, #tpu.memory_space<vmem>> -> memref<8x128xf32, #tpu.memory_space<vmem>>
      tpu.enqueue_dma source(%dma_start3A_343 : memref<8x128xf32, #tpu.memory_space<vmem>>) target(%dma_start3A_339 : memref<8x128xf32, #tpu.memory_space<hbm>>) target_semaphore(%arg15 : memref<!tpu.dma_semaphore, #tpu.memory_space<semaphore_mem>>)
      %mul3A_344 = arith.constant 4 : i32
      %mul3A_345 = arith.muli %add3A_242, %mul3A_344 : i32
      %add3A_346 = arith.constant 2 : i32
      %add3A_347 = arith.addi %mul3A_345, %add3A_346 : i32
      %mul3A_348 = arith.constant 32 : i32
      %mul3A_349 = arith.muli %add3A_347, %mul3A_348 : i32
      %add3A_350 = arith.addi %mul3A_349, %add3A : i32
      %dma_start3A_351 = arith.constant 1 : i32
      %dma_start3A_352 = arith.constant 2 : i32
      %dma_start3A_353 = arith.constant 0 : i32
      %dma_start3A_354 = arith.constant 0 : i32
      %dma_start3A_355 = tpu.memref_slice %arg8[%dma_start3A_351, %dma_start3A_352, %dma_start3A_353, %dma_start3A_354] : memref<2x4x8x128xf32, #tpu.memory_space<vmem>> -> memref<1x1x8x128xf32, #tpu.memory_space<vmem>>
      %dma_start3A_356 = tpu.memref_squeeze %dma_start3A_355 : memref<1x1x8x128xf32, #tpu.memory_space<vmem>> -> memref<8x128xf32, #tpu.memory_space<vmem>>
      %dma_start3A_357 = arith.constant 0 : i32
      %dma_start3A_358 = arith.constant 0 : i32
      %dma_start3A_359 = tpu.memref_slice %arg5[%add3A_350, %dma_start3A_357, %dma_start3A_358] : memref<25600x8x128xf32, #tpu.memory_space<hbm>> -> memref<1x8x128xf32, #tpu.memory_space<hbm>>
      %dma_start3A_360 = tpu.memref_squeeze %dma_start3A_359 : memref<1x8x128xf32, #tpu.memory_space<hbm>> -> memref<8x128xf32, #tpu.memory_space<hbm>>
      %dma_start3A_361 = arith.constant 0 : i32
      %dma_start3A_362 = arith.constant 0 : i32
      %dma_start3A_363 = tpu.memref_slice %arg5[%add3A_350, %dma_start3A_361, %dma_start3A_362] : memref<25600x8x128xf32, #tpu.memory_space<hbm>> -> memref<1x8x128xf32, #tpu.memory_space<hbm>>
      %dma_start3A_364 = tpu.memref_squeeze %dma_start3A_363 : memref<1x8x128xf32, #tpu.memory_space<hbm>> -> memref<8x128xf32, #tpu.memory_space<hbm>>
      %dma_start3A_365 = arith.constant 0 : i32
      %dma_start3A_366 = arith.constant 0 : i32
      %dma_start3A_367 = tpu.memref_slice %arg8[%dma_start3A_351, %dma_start3A_352, %dma_start3A_365, %dma_start3A_366] : memref<2x4x8x128xf32, #tpu.memory_space<vmem>> -> memref<1x1x8x128xf32, #tpu.memory_space<vmem>>
      %dma_start3A_368 = tpu.memref_squeeze %dma_start3A_367 : memref<1x1x8x128xf32, #tpu.memory_space<vmem>> -> memref<8x128xf32, #tpu.memory_space<vmem>>
      tpu.enqueue_dma source(%dma_start3A_368 : memref<8x128xf32, #tpu.memory_space<vmem>>) target(%dma_start3A_364 : memref<8x128xf32, #tpu.memory_space<hbm>>) target_semaphore(%arg15 : memref<!tpu.dma_semaphore, #tpu.memory_space<semaphore_mem>>)
      %mul3A_369 = arith.constant 4 : i32
      %mul3A_370 = arith.muli %add3A_242, %mul3A_369 : i32
      %add3A_371 = arith.constant 3 : i32
      %add3A_372 = arith.addi %mul3A_370, %add3A_371 : i32
      %mul3A_373 = arith.constant 32 : i32
      %mul3A_374 = arith.muli %add3A_372, %mul3A_373 : i32
      %add3A_375 = arith.addi %mul3A_374, %add3A : i32
      %dma_start3A_376 = arith.constant 1 : i32
      %dma_start3A_377 = arith.constant 3 : i32
      %dma_start3A_378 = arith.constant 0 : i32
      %dma_start3A_379 = arith.constant 0 : i32
      %dma_start3A_380 = tpu.memref_slice %arg8[%dma_start3A_376, %dma_start3A_377, %dma_start3A_378, %dma_start3A_379] : memref<2x4x8x128xf32, #tpu.memory_space<vmem>> -> memref<1x1x8x128xf32, #tpu.memory_space<vmem>>
      %dma_start3A_381 = tpu.memref_squeeze %dma_start3A_380 : memref<1x1x8x128xf32, #tpu.memory_space<vmem>> -> memref<8x128xf32, #tpu.memory_space<vmem>>
      %dma_start3A_382 = arith.constant 0 : i32
      %dma_start3A_383 = arith.constant 0 : i32
      %dma_start3A_384 = tpu.memref_slice %arg5[%add3A_375, %dma_start3A_382, %dma_start3A_383] : memref<25600x8x128xf32, #tpu.memory_space<hbm>> -> memref<1x8x128xf32, #tpu.memory_space<hbm>>
      %dma_start3A_385 = tpu.memref_squeeze %dma_start3A_384 : memref<1x8x128xf32, #tpu.memory_space<hbm>> -> memref<8x128xf32, #tpu.memory_space<hbm>>
      %dma_start3A_386 = arith.constant 0 : i32
      %dma_start3A_387 = arith.constant 0 : i32
      %dma_start3A_388 = tpu.memref_slice %arg5[%add3A_375, %dma_start3A_386, %dma_start3A_387] : memref<25600x8x128xf32, #tpu.memory_space<hbm>> -> memref<1x8x128xf32, #tpu.memory_space<hbm>>
      %dma_start3A_389 = tpu.memref_squeeze %dma_start3A_388 : memref<1x8x128xf32, #tpu.memory_space<hbm>> -> memref<8x128xf32, #tpu.memory_space<hbm>>
      %dma_start3A_390 = arith.constant 0 : i32
      %dma_start3A_391 = arith.constant 0 : i32
      %dma_start3A_392 = tpu.memref_slice %arg8[%dma_start3A_376, %dma_start3A_377, %dma_start3A_390, %dma_start3A_391] : memref<2x4x8x128xf32, #tpu.memory_space<vmem>> -> memref<1x1x8x128xf32, #tpu.memory_space<vmem>>
      %dma_start3A_393 = tpu.memref_squeeze %dma_start3A_392 : memref<1x1x8x128xf32, #tpu.memory_space<vmem>> -> memref<8x128xf32, #tpu.memory_space<vmem>>
      tpu.enqueue_dma source(%dma_start3A_393 : memref<8x128xf32, #tpu.memory_space<vmem>>) target(%dma_start3A_389 : memref<8x128xf32, #tpu.memory_space<hbm>>) target_semaphore(%arg15 : memref<!tpu.dma_semaphore, #tpu.memory_space<semaphore_mem>>)
      %mul3A_394 = arith.constant 4 : i32
      %mul3A_395 = arith.muli %scan3A_89, %mul3A_394 : i32
      %add3A_396 = arith.constant 2 : i32
      %add3A_397 = arith.addi %mul3A_395, %add3A_396 : i32
      %dma_wait3A_398 = arith.constant 2 : i32
      %dma_wait3A_399 = arith.constant 2 : i32
      %dma_wait3A_400 = arith.constant 0 : i32
      %dma_wait3A_401 = arith.constant 0 : i32
      %dma_wait3A_402 = tpu.memref_slice %arg7[%dma_wait3A_399, %dma_wait3A_400, %dma_wait3A_401] : memref<4x128x32xf32, #tpu.memory_space<vmem>> -> memref<1x128x32xf32, #tpu.memory_space<vmem>>
      %dma_wait3A_403 = tpu.memref_squeeze %dma_wait3A_402 : memref<1x128x32xf32, #tpu.memory_space<vmem>> -> memref<128x32xf32, #tpu.memory_space<vmem>>
      %dma_wait3A_404 = arith.constant 0 : i32
      %dma_wait3A_405 = tpu.memref_slice %arg6[%dma_wait3A_398, %dma_wait3A_404] : memref<4x128xi32, #tpu.memory_space<vmem>> -> memref<1x128xi32, #tpu.memory_space<vmem>>
      %dma_wait3A_406 = tpu.memref_squeeze %dma_wait3A_405 : memref<1x128xi32, #tpu.memory_space<vmem>> -> memref<128xi32, #tpu.memory_space<vmem>>
      %dma_wait3A_407 = arith.constant 0 : i32
      %dma_wait3A_408 = arith.constant 0 : i32
      %dma_wait3A_409 = tpu.memref_slice %arg3[%dma_wait3A_407, %dma_wait3A_408] : memref<1000000x32xf32, #tpu.memory_space<hbm>> -> memref<1000000x32xf32, #tpu.memory_space<hbm>>
      tpu.wait_indirect_dma semaphore(%arg12 : memref<!tpu.dma_semaphore, #tpu.memory_space<semaphore_mem>>) src(%dma_wait3A_409 : memref<1000000x32xf32, #tpu.memory_space<hbm>>) dst(%dma_wait3A_403 : memref<128x32xf32, #tpu.memory_space<vmem>>)
      %add3A_410 = arith.constant 3 : i32
      %add3A_411 = arith.addi %add3A_397, %add3A_410 : i32
      %lt3A_412 = arith.constant 200 : i32
      %lt3A_413 = arith.cmpi slt, %add3A_411, %lt3A_412 : i32
      %convert_element_type3A_414 = arith.extui %lt3A_413 : i1 to i32
      %cond3A_415 = arith.constant 0 : i32
      %cond3A_416 = arith.cmpi ne, %convert_element_type3A_414, %cond3A_415 : i32
      scf.if %cond3A_416 {
        %add3A_704 = arith.constant 3 : i32
        %add3A_705 = arith.addi %add3A_397, %add3A_704 : i32
        %dma_start3A_706 = arith.constant 1 : i32
        %dma_start3A_707 = arith.constant 0 : i32
        %dma_start3A_708 = tpu.memref_slice %arg6[%dma_start3A_706, %dma_start3A_707] : memref<4x128xi32, #tpu.memory_space<vmem>> -> memref<1x128xi32, #tpu.memory_space<vmem>>
        %dma_start3A_709 = tpu.memref_squeeze %dma_start3A_708 : memref<1x128xi32, #tpu.memory_space<vmem>> -> memref<128xi32, #tpu.memory_space<vmem>>
        %dma_start3A_710 = arith.constant 0 : i32
        %dma_start3A_711 = tpu.memref_slice %arg2[%add3A_705, %add3A, %dma_start3A_710] : memref<200x32x128xi32, #tpu.memory_space<hbm>> -> memref<1x1x128xi32, #tpu.memory_space<hbm>>
        %dma_start3A_712 = tpu.memref_squeeze %dma_start3A_711 : memref<1x1x128xi32, #tpu.memory_space<hbm>> -> memref<128xi32, #tpu.memory_space<hbm>>
        %dma_start3A_713 = arith.constant 0 : i32
        %dma_start3A_714 = tpu.memref_slice %arg6[%dma_start3A_706, %dma_start3A_713] : memref<4x128xi32, #tpu.memory_space<vmem>> -> memref<1x128xi32, #tpu.memory_space<vmem>>
        %dma_start3A_715 = tpu.memref_squeeze %dma_start3A_714 : memref<1x128xi32, #tpu.memory_space<vmem>> -> memref<128xi32, #tpu.memory_space<vmem>>
        %dma_start3A_716 = arith.constant 0 : i32
        %dma_start3A_717 = tpu.memref_slice %arg2[%add3A_705, %add3A, %dma_start3A_716] : memref<200x32x128xi32, #tpu.memory_space<hbm>> -> memref<1x1x128xi32, #tpu.memory_space<hbm>>
        %dma_start3A_718 = tpu.memref_squeeze %dma_start3A_717 : memref<1x1x128xi32, #tpu.memory_space<hbm>> -> memref<128xi32, #tpu.memory_space<hbm>>
        tpu.enqueue_dma source(%dma_start3A_718 : memref<128xi32, #tpu.memory_space<hbm>>) target(%dma_start3A_715 : memref<128xi32, #tpu.memory_space<vmem>>) target_semaphore(%arg17 : memref<!tpu.dma_semaphore, #tpu.memory_space<semaphore_mem>>)
      } else {
      }
      %add3A_417 = arith.constant 2 : i32
      %add3A_418 = arith.addi %add3A_397, %add3A_417 : i32
      %lt3A_419 = arith.constant 200 : i32
      %lt3A_420 = arith.cmpi slt, %add3A_418, %lt3A_419 : i32
      %convert_element_type3A_421 = arith.extui %lt3A_420 : i1 to i32
      %cond3A_422 = arith.constant 0 : i32
      %cond3A_423 = arith.cmpi ne, %convert_element_type3A_421, %cond3A_422 : i32
      scf.if %cond3A_423 {
        %add3A_704 = arith.constant 2 : i32
        %add3A_705 = arith.addi %add3A_397, %add3A_704 : i32
        %dma_wait3A_706 = arith.constant 0 : i32
        %dma_wait3A_707 = arith.constant 0 : i32
        %dma_wait3A_708 = tpu.memref_slice %arg6[%dma_wait3A_706, %dma_wait3A_707] : memref<4x128xi32, #tpu.memory_space<vmem>> -> memref<1x128xi32, #tpu.memory_space<vmem>>
        %dma_wait3A_709 = tpu.memref_squeeze %dma_wait3A_708 : memref<1x128xi32, #tpu.memory_space<vmem>> -> memref<128xi32, #tpu.memory_space<vmem>>
        %dma_wait3A_710 = arith.constant 0 : i32
        %dma_wait3A_711 = tpu.memref_slice %arg2[%add3A_705, %add3A, %dma_wait3A_710] : memref<200x32x128xi32, #tpu.memory_space<hbm>> -> memref<1x1x128xi32, #tpu.memory_space<hbm>>
        %dma_wait3A_712 = tpu.memref_squeeze %dma_wait3A_711 : memref<1x1x128xi32, #tpu.memory_space<hbm>> -> memref<128xi32, #tpu.memory_space<hbm>>
        %dma_wait3A_713 = arith.constant 0 : i32
        %dma_wait3A_714 = tpu.memref_slice %arg6[%dma_wait3A_706, %dma_wait3A_713] : memref<4x128xi32, #tpu.memory_space<vmem>> -> memref<1x128xi32, #tpu.memory_space<vmem>>
        %dma_wait3A_715 = tpu.memref_squeeze %dma_wait3A_714 : memref<1x128xi32, #tpu.memory_space<vmem>> -> memref<128xi32, #tpu.memory_space<vmem>>
        %dma_wait3A_716 = arith.constant 0 : i32
        %dma_wait3A_717 = tpu.memref_slice %arg2[%add3A_705, %add3A, %dma_wait3A_716] : memref<200x32x128xi32, #tpu.memory_space<hbm>> -> memref<1x1x128xi32, #tpu.memory_space<hbm>>
        %dma_wait3A_718 = tpu.memref_squeeze %dma_wait3A_717 : memref<1x1x128xi32, #tpu.memory_space<hbm>> -> memref<128xi32, #tpu.memory_space<hbm>>
        tpu.wait_dma2 semaphore(%arg16 : memref<!tpu.dma_semaphore, #tpu.memory_space<semaphore_mem>>) src(%dma_wait3A_718 : memref<128xi32, #tpu.memory_space<hbm>>) dst(%dma_wait3A_715 : memref<128xi32, #tpu.memory_space<vmem>>)
      } else {
      }
      %add3A_424 = arith.constant 2 : i32
      %add3A_425 = arith.addi %add3A_397, %add3A_424 : i32
      %lt3A_426 = arith.constant 200 : i32
      %lt3A_427 = arith.cmpi slt, %add3A_425, %lt3A_426 : i32
      %convert_element_type3A_428 = arith.extui %lt3A_427 : i1 to i32
      %cond3A_429 = arith.constant 0 : i32
      %cond3A_430 = arith.cmpi ne, %convert_element_type3A_428, %cond3A_429 : i32
      scf.if %cond3A_430 {
        %dma_start3A_704 = arith.constant 0 : i32
        %dma_start3A_705 = arith.constant 0 : i32
        %dma_start3A_706 = arith.constant 0 : i32
        %dma_start3A_707 = arith.constant 0 : i32
        %dma_start3A_708 = tpu.memref_slice %arg7[%dma_start3A_705, %dma_start3A_706, %dma_start3A_707] : memref<4x128x32xf32, #tpu.memory_space<vmem>> -> memref<1x128x32xf32, #tpu.memory_space<vmem>>
        %dma_start3A_709 = tpu.memref_squeeze %dma_start3A_708 : memref<1x128x32xf32, #tpu.memory_space<vmem>> -> memref<128x32xf32, #tpu.memory_space<vmem>>
        %dma_start3A_710 = arith.constant 0 : i32
        %dma_start3A_711 = tpu.memref_slice %arg6[%dma_start3A_704, %dma_start3A_710] : memref<4x128xi32, #tpu.memory_space<vmem>> -> memref<1x128xi32, #tpu.memory_space<vmem>>
        %dma_start3A_712 = tpu.memref_squeeze %dma_start3A_711 : memref<1x128xi32, #tpu.memory_space<vmem>> -> memref<128xi32, #tpu.memory_space<vmem>>
        %dma_start3A_713 = arith.constant 0 : i32
        %dma_start3A_714 = arith.constant 0 : i32
        %dma_start3A_715 = tpu.memref_slice %arg3[%dma_start3A_713, %dma_start3A_714] : memref<1000000x32xf32, #tpu.memory_space<hbm>> -> memref<1000000x32xf32, #tpu.memory_space<hbm>>
        tpu.enqueue_indirect_dma source(%dma_start3A_715 : memref<1000000x32xf32, #tpu.memory_space<hbm>>) target(%dma_start3A_709 : memref<128x32xf32, #tpu.memory_space<vmem>>) offsets(%dma_start3A_712 : memref<128xi32, #tpu.memory_space<vmem>>) semaphore(%arg10 : memref<!tpu.dma_semaphore, #tpu.memory_space<semaphore_mem>>)
      } else {
      }
      %ge3A_431 = arith.constant 2 : i32
      %ge3A_432 = arith.cmpi sge, %add3A_397, %ge3A_431 : i32
      %convert_element_type3A_433 = arith.extui %ge3A_432 : i1 to i32
      %cond3A_434 = arith.constant 0 : i32
      %cond3A_435 = arith.cmpi ne, %convert_element_type3A_433, %cond3A_434 : i32
      scf.if %cond3A_435 {
        %dma_wait3A_704 = arith.constant 0 : i32
        %dma_wait3A_705 = arith.constant 0 : i32
        %dma_wait3A_706 = arith.constant 0 : i32
        %dma_wait3A_707 = arith.constant 0 : i32
        %dma_wait3A_708 = tpu.memref_slice %arg8[%dma_wait3A_704, %dma_wait3A_705, %dma_wait3A_706, %dma_wait3A_707] : memref<2x4x8x128xf32, #tpu.memory_space<vmem>> -> memref<1x4x8x128xf32, #tpu.memory_space<vmem>>
        %dma_wait3A_709 = tpu.memref_squeeze %dma_wait3A_708 : memref<1x4x8x128xf32, #tpu.memory_space<vmem>> -> memref<4x8x128xf32, #tpu.memory_space<vmem>>
        %dma_wait3A_710 = arith.constant 0 : i32
        %dma_wait3A_711 = arith.constant 0 : i32
        %dma_wait3A_712 = arith.constant 0 : i32
        %dma_wait3A_713 = tpu.memref_slice %arg5[%dma_wait3A_710, %dma_wait3A_711, %dma_wait3A_712] : memref<25600x8x128xf32, #tpu.memory_space<hbm>> -> memref<4x8x128xf32, #tpu.memory_space<hbm>>
        %dma_wait3A_714 = arith.constant 0 : i32
        %dma_wait3A_715 = arith.constant 0 : i32
        %dma_wait3A_716 = arith.constant 0 : i32
        %dma_wait3A_717 = tpu.memref_slice %arg5[%dma_wait3A_714, %dma_wait3A_715, %dma_wait3A_716] : memref<25600x8x128xf32, #tpu.memory_space<hbm>> -> memref<4x8x128xf32, #tpu.memory_space<hbm>>
        %dma_wait3A_718 = arith.constant 0 : i32
        %dma_wait3A_719 = arith.constant 0 : i32
        %dma_wait3A_720 = arith.constant 0 : i32
        %dma_wait3A_721 = tpu.memref_slice %arg8[%dma_wait3A_704, %dma_wait3A_718, %dma_wait3A_719, %dma_wait3A_720] : memref<2x4x8x128xf32, #tpu.memory_space<vmem>> -> memref<1x4x8x128xf32, #tpu.memory_space<vmem>>
        %dma_wait3A_722 = tpu.memref_squeeze %dma_wait3A_721 : memref<1x4x8x128xf32, #tpu.memory_space<vmem>> -> memref<4x8x128xf32, #tpu.memory_space<vmem>>
        tpu.wait_dma2 semaphore(%arg14 : memref<!tpu.dma_semaphore, #tpu.memory_space<semaphore_mem>>) src(%dma_wait3A_722 : memref<4x8x128xf32, #tpu.memory_space<vmem>>) dst(%dma_wait3A_717 : memref<4x8x128xf32, #tpu.memory_space<hbm>>)
      } else {
      }
      %get3A_436 = arith.index_cast %scan3A_89 : i32 to index
      %get3A_437 = arith.constant 64 : index
      %get3A_438 = tpu.vector_load %arg9[%get3A_436, %get3A_437] {strides = array<i32>} : memref<50x128xf32, #tpu.memory_space<vmem>>, vector<16xf32>,
      %get3A_439 = arith.index_cast %scan3A_89 : i32 to index
      %get3A_440 = arith.constant 80 : index
      %get3A_441 = tpu.vector_load %arg9[%get3A_439, %get3A_440] {strides = array<i32>} : memref<50x128xf32, #tpu.memory_space<vmem>>, vector<16xf32>,
      %iota3A_442 = tpu.iota {dimensions = array<i32: 0>} : vector<16xi32>
      %scan3A_443 = arith.constant 0 : i32
      %scan3A_444 = arith.constant 0 : i32
      %scan3A_445 = arith.constant 8 : i32
      %scan3A_446 = arith.addi %scan3A_444, %scan3A_445 : i32
      %scan3A_447 = arith.constant 1 : i32
      scf.for %scan3A_704 = %scan3A_444 to %scan3A_446 step %scan3A_447  : i32 {
        %mul3A_705 = arith.constant 16 : i32
        %mul3A_706 = arith.muli %scan3A_704, %mul3A_705 : i32
        %get3A_707 = arith.constant 2 : i32
        %get3A_708 = arith.index_cast %get3A_707 : i32 to index
        %get3A_709 = arith.index_cast %mul3A_706 : i32 to index
        %get3A_710 = tpu.vector_load %arg6[%get3A_708, %get3A_709] {strides = array<i32>} : memref<4x128xi32, #tpu.memory_space<vmem>>, vector<16xi32>,
        %ne3A = arith.constant 0 : i32
        %ne3A_711 = vector.broadcast %ne3A : i32 to vector<16xi32>
        %ne3A_712 = arith.cmpi ne, %get3A_710, %ne3A_711 : vector<16xi32>
        %jit3A = arith.constant 5.65685415 : f32
        %jit3A_713 = arith.constant 0.000000e+00 : f32
        %broadcast_in_dim3A = vector.broadcast %jit3A : f32 to vector<16xf32>
        %broadcast_in_dim3A_714 = vector.broadcast %jit3A_713 : f32 to vector<16xf32>
        %select_n3A = arith.select %ne3A_712, %broadcast_in_dim3A, %broadcast_in_dim3A_714 : vector<16xi1>, vector<16xf32>
        %mul3A_715 = arith.constant 16 : i32
        %mul3A_716 = arith.muli %scan3A_704, %mul3A_715 : i32
        %add3A_717 = vector.broadcast %mul3A_716 : i32 to vector<16xi32>
        %add3A_718 = arith.addi %iota3A_442, %add3A_717 : vector<16xi32>
        %broadcast_in_dim3A_719 = arith.constant 0 : i32
        %broadcast_in_dim3A_720 = vector.broadcast %broadcast_in_dim3A_719 : i32 to vector<16xi32>
        %gather3A = arith.constant 2 : i32
        %gather3A_721 = arith.constant 0 : i32
        %gather3A_722 = arith.constant 0 : i32
        %gather3A_723 = tpu.memref_slice %arg7[%gather3A, %gather3A_721, %gather3A_722] : memref<4x128x32xf32, #tpu.memory_space<vmem>> -> memref<1x128x32xf32, #tpu.memory_space<vmem>>
        %gather3A_724 = tpu.memref_squeeze %gather3A_723 : memref<1x128x32xf32, #tpu.memory_space<vmem>> -> memref<128x32xf32, #tpu.memory_space<vmem>>
        %gather3A_725 = tpu.vector_load_idx %gather3A_724[%add3A_718, %broadcast_in_dim3A_720] : memref<128x32xf32, #tpu.memory_space<vmem>>[vector<16xi32>, vector<16xi32>], vector<16xf32>,
        %broadcast_in_dim3A_726 = arith.constant 1 : i32
        %broadcast_in_dim3A_727 = vector.broadcast %broadcast_in_dim3A_726 : i32 to vector<16xi32>
        %gather3A_728 = arith.constant 2 : i32
        %gather3A_729 = arith.constant 0 : i32
        %gather3A_730 = arith.constant 0 : i32
        %gather3A_731 = tpu.memref_slice %arg7[%gather3A_728, %gather3A_729, %gather3A_730] : memref<4x128x32xf32, #tpu.memory_space<vmem>> -> memref<1x128x32xf32, #tpu.memory_space<vmem>>
        %gather3A_732 = tpu.memref_squeeze %gather3A_731 : memref<1x128x32xf32, #tpu.memory_space<vmem>> -> memref<128x32xf32, #tpu.memory_space<vmem>>
        %gather3A_733 = tpu.vector_load_idx %gather3A_732[%add3A_718, %broadcast_in_dim3A_727] : memref<128x32xf32, #tpu.memory_space<vmem>>[vector<16xi32>, vector<16xi32>], vector<16xf32>,
        %broadcast_in_dim3A_734 = arith.constant 2 : i32
        %broadcast_in_dim3A_735 = vector.broadcast %broadcast_in_dim3A_734 : i32 to vector<16xi32>
        %gather3A_736 = arith.constant 2 : i32
        %gather3A_737 = arith.constant 0 : i32
        %gather3A_738 = arith.constant 0 : i32
        %gather3A_739 = tpu.memref_slice %arg7[%gather3A_736, %gather3A_737, %gather3A_738] : memref<4x128x32xf32, #tpu.memory_space<vmem>> -> memref<1x128x32xf32, #tpu.memory_space<vmem>>
        %gather3A_740 = tpu.memref_squeeze %gather3A_739 : memref<1x128x32xf32, #tpu.memory_space<vmem>> -> memref<128x32xf32, #tpu.memory_space<vmem>>
        %gather3A_741 = tpu.vector_load_idx %gather3A_740[%add3A_718, %broadcast_in_dim3A_735] : memref<128x32xf32, #tpu.memory_space<vmem>>[vector<16xi32>, vector<16xi32>], vector<16xf32>,
        %broadcast_in_dim3A_742 = arith.constant 3 : i32
        %broadcast_in_dim3A_743 = vector.broadcast %broadcast_in_dim3A_742 : i32 to vector<16xi32>
        %gather3A_744 = arith.constant 2 : i32
        %gather3A_745 = arith.constant 0 : i32
        %gather3A_746 = arith.constant 0 : i32
        %gather3A_747 = tpu.memref_slice %arg7[%gather3A_744, %gather3A_745, %gather3A_746] : memref<4x128x32xf32, #tpu.memory_space<vmem>> -> memref<1x128x32xf32, #tpu.memory_space<vmem>>
        %gather3A_748 = tpu.memref_squeeze %gather3A_747 : memref<1x128x32xf32, #tpu.memory_space<vmem>> -> memref<128x32xf32, #tpu.memory_space<vmem>>
        %gather3A_749 = tpu.vector_load_idx %gather3A_748[%add3A_718, %broadcast_in_dim3A_743] : memref<128x32xf32, #tpu.memory_space<vmem>>[vector<16xi32>, vector<16xi32>], vector<16xf32>,
        %broadcast_in_dim3A_750 = arith.constant 4 : i32
        %broadcast_in_dim3A_751 = vector.broadcast %broadcast_in_dim3A_750 : i32 to vector<16xi32>
        %gather3A_752 = arith.constant 2 : i32
        %gather3A_753 = arith.constant 0 : i32
        %gather3A_754 = arith.constant 0 : i32
        %gather3A_755 = tpu.memref_slice %arg7[%gather3A_752, %gather3A_753, %gather3A_754] : memref<4x128x32xf32, #tpu.memory_space<vmem>> -> memref<1x128x32xf32, #tpu.memory_space<vmem>>
        %gather3A_756 = tpu.memref_squeeze %gather3A_755 : memref<1x128x32xf32, #tpu.memory_space<vmem>> -> memref<128x32xf32, #tpu.memory_space<vmem>>
        %gather3A_757 = tpu.vector_load_idx %gather3A_756[%add3A_718, %broadcast_in_dim3A_751] : memref<128x32xf32, #tpu.memory_space<vmem>>[vector<16xi32>, vector<16xi32>], vector<16xf32>,
        %broadcast_in_dim3A_758 = arith.constant 5 : i32
        %broadcast_in_dim3A_759 = vector.broadcast %broadcast_in_dim3A_758 : i32 to vector<16xi32>
        %gather3A_760 = arith.constant 2 : i32
        %gather3A_761 = arith.constant 0 : i32
        %gather3A_762 = arith.constant 0 : i32
        %gather3A_763 = tpu.memref_slice %arg7[%gather3A_760, %gather3A_761, %gather3A_762] : memref<4x128x32xf32, #tpu.memory_space<vmem>> -> memref<1x128x32xf32, #tpu.memory_space<vmem>>
        %gather3A_764 = tpu.memref_squeeze %gather3A_763 : memref<1x128x32xf32, #tpu.memory_space<vmem>> -> memref<128x32xf32, #tpu.memory_space<vmem>>
        %gather3A_765 = tpu.vector_load_idx %gather3A_764[%add3A_718, %broadcast_in_dim3A_759] : memref<128x32xf32, #tpu.memory_space<vmem>>[vector<16xi32>, vector<16xi32>], vector<16xf32>,
        %broadcast_in_dim3A_766 = arith.constant 6 : i32
        %broadcast_in_dim3A_767 = vector.broadcast %broadcast_in_dim3A_766 : i32 to vector<16xi32>
        %gather3A_768 = arith.constant 2 : i32
        %gather3A_769 = arith.constant 0 : i32
        %gather3A_770 = arith.constant 0 : i32
        %gather3A_771 = tpu.memref_slice %arg7[%gather3A_768, %gather3A_769, %gather3A_770] : memref<4x128x32xf32, #tpu.memory_space<vmem>> -> memref<1x128x32xf32, #tpu.memory_space<vmem>>
        %gather3A_772 = tpu.memref_squeeze %gather3A_771 : memref<1x128x32xf32, #tpu.memory_space<vmem>> -> memref<128x32xf32, #tpu.memory_space<vmem>>
        %gather3A_773 = tpu.vector_load_idx %gather3A_772[%add3A_718, %broadcast_in_dim3A_767] : memref<128x32xf32, #tpu.memory_space<vmem>>[vector<16xi32>, vector<16xi32>], vector<16xf32>,
        %broadcast_in_dim3A_774 = arith.constant 7 : i32
        %broadcast_in_dim3A_775 = vector.broadcast %broadcast_in_dim3A_774 : i32 to vector<16xi32>
        %gather3A_776 = arith.constant 2 : i32
        %gather3A_777 = arith.constant 0 : i32
        %gather3A_778 = arith.constant 0 : i32
        %gather3A_779 = tpu.memref_slice %arg7[%gather3A_776, %gather3A_777, %gather3A_778] : memref<4x128x32xf32, #tpu.memory_space<vmem>> -> memref<1x128x32xf32, #tpu.memory_space<vmem>>
        %gather3A_780 = tpu.memref_squeeze %gather3A_779 : memref<1x128x32xf32, #tpu.memory_space<vmem>> -> memref<128x32xf32, #tpu.memory_space<vmem>>
        %gather3A_781 = tpu.vector_load_idx %gather3A_780[%add3A_718, %broadcast_in_dim3A_775] : memref<128x32xf32, #tpu.memory_space<vmem>>[vector<16xi32>, vector<16xi32>], vector<16xf32>,
        %broadcast_in_dim3A_782 = arith.constant 8 : i32
        %broadcast_in_dim3A_783 = vector.broadcast %broadcast_in_dim3A_782 : i32 to vector<16xi32>
        %gather3A_784 = arith.constant 2 : i32
        %gather3A_785 = arith.constant 0 : i32
        %gather3A_786 = arith.constant 0 : i32
        %gather3A_787 = tpu.memref_slice %arg7[%gather3A_784, %gather3A_785, %gather3A_786] : memref<4x128x32xf32, #tpu.memory_space<vmem>> -> memref<1x128x32xf32, #tpu.memory_space<vmem>>
        %gather3A_788 = tpu.memref_squeeze %gather3A_787 : memref<1x128x32xf32, #tpu.memory_space<vmem>> -> memref<128x32xf32, #tpu.memory_space<vmem>>
        %gather3A_789 = tpu.vector_load_idx %gather3A_788[%add3A_718, %broadcast_in_dim3A_783] : memref<128x32xf32, #tpu.memory_space<vmem>>[vector<16xi32>, vector<16xi32>], vector<16xf32>,
        %broadcast_in_dim3A_790 = arith.constant 9 : i32
        %broadcast_in_dim3A_791 = vector.broadcast %broadcast_in_dim3A_790 : i32 to vector<16xi32>
        %gather3A_792 = arith.constant 2 : i32
        %gather3A_793 = arith.constant 0 : i32
        %gather3A_794 = arith.constant 0 : i32
        %gather3A_795 = tpu.memref_slice %arg7[%gather3A_792, %gather3A_793, %gather3A_794] : memref<4x128x32xf32, #tpu.memory_space<vmem>> -> memref<1x128x32xf32, #tpu.memory_space<vmem>>
        %gather3A_796 = tpu.memref_squeeze %gather3A_795 : memref<1x128x32xf32, #tpu.memory_space<vmem>> -> memref<128x32xf32, #tpu.memory_space<vmem>>
        %gather3A_797 = tpu.vector_load_idx %gather3A_796[%add3A_718, %broadcast_in_dim3A_791] : memref<128x32xf32, #tpu.memory_space<vmem>>[vector<16xi32>, vector<16xi32>], vector<16xf32>,
        %broadcast_in_dim3A_798 = arith.constant 10 : i32
        %broadcast_in_dim3A_799 = vector.broadcast %broadcast_in_dim3A_798 : i32 to vector<16xi32>
        %gather3A_800 = arith.constant 2 : i32
        %gather3A_801 = arith.constant 0 : i32
        %gather3A_802 = arith.constant 0 : i32
        %gather3A_803 = tpu.memref_slice %arg7[%gather3A_800, %gather3A_801, %gather3A_802] : memref<4x128x32xf32, #tpu.memory_space<vmem>> -> memref<1x128x32xf32, #tpu.memory_space<vmem>>
        %gather3A_804 = tpu.memref_squeeze %gather3A_803 : memref<1x128x32xf32, #tpu.memory_space<vmem>> -> memref<128x32xf32, #tpu.memory_space<vmem>>
        %gather3A_805 = tpu.vector_load_idx %gather3A_804[%add3A_718, %broadcast_in_dim3A_799] : memref<128x32xf32, #tpu.memory_space<vmem>>[vector<16xi32>, vector<16xi32>], vector<16xf32>,
        %broadcast_in_dim3A_806 = arith.constant 11 : i32
        %broadcast_in_dim3A_807 = vector.broadcast %broadcast_in_dim3A_806 : i32 to vector<16xi32>
        %gather3A_808 = arith.constant 2 : i32
        %gather3A_809 = arith.constant 0 : i32
        %gather3A_810 = arith.constant 0 : i32
        %gather3A_811 = tpu.memref_slice %arg7[%gather3A_808, %gather3A_809, %gather3A_810] : memref<4x128x32xf32, #tpu.memory_space<vmem>> -> memref<1x128x32xf32, #tpu.memory_space<vmem>>
        %gather3A_812 = tpu.memref_squeeze %gather3A_811 : memref<1x128x32xf32, #tpu.memory_space<vmem>> -> memref<128x32xf32, #tpu.memory_space<vmem>>
        %gather3A_813 = tpu.vector_load_idx %gather3A_812[%add3A_718, %broadcast_in_dim3A_807] : memref<128x32xf32, #tpu.memory_space<vmem>>[vector<16xi32>, vector<16xi32>], vector<16xf32>,
        %broadcast_in_dim3A_814 = arith.constant 12 : i32
        %broadcast_in_dim3A_815 = vector.broadcast %broadcast_in_dim3A_814 : i32 to vector<16xi32>
        %gather3A_816 = arith.constant 2 : i32
        %gather3A_817 = arith.constant 0 : i32
        %gather3A_818 = arith.constant 0 : i32
        %gather3A_819 = tpu.memref_slice %arg7[%gather3A_816, %gather3A_817, %gather3A_818] : memref<4x128x32xf32, #tpu.memory_space<vmem>> -> memref<1x128x32xf32, #tpu.memory_space<vmem>>
        %gather3A_820 = tpu.memref_squeeze %gather3A_819 : memref<1x128x32xf32, #tpu.memory_space<vmem>> -> memref<128x32xf32, #tpu.memory_space<vmem>>
        %gather3A_821 = tpu.vector_load_idx %gather3A_820[%add3A_718, %broadcast_in_dim3A_815] : memref<128x32xf32, #tpu.memory_space<vmem>>[vector<16xi32>, vector<16xi32>], vector<16xf32>,
        %broadcast_in_dim3A_822 = arith.constant 13 : i32
        %broadcast_in_dim3A_823 = vector.broadcast %broadcast_in_dim3A_822 : i32 to vector<16xi32>
        %gather3A_824 = arith.constant 2 : i32
        %gather3A_825 = arith.constant 0 : i32
        %gather3A_826 = arith.constant 0 : i32
        %gather3A_827 = tpu.memref_slice %arg7[%gather3A_824, %gather3A_825, %gather3A_826] : memref<4x128x32xf32, #tpu.memory_space<vmem>> -> memref<1x128x32xf32, #tpu.memory_space<vmem>>
        %gather3A_828 = tpu.memref_squeeze %gather3A_827 : memref<1x128x32xf32, #tpu.memory_space<vmem>> -> memref<128x32xf32, #tpu.memory_space<vmem>>
        %gather3A_829 = tpu.vector_load_idx %gather3A_828[%add3A_718, %broadcast_in_dim3A_823] : memref<128x32xf32, #tpu.memory_space<vmem>>[vector<16xi32>, vector<16xi32>], vector<16xf32>,
        %broadcast_in_dim3A_830 = arith.constant 14 : i32
        %broadcast_in_dim3A_831 = vector.broadcast %broadcast_in_dim3A_830 : i32 to vector<16xi32>
        %gather3A_832 = arith.constant 2 : i32
        %gather3A_833 = arith.constant 0 : i32
        %gather3A_834 = arith.constant 0 : i32
        %gather3A_835 = tpu.memref_slice %arg7[%gather3A_832, %gather3A_833, %gather3A_834] : memref<4x128x32xf32, #tpu.memory_space<vmem>> -> memref<1x128x32xf32, #tpu.memory_space<vmem>>
        %gather3A_836 = tpu.memref_squeeze %gather3A_835 : memref<1x128x32xf32, #tpu.memory_space<vmem>> -> memref<128x32xf32, #tpu.memory_space<vmem>>
        %gather3A_837 = tpu.vector_load_idx %gather3A_836[%add3A_718, %broadcast_in_dim3A_831] : memref<128x32xf32, #tpu.memory_space<vmem>>[vector<16xi32>, vector<16xi32>], vector<16xf32>,
        %broadcast_in_dim3A_838 = arith.constant 15 : i32
        %broadcast_in_dim3A_839 = vector.broadcast %broadcast_in_dim3A_838 : i32 to vector<16xi32>
        %gather3A_840 = arith.constant 2 : i32
        %gather3A_841 = arith.constant 0 : i32
        %gather3A_842 = arith.constant 0 : i32
        %gather3A_843 = tpu.memref_slice %arg7[%gather3A_840, %gather3A_841, %gather3A_842] : memref<4x128x32xf32, #tpu.memory_space<vmem>> -> memref<1x128x32xf32, #tpu.memory_space<vmem>>
        %gather3A_844 = tpu.memref_squeeze %gather3A_843 : memref<1x128x32xf32, #tpu.memory_space<vmem>> -> memref<128x32xf32, #tpu.memory_space<vmem>>
        %gather3A_845 = tpu.vector_load_idx %gather3A_844[%add3A_718, %broadcast_in_dim3A_839] : memref<128x32xf32, #tpu.memory_space<vmem>>[vector<16xi32>, vector<16xi32>], vector<16xf32>,
        %broadcast_in_dim3A_846 = arith.constant 16 : i32
        %broadcast_in_dim3A_847 = vector.broadcast %broadcast_in_dim3A_846 : i32 to vector<16xi32>
        %gather3A_848 = arith.constant 2 : i32
        %gather3A_849 = arith.constant 0 : i32
        %gather3A_850 = arith.constant 0 : i32
        %gather3A_851 = tpu.memref_slice %arg7[%gather3A_848, %gather3A_849, %gather3A_850] : memref<4x128x32xf32, #tpu.memory_space<vmem>> -> memref<1x128x32xf32, #tpu.memory_space<vmem>>
        %gather3A_852 = tpu.memref_squeeze %gather3A_851 : memref<1x128x32xf32, #tpu.memory_space<vmem>> -> memref<128x32xf32, #tpu.memory_space<vmem>>
        %gather3A_853 = tpu.vector_load_idx %gather3A_852[%add3A_718, %broadcast_in_dim3A_847] : memref<128x32xf32, #tpu.memory_space<vmem>>[vector<16xi32>, vector<16xi32>], vector<16xf32>,
        %broadcast_in_dim3A_854 = arith.constant 17 : i32
        %broadcast_in_dim3A_855 = vector.broadcast %broadcast_in_dim3A_854 : i32 to vector<16xi32>
        %gather3A_856 = arith.constant 2 : i32
        %gather3A_857 = arith.constant 0 : i32
        %gather3A_858 = arith.constant 0 : i32
        %gather3A_859 = tpu.memref_slice %arg7[%gather3A_856, %gather3A_857, %gather3A_858] : memref<4x128x32xf32, #tpu.memory_space<vmem>> -> memref<1x128x32xf32, #tpu.memory_space<vmem>>
        %gather3A_860 = tpu.memref_squeeze %gather3A_859 : memref<1x128x32xf32, #tpu.memory_space<vmem>> -> memref<128x32xf32, #tpu.memory_space<vmem>>
        %gather3A_861 = tpu.vector_load_idx %gather3A_860[%add3A_718, %broadcast_in_dim3A_855] : memref<128x32xf32, #tpu.memory_space<vmem>>[vector<16xi32>, vector<16xi32>], vector<16xf32>,
        %broadcast_in_dim3A_862 = arith.constant 18 : i32
        %broadcast_in_dim3A_863 = vector.broadcast %broadcast_in_dim3A_862 : i32 to vector<16xi32>
        %gather3A_864 = arith.constant 2 : i32
        %gather3A_865 = arith.constant 0 : i32
        %gather3A_866 = arith.constant 0 : i32
        %gather3A_867 = tpu.memref_slice %arg7[%gather3A_864, %gather3A_865, %gather3A_866] : memref<4x128x32xf32, #tpu.memory_space<vmem>> -> memref<1x128x32xf32, #tpu.memory_space<vmem>>
        %gather3A_868 = tpu.memref_squeeze %gather3A_867 : memref<1x128x32xf32, #tpu.memory_space<vmem>> -> memref<128x32xf32, #tpu.memory_space<vmem>>
        %gather3A_869 = tpu.vector_load_idx %gather3A_868[%add3A_718, %broadcast_in_dim3A_863] : memref<128x32xf32, #tpu.memory_space<vmem>>[vector<16xi32>, vector<16xi32>], vector<16xf32>,
        %broadcast_in_dim3A_870 = arith.constant 19 : i32
        %broadcast_in_dim3A_871 = vector.broadcast %broadcast_in_dim3A_870 : i32 to vector<16xi32>
        %gather3A_872 = arith.constant 2 : i32
        %gather3A_873 = arith.constant 0 : i32
        %gather3A_874 = arith.constant 0 : i32
        %gather3A_875 = tpu.memref_slice %arg7[%gather3A_872, %gather3A_873, %gather3A_874] : memref<4x128x32xf32, #tpu.memory_space<vmem>> -> memref<1x128x32xf32, #tpu.memory_space<vmem>>
        %gather3A_876 = tpu.memref_squeeze %gather3A_875 : memref<1x128x32xf32, #tpu.memory_space<vmem>> -> memref<128x32xf32, #tpu.memory_space<vmem>>
        %gather3A_877 = tpu.vector_load_idx %gather3A_876[%add3A_718, %broadcast_in_dim3A_871] : memref<128x32xf32, #tpu.memory_space<vmem>>[vector<16xi32>, vector<16xi32>], vector<16xf32>,
        %broadcast_in_dim3A_878 = arith.constant 20 : i32
        %broadcast_in_dim3A_879 = vector.broadcast %broadcast_in_dim3A_878 : i32 to vector<16xi32>
        %gather3A_880 = arith.constant 2 : i32
        %gather3A_881 = arith.constant 0 : i32
        %gather3A_882 = arith.constant 0 : i32
        %gather3A_883 = tpu.memref_slice %arg7[%gather3A_880, %gather3A_881, %gather3A_882] : memref<4x128x32xf32, #tpu.memory_space<vmem>> -> memref<1x128x32xf32, #tpu.memory_space<vmem>>
        %gather3A_884 = tpu.memref_squeeze %gather3A_883 : memref<1x128x32xf32, #tpu.memory_space<vmem>> -> memref<128x32xf32, #tpu.memory_space<vmem>>
        %gather3A_885 = tpu.vector_load_idx %gather3A_884[%add3A_718, %broadcast_in_dim3A_879] : memref<128x32xf32, #tpu.memory_space<vmem>>[vector<16xi32>, vector<16xi32>], vector<16xf32>,
        %broadcast_in_dim3A_886 = arith.constant 21 : i32
        %broadcast_in_dim3A_887 = vector.broadcast %broadcast_in_dim3A_886 : i32 to vector<16xi32>
        %gather3A_888 = arith.constant 2 : i32
        %gather3A_889 = arith.constant 0 : i32
        %gather3A_890 = arith.constant 0 : i32
        %gather3A_891 = tpu.memref_slice %arg7[%gather3A_888, %gather3A_889, %gather3A_890] : memref<4x128x32xf32, #tpu.memory_space<vmem>> -> memref<1x128x32xf32, #tpu.memory_space<vmem>>
        %gather3A_892 = tpu.memref_squeeze %gather3A_891 : memref<1x128x32xf32, #tpu.memory_space<vmem>> -> memref<128x32xf32, #tpu.memory_space<vmem>>
        %gather3A_893 = tpu.vector_load_idx %gather3A_892[%add3A_718, %broadcast_in_dim3A_887] : memref<128x32xf32, #tpu.memory_space<vmem>>[vector<16xi32>, vector<16xi32>], vector<16xf32>,
        %broadcast_in_dim3A_894 = arith.constant 22 : i32
        %broadcast_in_dim3A_895 = vector.broadcast %broadcast_in_dim3A_894 : i32 to vector<16xi32>
        %gather3A_896 = arith.constant 2 : i32
        %gather3A_897 = arith.constant 0 : i32
        %gather3A_898 = arith.constant 0 : i32
        %gather3A_899 = tpu.memref_slice %arg7[%gather3A_896, %gather3A_897, %gather3A_898] : memref<4x128x32xf32, #tpu.memory_space<vmem>> -> memref<1x128x32xf32, #tpu.memory_space<vmem>>
        %gather3A_900 = tpu.memref_squeeze %gather3A_899 : memref<1x128x32xf32, #tpu.memory_space<vmem>> -> memref<128x32xf32, #tpu.memory_space<vmem>>
        %gather3A_901 = tpu.vector_load_idx %gather3A_900[%add3A_718, %broadcast_in_dim3A_895] : memref<128x32xf32, #tpu.memory_space<vmem>>[vector<16xi32>, vector<16xi32>], vector<16xf32>,
        %broadcast_in_dim3A_902 = arith.constant 23 : i32
        %broadcast_in_dim3A_903 = vector.broadcast %broadcast_in_dim3A_902 : i32 to vector<16xi32>
        %gather3A_904 = arith.constant 2 : i32
        %gather3A_905 = arith.constant 0 : i32
        %gather3A_906 = arith.constant 0 : i32
        %gather3A_907 = tpu.memref_slice %arg7[%gather3A_904, %gather3A_905, %gather3A_906] : memref<4x128x32xf32, #tpu.memory_space<vmem>> -> memref<1x128x32xf32, #tpu.memory_space<vmem>>
        %gather3A_908 = tpu.memref_squeeze %gather3A_907 : memref<1x128x32xf32, #tpu.memory_space<vmem>> -> memref<128x32xf32, #tpu.memory_space<vmem>>
        %gather3A_909 = tpu.vector_load_idx %gather3A_908[%add3A_718, %broadcast_in_dim3A_903] : memref<128x32xf32, #tpu.memory_space<vmem>>[vector<16xi32>, vector<16xi32>], vector<16xf32>,
        %broadcast_in_dim3A_910 = arith.constant 24 : i32
        %broadcast_in_dim3A_911 = vector.broadcast %broadcast_in_dim3A_910 : i32 to vector<16xi32>
        %gather3A_912 = arith.constant 2 : i32
        %gather3A_913 = arith.constant 0 : i32
        %gather3A_914 = arith.constant 0 : i32
        %gather3A_915 = tpu.memref_slice %arg7[%gather3A_912, %gather3A_913, %gather3A_914] : memref<4x128x32xf32, #tpu.memory_space<vmem>> -> memref<1x128x32xf32, #tpu.memory_space<vmem>>
        %gather3A_916 = tpu.memref_squeeze %gather3A_915 : memref<1x128x32xf32, #tpu.memory_space<vmem>> -> memref<128x32xf32, #tpu.memory_space<vmem>>
        %gather3A_917 = tpu.vector_load_idx %gather3A_916[%add3A_718, %broadcast_in_dim3A_911] : memref<128x32xf32, #tpu.memory_space<vmem>>[vector<16xi32>, vector<16xi32>], vector<16xf32>,
        %broadcast_in_dim3A_918 = arith.constant 25 : i32
        %broadcast_in_dim3A_919 = vector.broadcast %broadcast_in_dim3A_918 : i32 to vector<16xi32>
        %gather3A_920 = arith.constant 2 : i32
        %gather3A_921 = arith.constant 0 : i32
        %gather3A_922 = arith.constant 0 : i32
        %gather3A_923 = tpu.memref_slice %arg7[%gather3A_920, %gather3A_921, %gather3A_922] : memref<4x128x32xf32, #tpu.memory_space<vmem>> -> memref<1x128x32xf32, #tpu.memory_space<vmem>>
        %gather3A_924 = tpu.memref_squeeze %gather3A_923 : memref<1x128x32xf32, #tpu.memory_space<vmem>> -> memref<128x32xf32, #tpu.memory_space<vmem>>
        %gather3A_925 = tpu.vector_load_idx %gather3A_924[%add3A_718, %broadcast_in_dim3A_919] : memref<128x32xf32, #tpu.memory_space<vmem>>[vector<16xi32>, vector<16xi32>], vector<16xf32>,
        %broadcast_in_dim3A_926 = arith.constant 26 : i32
        %broadcast_in_dim3A_927 = vector.broadcast %broadcast_in_dim3A_926 : i32 to vector<16xi32>
        %gather3A_928 = arith.constant 2 : i32
        %gather3A_929 = arith.constant 0 : i32
        %gather3A_930 = arith.constant 0 : i32
        %gather3A_931 = tpu.memref_slice %arg7[%gather3A_928, %gather3A_929, %gather3A_930] : memref<4x128x32xf32, #tpu.memory_space<vmem>> -> memref<1x128x32xf32, #tpu.memory_space<vmem>>
        %gather3A_932 = tpu.memref_squeeze %gather3A_931 : memref<1x128x32xf32, #tpu.memory_space<vmem>> -> memref<128x32xf32, #tpu.memory_space<vmem>>
        %gather3A_933 = tpu.vector_load_idx %gather3A_932[%add3A_718, %broadcast_in_dim3A_927] : memref<128x32xf32, #tpu.memory_space<vmem>>[vector<16xi32>, vector<16xi32>], vector<16xf32>,
        %broadcast_in_dim3A_934 = arith.constant 27 : i32
        %broadcast_in_dim3A_935 = vector.broadcast %broadcast_in_dim3A_934 : i32 to vector<16xi32>
        %gather3A_936 = arith.constant 2 : i32
        %gather3A_937 = arith.constant 0 : i32
        %gather3A_938 = arith.constant 0 : i32
        %gather3A_939 = tpu.memref_slice %arg7[%gather3A_936, %gather3A_937, %gather3A_938] : memref<4x128x32xf32, #tpu.memory_space<vmem>> -> memref<1x128x32xf32, #tpu.memory_space<vmem>>
        %gather3A_940 = tpu.memref_squeeze %gather3A_939 : memref<1x128x32xf32, #tpu.memory_space<vmem>> -> memref<128x32xf32, #tpu.memory_space<vmem>>
        %gather3A_941 = tpu.vector_load_idx %gather3A_940[%add3A_718, %broadcast_in_dim3A_935] : memref<128x32xf32, #tpu.memory_space<vmem>>[vector<16xi32>, vector<16xi32>], vector<16xf32>,
        %broadcast_in_dim3A_942 = arith.constant 28 : i32
        %broadcast_in_dim3A_943 = vector.broadcast %broadcast_in_dim3A_942 : i32 to vector<16xi32>
        %gather3A_944 = arith.constant 2 : i32
        %gather3A_945 = arith.constant 0 : i32
        %gather3A_946 = arith.constant 0 : i32
        %gather3A_947 = tpu.memref_slice %arg7[%gather3A_944, %gather3A_945, %gather3A_946] : memref<4x128x32xf32, #tpu.memory_space<vmem>> -> memref<1x128x32xf32, #tpu.memory_space<vmem>>
        %gather3A_948 = tpu.memref_squeeze %gather3A_947 : memref<1x128x32xf32, #tpu.memory_space<vmem>> -> memref<128x32xf32, #tpu.memory_space<vmem>>
        %gather3A_949 = tpu.vector_load_idx %gather3A_948[%add3A_718, %broadcast_in_dim3A_943] : memref<128x32xf32, #tpu.memory_space<vmem>>[vector<16xi32>, vector<16xi32>], vector<16xf32>,
        %broadcast_in_dim3A_950 = arith.constant 29 : i32
        %broadcast_in_dim3A_951 = vector.broadcast %broadcast_in_dim3A_950 : i32 to vector<16xi32>
        %gather3A_952 = arith.constant 2 : i32
        %gather3A_953 = arith.constant 0 : i32
        %gather3A_954 = arith.constant 0 : i32
        %gather3A_955 = tpu.memref_slice %arg7[%gather3A_952, %gather3A_953, %gather3A_954] : memref<4x128x32xf32, #tpu.memory_space<vmem>> -> memref<1x128x32xf32, #tpu.memory_space<vmem>>
        %gather3A_956 = tpu.memref_squeeze %gather3A_955 : memref<1x128x32xf32, #tpu.memory_space<vmem>> -> memref<128x32xf32, #tpu.memory_space<vmem>>
        %gather3A_957 = tpu.vector_load_idx %gather3A_956[%add3A_718, %broadcast_in_dim3A_951] : memref<128x32xf32, #tpu.memory_space<vmem>>[vector<16xi32>, vector<16xi32>], vector<16xf32>,
        %broadcast_in_dim3A_958 = arith.constant 30 : i32
        %broadcast_in_dim3A_959 = vector.broadcast %broadcast_in_dim3A_958 : i32 to vector<16xi32>
        %gather3A_960 = arith.constant 2 : i32
        %gather3A_961 = arith.constant 0 : i32
        %gather3A_962 = arith.constant 0 : i32
        %gather3A_963 = tpu.memref_slice %arg7[%gather3A_960, %gather3A_961, %gather3A_962] : memref<4x128x32xf32, #tpu.memory_space<vmem>> -> memref<1x128x32xf32, #tpu.memory_space<vmem>>
        %gather3A_964 = tpu.memref_squeeze %gather3A_963 : memref<1x128x32xf32, #tpu.memory_space<vmem>> -> memref<128x32xf32, #tpu.memory_space<vmem>>
        %gather3A_965 = tpu.vector_load_idx %gather3A_964[%add3A_718, %broadcast_in_dim3A_959] : memref<128x32xf32, #tpu.memory_space<vmem>>[vector<16xi32>, vector<16xi32>], vector<16xf32>,
        %broadcast_in_dim3A_966 = arith.constant 31 : i32
        %broadcast_in_dim3A_967 = vector.broadcast %broadcast_in_dim3A_966 : i32 to vector<16xi32>
        %gather3A_968 = arith.constant 2 : i32
        %gather3A_969 = arith.constant 0 : i32
        %gather3A_970 = arith.constant 0 : i32
        %gather3A_971 = tpu.memref_slice %arg7[%gather3A_968, %gather3A_969, %gather3A_970] : memref<4x128x32xf32, #tpu.memory_space<vmem>> -> memref<1x128x32xf32, #tpu.memory_space<vmem>>
        %gather3A_972 = tpu.memref_squeeze %gather3A_971 : memref<1x128x32xf32, #tpu.memory_space<vmem>> -> memref<128x32xf32, #tpu.memory_space<vmem>>
        %gather3A_973 = tpu.vector_load_idx %gather3A_972[%add3A_718, %broadcast_in_dim3A_967] : memref<128x32xf32, #tpu.memory_space<vmem>>[vector<16xi32>, vector<16xi32>], vector<16xf32>,
        %slice3A = vector.extract_strided_slice %get3A_438 {offsets = [0], sizes = [1], strides = [1]} : vector<16xf32> to vector<1xf32>
        %squeeze3A = vector.extract %slice3A[0] : f32 from vector<1xf32>
        %add3A_974 = vector.broadcast %squeeze3A : f32 to vector<16xf32>
        %add3A_975 = arith.addf %gather3A_725, %add3A_974 : vector<16xf32>
        %mul3A_976 = arith.mulf %add3A_975, %select_n3A : vector<16xf32>
        %mul3A_977 = arith.constant 16 : i32
        %mul3A_978 = arith.muli %scan3A_704, %mul3A_977 : i32
        %swap3A = arith.constant 0 : i32
        %swap3A_979 = arith.constant 0 : i32
        %swap3A_980 = arith.constant 0 : i32
        %swap3A_981 = arith.index_cast %swap3A : i32 to index
        %swap3A_982 = arith.index_cast %swap3A_979 : i32 to index
        %swap3A_983 = arith.index_cast %swap3A_980 : i32 to index
        %swap3A_984 = arith.index_cast %mul3A_978 : i32 to index
        %swap3A_985 = tpu.vector_load %arg8[%swap3A_981, %swap3A_982, %swap3A_983, %swap3A_984] {strides = array<i32>} : memref<2x4x8x128xf32, #tpu.memory_space<vmem>>, vector<16xf32>,
        tpu.vector_store %arg8[%swap3A_981, %swap3A_982, %swap3A_983, %swap3A_984], %mul3A_976 {strides = array<i32>} : memref<2x4x8x128xf32, #tpu.memory_space<vmem>>, vector<16xf32>,
        %slice3A_986 = vector.extract_strided_slice %get3A_438 {offsets = [1], sizes = [1], strides = [1]} : vector<16xf32> to vector<1xf32>
        %squeeze3A_987 = vector.extract %slice3A_986[0] : f32 from vector<1xf32>
        %add3A_988 = vector.broadcast %squeeze3A_987 : f32 to vector<16xf32>
        %add3A_989 = arith.addf %gather3A_733, %add3A_988 : vector<16xf32>
        %mul3A_990 = arith.mulf %add3A_989, %select_n3A : vector<16xf32>
        %mul3A_991 = arith.constant 16 : i32
        %mul3A_992 = arith.muli %scan3A_704, %mul3A_991 : i32
        %swap3A_993 = arith.constant 0 : i32
        %swap3A_994 = arith.constant 0 : i32
        %swap3A_995 = arith.constant 1 : i32
        %swap3A_996 = arith.index_cast %swap3A_993 : i32 to index
        %swap3A_997 = arith.index_cast %swap3A_994 : i32 to index
        %swap3A_998 = arith.index_cast %swap3A_995 : i32 to index
        %swap3A_999 = arith.index_cast %mul3A_992 : i32 to index
        %swap3A_1000 = tpu.vector_load %arg8[%swap3A_996, %swap3A_997, %swap3A_998, %swap3A_999] {strides = array<i32>} : memref<2x4x8x128xf32, #tpu.memory_space<vmem>>, vector<16xf32>,
        tpu.vector_store %arg8[%swap3A_996, %swap3A_997, %swap3A_998, %swap3A_999], %mul3A_990 {strides = array<i32>} : memref<2x4x8x128xf32, #tpu.memory_space<vmem>>, vector<16xf32>,
        %slice3A_1001 = vector.extract_strided_slice %get3A_438 {offsets = [2], sizes = [1], strides = [1]} : vector<16xf32> to vector<1xf32>
        %squeeze3A_1002 = vector.extract %slice3A_1001[0] : f32 from vector<1xf32>
        %add3A_1003 = vector.broadcast %squeeze3A_1002 : f32 to vector<16xf32>
        %add3A_1004 = arith.addf %gather3A_741, %add3A_1003 : vector<16xf32>
        %mul3A_1005 = arith.mulf %add3A_1004, %select_n3A : vector<16xf32>
        %mul3A_1006 = arith.constant 16 : i32
        %mul3A_1007 = arith.muli %scan3A_704, %mul3A_1006 : i32
        %swap3A_1008 = arith.constant 0 : i32
        %swap3A_1009 = arith.constant 0 : i32
        %swap3A_1010 = arith.constant 2 : i32
        %swap3A_1011 = arith.index_cast %swap3A_1008 : i32 to index
        %swap3A_1012 = arith.index_cast %swap3A_1009 : i32 to index
        %swap3A_1013 = arith.index_cast %swap3A_1010 : i32 to index
        %swap3A_1014 = arith.index_cast %mul3A_1007 : i32 to index
        %swap3A_1015 = tpu.vector_load %arg8[%swap3A_1011, %swap3A_1012, %swap3A_1013, %swap3A_1014] {strides = array<i32>} : memref<2x4x8x128xf32, #tpu.memory_space<vmem>>, vector<16xf32>,
        tpu.vector_store %arg8[%swap3A_1011, %swap3A_1012, %swap3A_1013, %swap3A_1014], %mul3A_1005 {strides = array<i32>} : memref<2x4x8x128xf32, #tpu.memory_space<vmem>>, vector<16xf32>,
        %slice3A_1016 = vector.extract_strided_slice %get3A_438 {offsets = [3], sizes = [1], strides = [1]} : vector<16xf32> to vector<1xf32>
        %squeeze3A_1017 = vector.extract %slice3A_1016[0] : f32 from vector<1xf32>
        %add3A_1018 = vector.broadcast %squeeze3A_1017 : f32 to vector<16xf32>
        %add3A_1019 = arith.addf %gather3A_749, %add3A_1018 : vector<16xf32>
        %mul3A_1020 = arith.mulf %add3A_1019, %select_n3A : vector<16xf32>
        %mul3A_1021 = arith.constant 16 : i32
        %mul3A_1022 = arith.muli %scan3A_704, %mul3A_1021 : i32
        %swap3A_1023 = arith.constant 0 : i32
        %swap3A_1024 = arith.constant 0 : i32
        %swap3A_1025 = arith.constant 3 : i32
        %swap3A_1026 = arith.index_cast %swap3A_1023 : i32 to index
        %swap3A_1027 = arith.index_cast %swap3A_1024 : i32 to index
        %swap3A_1028 = arith.index_cast %swap3A_1025 : i32 to index
        %swap3A_1029 = arith.index_cast %mul3A_1022 : i32 to index
        %swap3A_1030 = tpu.vector_load %arg8[%swap3A_1026, %swap3A_1027, %swap3A_1028, %swap3A_1029] {strides = array<i32>} : memref<2x4x8x128xf32, #tpu.memory_space<vmem>>, vector<16xf32>,
        tpu.vector_store %arg8[%swap3A_1026, %swap3A_1027, %swap3A_1028, %swap3A_1029], %mul3A_1020 {strides = array<i32>} : memref<2x4x8x128xf32, #tpu.memory_space<vmem>>, vector<16xf32>,
        %slice3A_1031 = vector.extract_strided_slice %get3A_438 {offsets = [4], sizes = [1], strides = [1]} : vector<16xf32> to vector<1xf32>
        %squeeze3A_1032 = vector.extract %slice3A_1031[0] : f32 from vector<1xf32>
        %add3A_1033 = vector.broadcast %squeeze3A_1032 : f32 to vector<16xf32>
        %add3A_1034 = arith.addf %gather3A_757, %add3A_1033 : vector<16xf32>
        %mul3A_1035 = arith.mulf %add3A_1034, %select_n3A : vector<16xf32>
        %mul3A_1036 = arith.constant 16 : i32
        %mul3A_1037 = arith.muli %scan3A_704, %mul3A_1036 : i32
        %swap3A_1038 = arith.constant 0 : i32
        %swap3A_1039 = arith.constant 0 : i32
        %swap3A_1040 = arith.constant 4 : i32
        %swap3A_1041 = arith.index_cast %swap3A_1038 : i32 to index
        %swap3A_1042 = arith.index_cast %swap3A_1039 : i32 to index
        %swap3A_1043 = arith.index_cast %swap3A_1040 : i32 to index
        %swap3A_1044 = arith.index_cast %mul3A_1037 : i32 to index
        %swap3A_1045 = tpu.vector_load %arg8[%swap3A_1041, %swap3A_1042, %swap3A_1043, %swap3A_1044] {strides = array<i32>} : memref<2x4x8x128xf32, #tpu.memory_space<vmem>>, vector<16xf32>,
        tpu.vector_store %arg8[%swap3A_1041, %swap3A_1042, %swap3A_1043, %swap3A_1044], %mul3A_1035 {strides = array<i32>} : memref<2x4x8x128xf32, #tpu.memory_space<vmem>>, vector<16xf32>,
        %slice3A_1046 = vector.extract_strided_slice %get3A_438 {offsets = [5], sizes = [1], strides = [1]} : vector<16xf32> to vector<1xf32>
        %squeeze3A_1047 = vector.extract %slice3A_1046[0] : f32 from vector<1xf32>
        %add3A_1048 = vector.broadcast %squeeze3A_1047 : f32 to vector<16xf32>
        %add3A_1049 = arith.addf %gather3A_765, %add3A_1048 : vector<16xf32>
        %mul3A_1050 = arith.mulf %add3A_1049, %select_n3A : vector<16xf32>
        %mul3A_1051 = arith.constant 16 : i32
        %mul3A_1052 = arith.muli %scan3A_704, %mul3A_1051 : i32
        %swap3A_1053 = arith.constant 0 : i32
        %swap3A_1054 = arith.constant 0 : i32
        %swap3A_1055 = arith.constant 5 : i32
        %swap3A_1056 = arith.index_cast %swap3A_1053 : i32 to index
        %swap3A_1057 = arith.index_cast %swap3A_1054 : i32 to index
        %swap3A_1058 = arith.index_cast %swap3A_1055 : i32 to index
        %swap3A_1059 = arith.index_cast %mul3A_1052 : i32 to index
        %swap3A_1060 = tpu.vector_load %arg8[%swap3A_1056, %swap3A_1057, %swap3A_1058, %swap3A_1059] {strides = array<i32>} : memref<2x4x8x128xf32, #tpu.memory_space<vmem>>, vector<16xf32>,
        tpu.vector_store %arg8[%swap3A_1056, %swap3A_1057, %swap3A_1058, %swap3A_1059], %mul3A_1050 {strides = array<i32>} : memref<2x4x8x128xf32, #tpu.memory_space<vmem>>, vector<16xf32>,
        %slice3A_1061 = vector.extract_strided_slice %get3A_438 {offsets = [6], sizes = [1], strides = [1]} : vector<16xf32> to vector<1xf32>
        %squeeze3A_1062 = vector.extract %slice3A_1061[0] : f32 from vector<1xf32>
        %add3A_1063 = vector.broadcast %squeeze3A_1062 : f32 to vector<16xf32>
        %add3A_1064 = arith.addf %gather3A_773, %add3A_1063 : vector<16xf32>
        %mul3A_1065 = arith.mulf %add3A_1064, %select_n3A : vector<16xf32>
        %mul3A_1066 = arith.constant 16 : i32
        %mul3A_1067 = arith.muli %scan3A_704, %mul3A_1066 : i32
        %swap3A_1068 = arith.constant 0 : i32
        %swap3A_1069 = arith.constant 0 : i32
        %swap3A_1070 = arith.constant 6 : i32
        %swap3A_1071 = arith.index_cast %swap3A_1068 : i32 to index
        %swap3A_1072 = arith.index_cast %swap3A_1069 : i32 to index
        %swap3A_1073 = arith.index_cast %swap3A_1070 : i32 to index
        %swap3A_1074 = arith.index_cast %mul3A_1067 : i32 to index
        %swap3A_1075 = tpu.vector_load %arg8[%swap3A_1071, %swap3A_1072, %swap3A_1073, %swap3A_1074] {strides = array<i32>} : memref<2x4x8x128xf32, #tpu.memory_space<vmem>>, vector<16xf32>,
        tpu.vector_store %arg8[%swap3A_1071, %swap3A_1072, %swap3A_1073, %swap3A_1074], %mul3A_1065 {strides = array<i32>} : memref<2x4x8x128xf32, #tpu.memory_space<vmem>>, vector<16xf32>,
        %slice3A_1076 = vector.extract_strided_slice %get3A_438 {offsets = [7], sizes = [1], strides = [1]} : vector<16xf32> to vector<1xf32>
        %squeeze3A_1077 = vector.extract %slice3A_1076[0] : f32 from vector<1xf32>
        %add3A_1078 = vector.broadcast %squeeze3A_1077 : f32 to vector<16xf32>
        %add3A_1079 = arith.addf %gather3A_781, %add3A_1078 : vector<16xf32>
        %mul3A_1080 = arith.mulf %add3A_1079, %select_n3A : vector<16xf32>
        %mul3A_1081 = arith.constant 16 : i32
        %mul3A_1082 = arith.muli %scan3A_704, %mul3A_1081 : i32
        %swap3A_1083 = arith.constant 0 : i32
        %swap3A_1084 = arith.constant 0 : i32
        %swap3A_1085 = arith.constant 7 : i32
        %swap3A_1086 = arith.index_cast %swap3A_1083 : i32 to index
        %swap3A_1087 = arith.index_cast %swap3A_1084 : i32 to index
        %swap3A_1088 = arith.index_cast %swap3A_1085 : i32 to index
        %swap3A_1089 = arith.index_cast %mul3A_1082 : i32 to index
        %swap3A_1090 = tpu.vector_load %arg8[%swap3A_1086, %swap3A_1087, %swap3A_1088, %swap3A_1089] {strides = array<i32>} : memref<2x4x8x128xf32, #tpu.memory_space<vmem>>, vector<16xf32>,
        tpu.vector_store %arg8[%swap3A_1086, %swap3A_1087, %swap3A_1088, %swap3A_1089], %mul3A_1080 {strides = array<i32>} : memref<2x4x8x128xf32, #tpu.memory_space<vmem>>, vector<16xf32>,
        %slice3A_1091 = vector.extract_strided_slice %get3A_438 {offsets = [8], sizes = [1], strides = [1]} : vector<16xf32> to vector<1xf32>
        %squeeze3A_1092 = vector.extract %slice3A_1091[0] : f32 from vector<1xf32>
        %add3A_1093 = vector.broadcast %squeeze3A_1092 : f32 to vector<16xf32>
        %add3A_1094 = arith.addf %gather3A_789, %add3A_1093 : vector<16xf32>
        %mul3A_1095 = arith.mulf %add3A_1094, %select_n3A : vector<16xf32>
        %mul3A_1096 = arith.constant 16 : i32
        %mul3A_1097 = arith.muli %scan3A_704, %mul3A_1096 : i32
        %swap3A_1098 = arith.constant 0 : i32
        %swap3A_1099 = arith.constant 1 : i32
        %swap3A_1100 = arith.constant 0 : i32
        %swap3A_1101 = arith.index_cast %swap3A_1098 : i32 to index
        %swap3A_1102 = arith.index_cast %swap3A_1099 : i32 to index
        %swap3A_1103 = arith.index_cast %swap3A_1100 : i32 to index
        %swap3A_1104 = arith.index_cast %mul3A_1097 : i32 to index
        %swap3A_1105 = tpu.vector_load %arg8[%swap3A_1101, %swap3A_1102, %swap3A_1103, %swap3A_1104] {strides = array<i32>} : memref<2x4x8x128xf32, #tpu.memory_space<vmem>>, vector<16xf32>,
        tpu.vector_store %arg8[%swap3A_1101, %swap3A_1102, %swap3A_1103, %swap3A_1104], %mul3A_1095 {strides = array<i32>} : memref<2x4x8x128xf32, #tpu.memory_space<vmem>>, vector<16xf32>,
        %slice3A_1106 = vector.extract_strided_slice %get3A_438 {offsets = [9], sizes = [1], strides = [1]} : vector<16xf32> to vector<1xf32>
        %squeeze3A_1107 = vector.extract %slice3A_1106[0] : f32 from vector<1xf32>
        %add3A_1108 = vector.broadcast %squeeze3A_1107 : f32 to vector<16xf32>
        %add3A_1109 = arith.addf %gather3A_797, %add3A_1108 : vector<16xf32>
        %mul3A_1110 = arith.mulf %add3A_1109, %select_n3A : vector<16xf32>
        %mul3A_1111 = arith.constant 16 : i32
        %mul3A_1112 = arith.muli %scan3A_704, %mul3A_1111 : i32
        %swap3A_1113 = arith.constant 0 : i32
        %swap3A_1114 = arith.constant 1 : i32
        %swap3A_1115 = arith.constant 1 : i32
        %swap3A_1116 = arith.index_cast %swap3A_1113 : i32 to index
        %swap3A_1117 = arith.index_cast %swap3A_1114 : i32 to index
        %swap3A_1118 = arith.index_cast %swap3A_1115 : i32 to index
        %swap3A_1119 = arith.index_cast %mul3A_1112 : i32 to index
        %swap3A_1120 = tpu.vector_load %arg8[%swap3A_1116, %swap3A_1117, %swap3A_1118, %swap3A_1119] {strides = array<i32>} : memref<2x4x8x128xf32, #tpu.memory_space<vmem>>, vector<16xf32>,
        tpu.vector_store %arg8[%swap3A_1116, %swap3A_1117, %swap3A_1118, %swap3A_1119], %mul3A_1110 {strides = array<i32>} : memref<2x4x8x128xf32, #tpu.memory_space<vmem>>, vector<16xf32>,
        %slice3A_1121 = vector.extract_strided_slice %get3A_438 {offsets = [10], sizes = [1], strides = [1]} : vector<16xf32> to vector<1xf32>
        %squeeze3A_1122 = vector.extract %slice3A_1121[0] : f32 from vector<1xf32>
        %add3A_1123 = vector.broadcast %squeeze3A_1122 : f32 to vector<16xf32>
        %add3A_1124 = arith.addf %gather3A_805, %add3A_1123 : vector<16xf32>
        %mul3A_1125 = arith.mulf %add3A_1124, %select_n3A : vector<16xf32>
        %mul3A_1126 = arith.constant 16 : i32
        %mul3A_1127 = arith.muli %scan3A_704, %mul3A_1126 : i32
        %swap3A_1128 = arith.constant 0 : i32
        %swap3A_1129 = arith.constant 1 : i32
        %swap3A_1130 = arith.constant 2 : i32
        %swap3A_1131 = arith.index_cast %swap3A_1128 : i32 to index
        %swap3A_1132 = arith.index_cast %swap3A_1129 : i32 to index
        %swap3A_1133 = arith.index_cast %swap3A_1130 : i32 to index
        %swap3A_1134 = arith.index_cast %mul3A_1127 : i32 to index
        %swap3A_1135 = tpu.vector_load %arg8[%swap3A_1131, %swap3A_1132, %swap3A_1133, %swap3A_1134] {strides = array<i32>} : memref<2x4x8x128xf32, #tpu.memory_space<vmem>>, vector<16xf32>,
        tpu.vector_store %arg8[%swap3A_1131, %swap3A_1132, %swap3A_1133, %swap3A_1134], %mul3A_1125 {strides = array<i32>} : memref<2x4x8x128xf32, #tpu.memory_space<vmem>>, vector<16xf32>,
        %slice3A_1136 = vector.extract_strided_slice %get3A_438 {offsets = [11], sizes = [1], strides = [1]} : vector<16xf32> to vector<1xf32>
        %squeeze3A_1137 = vector.extract %slice3A_1136[0] : f32 from vector<1xf32>
        %add3A_1138 = vector.broadcast %squeeze3A_1137 : f32 to vector<16xf32>
        %add3A_1139 = arith.addf %gather3A_813, %add3A_1138 : vector<16xf32>
        %mul3A_1140 = arith.mulf %add3A_1139, %select_n3A : vector<16xf32>
        %mul3A_1141 = arith.constant 16 : i32
        %mul3A_1142 = arith.muli %scan3A_704, %mul3A_1141 : i32
        %swap3A_1143 = arith.constant 0 : i32
        %swap3A_1144 = arith.constant 1 : i32
        %swap3A_1145 = arith.constant 3 : i32
        %swap3A_1146 = arith.index_cast %swap3A_1143 : i32 to index
        %swap3A_1147 = arith.index_cast %swap3A_1144 : i32 to index
        %swap3A_1148 = arith.index_cast %swap3A_1145 : i32 to index
        %swap3A_1149 = arith.index_cast %mul3A_1142 : i32 to index
        %swap3A_1150 = tpu.vector_load %arg8[%swap3A_1146, %swap3A_1147, %swap3A_1148, %swap3A_1149] {strides = array<i32>} : memref<2x4x8x128xf32, #tpu.memory_space<vmem>>, vector<16xf32>,
        tpu.vector_store %arg8[%swap3A_1146, %swap3A_1147, %swap3A_1148, %swap3A_1149], %mul3A_1140 {strides = array<i32>} : memref<2x4x8x128xf32, #tpu.memory_space<vmem>>, vector<16xf32>,
        %slice3A_1151 = vector.extract_strided_slice %get3A_438 {offsets = [12], sizes = [1], strides = [1]} : vector<16xf32> to vector<1xf32>
        %squeeze3A_1152 = vector.extract %slice3A_1151[0] : f32 from vector<1xf32>
        %add3A_1153 = vector.broadcast %squeeze3A_1152 : f32 to vector<16xf32>
        %add3A_1154 = arith.addf %gather3A_821, %add3A_1153 : vector<16xf32>
        %mul3A_1155 = arith.mulf %add3A_1154, %select_n3A : vector<16xf32>
        %mul3A_1156 = arith.constant 16 : i32
        %mul3A_1157 = arith.muli %scan3A_704, %mul3A_1156 : i32
        %swap3A_1158 = arith.constant 0 : i32
        %swap3A_1159 = arith.constant 1 : i32
        %swap3A_1160 = arith.constant 4 : i32
        %swap3A_1161 = arith.index_cast %swap3A_1158 : i32 to index
        %swap3A_1162 = arith.index_cast %swap3A_1159 : i32 to index
        %swap3A_1163 = arith.index_cast %swap3A_1160 : i32 to index
        %swap3A_1164 = arith.index_cast %mul3A_1157 : i32 to index
        %swap3A_1165 = tpu.vector_load %arg8[%swap3A_1161, %swap3A_1162, %swap3A_1163, %swap3A_1164] {strides = array<i32>} : memref<2x4x8x128xf32, #tpu.memory_space<vmem>>, vector<16xf32>,
        tpu.vector_store %arg8[%swap3A_1161, %swap3A_1162, %swap3A_1163, %swap3A_1164], %mul3A_1155 {strides = array<i32>} : memref<2x4x8x128xf32, #tpu.memory_space<vmem>>, vector<16xf32>,
        %slice3A_1166 = vector.extract_strided_slice %get3A_438 {offsets = [13], sizes = [1], strides = [1]} : vector<16xf32> to vector<1xf32>
        %squeeze3A_1167 = vector.extract %slice3A_1166[0] : f32 from vector<1xf32>
        %add3A_1168 = vector.broadcast %squeeze3A_1167 : f32 to vector<16xf32>
        %add3A_1169 = arith.addf %gather3A_829, %add3A_1168 : vector<16xf32>
        %mul3A_1170 = arith.mulf %add3A_1169, %select_n3A : vector<16xf32>
        %mul3A_1171 = arith.constant 16 : i32
        %mul3A_1172 = arith.muli %scan3A_704, %mul3A_1171 : i32
        %swap3A_1173 = arith.constant 0 : i32
        %swap3A_1174 = arith.constant 1 : i32
        %swap3A_1175 = arith.constant 5 : i32
        %swap3A_1176 = arith.index_cast %swap3A_1173 : i32 to index
        %swap3A_1177 = arith.index_cast %swap3A_1174 : i32 to index
        %swap3A_1178 = arith.index_cast %swap3A_1175 : i32 to index
        %swap3A_1179 = arith.index_cast %mul3A_1172 : i32 to index
        %swap3A_1180 = tpu.vector_load %arg8[%swap3A_1176, %swap3A_1177, %swap3A_1178, %swap3A_1179] {strides = array<i32>} : memref<2x4x8x128xf32, #tpu.memory_space<vmem>>, vector<16xf32>,
        tpu.vector_store %arg8[%swap3A_1176, %swap3A_1177, %swap3A_1178, %swap3A_1179], %mul3A_1170 {strides = array<i32>} : memref<2x4x8x128xf32, #tpu.memory_space<vmem>>, vector<16xf32>,
        %slice3A_1181 = vector.extract_strided_slice %get3A_438 {offsets = [14], sizes = [1], strides = [1]} : vector<16xf32> to vector<1xf32>
        %squeeze3A_1182 = vector.extract %slice3A_1181[0] : f32 from vector<1xf32>
        %add3A_1183 = vector.broadcast %squeeze3A_1182 : f32 to vector<16xf32>
        %add3A_1184 = arith.addf %gather3A_837, %add3A_1183 : vector<16xf32>
        %mul3A_1185 = arith.mulf %add3A_1184, %select_n3A : vector<16xf32>
        %mul3A_1186 = arith.constant 16 : i32
        %mul3A_1187 = arith.muli %scan3A_704, %mul3A_1186 : i32
        %swap3A_1188 = arith.constant 0 : i32
        %swap3A_1189 = arith.constant 1 : i32
        %swap3A_1190 = arith.constant 6 : i32
        %swap3A_1191 = arith.index_cast %swap3A_1188 : i32 to index
        %swap3A_1192 = arith.index_cast %swap3A_1189 : i32 to index
        %swap3A_1193 = arith.index_cast %swap3A_1190 : i32 to index
        %swap3A_1194 = arith.index_cast %mul3A_1187 : i32 to index
        %swap3A_1195 = tpu.vector_load %arg8[%swap3A_1191, %swap3A_1192, %swap3A_1193, %swap3A_1194] {strides = array<i32>} : memref<2x4x8x128xf32, #tpu.memory_space<vmem>>, vector<16xf32>,
        tpu.vector_store %arg8[%swap3A_1191, %swap3A_1192, %swap3A_1193, %swap3A_1194], %mul3A_1185 {strides = array<i32>} : memref<2x4x8x128xf32, #tpu.memory_space<vmem>>, vector<16xf32>,
        %slice3A_1196 = vector.extract_strided_slice %get3A_438 {offsets = [15], sizes = [1], strides = [1]} : vector<16xf32> to vector<1xf32>
        %squeeze3A_1197 = vector.extract %slice3A_1196[0] : f32 from vector<1xf32>
        %add3A_1198 = vector.broadcast %squeeze3A_1197 : f32 to vector<16xf32>
        %add3A_1199 = arith.addf %gather3A_845, %add3A_1198 : vector<16xf32>
        %mul3A_1200 = arith.mulf %add3A_1199, %select_n3A : vector<16xf32>
        %mul3A_1201 = arith.constant 16 : i32
        %mul3A_1202 = arith.muli %scan3A_704, %mul3A_1201 : i32
        %swap3A_1203 = arith.constant 0 : i32
        %swap3A_1204 = arith.constant 1 : i32
        %swap3A_1205 = arith.constant 7 : i32
        %swap3A_1206 = arith.index_cast %swap3A_1203 : i32 to index
        %swap3A_1207 = arith.index_cast %swap3A_1204 : i32 to index
        %swap3A_1208 = arith.index_cast %swap3A_1205 : i32 to index
        %swap3A_1209 = arith.index_cast %mul3A_1202 : i32 to index
        %swap3A_1210 = tpu.vector_load %arg8[%swap3A_1206, %swap3A_1207, %swap3A_1208, %swap3A_1209] {strides = array<i32>} : memref<2x4x8x128xf32, #tpu.memory_space<vmem>>, vector<16xf32>,
        tpu.vector_store %arg8[%swap3A_1206, %swap3A_1207, %swap3A_1208, %swap3A_1209], %mul3A_1200 {strides = array<i32>} : memref<2x4x8x128xf32, #tpu.memory_space<vmem>>, vector<16xf32>,
        %slice3A_1211 = vector.extract_strided_slice %get3A_441 {offsets = [0], sizes = [1], strides = [1]} : vector<16xf32> to vector<1xf32>
        %squeeze3A_1212 = vector.extract %slice3A_1211[0] : f32 from vector<1xf32>
        %add3A_1213 = vector.broadcast %squeeze3A_1212 : f32 to vector<16xf32>
        %add3A_1214 = arith.addf %gather3A_853, %add3A_1213 : vector<16xf32>
        %mul3A_1215 = arith.mulf %add3A_1214, %select_n3A : vector<16xf32>
        %mul3A_1216 = arith.constant 16 : i32
        %mul3A_1217 = arith.muli %scan3A_704, %mul3A_1216 : i32
        %swap3A_1218 = arith.constant 0 : i32
        %swap3A_1219 = arith.constant 2 : i32
        %swap3A_1220 = arith.constant 0 : i32
        %swap3A_1221 = arith.index_cast %swap3A_1218 : i32 to index
        %swap3A_1222 = arith.index_cast %swap3A_1219 : i32 to index
        %swap3A_1223 = arith.index_cast %swap3A_1220 : i32 to index
        %swap3A_1224 = arith.index_cast %mul3A_1217 : i32 to index
        %swap3A_1225 = tpu.vector_load %arg8[%swap3A_1221, %swap3A_1222, %swap3A_1223, %swap3A_1224] {strides = array<i32>} : memref<2x4x8x128xf32, #tpu.memory_space<vmem>>, vector<16xf32>,
        tpu.vector_store %arg8[%swap3A_1221, %swap3A_1222, %swap3A_1223, %swap3A_1224], %mul3A_1215 {strides = array<i32>} : memref<2x4x8x128xf32, #tpu.memory_space<vmem>>, vector<16xf32>,
        %slice3A_1226 = vector.extract_strided_slice %get3A_441 {offsets = [1], sizes = [1], strides = [1]} : vector<16xf32> to vector<1xf32>
        %squeeze3A_1227 = vector.extract %slice3A_1226[0] : f32 from vector<1xf32>
        %add3A_1228 = vector.broadcast %squeeze3A_1227 : f32 to vector<16xf32>
        %add3A_1229 = arith.addf %gather3A_861, %add3A_1228 : vector<16xf32>
        %mul3A_1230 = arith.mulf %add3A_1229, %select_n3A : vector<16xf32>
        %mul3A_1231 = arith.constant 16 : i32
        %mul3A_1232 = arith.muli %scan3A_704, %mul3A_1231 : i32
        %swap3A_1233 = arith.constant 0 : i32
        %swap3A_1234 = arith.constant 2 : i32
        %swap3A_1235 = arith.constant 1 : i32
        %swap3A_1236 = arith.index_cast %swap3A_1233 : i32 to index
        %swap3A_1237 = arith.index_cast %swap3A_1234 : i32 to index
        %swap3A_1238 = arith.index_cast %swap3A_1235 : i32 to index
        %swap3A_1239 = arith.index_cast %mul3A_1232 : i32 to index
        %swap3A_1240 = tpu.vector_load %arg8[%swap3A_1236, %swap3A_1237, %swap3A_1238, %swap3A_1239] {strides = array<i32>} : memref<2x4x8x128xf32, #tpu.memory_space<vmem>>, vector<16xf32>,
        tpu.vector_store %arg8[%swap3A_1236, %swap3A_1237, %swap3A_1238, %swap3A_1239], %mul3A_1230 {strides = array<i32>} : memref<2x4x8x128xf32, #tpu.memory_space<vmem>>, vector<16xf32>,
        %slice3A_1241 = vector.extract_strided_slice %get3A_441 {offsets = [2], sizes = [1], strides = [1]} : vector<16xf32> to vector<1xf32>
        %squeeze3A_1242 = vector.extract %slice3A_1241[0] : f32 from vector<1xf32>
        %add3A_1243 = vector.broadcast %squeeze3A_1242 : f32 to vector<16xf32>
        %add3A_1244 = arith.addf %gather3A_869, %add3A_1243 : vector<16xf32>
        %mul3A_1245 = arith.mulf %add3A_1244, %select_n3A : vector<16xf32>
        %mul3A_1246 = arith.constant 16 : i32
        %mul3A_1247 = arith.muli %scan3A_704, %mul3A_1246 : i32
        %swap3A_1248 = arith.constant 0 : i32
        %swap3A_1249 = arith.constant 2 : i32
        %swap3A_1250 = arith.constant 2 : i32
        %swap3A_1251 = arith.index_cast %swap3A_1248 : i32 to index
        %swap3A_1252 = arith.index_cast %swap3A_1249 : i32 to index
        %swap3A_1253 = arith.index_cast %swap3A_1250 : i32 to index
        %swap3A_1254 = arith.index_cast %mul3A_1247 : i32 to index
        %swap3A_1255 = tpu.vector_load %arg8[%swap3A_1251, %swap3A_1252, %swap3A_1253, %swap3A_1254] {strides = array<i32>} : memref<2x4x8x128xf32, #tpu.memory_space<vmem>>, vector<16xf32>,
        tpu.vector_store %arg8[%swap3A_1251, %swap3A_1252, %swap3A_1253, %swap3A_1254], %mul3A_1245 {strides = array<i32>} : memref<2x4x8x128xf32, #tpu.memory_space<vmem>>, vector<16xf32>,
        %slice3A_1256 = vector.extract_strided_slice %get3A_441 {offsets = [3], sizes = [1], strides = [1]} : vector<16xf32> to vector<1xf32>
        %squeeze3A_1257 = vector.extract %slice3A_1256[0] : f32 from vector<1xf32>
        %add3A_1258 = vector.broadcast %squeeze3A_1257 : f32 to vector<16xf32>
        %add3A_1259 = arith.addf %gather3A_877, %add3A_1258 : vector<16xf32>
        %mul3A_1260 = arith.mulf %add3A_1259, %select_n3A : vector<16xf32>
        %mul3A_1261 = arith.constant 16 : i32
        %mul3A_1262 = arith.muli %scan3A_704, %mul3A_1261 : i32
        %swap3A_1263 = arith.constant 0 : i32
        %swap3A_1264 = arith.constant 2 : i32
        %swap3A_1265 = arith.constant 3 : i32
        %swap3A_1266 = arith.index_cast %swap3A_1263 : i32 to index
        %swap3A_1267 = arith.index_cast %swap3A_1264 : i32 to index
        %swap3A_1268 = arith.index_cast %swap3A_1265 : i32 to index
        %swap3A_1269 = arith.index_cast %mul3A_1262 : i32 to index
        %swap3A_1270 = tpu.vector_load %arg8[%swap3A_1266, %swap3A_1267, %swap3A_1268, %swap3A_1269] {strides = array<i32>} : memref<2x4x8x128xf32, #tpu.memory_space<vmem>>, vector<16xf32>,
        tpu.vector_store %arg8[%swap3A_1266, %swap3A_1267, %swap3A_1268, %swap3A_1269], %mul3A_1260 {strides = array<i32>} : memref<2x4x8x128xf32, #tpu.memory_space<vmem>>, vector<16xf32>,
        %slice3A_1271 = vector.extract_strided_slice %get3A_441 {offsets = [4], sizes = [1], strides = [1]} : vector<16xf32> to vector<1xf32>
        %squeeze3A_1272 = vector.extract %slice3A_1271[0] : f32 from vector<1xf32>
        %add3A_1273 = vector.broadcast %squeeze3A_1272 : f32 to vector<16xf32>
        %add3A_1274 = arith.addf %gather3A_885, %add3A_1273 : vector<16xf32>
        %mul3A_1275 = arith.mulf %add3A_1274, %select_n3A : vector<16xf32>
        %mul3A_1276 = arith.constant 16 : i32
        %mul3A_1277 = arith.muli %scan3A_704, %mul3A_1276 : i32
        %swap3A_1278 = arith.constant 0 : i32
        %swap3A_1279 = arith.constant 2 : i32
        %swap3A_1280 = arith.constant 4 : i32
        %swap3A_1281 = arith.index_cast %swap3A_1278 : i32 to index
        %swap3A_1282 = arith.index_cast %swap3A_1279 : i32 to index
        %swap3A_1283 = arith.index_cast %swap3A_1280 : i32 to index
        %swap3A_1284 = arith.index_cast %mul3A_1277 : i32 to index
        %swap3A_1285 = tpu.vector_load %arg8[%swap3A_1281, %swap3A_1282, %swap3A_1283, %swap3A_1284] {strides = array<i32>} : memref<2x4x8x128xf32, #tpu.memory_space<vmem>>, vector<16xf32>,
        tpu.vector_store %arg8[%swap3A_1281, %swap3A_1282, %swap3A_1283, %swap3A_1284], %mul3A_1275 {strides = array<i32>} : memref<2x4x8x128xf32, #tpu.memory_space<vmem>>, vector<16xf32>,
        %slice3A_1286 = vector.extract_strided_slice %get3A_441 {offsets = [5], sizes = [1], strides = [1]} : vector<16xf32> to vector<1xf32>
        %squeeze3A_1287 = vector.extract %slice3A_1286[0] : f32 from vector<1xf32>
        %add3A_1288 = vector.broadcast %squeeze3A_1287 : f32 to vector<16xf32>
        %add3A_1289 = arith.addf %gather3A_893, %add3A_1288 : vector<16xf32>
        %mul3A_1290 = arith.mulf %add3A_1289, %select_n3A : vector<16xf32>
        %mul3A_1291 = arith.constant 16 : i32
        %mul3A_1292 = arith.muli %scan3A_704, %mul3A_1291 : i32
        %swap3A_1293 = arith.constant 0 : i32
        %swap3A_1294 = arith.constant 2 : i32
        %swap3A_1295 = arith.constant 5 : i32
        %swap3A_1296 = arith.index_cast %swap3A_1293 : i32 to index
        %swap3A_1297 = arith.index_cast %swap3A_1294 : i32 to index
        %swap3A_1298 = arith.index_cast %swap3A_1295 : i32 to index
        %swap3A_1299 = arith.index_cast %mul3A_1292 : i32 to index
        %swap3A_1300 = tpu.vector_load %arg8[%swap3A_1296, %swap3A_1297, %swap3A_1298, %swap3A_1299] {strides = array<i32>} : memref<2x4x8x128xf32, #tpu.memory_space<vmem>>, vector<16xf32>,
        tpu.vector_store %arg8[%swap3A_1296, %swap3A_1297, %swap3A_1298, %swap3A_1299], %mul3A_1290 {strides = array<i32>} : memref<2x4x8x128xf32, #tpu.memory_space<vmem>>, vector<16xf32>,
        %slice3A_1301 = vector.extract_strided_slice %get3A_441 {offsets = [6], sizes = [1], strides = [1]} : vector<16xf32> to vector<1xf32>
        %squeeze3A_1302 = vector.extract %slice3A_1301[0] : f32 from vector<1xf32>
        %add3A_1303 = vector.broadcast %squeeze3A_1302 : f32 to vector<16xf32>
        %add3A_1304 = arith.addf %gather3A_901, %add3A_1303 : vector<16xf32>
        %mul3A_1305 = arith.mulf %add3A_1304, %select_n3A : vector<16xf32>
        %mul3A_1306 = arith.constant 16 : i32
        %mul3A_1307 = arith.muli %scan3A_704, %mul3A_1306 : i32
        %swap3A_1308 = arith.constant 0 : i32
        %swap3A_1309 = arith.constant 2 : i32
        %swap3A_1310 = arith.constant 6 : i32
        %swap3A_1311 = arith.index_cast %swap3A_1308 : i32 to index
        %swap3A_1312 = arith.index_cast %swap3A_1309 : i32 to index
        %swap3A_1313 = arith.index_cast %swap3A_1310 : i32 to index
        %swap3A_1314 = arith.index_cast %mul3A_1307 : i32 to index
        %swap3A_1315 = tpu.vector_load %arg8[%swap3A_1311, %swap3A_1312, %swap3A_1313, %swap3A_1314] {strides = array<i32>} : memref<2x4x8x128xf32, #tpu.memory_space<vmem>>, vector<16xf32>,
        tpu.vector_store %arg8[%swap3A_1311, %swap3A_1312, %swap3A_1313, %swap3A_1314], %mul3A_1305 {strides = array<i32>} : memref<2x4x8x128xf32, #tpu.memory_space<vmem>>, vector<16xf32>,
        %slice3A_1316 = vector.extract_strided_slice %get3A_441 {offsets = [7], sizes = [1], strides = [1]} : vector<16xf32> to vector<1xf32>
        %squeeze3A_1317 = vector.extract %slice3A_1316[0] : f32 from vector<1xf32>
        %add3A_1318 = vector.broadcast %squeeze3A_1317 : f32 to vector<16xf32>
        %add3A_1319 = arith.addf %gather3A_909, %add3A_1318 : vector<16xf32>
        %mul3A_1320 = arith.mulf %add3A_1319, %select_n3A : vector<16xf32>
        %mul3A_1321 = arith.constant 16 : i32
        %mul3A_1322 = arith.muli %scan3A_704, %mul3A_1321 : i32
        %swap3A_1323 = arith.constant 0 : i32
        %swap3A_1324 = arith.constant 2 : i32
        %swap3A_1325 = arith.constant 7 : i32
        %swap3A_1326 = arith.index_cast %swap3A_1323 : i32 to index
        %swap3A_1327 = arith.index_cast %swap3A_1324 : i32 to index
        %swap3A_1328 = arith.index_cast %swap3A_1325 : i32 to index
        %swap3A_1329 = arith.index_cast %mul3A_1322 : i32 to index
        %swap3A_1330 = tpu.vector_load %arg8[%swap3A_1326, %swap3A_1327, %swap3A_1328, %swap3A_1329] {strides = array<i32>} : memref<2x4x8x128xf32, #tpu.memory_space<vmem>>, vector<16xf32>,
        tpu.vector_store %arg8[%swap3A_1326, %swap3A_1327, %swap3A_1328, %swap3A_1329], %mul3A_1320 {strides = array<i32>} : memref<2x4x8x128xf32, #tpu.memory_space<vmem>>, vector<16xf32>,
        %slice3A_1331 = vector.extract_strided_slice %get3A_441 {offsets = [8], sizes = [1], strides = [1]} : vector<16xf32> to vector<1xf32>
        %squeeze3A_1332 = vector.extract %slice3A_1331[0] : f32 from vector<1xf32>
        %add3A_1333 = vector.broadcast %squeeze3A_1332 : f32 to vector<16xf32>
        %add3A_1334 = arith.addf %gather3A_917, %add3A_1333 : vector<16xf32>
        %mul3A_1335 = arith.mulf %add3A_1334, %select_n3A : vector<16xf32>
        %mul3A_1336 = arith.constant 16 : i32
        %mul3A_1337 = arith.muli %scan3A_704, %mul3A_1336 : i32
        %swap3A_1338 = arith.constant 0 : i32
        %swap3A_1339 = arith.constant 3 : i32
        %swap3A_1340 = arith.constant 0 : i32
        %swap3A_1341 = arith.index_cast %swap3A_1338 : i32 to index
        %swap3A_1342 = arith.index_cast %swap3A_1339 : i32 to index
        %swap3A_1343 = arith.index_cast %swap3A_1340 : i32 to index
        %swap3A_1344 = arith.index_cast %mul3A_1337 : i32 to index
        %swap3A_1345 = tpu.vector_load %arg8[%swap3A_1341, %swap3A_1342, %swap3A_1343, %swap3A_1344] {strides = array<i32>} : memref<2x4x8x128xf32, #tpu.memory_space<vmem>>, vector<16xf32>,
        tpu.vector_store %arg8[%swap3A_1341, %swap3A_1342, %swap3A_1343, %swap3A_1344], %mul3A_1335 {strides = array<i32>} : memref<2x4x8x128xf32, #tpu.memory_space<vmem>>, vector<16xf32>,
        %slice3A_1346 = vector.extract_strided_slice %get3A_441 {offsets = [9], sizes = [1], strides = [1]} : vector<16xf32> to vector<1xf32>
        %squeeze3A_1347 = vector.extract %slice3A_1346[0] : f32 from vector<1xf32>
        %add3A_1348 = vector.broadcast %squeeze3A_1347 : f32 to vector<16xf32>
        %add3A_1349 = arith.addf %gather3A_925, %add3A_1348 : vector<16xf32>
        %mul3A_1350 = arith.mulf %add3A_1349, %select_n3A : vector<16xf32>
        %mul3A_1351 = arith.constant 16 : i32
        %mul3A_1352 = arith.muli %scan3A_704, %mul3A_1351 : i32
        %swap3A_1353 = arith.constant 0 : i32
        %swap3A_1354 = arith.constant 3 : i32
        %swap3A_1355 = arith.constant 1 : i32
        %swap3A_1356 = arith.index_cast %swap3A_1353 : i32 to index
        %swap3A_1357 = arith.index_cast %swap3A_1354 : i32 to index
        %swap3A_1358 = arith.index_cast %swap3A_1355 : i32 to index
        %swap3A_1359 = arith.index_cast %mul3A_1352 : i32 to index
        %swap3A_1360 = tpu.vector_load %arg8[%swap3A_1356, %swap3A_1357, %swap3A_1358, %swap3A_1359] {strides = array<i32>} : memref<2x4x8x128xf32, #tpu.memory_space<vmem>>, vector<16xf32>,
        tpu.vector_store %arg8[%swap3A_1356, %swap3A_1357, %swap3A_1358, %swap3A_1359], %mul3A_1350 {strides = array<i32>} : memref<2x4x8x128xf32, #tpu.memory_space<vmem>>, vector<16xf32>,
        %slice3A_1361 = vector.extract_strided_slice %get3A_441 {offsets = [10], sizes = [1], strides = [1]} : vector<16xf32> to vector<1xf32>
        %squeeze3A_1362 = vector.extract %slice3A_1361[0] : f32 from vector<1xf32>
        %add3A_1363 = vector.broadcast %squeeze3A_1362 : f32 to vector<16xf32>
        %add3A_1364 = arith.addf %gather3A_933, %add3A_1363 : vector<16xf32>
        %mul3A_1365 = arith.mulf %add3A_1364, %select_n3A : vector<16xf32>
        %mul3A_1366 = arith.constant 16 : i32
        %mul3A_1367 = arith.muli %scan3A_704, %mul3A_1366 : i32
        %swap3A_1368 = arith.constant 0 : i32
        %swap3A_1369 = arith.constant 3 : i32
        %swap3A_1370 = arith.constant 2 : i32
        %swap3A_1371 = arith.index_cast %swap3A_1368 : i32 to index
        %swap3A_1372 = arith.index_cast %swap3A_1369 : i32 to index
        %swap3A_1373 = arith.index_cast %swap3A_1370 : i32 to index
        %swap3A_1374 = arith.index_cast %mul3A_1367 : i32 to index
        %swap3A_1375 = tpu.vector_load %arg8[%swap3A_1371, %swap3A_1372, %swap3A_1373, %swap3A_1374] {strides = array<i32>} : memref<2x4x8x128xf32, #tpu.memory_space<vmem>>, vector<16xf32>,
        tpu.vector_store %arg8[%swap3A_1371, %swap3A_1372, %swap3A_1373, %swap3A_1374], %mul3A_1365 {strides = array<i32>} : memref<2x4x8x128xf32, #tpu.memory_space<vmem>>, vector<16xf32>,
        %slice3A_1376 = vector.extract_strided_slice %get3A_441 {offsets = [11], sizes = [1], strides = [1]} : vector<16xf32> to vector<1xf32>
        %squeeze3A_1377 = vector.extract %slice3A_1376[0] : f32 from vector<1xf32>
        %add3A_1378 = vector.broadcast %squeeze3A_1377 : f32 to vector<16xf32>
        %add3A_1379 = arith.addf %gather3A_941, %add3A_1378 : vector<16xf32>
        %mul3A_1380 = arith.mulf %add3A_1379, %select_n3A : vector<16xf32>
        %mul3A_1381 = arith.constant 16 : i32
        %mul3A_1382 = arith.muli %scan3A_704, %mul3A_1381 : i32
        %swap3A_1383 = arith.constant 0 : i32
        %swap3A_1384 = arith.constant 3 : i32
        %swap3A_1385 = arith.constant 3 : i32
        %swap3A_1386 = arith.index_cast %swap3A_1383 : i32 to index
        %swap3A_1387 = arith.index_cast %swap3A_1384 : i32 to index
        %swap3A_1388 = arith.index_cast %swap3A_1385 : i32 to index
        %swap3A_1389 = arith.index_cast %mul3A_1382 : i32 to index
        %swap3A_1390 = tpu.vector_load %arg8[%swap3A_1386, %swap3A_1387, %swap3A_1388, %swap3A_1389] {strides = array<i32>} : memref<2x4x8x128xf32, #tpu.memory_space<vmem>>, vector<16xf32>,
        tpu.vector_store %arg8[%swap3A_1386, %swap3A_1387, %swap3A_1388, %swap3A_1389], %mul3A_1380 {strides = array<i32>} : memref<2x4x8x128xf32, #tpu.memory_space<vmem>>, vector<16xf32>,
        %slice3A_1391 = vector.extract_strided_slice %get3A_441 {offsets = [12], sizes = [1], strides = [1]} : vector<16xf32> to vector<1xf32>
        %squeeze3A_1392 = vector.extract %slice3A_1391[0] : f32 from vector<1xf32>
        %add3A_1393 = vector.broadcast %squeeze3A_1392 : f32 to vector<16xf32>
        %add3A_1394 = arith.addf %gather3A_949, %add3A_1393 : vector<16xf32>
        %mul3A_1395 = arith.mulf %add3A_1394, %select_n3A : vector<16xf32>
        %mul3A_1396 = arith.constant 16 : i32
        %mul3A_1397 = arith.muli %scan3A_704, %mul3A_1396 : i32
        %swap3A_1398 = arith.constant 0 : i32
        %swap3A_1399 = arith.constant 3 : i32
        %swap3A_1400 = arith.constant 4 : i32
        %swap3A_1401 = arith.index_cast %swap3A_1398 : i32 to index
        %swap3A_1402 = arith.index_cast %swap3A_1399 : i32 to index
        %swap3A_1403 = arith.index_cast %swap3A_1400 : i32 to index
        %swap3A_1404 = arith.index_cast %mul3A_1397 : i32 to index
        %swap3A_1405 = tpu.vector_load %arg8[%swap3A_1401, %swap3A_1402, %swap3A_1403, %swap3A_1404] {strides = array<i32>} : memref<2x4x8x128xf32, #tpu.memory_space<vmem>>, vector<16xf32>,
        tpu.vector_store %arg8[%swap3A_1401, %swap3A_1402, %swap3A_1403, %swap3A_1404], %mul3A_1395 {strides = array<i32>} : memref<2x4x8x128xf32, #tpu.memory_space<vmem>>, vector<16xf32>,
        %slice3A_1406 = vector.extract_strided_slice %get3A_441 {offsets = [13], sizes = [1], strides = [1]} : vector<16xf32> to vector<1xf32>
        %squeeze3A_1407 = vector.extract %slice3A_1406[0] : f32 from vector<1xf32>
        %add3A_1408 = vector.broadcast %squeeze3A_1407 : f32 to vector<16xf32>
        %add3A_1409 = arith.addf %gather3A_957, %add3A_1408 : vector<16xf32>
        %mul3A_1410 = arith.mulf %add3A_1409, %select_n3A : vector<16xf32>
        %mul3A_1411 = arith.constant 16 : i32
        %mul3A_1412 = arith.muli %scan3A_704, %mul3A_1411 : i32
        %swap3A_1413 = arith.constant 0 : i32
        %swap3A_1414 = arith.constant 3 : i32
        %swap3A_1415 = arith.constant 5 : i32
        %swap3A_1416 = arith.index_cast %swap3A_1413 : i32 to index
        %swap3A_1417 = arith.index_cast %swap3A_1414 : i32 to index
        %swap3A_1418 = arith.index_cast %swap3A_1415 : i32 to index
        %swap3A_1419 = arith.index_cast %mul3A_1412 : i32 to index
        %swap3A_1420 = tpu.vector_load %arg8[%swap3A_1416, %swap3A_1417, %swap3A_1418, %swap3A_1419] {strides = array<i32>} : memref<2x4x8x128xf32, #tpu.memory_space<vmem>>, vector<16xf32>,
        tpu.vector_store %arg8[%swap3A_1416, %swap3A_1417, %swap3A_1418, %swap3A_1419], %mul3A_1410 {strides = array<i32>} : memref<2x4x8x128xf32, #tpu.memory_space<vmem>>, vector<16xf32>,
        %slice3A_1421 = vector.extract_strided_slice %get3A_441 {offsets = [14], sizes = [1], strides = [1]} : vector<16xf32> to vector<1xf32>
        %squeeze3A_1422 = vector.extract %slice3A_1421[0] : f32 from vector<1xf32>
        %add3A_1423 = vector.broadcast %squeeze3A_1422 : f32 to vector<16xf32>
        %add3A_1424 = arith.addf %gather3A_965, %add3A_1423 : vector<16xf32>
        %mul3A_1425 = arith.mulf %add3A_1424, %select_n3A : vector<16xf32>
        %mul3A_1426 = arith.constant 16 : i32
        %mul3A_1427 = arith.muli %scan3A_704, %mul3A_1426 : i32
        %swap3A_1428 = arith.constant 0 : i32
        %swap3A_1429 = arith.constant 3 : i32
        %swap3A_1430 = arith.constant 6 : i32
        %swap3A_1431 = arith.index_cast %swap3A_1428 : i32 to index
        %swap3A_1432 = arith.index_cast %swap3A_1429 : i32 to index
        %swap3A_1433 = arith.index_cast %swap3A_1430 : i32 to index
        %swap3A_1434 = arith.index_cast %mul3A_1427 : i32 to index
        %swap3A_1435 = tpu.vector_load %arg8[%swap3A_1431, %swap3A_1432, %swap3A_1433, %swap3A_1434] {strides = array<i32>} : memref<2x4x8x128xf32, #tpu.memory_space<vmem>>, vector<16xf32>,
        tpu.vector_store %arg8[%swap3A_1431, %swap3A_1432, %swap3A_1433, %swap3A_1434], %mul3A_1425 {strides = array<i32>} : memref<2x4x8x128xf32, #tpu.memory_space<vmem>>, vector<16xf32>,
        %slice3A_1436 = vector.extract_strided_slice %get3A_441 {offsets = [15], sizes = [1], strides = [1]} : vector<16xf32> to vector<1xf32>
        %squeeze3A_1437 = vector.extract %slice3A_1436[0] : f32 from vector<1xf32>
        %add3A_1438 = vector.broadcast %squeeze3A_1437 : f32 to vector<16xf32>
        %add3A_1439 = arith.addf %gather3A_973, %add3A_1438 : vector<16xf32>
        %mul3A_1440 = arith.mulf %add3A_1439, %select_n3A : vector<16xf32>
        %mul3A_1441 = arith.constant 16 : i32
        %mul3A_1442 = arith.muli %scan3A_704, %mul3A_1441 : i32
        %swap3A_1443 = arith.constant 0 : i32
        %swap3A_1444 = arith.constant 3 : i32
        %swap3A_1445 = arith.constant 7 : i32
        %swap3A_1446 = arith.index_cast %swap3A_1443 : i32 to index
        %swap3A_1447 = arith.index_cast %swap3A_1444 : i32 to index
        %swap3A_1448 = arith.index_cast %swap3A_1445 : i32 to index
        %swap3A_1449 = arith.index_cast %mul3A_1442 : i32 to index
        %swap3A_1450 = tpu.vector_load %arg8[%swap3A_1446, %swap3A_1447, %swap3A_1448, %swap3A_1449] {strides = array<i32>} : memref<2x4x8x128xf32, #tpu.memory_space<vmem>>, vector<16xf32>,
        tpu.vector_store %arg8[%swap3A_1446, %swap3A_1447, %swap3A_1448, %swap3A_1449], %mul3A_1440 {strides = array<i32>} : memref<2x4x8x128xf32, #tpu.memory_space<vmem>>, vector<16xf32>,
      }
      %scan3A_448 = arith.constant 8 : i32
      %mul3A_449 = arith.constant 4 : i32
      %mul3A_450 = arith.muli %add3A_397, %mul3A_449 : i32
      %add3A_451 = arith.constant 0 : i32
      %add3A_452 = arith.addi %mul3A_450, %add3A_451 : i32
      %mul3A_453 = arith.constant 32 : i32
      %mul3A_454 = arith.muli %add3A_452, %mul3A_453 : i32
      %add3A_455 = arith.addi %mul3A_454, %add3A : i32
      %dma_start3A_456 = arith.constant 0 : i32
      %dma_start3A_457 = arith.constant 0 : i32
      %dma_start3A_458 = arith.constant 0 : i32
      %dma_start3A_459 = arith.constant 0 : i32
      %dma_start3A_460 = tpu.memref_slice %arg8[%dma_start3A_456, %dma_start3A_457, %dma_start3A_458, %dma_start3A_459] : memref<2x4x8x128xf32, #tpu.memory_space<vmem>> -> memref<1x1x8x128xf32, #tpu.memory_space<vmem>>
      %dma_start3A_461 = tpu.memref_squeeze %dma_start3A_460 : memref<1x1x8x128xf32, #tpu.memory_space<vmem>> -> memref<8x128xf32, #tpu.memory_space<vmem>>
      %dma_start3A_462 = arith.constant 0 : i32
      %dma_start3A_463 = arith.constant 0 : i32
      %dma_start3A_464 = tpu.memref_slice %arg5[%add3A_455, %dma_start3A_462, %dma_start3A_463] : memref<25600x8x128xf32, #tpu.memory_space<hbm>> -> memref<1x8x128xf32, #tpu.memory_space<hbm>>
      %dma_start3A_465 = tpu.memref_squeeze %dma_start3A_464 : memref<1x8x128xf32, #tpu.memory_space<hbm>> -> memref<8x128xf32, #tpu.memory_space<hbm>>
      %dma_start3A_466 = arith.constant 0 : i32
      %dma_start3A_467 = arith.constant 0 : i32
      %dma_start3A_468 = tpu.memref_slice %arg5[%add3A_455, %dma_start3A_466, %dma_start3A_467] : memref<25600x8x128xf32, #tpu.memory_space<hbm>> -> memref<1x8x128xf32, #tpu.memory_space<hbm>>
      %dma_start3A_469 = tpu.memref_squeeze %dma_start3A_468 : memref<1x8x128xf32, #tpu.memory_space<hbm>> -> memref<8x128xf32, #tpu.memory_space<hbm>>
      %dma_start3A_470 = arith.constant 0 : i32
      %dma_start3A_471 = arith.constant 0 : i32
      %dma_start3A_472 = tpu.memref_slice %arg8[%dma_start3A_456, %dma_start3A_457, %dma_start3A_470, %dma_start3A_471] : memref<2x4x8x128xf32, #tpu.memory_space<vmem>> -> memref<1x1x8x128xf32, #tpu.memory_space<vmem>>
      %dma_start3A_473 = tpu.memref_squeeze %dma_start3A_472 : memref<1x1x8x128xf32, #tpu.memory_space<vmem>> -> memref<8x128xf32, #tpu.memory_space<vmem>>
      tpu.enqueue_dma source(%dma_start3A_473 : memref<8x128xf32, #tpu.memory_space<vmem>>) target(%dma_start3A_469 : memref<8x128xf32, #tpu.memory_space<hbm>>) target_semaphore(%arg14 : memref<!tpu.dma_semaphore, #tpu.memory_space<semaphore_mem>>)
      %mul3A_474 = arith.constant 4 : i32
      %mul3A_475 = arith.muli %add3A_397, %mul3A_474 : i32
      %add3A_476 = arith.constant 1 : i32
      %add3A_477 = arith.addi %mul3A_475, %add3A_476 : i32
      %mul3A_478 = arith.constant 32 : i32
      %mul3A_479 = arith.muli %add3A_477, %mul3A_478 : i32
      %add3A_480 = arith.addi %mul3A_479, %add3A : i32
      %dma_start3A_481 = arith.constant 0 : i32
      %dma_start3A_482 = arith.constant 1 : i32
      %dma_start3A_483 = arith.constant 0 : i32
      %dma_start3A_484 = arith.constant 0 : i32
      %dma_start3A_485 = tpu.memref_slice %arg8[%dma_start3A_481, %dma_start3A_482, %dma_start3A_483, %dma_start3A_484] : memref<2x4x8x128xf32, #tpu.memory_space<vmem>> -> memref<1x1x8x128xf32, #tpu.memory_space<vmem>>
      %dma_start3A_486 = tpu.memref_squeeze %dma_start3A_485 : memref<1x1x8x128xf32, #tpu.memory_space<vmem>> -> memref<8x128xf32, #tpu.memory_space<vmem>>
      %dma_start3A_487 = arith.constant 0 : i32
      %dma_start3A_488 = arith.constant 0 : i32
      %dma_start3A_489 = tpu.memref_slice %arg5[%add3A_480, %dma_start3A_487, %dma_start3A_488] : memref<25600x8x128xf32, #tpu.memory_space<hbm>> -> memref<1x8x128xf32, #tpu.memory_space<hbm>>
      %dma_start3A_490 = tpu.memref_squeeze %dma_start3A_489 : memref<1x8x128xf32, #tpu.memory_space<hbm>> -> memref<8x128xf32, #tpu.memory_space<hbm>>
      %dma_start3A_491 = arith.constant 0 : i32
      %dma_start3A_492 = arith.constant 0 : i32
      %dma_start3A_493 = tpu.memref_slice %arg5[%add3A_480, %dma_start3A_491, %dma_start3A_492] : memref<25600x8x128xf32, #tpu.memory_space<hbm>> -> memref<1x8x128xf32, #tpu.memory_space<hbm>>
      %dma_start3A_494 = tpu.memref_squeeze %dma_start3A_493 : memref<1x8x128xf32, #tpu.memory_space<hbm>> -> memref<8x128xf32, #tpu.memory_space<hbm>>
      %dma_start3A_495 = arith.constant 0 : i32
      %dma_start3A_496 = arith.constant 0 : i32
      %dma_start3A_497 = tpu.memref_slice %arg8[%dma_start3A_481, %dma_start3A_482, %dma_start3A_495, %dma_start3A_496] : memref<2x4x8x128xf32, #tpu.memory_space<vmem>> -> memref<1x1x8x128xf32, #tpu.memory_space<vmem>>
      %dma_start3A_498 = tpu.memref_squeeze %dma_start3A_497 : memref<1x1x8x128xf32, #tpu.memory_space<vmem>> -> memref<8x128xf32, #tpu.memory_space<vmem>>
      tpu.enqueue_dma source(%dma_start3A_498 : memref<8x128xf32, #tpu.memory_space<vmem>>) target(%dma_start3A_494 : memref<8x128xf32, #tpu.memory_space<hbm>>) target_semaphore(%arg14 : memref<!tpu.dma_semaphore, #tpu.memory_space<semaphore_mem>>)
      %mul3A_499 = arith.constant 4 : i32
      %mul3A_500 = arith.muli %add3A_397, %mul3A_499 : i32
      %add3A_501 = arith.constant 2 : i32
      %add3A_502 = arith.addi %mul3A_500, %add3A_501 : i32
      %mul3A_503 = arith.constant 32 : i32
      %mul3A_504 = arith.muli %add3A_502, %mul3A_503 : i32
      %add3A_505 = arith.addi %mul3A_504, %add3A : i32
      %dma_start3A_506 = arith.constant 0 : i32
      %dma_start3A_507 = arith.constant 2 : i32
      %dma_start3A_508 = arith.constant 0 : i32
      %dma_start3A_509 = arith.constant 0 : i32
      %dma_start3A_510 = tpu.memref_slice %arg8[%dma_start3A_506, %dma_start3A_507, %dma_start3A_508, %dma_start3A_509] : memref<2x4x8x128xf32, #tpu.memory_space<vmem>> -> memref<1x1x8x128xf32, #tpu.memory_space<vmem>>
      %dma_start3A_511 = tpu.memref_squeeze %dma_start3A_510 : memref<1x1x8x128xf32, #tpu.memory_space<vmem>> -> memref<8x128xf32, #tpu.memory_space<vmem>>
      %dma_start3A_512 = arith.constant 0 : i32
      %dma_start3A_513 = arith.constant 0 : i32
      %dma_start3A_514 = tpu.memref_slice %arg5[%add3A_505, %dma_start3A_512, %dma_start3A_513] : memref<25600x8x128xf32, #tpu.memory_space<hbm>> -> memref<1x8x128xf32, #tpu.memory_space<hbm>>
      %dma_start3A_515 = tpu.memref_squeeze %dma_start3A_514 : memref<1x8x128xf32, #tpu.memory_space<hbm>> -> memref<8x128xf32, #tpu.memory_space<hbm>>
      %dma_start3A_516 = arith.constant 0 : i32
      %dma_start3A_517 = arith.constant 0 : i32
      %dma_start3A_518 = tpu.memref_slice %arg5[%add3A_505, %dma_start3A_516, %dma_start3A_517] : memref<25600x8x128xf32, #tpu.memory_space<hbm>> -> memref<1x8x128xf32, #tpu.memory_space<hbm>>
      %dma_start3A_519 = tpu.memref_squeeze %dma_start3A_518 : memref<1x8x128xf32, #tpu.memory_space<hbm>> -> memref<8x128xf32, #tpu.memory_space<hbm>>
      %dma_start3A_520 = arith.constant 0 : i32
      %dma_start3A_521 = arith.constant 0 : i32
      %dma_start3A_522 = tpu.memref_slice %arg8[%dma_start3A_506, %dma_start3A_507, %dma_start3A_520, %dma_start3A_521] : memref<2x4x8x128xf32, #tpu.memory_space<vmem>> -> memref<1x1x8x128xf32, #tpu.memory_space<vmem>>
      %dma_start3A_523 = tpu.memref_squeeze %dma_start3A_522 : memref<1x1x8x128xf32, #tpu.memory_space<vmem>> -> memref<8x128xf32, #tpu.memory_space<vmem>>
      tpu.enqueue_dma source(%dma_start3A_523 : memref<8x128xf32, #tpu.memory_space<vmem>>) target(%dma_start3A_519 : memref<8x128xf32, #tpu.memory_space<hbm>>) target_semaphore(%arg14 : memref<!tpu.dma_semaphore, #tpu.memory_space<semaphore_mem>>)
      %mul3A_524 = arith.constant 4 : i32
      %mul3A_525 = arith.muli %add3A_397, %mul3A_524 : i32
      %add3A_526 = arith.constant 3 : i32
      %add3A_527 = arith.addi %mul3A_525, %add3A_526 : i32
      %mul3A_528 = arith.constant 32 : i32
      %mul3A_529 = arith.muli %add3A_527, %mul3A_528 : i32
      %add3A_530 = arith.addi %mul3A_529, %add3A : i32
      %dma_start3A_531 = arith.constant 0 : i32
      %dma_start3A_532 = arith.constant 3 : i32
      %dma_start3A_533 = arith.constant 0 : i32
      %dma_start3A_534 = arith.constant 0 : i32
      %dma_start3A_535 = tpu.memref_slice %arg8[%dma_start3A_531, %dma_start3A_532, %dma_start3A_533, %dma_start3A_534] : memref<2x4x8x128xf32, #tpu.memory_space<vmem>> -> memref<1x1x8x128xf32, #tpu.memory_space<vmem>>
      %dma_start3A_536 = tpu.memref_squeeze %dma_start3A_535 : memref<1x1x8x128xf32, #tpu.memory_space<vmem>> -> memref<8x128xf32, #tpu.memory_space<vmem>>
      %dma_start3A_537 = arith.constant 0 : i32
      %dma_start3A_538 = arith.constant 0 : i32
      %dma_start3A_539 = tpu.memref_slice %arg5[%add3A_530, %dma_start3A_537, %dma_start3A_538] : memref<25600x8x128xf32, #tpu.memory_space<hbm>> -> memref<1x8x128xf32, #tpu.memory_space<hbm>>
      %dma_start3A_540 = tpu.memref_squeeze %dma_start3A_539 : memref<1x8x128xf32, #tpu.memory_space<hbm>> -> memref<8x128xf32, #tpu.memory_space<hbm>>
      %dma_start3A_541 = arith.constant 0 : i32
      %dma_start3A_542 = arith.constant 0 : i32
      %dma_start3A_543 = tpu.memref_slice %arg5[%add3A_530, %dma_start3A_541, %dma_start3A_542] : memref<25600x8x128xf32, #tpu.memory_space<hbm>> -> memref<1x8x128xf32, #tpu.memory_space<hbm>>
      %dma_start3A_544 = tpu.memref_squeeze %dma_start3A_543 : memref<1x8x128xf32, #tpu.memory_space<hbm>> -> memref<8x128xf32, #tpu.memory_space<hbm>>
      %dma_start3A_545 = arith.constant 0 : i32
      %dma_start3A_546 = arith.constant 0 : i32
      %dma_start3A_547 = tpu.memref_slice %arg8[%dma_start3A_531, %dma_start3A_532, %dma_start3A_545, %dma_start3A_546] : memref<2x4x8x128xf32, #tpu.memory_space<vmem>> -> memref<1x1x8x128xf32, #tpu.memory_space<vmem>>
      %dma_start3A_548 = tpu.memref_squeeze %dma_start3A_547 : memref<1x1x8x128xf32, #tpu.memory_space<vmem>> -> memref<8x128xf32, #tpu.memory_space<vmem>>
      tpu.enqueue_dma source(%dma_start3A_548 : memref<8x128xf32, #tpu.memory_space<vmem>>) target(%dma_start3A_544 : memref<8x128xf32, #tpu.memory_space<hbm>>) target_semaphore(%arg14 : memref<!tpu.dma_semaphore, #tpu.memory_space<semaphore_mem>>)
      %mul3A_549 = arith.constant 4 : i32
      %mul3A_550 = arith.muli %scan3A_89, %mul3A_549 : i32
      %add3A_551 = arith.constant 3 : i32
      %add3A_552 = arith.addi %mul3A_550, %add3A_551 : i32
      %dma_wait3A_553 = arith.constant 3 : i32
      %dma_wait3A_554 = arith.constant 3 : i32
      %dma_wait3A_555 = arith.constant 0 : i32
      %dma_wait3A_556 = arith.constant 0 : i32
      %dma_wait3A_557 = tpu.memref_slice %arg7[%dma_wait3A_554, %dma_wait3A_555, %dma_wait3A_556] : memref<4x128x32xf32, #tpu.memory_space<vmem>> -> memref<1x128x32xf32, #tpu.memory_space<vmem>>
      %dma_wait3A_558 = tpu.memref_squeeze %dma_wait3A_557 : memref<1x128x32xf32, #tpu.memory_space<vmem>> -> memref<128x32xf32, #tpu.memory_space<vmem>>
      %dma_wait3A_559 = arith.constant 0 : i32
      %dma_wait3A_560 = tpu.memref_slice %arg6[%dma_wait3A_553, %dma_wait3A_559] : memref<4x128xi32, #tpu.memory_space<vmem>> -> memref<1x128xi32, #tpu.memory_space<vmem>>
      %dma_wait3A_561 = tpu.memref_squeeze %dma_wait3A_560 : memref<1x128xi32, #tpu.memory_space<vmem>> -> memref<128xi32, #tpu.memory_space<vmem>>
      %dma_wait3A_562 = arith.constant 0 : i32
      %dma_wait3A_563 = arith.constant 0 : i32
      %dma_wait3A_564 = tpu.memref_slice %arg3[%dma_wait3A_562, %dma_wait3A_563] : memref<1000000x32xf32, #tpu.memory_space<hbm>> -> memref<1000000x32xf32, #tpu.memory_space<hbm>>
      tpu.wait_indirect_dma semaphore(%arg13 : memref<!tpu.dma_semaphore, #tpu.memory_space<semaphore_mem>>) src(%dma_wait3A_564 : memref<1000000x32xf32, #tpu.memory_space<hbm>>) dst(%dma_wait3A_558 : memref<128x32xf32, #tpu.memory_space<vmem>>)
      %add3A_565 = arith.constant 3 : i32
      %add3A_566 = arith.addi %add3A_552, %add3A_565 : i32
      %lt3A_567 = arith.constant 200 : i32
      %lt3A_568 = arith.cmpi slt, %add3A_566, %lt3A_567 : i32
      %convert_element_type3A_569 = arith.extui %lt3A_568 : i1 to i32
      %cond3A_570 = arith.constant 0 : i32
      %cond3A_571 = arith.cmpi ne, %convert_element_type3A_569, %cond3A_570 : i32
      scf.if %cond3A_571 {
        %add3A_704 = arith.constant 3 : i32
        %add3A_705 = arith.addi %add3A_552, %add3A_704 : i32
        %dma_start3A_706 = arith.constant 2 : i32
        %dma_start3A_707 = arith.constant 0 : i32
        %dma_start3A_708 = tpu.memref_slice %arg6[%dma_start3A_706, %dma_start3A_707] : memref<4x128xi32, #tpu.memory_space<vmem>> -> memref<1x128xi32, #tpu.memory_space<vmem>>
        %dma_start3A_709 = tpu.memref_squeeze %dma_start3A_708 : memref<1x128xi32, #tpu.memory_space<vmem>> -> memref<128xi32, #tpu.memory_space<vmem>>
        %dma_start3A_710 = arith.constant 0 : i32
        %dma_start3A_711 = tpu.memref_slice %arg2[%add3A_705, %add3A, %dma_start3A_710] : memref<200x32x128xi32, #tpu.memory_space<hbm>> -> memref<1x1x128xi32, #tpu.memory_space<hbm>>
        %dma_start3A_712 = tpu.memref_squeeze %dma_start3A_711 : memref<1x1x128xi32, #tpu.memory_space<hbm>> -> memref<128xi32, #tpu.memory_space<hbm>>
        %dma_start3A_713 = arith.constant 0 : i32
        %dma_start3A_714 = tpu.memref_slice %arg6[%dma_start3A_706, %dma_start3A_713] : memref<4x128xi32, #tpu.memory_space<vmem>> -> memref<1x128xi32, #tpu.memory_space<vmem>>
        %dma_start3A_715 = tpu.memref_squeeze %dma_start3A_714 : memref<1x128xi32, #tpu.memory_space<vmem>> -> memref<128xi32, #tpu.memory_space<vmem>>
        %dma_start3A_716 = arith.constant 0 : i32
        %dma_start3A_717 = tpu.memref_slice %arg2[%add3A_705, %add3A, %dma_start3A_716] : memref<200x32x128xi32, #tpu.memory_space<hbm>> -> memref<1x1x128xi32, #tpu.memory_space<hbm>>
        %dma_start3A_718 = tpu.memref_squeeze %dma_start3A_717 : memref<1x1x128xi32, #tpu.memory_space<hbm>> -> memref<128xi32, #tpu.memory_space<hbm>>
        tpu.enqueue_dma source(%dma_start3A_718 : memref<128xi32, #tpu.memory_space<hbm>>) target(%dma_start3A_715 : memref<128xi32, #tpu.memory_space<vmem>>) target_semaphore(%arg18 : memref<!tpu.dma_semaphore, #tpu.memory_space<semaphore_mem>>)
      } else {
      }
      %add3A_572 = arith.constant 2 : i32
      %add3A_573 = arith.addi %add3A_552, %add3A_572 : i32
      %lt3A_574 = arith.constant 200 : i32
      %lt3A_575 = arith.cmpi slt, %add3A_573, %lt3A_574 : i32
      %convert_element_type3A_576 = arith.extui %lt3A_575 : i1 to i32
      %cond3A_577 = arith.constant 0 : i32
      %cond3A_578 = arith.cmpi ne, %convert_element_type3A_576, %cond3A_577 : i32
      scf.if %cond3A_578 {
        %add3A_704 = arith.constant 2 : i32
        %add3A_705 = arith.addi %add3A_552, %add3A_704 : i32
        %dma_wait3A_706 = arith.constant 1 : i32
        %dma_wait3A_707 = arith.constant 0 : i32
        %dma_wait3A_708 = tpu.memref_slice %arg6[%dma_wait3A_706, %dma_wait3A_707] : memref<4x128xi32, #tpu.memory_space<vmem>> -> memref<1x128xi32, #tpu.memory_space<vmem>>
        %dma_wait3A_709 = tpu.memref_squeeze %dma_wait3A_708 : memref<1x128xi32, #tpu.memory_space<vmem>> -> memref<128xi32, #tpu.memory_space<vmem>>
        %dma_wait3A_710 = arith.constant 0 : i32
        %dma_wait3A_711 = tpu.memref_slice %arg2[%add3A_705, %add3A, %dma_wait3A_710] : memref<200x32x128xi32, #tpu.memory_space<hbm>> -> memref<1x1x128xi32, #tpu.memory_space<hbm>>
        %dma_wait3A_712 = tpu.memref_squeeze %dma_wait3A_711 : memref<1x1x128xi32, #tpu.memory_space<hbm>> -> memref<128xi32, #tpu.memory_space<hbm>>
        %dma_wait3A_713 = arith.constant 0 : i32
        %dma_wait3A_714 = tpu.memref_slice %arg6[%dma_wait3A_706, %dma_wait3A_713] : memref<4x128xi32, #tpu.memory_space<vmem>> -> memref<1x128xi32, #tpu.memory_space<vmem>>
        %dma_wait3A_715 = tpu.memref_squeeze %dma_wait3A_714 : memref<1x128xi32, #tpu.memory_space<vmem>> -> memref<128xi32, #tpu.memory_space<vmem>>
        %dma_wait3A_716 = arith.constant 0 : i32
        %dma_wait3A_717 = tpu.memref_slice %arg2[%add3A_705, %add3A, %dma_wait3A_716] : memref<200x32x128xi32, #tpu.memory_space<hbm>> -> memref<1x1x128xi32, #tpu.memory_space<hbm>>
        %dma_wait3A_718 = tpu.memref_squeeze %dma_wait3A_717 : memref<1x1x128xi32, #tpu.memory_space<hbm>> -> memref<128xi32, #tpu.memory_space<hbm>>
        tpu.wait_dma2 semaphore(%arg17 : memref<!tpu.dma_semaphore, #tpu.memory_space<semaphore_mem>>) src(%dma_wait3A_718 : memref<128xi32, #tpu.memory_space<hbm>>) dst(%dma_wait3A_715 : memref<128xi32, #tpu.memory_space<vmem>>)
      } else {
      }
      %add3A_579 = arith.constant 2 : i32
      %add3A_580 = arith.addi %add3A_552, %add3A_579 : i32
      %lt3A_581 = arith.constant 200 : i32
      %lt3A_582 = arith.cmpi slt, %add3A_580, %lt3A_581 : i32
      %convert_element_type3A_583 = arith.extui %lt3A_582 : i1 to i32
      %cond3A_584 = arith.constant 0 : i32
      %cond3A_585 = arith.cmpi ne, %convert_element_type3A_583, %cond3A_584 : i32
      scf.if %cond3A_585 {
        %dma_start3A_704 = arith.constant 1 : i32
        %dma_start3A_705 = arith.constant 1 : i32
        %dma_start3A_706 = arith.constant 0 : i32
        %dma_start3A_707 = arith.constant 0 : i32
        %dma_start3A_708 = tpu.memref_slice %arg7[%dma_start3A_705, %dma_start3A_706, %dma_start3A_707] : memref<4x128x32xf32, #tpu.memory_space<vmem>> -> memref<1x128x32xf32, #tpu.memory_space<vmem>>
        %dma_start3A_709 = tpu.memref_squeeze %dma_start3A_708 : memref<1x128x32xf32, #tpu.memory_space<vmem>> -> memref<128x32xf32, #tpu.memory_space<vmem>>
        %dma_start3A_710 = arith.constant 0 : i32
        %dma_start3A_711 = tpu.memref_slice %arg6[%dma_start3A_704, %dma_start3A_710] : memref<4x128xi32, #tpu.memory_space<vmem>> -> memref<1x128xi32, #tpu.memory_space<vmem>>
        %dma_start3A_712 = tpu.memref_squeeze %dma_start3A_711 : memref<1x128xi32, #tpu.memory_space<vmem>> -> memref<128xi32, #tpu.memory_space<vmem>>
        %dma_start3A_713 = arith.constant 0 : i32
        %dma_start3A_714 = arith.constant 0 : i32
        %dma_start3A_715 = tpu.memref_slice %arg3[%dma_start3A_713, %dma_start3A_714] : memref<1000000x32xf32, #tpu.memory_space<hbm>> -> memref<1000000x32xf32, #tpu.memory_space<hbm>>
        tpu.enqueue_indirect_dma source(%dma_start3A_715 : memref<1000000x32xf32, #tpu.memory_space<hbm>>) target(%dma_start3A_709 : memref<128x32xf32, #tpu.memory_space<vmem>>) offsets(%dma_start3A_712 : memref<128xi32, #tpu.memory_space<vmem>>) semaphore(%arg11 : memref<!tpu.dma_semaphore, #tpu.memory_space<semaphore_mem>>)
      } else {
      }
      %ge3A_586 = arith.constant 2 : i32
      %ge3A_587 = arith.cmpi sge, %add3A_552, %ge3A_586 : i32
      %convert_element_type3A_588 = arith.extui %ge3A_587 : i1 to i32
      %cond3A_589 = arith.constant 0 : i32
      %cond3A_590 = arith.cmpi ne, %convert_element_type3A_588, %cond3A_589 : i32
      scf.if %cond3A_590 {
        %dma_wait3A_704 = arith.constant 1 : i32
        %dma_wait3A_705 = arith.constant 0 : i32
        %dma_wait3A_706 = arith.constant 0 : i32
        %dma_wait3A_707 = arith.constant 0 : i32
        %dma_wait3A_708 = tpu.memref_slice %arg8[%dma_wait3A_704, %dma_wait3A_705, %dma_wait3A_706, %dma_wait3A_707] : memref<2x4x8x128xf32, #tpu.memory_space<vmem>> -> memref<1x4x8x128xf32, #tpu.memory_space<vmem>>
        %dma_wait3A_709 = tpu.memref_squeeze %dma_wait3A_708 : memref<1x4x8x128xf32, #tpu.memory_space<vmem>> -> memref<4x8x128xf32, #tpu.memory_space<vmem>>
        %dma_wait3A_710 = arith.constant 0 : i32
        %dma_wait3A_711 = arith.constant 0 : i32
        %dma_wait3A_712 = arith.constant 0 : i32
        %dma_wait3A_713 = tpu.memref_slice %arg5[%dma_wait3A_710, %dma_wait3A_711, %dma_wait3A_712] : memref<25600x8x128xf32, #tpu.memory_space<hbm>> -> memref<4x8x128xf32, #tpu.memory_space<hbm>>
        %dma_wait3A_714 = arith.constant 0 : i32
        %dma_wait3A_715 = arith.constant 0 : i32
        %dma_wait3A_716 = arith.constant 0 : i32
        %dma_wait3A_717 = tpu.memref_slice %arg5[%dma_wait3A_714, %dma_wait3A_715, %dma_wait3A_716] : memref<25600x8x128xf32, #tpu.memory_space<hbm>> -> memref<4x8x128xf32, #tpu.memory_space<hbm>>
        %dma_wait3A_718 = arith.constant 0 : i32
        %dma_wait3A_719 = arith.constant 0 : i32
        %dma_wait3A_720 = arith.constant 0 : i32
        %dma_wait3A_721 = tpu.memref_slice %arg8[%dma_wait3A_704, %dma_wait3A_718, %dma_wait3A_719, %dma_wait3A_720] : memref<2x4x8x128xf32, #tpu.memory_space<vmem>> -> memref<1x4x8x128xf32, #tpu.memory_space<vmem>>
        %dma_wait3A_722 = tpu.memref_squeeze %dma_wait3A_721 : memref<1x4x8x128xf32, #tpu.memory_space<vmem>> -> memref<4x8x128xf32, #tpu.memory_space<vmem>>
        tpu.wait_dma2 semaphore(%arg15 : memref<!tpu.dma_semaphore, #tpu.memory_space<semaphore_mem>>) src(%dma_wait3A_722 : memref<4x8x128xf32, #tpu.memory_space<vmem>>) dst(%dma_wait3A_717 : memref<4x8x128xf32, #tpu.memory_space<hbm>>)
      } else {
      }
      %get3A_591 = arith.index_cast %scan3A_89 : i32 to index
      %get3A_592 = arith.constant 96 : index
      %get3A_593 = tpu.vector_load %arg9[%get3A_591, %get3A_592] {strides = array<i32>} : memref<50x128xf32, #tpu.memory_space<vmem>>, vector<16xf32>,
      %get3A_594 = arith.index_cast %scan3A_89 : i32 to index
      %get3A_595 = arith.constant 112 : index
      %get3A_596 = tpu.vector_load %arg9[%get3A_594, %get3A_595] {strides = array<i32>} : memref<50x128xf32, #tpu.memory_space<vmem>>, vector<16xf32>,
      %iota3A_597 = tpu.iota {dimensions = array<i32: 0>} : vector<16xi32>
      %scan3A_598 = arith.constant 0 : i32
      %scan3A_599 = arith.constant 0 : i32
      %scan3A_600 = arith.constant 8 : i32
      %scan3A_601 = arith.addi %scan3A_599, %scan3A_600 : i32
      %scan3A_602 = arith.constant 1 : i32
      scf.for %scan3A_704 = %scan3A_599 to %scan3A_601 step %scan3A_602  : i32 {
        %mul3A_705 = arith.constant 16 : i32
        %mul3A_706 = arith.muli %scan3A_704, %mul3A_705 : i32
        %get3A_707 = arith.constant 3 : i32
        %get3A_708 = arith.index_cast %get3A_707 : i32 to index
        %get3A_709 = arith.index_cast %mul3A_706 : i32 to index
        %get3A_710 = tpu.vector_load %arg6[%get3A_708, %get3A_709] {strides = array<i32>} : memref<4x128xi32, #tpu.memory_space<vmem>>, vector<16xi32>,
        %ne3A = arith.constant 0 : i32
        %ne3A_711 = vector.broadcast %ne3A : i32 to vector<16xi32>
        %ne3A_712 = arith.cmpi ne, %get3A_710, %ne3A_711 : vector<16xi32>
        %jit3A = arith.constant 5.65685415 : f32
        %jit3A_713 = arith.constant 0.000000e+00 : f32
        %broadcast_in_dim3A = vector.broadcast %jit3A : f32 to vector<16xf32>
        %broadcast_in_dim3A_714 = vector.broadcast %jit3A_713 : f32 to vector<16xf32>
        %select_n3A = arith.select %ne3A_712, %broadcast_in_dim3A, %broadcast_in_dim3A_714 : vector<16xi1>, vector<16xf32>
        %mul3A_715 = arith.constant 16 : i32
        %mul3A_716 = arith.muli %scan3A_704, %mul3A_715 : i32
        %add3A_717 = vector.broadcast %mul3A_716 : i32 to vector<16xi32>
        %add3A_718 = arith.addi %iota3A_597, %add3A_717 : vector<16xi32>
        %broadcast_in_dim3A_719 = arith.constant 0 : i32
        %broadcast_in_dim3A_720 = vector.broadcast %broadcast_in_dim3A_719 : i32 to vector<16xi32>
        %gather3A = arith.constant 3 : i32
        %gather3A_721 = arith.constant 0 : i32
        %gather3A_722 = arith.constant 0 : i32
        %gather3A_723 = tpu.memref_slice %arg7[%gather3A, %gather3A_721, %gather3A_722] : memref<4x128x32xf32, #tpu.memory_space<vmem>> -> memref<1x128x32xf32, #tpu.memory_space<vmem>>
        %gather3A_724 = tpu.memref_squeeze %gather3A_723 : memref<1x128x32xf32, #tpu.memory_space<vmem>> -> memref<128x32xf32, #tpu.memory_space<vmem>>
        %gather3A_725 = tpu.vector_load_idx %gather3A_724[%add3A_718, %broadcast_in_dim3A_720] : memref<128x32xf32, #tpu.memory_space<vmem>>[vector<16xi32>, vector<16xi32>], vector<16xf32>,
        %broadcast_in_dim3A_726 = arith.constant 1 : i32
        %broadcast_in_dim3A_727 = vector.broadcast %broadcast_in_dim3A_726 : i32 to vector<16xi32>
        %gather3A_728 = arith.constant 3 : i32
        %gather3A_729 = arith.constant 0 : i32
        %gather3A_730 = arith.constant 0 : i32
        %gather3A_731 = tpu.memref_slice %arg7[%gather3A_728, %gather3A_729, %gather3A_730] : memref<4x128x32xf32, #tpu.memory_space<vmem>> -> memref<1x128x32xf32, #tpu.memory_space<vmem>>
        %gather3A_732 = tpu.memref_squeeze %gather3A_731 : memref<1x128x32xf32, #tpu.memory_space<vmem>> -> memref<128x32xf32, #tpu.memory_space<vmem>>
        %gather3A_733 = tpu.vector_load_idx %gather3A_732[%add3A_718, %broadcast_in_dim3A_727] : memref<128x32xf32, #tpu.memory_space<vmem>>[vector<16xi32>, vector<16xi32>], vector<16xf32>,
        %broadcast_in_dim3A_734 = arith.constant 2 : i32
        %broadcast_in_dim3A_735 = vector.broadcast %broadcast_in_dim3A_734 : i32 to vector<16xi32>
        %gather3A_736 = arith.constant 3 : i32
        %gather3A_737 = arith.constant 0 : i32
        %gather3A_738 = arith.constant 0 : i32
        %gather3A_739 = tpu.memref_slice %arg7[%gather3A_736, %gather3A_737, %gather3A_738] : memref<4x128x32xf32, #tpu.memory_space<vmem>> -> memref<1x128x32xf32, #tpu.memory_space<vmem>>
        %gather3A_740 = tpu.memref_squeeze %gather3A_739 : memref<1x128x32xf32, #tpu.memory_space<vmem>> -> memref<128x32xf32, #tpu.memory_space<vmem>>
        %gather3A_741 = tpu.vector_load_idx %gather3A_740[%add3A_718, %broadcast_in_dim3A_735] : memref<128x32xf32, #tpu.memory_space<vmem>>[vector<16xi32>, vector<16xi32>], vector<16xf32>,
        %broadcast_in_dim3A_742 = arith.constant 3 : i32
        %broadcast_in_dim3A_743 = vector.broadcast %broadcast_in_dim3A_742 : i32 to vector<16xi32>
        %gather3A_744 = arith.constant 3 : i32
        %gather3A_745 = arith.constant 0 : i32
        %gather3A_746 = arith.constant 0 : i32
        %gather3A_747 = tpu.memref_slice %arg7[%gather3A_744, %gather3A_745, %gather3A_746] : memref<4x128x32xf32, #tpu.memory_space<vmem>> -> memref<1x128x32xf32, #tpu.memory_space<vmem>>
        %gather3A_748 = tpu.memref_squeeze %gather3A_747 : memref<1x128x32xf32, #tpu.memory_space<vmem>> -> memref<128x32xf32, #tpu.memory_space<vmem>>
        %gather3A_749 = tpu.vector_load_idx %gather3A_748[%add3A_718, %broadcast_in_dim3A_743] : memref<128x32xf32, #tpu.memory_space<vmem>>[vector<16xi32>, vector<16xi32>], vector<16xf32>,
        %broadcast_in_dim3A_750 = arith.constant 4 : i32
        %broadcast_in_dim3A_751 = vector.broadcast %broadcast_in_dim3A_750 : i32 to vector<16xi32>
        %gather3A_752 = arith.constant 3 : i32
        %gather3A_753 = arith.constant 0 : i32
        %gather3A_754 = arith.constant 0 : i32
        %gather3A_755 = tpu.memref_slice %arg7[%gather3A_752, %gather3A_753, %gather3A_754] : memref<4x128x32xf32, #tpu.memory_space<vmem>> -> memref<1x128x32xf32, #tpu.memory_space<vmem>>
        %gather3A_756 = tpu.memref_squeeze %gather3A_755 : memref<1x128x32xf32, #tpu.memory_space<vmem>> -> memref<128x32xf32, #tpu.memory_space<vmem>>
        %gather3A_757 = tpu.vector_load_idx %gather3A_756[%add3A_718, %broadcast_in_dim3A_751] : memref<128x32xf32, #tpu.memory_space<vmem>>[vector<16xi32>, vector<16xi32>], vector<16xf32>,
        %broadcast_in_dim3A_758 = arith.constant 5 : i32
        %broadcast_in_dim3A_759 = vector.broadcast %broadcast_in_dim3A_758 : i32 to vector<16xi32>
        %gather3A_760 = arith.constant 3 : i32
        %gather3A_761 = arith.constant 0 : i32
        %gather3A_762 = arith.constant 0 : i32
        %gather3A_763 = tpu.memref_slice %arg7[%gather3A_760, %gather3A_761, %gather3A_762] : memref<4x128x32xf32, #tpu.memory_space<vmem>> -> memref<1x128x32xf32, #tpu.memory_space<vmem>>
        %gather3A_764 = tpu.memref_squeeze %gather3A_763 : memref<1x128x32xf32, #tpu.memory_space<vmem>> -> memref<128x32xf32, #tpu.memory_space<vmem>>
        %gather3A_765 = tpu.vector_load_idx %gather3A_764[%add3A_718, %broadcast_in_dim3A_759] : memref<128x32xf32, #tpu.memory_space<vmem>>[vector<16xi32>, vector<16xi32>], vector<16xf32>,
        %broadcast_in_dim3A_766 = arith.constant 6 : i32
        %broadcast_in_dim3A_767 = vector.broadcast %broadcast_in_dim3A_766 : i32 to vector<16xi32>
        %gather3A_768 = arith.constant 3 : i32
        %gather3A_769 = arith.constant 0 : i32
        %gather3A_770 = arith.constant 0 : i32
        %gather3A_771 = tpu.memref_slice %arg7[%gather3A_768, %gather3A_769, %gather3A_770] : memref<4x128x32xf32, #tpu.memory_space<vmem>> -> memref<1x128x32xf32, #tpu.memory_space<vmem>>
        %gather3A_772 = tpu.memref_squeeze %gather3A_771 : memref<1x128x32xf32, #tpu.memory_space<vmem>> -> memref<128x32xf32, #tpu.memory_space<vmem>>
        %gather3A_773 = tpu.vector_load_idx %gather3A_772[%add3A_718, %broadcast_in_dim3A_767] : memref<128x32xf32, #tpu.memory_space<vmem>>[vector<16xi32>, vector<16xi32>], vector<16xf32>,
        %broadcast_in_dim3A_774 = arith.constant 7 : i32
        %broadcast_in_dim3A_775 = vector.broadcast %broadcast_in_dim3A_774 : i32 to vector<16xi32>
        %gather3A_776 = arith.constant 3 : i32
        %gather3A_777 = arith.constant 0 : i32
        %gather3A_778 = arith.constant 0 : i32
        %gather3A_779 = tpu.memref_slice %arg7[%gather3A_776, %gather3A_777, %gather3A_778] : memref<4x128x32xf32, #tpu.memory_space<vmem>> -> memref<1x128x32xf32, #tpu.memory_space<vmem>>
        %gather3A_780 = tpu.memref_squeeze %gather3A_779 : memref<1x128x32xf32, #tpu.memory_space<vmem>> -> memref<128x32xf32, #tpu.memory_space<vmem>>
        %gather3A_781 = tpu.vector_load_idx %gather3A_780[%add3A_718, %broadcast_in_dim3A_775] : memref<128x32xf32, #tpu.memory_space<vmem>>[vector<16xi32>, vector<16xi32>], vector<16xf32>,
        %broadcast_in_dim3A_782 = arith.constant 8 : i32
        %broadcast_in_dim3A_783 = vector.broadcast %broadcast_in_dim3A_782 : i32 to vector<16xi32>
        %gather3A_784 = arith.constant 3 : i32
        %gather3A_785 = arith.constant 0 : i32
        %gather3A_786 = arith.constant 0 : i32
        %gather3A_787 = tpu.memref_slice %arg7[%gather3A_784, %gather3A_785, %gather3A_786] : memref<4x128x32xf32, #tpu.memory_space<vmem>> -> memref<1x128x32xf32, #tpu.memory_space<vmem>>
        %gather3A_788 = tpu.memref_squeeze %gather3A_787 : memref<1x128x32xf32, #tpu.memory_space<vmem>> -> memref<128x32xf32, #tpu.memory_space<vmem>>
        %gather3A_789 = tpu.vector_load_idx %gather3A_788[%add3A_718, %broadcast_in_dim3A_783] : memref<128x32xf32, #tpu.memory_space<vmem>>[vector<16xi32>, vector<16xi32>], vector<16xf32>,
        %broadcast_in_dim3A_790 = arith.constant 9 : i32
        %broadcast_in_dim3A_791 = vector.broadcast %broadcast_in_dim3A_790 : i32 to vector<16xi32>
        %gather3A_792 = arith.constant 3 : i32
        %gather3A_793 = arith.constant 0 : i32
        %gather3A_794 = arith.constant 0 : i32
        %gather3A_795 = tpu.memref_slice %arg7[%gather3A_792, %gather3A_793, %gather3A_794] : memref<4x128x32xf32, #tpu.memory_space<vmem>> -> memref<1x128x32xf32, #tpu.memory_space<vmem>>
        %gather3A_796 = tpu.memref_squeeze %gather3A_795 : memref<1x128x32xf32, #tpu.memory_space<vmem>> -> memref<128x32xf32, #tpu.memory_space<vmem>>
        %gather3A_797 = tpu.vector_load_idx %gather3A_796[%add3A_718, %broadcast_in_dim3A_791] : memref<128x32xf32, #tpu.memory_space<vmem>>[vector<16xi32>, vector<16xi32>], vector<16xf32>,
        %broadcast_in_dim3A_798 = arith.constant 10 : i32
        %broadcast_in_dim3A_799 = vector.broadcast %broadcast_in_dim3A_798 : i32 to vector<16xi32>
        %gather3A_800 = arith.constant 3 : i32
        %gather3A_801 = arith.constant 0 : i32
        %gather3A_802 = arith.constant 0 : i32
        %gather3A_803 = tpu.memref_slice %arg7[%gather3A_800, %gather3A_801, %gather3A_802] : memref<4x128x32xf32, #tpu.memory_space<vmem>> -> memref<1x128x32xf32, #tpu.memory_space<vmem>>
        %gather3A_804 = tpu.memref_squeeze %gather3A_803 : memref<1x128x32xf32, #tpu.memory_space<vmem>> -> memref<128x32xf32, #tpu.memory_space<vmem>>
        %gather3A_805 = tpu.vector_load_idx %gather3A_804[%add3A_718, %broadcast_in_dim3A_799] : memref<128x32xf32, #tpu.memory_space<vmem>>[vector<16xi32>, vector<16xi32>], vector<16xf32>,
        %broadcast_in_dim3A_806 = arith.constant 11 : i32
        %broadcast_in_dim3A_807 = vector.broadcast %broadcast_in_dim3A_806 : i32 to vector<16xi32>
        %gather3A_808 = arith.constant 3 : i32
        %gather3A_809 = arith.constant 0 : i32
        %gather3A_810 = arith.constant 0 : i32
        %gather3A_811 = tpu.memref_slice %arg7[%gather3A_808, %gather3A_809, %gather3A_810] : memref<4x128x32xf32, #tpu.memory_space<vmem>> -> memref<1x128x32xf32, #tpu.memory_space<vmem>>
        %gather3A_812 = tpu.memref_squeeze %gather3A_811 : memref<1x128x32xf32, #tpu.memory_space<vmem>> -> memref<128x32xf32, #tpu.memory_space<vmem>>
        %gather3A_813 = tpu.vector_load_idx %gather3A_812[%add3A_718, %broadcast_in_dim3A_807] : memref<128x32xf32, #tpu.memory_space<vmem>>[vector<16xi32>, vector<16xi32>], vector<16xf32>,
        %broadcast_in_dim3A_814 = arith.constant 12 : i32
        %broadcast_in_dim3A_815 = vector.broadcast %broadcast_in_dim3A_814 : i32 to vector<16xi32>
        %gather3A_816 = arith.constant 3 : i32
        %gather3A_817 = arith.constant 0 : i32
        %gather3A_818 = arith.constant 0 : i32
        %gather3A_819 = tpu.memref_slice %arg7[%gather3A_816, %gather3A_817, %gather3A_818] : memref<4x128x32xf32, #tpu.memory_space<vmem>> -> memref<1x128x32xf32, #tpu.memory_space<vmem>>
        %gather3A_820 = tpu.memref_squeeze %gather3A_819 : memref<1x128x32xf32, #tpu.memory_space<vmem>> -> memref<128x32xf32, #tpu.memory_space<vmem>>
        %gather3A_821 = tpu.vector_load_idx %gather3A_820[%add3A_718, %broadcast_in_dim3A_815] : memref<128x32xf32, #tpu.memory_space<vmem>>[vector<16xi32>, vector<16xi32>], vector<16xf32>,
        %broadcast_in_dim3A_822 = arith.constant 13 : i32
        %broadcast_in_dim3A_823 = vector.broadcast %broadcast_in_dim3A_822 : i32 to vector<16xi32>
        %gather3A_824 = arith.constant 3 : i32
        %gather3A_825 = arith.constant 0 : i32
        %gather3A_826 = arith.constant 0 : i32
        %gather3A_827 = tpu.memref_slice %arg7[%gather3A_824, %gather3A_825, %gather3A_826] : memref<4x128x32xf32, #tpu.memory_space<vmem>> -> memref<1x128x32xf32, #tpu.memory_space<vmem>>
        %gather3A_828 = tpu.memref_squeeze %gather3A_827 : memref<1x128x32xf32, #tpu.memory_space<vmem>> -> memref<128x32xf32, #tpu.memory_space<vmem>>
        %gather3A_829 = tpu.vector_load_idx %gather3A_828[%add3A_718, %broadcast_in_dim3A_823] : memref<128x32xf32, #tpu.memory_space<vmem>>[vector<16xi32>, vector<16xi32>], vector<16xf32>,
        %broadcast_in_dim3A_830 = arith.constant 14 : i32
        %broadcast_in_dim3A_831 = vector.broadcast %broadcast_in_dim3A_830 : i32 to vector<16xi32>
        %gather3A_832 = arith.constant 3 : i32
        %gather3A_833 = arith.constant 0 : i32
        %gather3A_834 = arith.constant 0 : i32
        %gather3A_835 = tpu.memref_slice %arg7[%gather3A_832, %gather3A_833, %gather3A_834] : memref<4x128x32xf32, #tpu.memory_space<vmem>> -> memref<1x128x32xf32, #tpu.memory_space<vmem>>
        %gather3A_836 = tpu.memref_squeeze %gather3A_835 : memref<1x128x32xf32, #tpu.memory_space<vmem>> -> memref<128x32xf32, #tpu.memory_space<vmem>>
        %gather3A_837 = tpu.vector_load_idx %gather3A_836[%add3A_718, %broadcast_in_dim3A_831] : memref<128x32xf32, #tpu.memory_space<vmem>>[vector<16xi32>, vector<16xi32>], vector<16xf32>,
        %broadcast_in_dim3A_838 = arith.constant 15 : i32
        %broadcast_in_dim3A_839 = vector.broadcast %broadcast_in_dim3A_838 : i32 to vector<16xi32>
        %gather3A_840 = arith.constant 3 : i32
        %gather3A_841 = arith.constant 0 : i32
        %gather3A_842 = arith.constant 0 : i32
        %gather3A_843 = tpu.memref_slice %arg7[%gather3A_840, %gather3A_841, %gather3A_842] : memref<4x128x32xf32, #tpu.memory_space<vmem>> -> memref<1x128x32xf32, #tpu.memory_space<vmem>>
        %gather3A_844 = tpu.memref_squeeze %gather3A_843 : memref<1x128x32xf32, #tpu.memory_space<vmem>> -> memref<128x32xf32, #tpu.memory_space<vmem>>
        %gather3A_845 = tpu.vector_load_idx %gather3A_844[%add3A_718, %broadcast_in_dim3A_839] : memref<128x32xf32, #tpu.memory_space<vmem>>[vector<16xi32>, vector<16xi32>], vector<16xf32>,
        %broadcast_in_dim3A_846 = arith.constant 16 : i32
        %broadcast_in_dim3A_847 = vector.broadcast %broadcast_in_dim3A_846 : i32 to vector<16xi32>
        %gather3A_848 = arith.constant 3 : i32
        %gather3A_849 = arith.constant 0 : i32
        %gather3A_850 = arith.constant 0 : i32
        %gather3A_851 = tpu.memref_slice %arg7[%gather3A_848, %gather3A_849, %gather3A_850] : memref<4x128x32xf32, #tpu.memory_space<vmem>> -> memref<1x128x32xf32, #tpu.memory_space<vmem>>
        %gather3A_852 = tpu.memref_squeeze %gather3A_851 : memref<1x128x32xf32, #tpu.memory_space<vmem>> -> memref<128x32xf32, #tpu.memory_space<vmem>>
        %gather3A_853 = tpu.vector_load_idx %gather3A_852[%add3A_718, %broadcast_in_dim3A_847] : memref<128x32xf32, #tpu.memory_space<vmem>>[vector<16xi32>, vector<16xi32>], vector<16xf32>,
        %broadcast_in_dim3A_854 = arith.constant 17 : i32
        %broadcast_in_dim3A_855 = vector.broadcast %broadcast_in_dim3A_854 : i32 to vector<16xi32>
        %gather3A_856 = arith.constant 3 : i32
        %gather3A_857 = arith.constant 0 : i32
        %gather3A_858 = arith.constant 0 : i32
        %gather3A_859 = tpu.memref_slice %arg7[%gather3A_856, %gather3A_857, %gather3A_858] : memref<4x128x32xf32, #tpu.memory_space<vmem>> -> memref<1x128x32xf32, #tpu.memory_space<vmem>>
        %gather3A_860 = tpu.memref_squeeze %gather3A_859 : memref<1x128x32xf32, #tpu.memory_space<vmem>> -> memref<128x32xf32, #tpu.memory_space<vmem>>
        %gather3A_861 = tpu.vector_load_idx %gather3A_860[%add3A_718, %broadcast_in_dim3A_855] : memref<128x32xf32, #tpu.memory_space<vmem>>[vector<16xi32>, vector<16xi32>], vector<16xf32>,
        %broadcast_in_dim3A_862 = arith.constant 18 : i32
        %broadcast_in_dim3A_863 = vector.broadcast %broadcast_in_dim3A_862 : i32 to vector<16xi32>
        %gather3A_864 = arith.constant 3 : i32
        %gather3A_865 = arith.constant 0 : i32
        %gather3A_866 = arith.constant 0 : i32
        %gather3A_867 = tpu.memref_slice %arg7[%gather3A_864, %gather3A_865, %gather3A_866] : memref<4x128x32xf32, #tpu.memory_space<vmem>> -> memref<1x128x32xf32, #tpu.memory_space<vmem>>
        %gather3A_868 = tpu.memref_squeeze %gather3A_867 : memref<1x128x32xf32, #tpu.memory_space<vmem>> -> memref<128x32xf32, #tpu.memory_space<vmem>>
        %gather3A_869 = tpu.vector_load_idx %gather3A_868[%add3A_718, %broadcast_in_dim3A_863] : memref<128x32xf32, #tpu.memory_space<vmem>>[vector<16xi32>, vector<16xi32>], vector<16xf32>,
        %broadcast_in_dim3A_870 = arith.constant 19 : i32
        %broadcast_in_dim3A_871 = vector.broadcast %broadcast_in_dim3A_870 : i32 to vector<16xi32>
        %gather3A_872 = arith.constant 3 : i32
        %gather3A_873 = arith.constant 0 : i32
        %gather3A_874 = arith.constant 0 : i32
        %gather3A_875 = tpu.memref_slice %arg7[%gather3A_872, %gather3A_873, %gather3A_874] : memref<4x128x32xf32, #tpu.memory_space<vmem>> -> memref<1x128x32xf32, #tpu.memory_space<vmem>>
        %gather3A_876 = tpu.memref_squeeze %gather3A_875 : memref<1x128x32xf32, #tpu.memory_space<vmem>> -> memref<128x32xf32, #tpu.memory_space<vmem>>
        %gather3A_877 = tpu.vector_load_idx %gather3A_876[%add3A_718, %broadcast_in_dim3A_871] : memref<128x32xf32, #tpu.memory_space<vmem>>[vector<16xi32>, vector<16xi32>], vector<16xf32>,
        %broadcast_in_dim3A_878 = arith.constant 20 : i32
        %broadcast_in_dim3A_879 = vector.broadcast %broadcast_in_dim3A_878 : i32 to vector<16xi32>
        %gather3A_880 = arith.constant 3 : i32
        %gather3A_881 = arith.constant 0 : i32
        %gather3A_882 = arith.constant 0 : i32
        %gather3A_883 = tpu.memref_slice %arg7[%gather3A_880, %gather3A_881, %gather3A_882] : memref<4x128x32xf32, #tpu.memory_space<vmem>> -> memref<1x128x32xf32, #tpu.memory_space<vmem>>
        %gather3A_884 = tpu.memref_squeeze %gather3A_883 : memref<1x128x32xf32, #tpu.memory_space<vmem>> -> memref<128x32xf32, #tpu.memory_space<vmem>>
        %gather3A_885 = tpu.vector_load_idx %gather3A_884[%add3A_718, %broadcast_in_dim3A_879] : memref<128x32xf32, #tpu.memory_space<vmem>>[vector<16xi32>, vector<16xi32>], vector<16xf32>,
        %broadcast_in_dim3A_886 = arith.constant 21 : i32
        %broadcast_in_dim3A_887 = vector.broadcast %broadcast_in_dim3A_886 : i32 to vector<16xi32>
        %gather3A_888 = arith.constant 3 : i32
        %gather3A_889 = arith.constant 0 : i32
        %gather3A_890 = arith.constant 0 : i32
        %gather3A_891 = tpu.memref_slice %arg7[%gather3A_888, %gather3A_889, %gather3A_890] : memref<4x128x32xf32, #tpu.memory_space<vmem>> -> memref<1x128x32xf32, #tpu.memory_space<vmem>>
        %gather3A_892 = tpu.memref_squeeze %gather3A_891 : memref<1x128x32xf32, #tpu.memory_space<vmem>> -> memref<128x32xf32, #tpu.memory_space<vmem>>
        %gather3A_893 = tpu.vector_load_idx %gather3A_892[%add3A_718, %broadcast_in_dim3A_887] : memref<128x32xf32, #tpu.memory_space<vmem>>[vector<16xi32>, vector<16xi32>], vector<16xf32>,
        %broadcast_in_dim3A_894 = arith.constant 22 : i32
        %broadcast_in_dim3A_895 = vector.broadcast %broadcast_in_dim3A_894 : i32 to vector<16xi32>
        %gather3A_896 = arith.constant 3 : i32
        %gather3A_897 = arith.constant 0 : i32
        %gather3A_898 = arith.constant 0 : i32
        %gather3A_899 = tpu.memref_slice %arg7[%gather3A_896, %gather3A_897, %gather3A_898] : memref<4x128x32xf32, #tpu.memory_space<vmem>> -> memref<1x128x32xf32, #tpu.memory_space<vmem>>
        %gather3A_900 = tpu.memref_squeeze %gather3A_899 : memref<1x128x32xf32, #tpu.memory_space<vmem>> -> memref<128x32xf32, #tpu.memory_space<vmem>>
        %gather3A_901 = tpu.vector_load_idx %gather3A_900[%add3A_718, %broadcast_in_dim3A_895] : memref<128x32xf32, #tpu.memory_space<vmem>>[vector<16xi32>, vector<16xi32>], vector<16xf32>,
        %broadcast_in_dim3A_902 = arith.constant 23 : i32
        %broadcast_in_dim3A_903 = vector.broadcast %broadcast_in_dim3A_902 : i32 to vector<16xi32>
        %gather3A_904 = arith.constant 3 : i32
        %gather3A_905 = arith.constant 0 : i32
        %gather3A_906 = arith.constant 0 : i32
        %gather3A_907 = tpu.memref_slice %arg7[%gather3A_904, %gather3A_905, %gather3A_906] : memref<4x128x32xf32, #tpu.memory_space<vmem>> -> memref<1x128x32xf32, #tpu.memory_space<vmem>>
        %gather3A_908 = tpu.memref_squeeze %gather3A_907 : memref<1x128x32xf32, #tpu.memory_space<vmem>> -> memref<128x32xf32, #tpu.memory_space<vmem>>
        %gather3A_909 = tpu.vector_load_idx %gather3A_908[%add3A_718, %broadcast_in_dim3A_903] : memref<128x32xf32, #tpu.memory_space<vmem>>[vector<16xi32>, vector<16xi32>], vector<16xf32>,
        %broadcast_in_dim3A_910 = arith.constant 24 : i32
        %broadcast_in_dim3A_911 = vector.broadcast %broadcast_in_dim3A_910 : i32 to vector<16xi32>
        %gather3A_912 = arith.constant 3 : i32
        %gather3A_913 = arith.constant 0 : i32
        %gather3A_914 = arith.constant 0 : i32
        %gather3A_915 = tpu.memref_slice %arg7[%gather3A_912, %gather3A_913, %gather3A_914] : memref<4x128x32xf32, #tpu.memory_space<vmem>> -> memref<1x128x32xf32, #tpu.memory_space<vmem>>
        %gather3A_916 = tpu.memref_squeeze %gather3A_915 : memref<1x128x32xf32, #tpu.memory_space<vmem>> -> memref<128x32xf32, #tpu.memory_space<vmem>>
        %gather3A_917 = tpu.vector_load_idx %gather3A_916[%add3A_718, %broadcast_in_dim3A_911] : memref<128x32xf32, #tpu.memory_space<vmem>>[vector<16xi32>, vector<16xi32>], vector<16xf32>,
        %broadcast_in_dim3A_918 = arith.constant 25 : i32
        %broadcast_in_dim3A_919 = vector.broadcast %broadcast_in_dim3A_918 : i32 to vector<16xi32>
        %gather3A_920 = arith.constant 3 : i32
        %gather3A_921 = arith.constant 0 : i32
        %gather3A_922 = arith.constant 0 : i32
        %gather3A_923 = tpu.memref_slice %arg7[%gather3A_920, %gather3A_921, %gather3A_922] : memref<4x128x32xf32, #tpu.memory_space<vmem>> -> memref<1x128x32xf32, #tpu.memory_space<vmem>>
        %gather3A_924 = tpu.memref_squeeze %gather3A_923 : memref<1x128x32xf32, #tpu.memory_space<vmem>> -> memref<128x32xf32, #tpu.memory_space<vmem>>
        %gather3A_925 = tpu.vector_load_idx %gather3A_924[%add3A_718, %broadcast_in_dim3A_919] : memref<128x32xf32, #tpu.memory_space<vmem>>[vector<16xi32>, vector<16xi32>], vector<16xf32>,
        %broadcast_in_dim3A_926 = arith.constant 26 : i32
        %broadcast_in_dim3A_927 = vector.broadcast %broadcast_in_dim3A_926 : i32 to vector<16xi32>
        %gather3A_928 = arith.constant 3 : i32
        %gather3A_929 = arith.constant 0 : i32
        %gather3A_930 = arith.constant 0 : i32
        %gather3A_931 = tpu.memref_slice %arg7[%gather3A_928, %gather3A_929, %gather3A_930] : memref<4x128x32xf32, #tpu.memory_space<vmem>> -> memref<1x128x32xf32, #tpu.memory_space<vmem>>
        %gather3A_932 = tpu.memref_squeeze %gather3A_931 : memref<1x128x32xf32, #tpu.memory_space<vmem>> -> memref<128x32xf32, #tpu.memory_space<vmem>>
        %gather3A_933 = tpu.vector_load_idx %gather3A_932[%add3A_718, %broadcast_in_dim3A_927] : memref<128x32xf32, #tpu.memory_space<vmem>>[vector<16xi32>, vector<16xi32>], vector<16xf32>,
        %broadcast_in_dim3A_934 = arith.constant 27 : i32
        %broadcast_in_dim3A_935 = vector.broadcast %broadcast_in_dim3A_934 : i32 to vector<16xi32>
        %gather3A_936 = arith.constant 3 : i32
        %gather3A_937 = arith.constant 0 : i32
        %gather3A_938 = arith.constant 0 : i32
        %gather3A_939 = tpu.memref_slice %arg7[%gather3A_936, %gather3A_937, %gather3A_938] : memref<4x128x32xf32, #tpu.memory_space<vmem>> -> memref<1x128x32xf32, #tpu.memory_space<vmem>>
        %gather3A_940 = tpu.memref_squeeze %gather3A_939 : memref<1x128x32xf32, #tpu.memory_space<vmem>> -> memref<128x32xf32, #tpu.memory_space<vmem>>
        %gather3A_941 = tpu.vector_load_idx %gather3A_940[%add3A_718, %broadcast_in_dim3A_935] : memref<128x32xf32, #tpu.memory_space<vmem>>[vector<16xi32>, vector<16xi32>], vector<16xf32>,
        %broadcast_in_dim3A_942 = arith.constant 28 : i32
        %broadcast_in_dim3A_943 = vector.broadcast %broadcast_in_dim3A_942 : i32 to vector<16xi32>
        %gather3A_944 = arith.constant 3 : i32
        %gather3A_945 = arith.constant 0 : i32
        %gather3A_946 = arith.constant 0 : i32
        %gather3A_947 = tpu.memref_slice %arg7[%gather3A_944, %gather3A_945, %gather3A_946] : memref<4x128x32xf32, #tpu.memory_space<vmem>> -> memref<1x128x32xf32, #tpu.memory_space<vmem>>
        %gather3A_948 = tpu.memref_squeeze %gather3A_947 : memref<1x128x32xf32, #tpu.memory_space<vmem>> -> memref<128x32xf32, #tpu.memory_space<vmem>>
        %gather3A_949 = tpu.vector_load_idx %gather3A_948[%add3A_718, %broadcast_in_dim3A_943] : memref<128x32xf32, #tpu.memory_space<vmem>>[vector<16xi32>, vector<16xi32>], vector<16xf32>,
        %broadcast_in_dim3A_950 = arith.constant 29 : i32
        %broadcast_in_dim3A_951 = vector.broadcast %broadcast_in_dim3A_950 : i32 to vector<16xi32>
        %gather3A_952 = arith.constant 3 : i32
        %gather3A_953 = arith.constant 0 : i32
        %gather3A_954 = arith.constant 0 : i32
        %gather3A_955 = tpu.memref_slice %arg7[%gather3A_952, %gather3A_953, %gather3A_954] : memref<4x128x32xf32, #tpu.memory_space<vmem>> -> memref<1x128x32xf32, #tpu.memory_space<vmem>>
        %gather3A_956 = tpu.memref_squeeze %gather3A_955 : memref<1x128x32xf32, #tpu.memory_space<vmem>> -> memref<128x32xf32, #tpu.memory_space<vmem>>
        %gather3A_957 = tpu.vector_load_idx %gather3A_956[%add3A_718, %broadcast_in_dim3A_951] : memref<128x32xf32, #tpu.memory_space<vmem>>[vector<16xi32>, vector<16xi32>], vector<16xf32>,
        %broadcast_in_dim3A_958 = arith.constant 30 : i32
        %broadcast_in_dim3A_959 = vector.broadcast %broadcast_in_dim3A_958 : i32 to vector<16xi32>
        %gather3A_960 = arith.constant 3 : i32
        %gather3A_961 = arith.constant 0 : i32
        %gather3A_962 = arith.constant 0 : i32
        %gather3A_963 = tpu.memref_slice %arg7[%gather3A_960, %gather3A_961, %gather3A_962] : memref<4x128x32xf32, #tpu.memory_space<vmem>> -> memref<1x128x32xf32, #tpu.memory_space<vmem>>
        %gather3A_964 = tpu.memref_squeeze %gather3A_963 : memref<1x128x32xf32, #tpu.memory_space<vmem>> -> memref<128x32xf32, #tpu.memory_space<vmem>>
        %gather3A_965 = tpu.vector_load_idx %gather3A_964[%add3A_718, %broadcast_in_dim3A_959] : memref<128x32xf32, #tpu.memory_space<vmem>>[vector<16xi32>, vector<16xi32>], vector<16xf32>,
        %broadcast_in_dim3A_966 = arith.constant 31 : i32
        %broadcast_in_dim3A_967 = vector.broadcast %broadcast_in_dim3A_966 : i32 to vector<16xi32>
        %gather3A_968 = arith.constant 3 : i32
        %gather3A_969 = arith.constant 0 : i32
        %gather3A_970 = arith.constant 0 : i32
        %gather3A_971 = tpu.memref_slice %arg7[%gather3A_968, %gather3A_969, %gather3A_970] : memref<4x128x32xf32, #tpu.memory_space<vmem>> -> memref<1x128x32xf32, #tpu.memory_space<vmem>>
        %gather3A_972 = tpu.memref_squeeze %gather3A_971 : memref<1x128x32xf32, #tpu.memory_space<vmem>> -> memref<128x32xf32, #tpu.memory_space<vmem>>
        %gather3A_973 = tpu.vector_load_idx %gather3A_972[%add3A_718, %broadcast_in_dim3A_967] : memref<128x32xf32, #tpu.memory_space<vmem>>[vector<16xi32>, vector<16xi32>], vector<16xf32>,
        %slice3A = vector.extract_strided_slice %get3A_593 {offsets = [0], sizes = [1], strides = [1]} : vector<16xf32> to vector<1xf32>
        %squeeze3A = vector.extract %slice3A[0] : f32 from vector<1xf32>
        %add3A_974 = vector.broadcast %squeeze3A : f32 to vector<16xf32>
        %add3A_975 = arith.addf %gather3A_725, %add3A_974 : vector<16xf32>
        %mul3A_976 = arith.mulf %add3A_975, %select_n3A : vector<16xf32>
        %mul3A_977 = arith.constant 16 : i32
        %mul3A_978 = arith.muli %scan3A_704, %mul3A_977 : i32
        %swap3A = arith.constant 1 : i32
        %swap3A_979 = arith.constant 0 : i32
        %swap3A_980 = arith.constant 0 : i32
        %swap3A_981 = arith.index_cast %swap3A : i32 to index
        %swap3A_982 = arith.index_cast %swap3A_979 : i32 to index
        %swap3A_983 = arith.index_cast %swap3A_980 : i32 to index
        %swap3A_984 = arith.index_cast %mul3A_978 : i32 to index
        %swap3A_985 = tpu.vector_load %arg8[%swap3A_981, %swap3A_982, %swap3A_983, %swap3A_984] {strides = array<i32>} : memref<2x4x8x128xf32, #tpu.memory_space<vmem>>, vector<16xf32>,
        tpu.vector_store %arg8[%swap3A_981, %swap3A_982, %swap3A_983, %swap3A_984], %mul3A_976 {strides = array<i32>} : memref<2x4x8x128xf32, #tpu.memory_space<vmem>>, vector<16xf32>,
        %slice3A_986 = vector.extract_strided_slice %get3A_593 {offsets = [1], sizes = [1], strides = [1]} : vector<16xf32> to vector<1xf32>
        %squeeze3A_987 = vector.extract %slice3A_986[0] : f32 from vector<1xf32>
        %add3A_988 = vector.broadcast %squeeze3A_987 : f32 to vector<16xf32>
        %add3A_989 = arith.addf %gather3A_733, %add3A_988 : vector<16xf32>
        %mul3A_990 = arith.mulf %add3A_989, %select_n3A : vector<16xf32>
        %mul3A_991 = arith.constant 16 : i32
        %mul3A_992 = arith.muli %scan3A_704, %mul3A_991 : i32
        %swap3A_993 = arith.constant 1 : i32
        %swap3A_994 = arith.constant 0 : i32
        %swap3A_995 = arith.constant 1 : i32
        %swap3A_996 = arith.index_cast %swap3A_993 : i32 to index
        %swap3A_997 = arith.index_cast %swap3A_994 : i32 to index
        %swap3A_998 = arith.index_cast %swap3A_995 : i32 to index
        %swap3A_999 = arith.index_cast %mul3A_992 : i32 to index
        %swap3A_1000 = tpu.vector_load %arg8[%swap3A_996, %swap3A_997, %swap3A_998, %swap3A_999] {strides = array<i32>} : memref<2x4x8x128xf32, #tpu.memory_space<vmem>>, vector<16xf32>,
        tpu.vector_store %arg8[%swap3A_996, %swap3A_997, %swap3A_998, %swap3A_999], %mul3A_990 {strides = array<i32>} : memref<2x4x8x128xf32, #tpu.memory_space<vmem>>, vector<16xf32>,
        %slice3A_1001 = vector.extract_strided_slice %get3A_593 {offsets = [2], sizes = [1], strides = [1]} : vector<16xf32> to vector<1xf32>
        %squeeze3A_1002 = vector.extract %slice3A_1001[0] : f32 from vector<1xf32>
        %add3A_1003 = vector.broadcast %squeeze3A_1002 : f32 to vector<16xf32>
        %add3A_1004 = arith.addf %gather3A_741, %add3A_1003 : vector<16xf32>
        %mul3A_1005 = arith.mulf %add3A_1004, %select_n3A : vector<16xf32>
        %mul3A_1006 = arith.constant 16 : i32
        %mul3A_1007 = arith.muli %scan3A_704, %mul3A_1006 : i32
        %swap3A_1008 = arith.constant 1 : i32
        %swap3A_1009 = arith.constant 0 : i32
        %swap3A_1010 = arith.constant 2 : i32
        %swap3A_1011 = arith.index_cast %swap3A_1008 : i32 to index
        %swap3A_1012 = arith.index_cast %swap3A_1009 : i32 to index
        %swap3A_1013 = arith.index_cast %swap3A_1010 : i32 to index
        %swap3A_1014 = arith.index_cast %mul3A_1007 : i32 to index
        %swap3A_1015 = tpu.vector_load %arg8[%swap3A_1011, %swap3A_1012, %swap3A_1013, %swap3A_1014] {strides = array<i32>} : memref<2x4x8x128xf32, #tpu.memory_space<vmem>>, vector<16xf32>,
        tpu.vector_store %arg8[%swap3A_1011, %swap3A_1012, %swap3A_1013, %swap3A_1014], %mul3A_1005 {strides = array<i32>} : memref<2x4x8x128xf32, #tpu.memory_space<vmem>>, vector<16xf32>,
        %slice3A_1016 = vector.extract_strided_slice %get3A_593 {offsets = [3], sizes = [1], strides = [1]} : vector<16xf32> to vector<1xf32>
        %squeeze3A_1017 = vector.extract %slice3A_1016[0] : f32 from vector<1xf32>
        %add3A_1018 = vector.broadcast %squeeze3A_1017 : f32 to vector<16xf32>
        %add3A_1019 = arith.addf %gather3A_749, %add3A_1018 : vector<16xf32>
        %mul3A_1020 = arith.mulf %add3A_1019, %select_n3A : vector<16xf32>
        %mul3A_1021 = arith.constant 16 : i32
        %mul3A_1022 = arith.muli %scan3A_704, %mul3A_1021 : i32
        %swap3A_1023 = arith.constant 1 : i32
        %swap3A_1024 = arith.constant 0 : i32
        %swap3A_1025 = arith.constant 3 : i32
        %swap3A_1026 = arith.index_cast %swap3A_1023 : i32 to index
        %swap3A_1027 = arith.index_cast %swap3A_1024 : i32 to index
        %swap3A_1028 = arith.index_cast %swap3A_1025 : i32 to index
        %swap3A_1029 = arith.index_cast %mul3A_1022 : i32 to index
        %swap3A_1030 = tpu.vector_load %arg8[%swap3A_1026, %swap3A_1027, %swap3A_1028, %swap3A_1029] {strides = array<i32>} : memref<2x4x8x128xf32, #tpu.memory_space<vmem>>, vector<16xf32>,
        tpu.vector_store %arg8[%swap3A_1026, %swap3A_1027, %swap3A_1028, %swap3A_1029], %mul3A_1020 {strides = array<i32>} : memref<2x4x8x128xf32, #tpu.memory_space<vmem>>, vector<16xf32>,
        %slice3A_1031 = vector.extract_strided_slice %get3A_593 {offsets = [4], sizes = [1], strides = [1]} : vector<16xf32> to vector<1xf32>
        %squeeze3A_1032 = vector.extract %slice3A_1031[0] : f32 from vector<1xf32>
        %add3A_1033 = vector.broadcast %squeeze3A_1032 : f32 to vector<16xf32>
        %add3A_1034 = arith.addf %gather3A_757, %add3A_1033 : vector<16xf32>
        %mul3A_1035 = arith.mulf %add3A_1034, %select_n3A : vector<16xf32>
        %mul3A_1036 = arith.constant 16 : i32
        %mul3A_1037 = arith.muli %scan3A_704, %mul3A_1036 : i32
        %swap3A_1038 = arith.constant 1 : i32
        %swap3A_1039 = arith.constant 0 : i32
        %swap3A_1040 = arith.constant 4 : i32
        %swap3A_1041 = arith.index_cast %swap3A_1038 : i32 to index
        %swap3A_1042 = arith.index_cast %swap3A_1039 : i32 to index
        %swap3A_1043 = arith.index_cast %swap3A_1040 : i32 to index
        %swap3A_1044 = arith.index_cast %mul3A_1037 : i32 to index
        %swap3A_1045 = tpu.vector_load %arg8[%swap3A_1041, %swap3A_1042, %swap3A_1043, %swap3A_1044] {strides = array<i32>} : memref<2x4x8x128xf32, #tpu.memory_space<vmem>>, vector<16xf32>,
        tpu.vector_store %arg8[%swap3A_1041, %swap3A_1042, %swap3A_1043, %swap3A_1044], %mul3A_1035 {strides = array<i32>} : memref<2x4x8x128xf32, #tpu.memory_space<vmem>>, vector<16xf32>,
        %slice3A_1046 = vector.extract_strided_slice %get3A_593 {offsets = [5], sizes = [1], strides = [1]} : vector<16xf32> to vector<1xf32>
        %squeeze3A_1047 = vector.extract %slice3A_1046[0] : f32 from vector<1xf32>
        %add3A_1048 = vector.broadcast %squeeze3A_1047 : f32 to vector<16xf32>
        %add3A_1049 = arith.addf %gather3A_765, %add3A_1048 : vector<16xf32>
        %mul3A_1050 = arith.mulf %add3A_1049, %select_n3A : vector<16xf32>
        %mul3A_1051 = arith.constant 16 : i32
        %mul3A_1052 = arith.muli %scan3A_704, %mul3A_1051 : i32
        %swap3A_1053 = arith.constant 1 : i32
        %swap3A_1054 = arith.constant 0 : i32
        %swap3A_1055 = arith.constant 5 : i32
        %swap3A_1056 = arith.index_cast %swap3A_1053 : i32 to index
        %swap3A_1057 = arith.index_cast %swap3A_1054 : i32 to index
        %swap3A_1058 = arith.index_cast %swap3A_1055 : i32 to index
        %swap3A_1059 = arith.index_cast %mul3A_1052 : i32 to index
        %swap3A_1060 = tpu.vector_load %arg8[%swap3A_1056, %swap3A_1057, %swap3A_1058, %swap3A_1059] {strides = array<i32>} : memref<2x4x8x128xf32, #tpu.memory_space<vmem>>, vector<16xf32>,
        tpu.vector_store %arg8[%swap3A_1056, %swap3A_1057, %swap3A_1058, %swap3A_1059], %mul3A_1050 {strides = array<i32>} : memref<2x4x8x128xf32, #tpu.memory_space<vmem>>, vector<16xf32>,
        %slice3A_1061 = vector.extract_strided_slice %get3A_593 {offsets = [6], sizes = [1], strides = [1]} : vector<16xf32> to vector<1xf32>
        %squeeze3A_1062 = vector.extract %slice3A_1061[0] : f32 from vector<1xf32>
        %add3A_1063 = vector.broadcast %squeeze3A_1062 : f32 to vector<16xf32>
        %add3A_1064 = arith.addf %gather3A_773, %add3A_1063 : vector<16xf32>
        %mul3A_1065 = arith.mulf %add3A_1064, %select_n3A : vector<16xf32>
        %mul3A_1066 = arith.constant 16 : i32
        %mul3A_1067 = arith.muli %scan3A_704, %mul3A_1066 : i32
        %swap3A_1068 = arith.constant 1 : i32
        %swap3A_1069 = arith.constant 0 : i32
        %swap3A_1070 = arith.constant 6 : i32
        %swap3A_1071 = arith.index_cast %swap3A_1068 : i32 to index
        %swap3A_1072 = arith.index_cast %swap3A_1069 : i32 to index
        %swap3A_1073 = arith.index_cast %swap3A_1070 : i32 to index
        %swap3A_1074 = arith.index_cast %mul3A_1067 : i32 to index
        %swap3A_1075 = tpu.vector_load %arg8[%swap3A_1071, %swap3A_1072, %swap3A_1073, %swap3A_1074] {strides = array<i32>} : memref<2x4x8x128xf32, #tpu.memory_space<vmem>>, vector<16xf32>,
        tpu.vector_store %arg8[%swap3A_1071, %swap3A_1072, %swap3A_1073, %swap3A_1074], %mul3A_1065 {strides = array<i32>} : memref<2x4x8x128xf32, #tpu.memory_space<vmem>>, vector<16xf32>,
        %slice3A_1076 = vector.extract_strided_slice %get3A_593 {offsets = [7], sizes = [1], strides = [1]} : vector<16xf32> to vector<1xf32>
        %squeeze3A_1077 = vector.extract %slice3A_1076[0] : f32 from vector<1xf32>
        %add3A_1078 = vector.broadcast %squeeze3A_1077 : f32 to vector<16xf32>
        %add3A_1079 = arith.addf %gather3A_781, %add3A_1078 : vector<16xf32>
        %mul3A_1080 = arith.mulf %add3A_1079, %select_n3A : vector<16xf32>
        %mul3A_1081 = arith.constant 16 : i32
        %mul3A_1082 = arith.muli %scan3A_704, %mul3A_1081 : i32
        %swap3A_1083 = arith.constant 1 : i32
        %swap3A_1084 = arith.constant 0 : i32
        %swap3A_1085 = arith.constant 7 : i32
        %swap3A_1086 = arith.index_cast %swap3A_1083 : i32 to index
        %swap3A_1087 = arith.index_cast %swap3A_1084 : i32 to index
        %swap3A_1088 = arith.index_cast %swap3A_1085 : i32 to index
        %swap3A_1089 = arith.index_cast %mul3A_1082 : i32 to index
        %swap3A_1090 = tpu.vector_load %arg8[%swap3A_1086, %swap3A_1087, %swap3A_1088, %swap3A_1089] {strides = array<i32>} : memref<2x4x8x128xf32, #tpu.memory_space<vmem>>, vector<16xf32>,
        tpu.vector_store %arg8[%swap3A_1086, %swap3A_1087, %swap3A_1088, %swap3A_1089], %mul3A_1080 {strides = array<i32>} : memref<2x4x8x128xf32, #tpu.memory_space<vmem>>, vector<16xf32>,
        %slice3A_1091 = vector.extract_strided_slice %get3A_593 {offsets = [8], sizes = [1], strides = [1]} : vector<16xf32> to vector<1xf32>
        %squeeze3A_1092 = vector.extract %slice3A_1091[0] : f32 from vector<1xf32>
        %add3A_1093 = vector.broadcast %squeeze3A_1092 : f32 to vector<16xf32>
        %add3A_1094 = arith.addf %gather3A_789, %add3A_1093 : vector<16xf32>
        %mul3A_1095 = arith.mulf %add3A_1094, %select_n3A : vector<16xf32>
        %mul3A_1096 = arith.constant 16 : i32
        %mul3A_1097 = arith.muli %scan3A_704, %mul3A_1096 : i32
        %swap3A_1098 = arith.constant 1 : i32
        %swap3A_1099 = arith.constant 1 : i32
        %swap3A_1100 = arith.constant 0 : i32
        %swap3A_1101 = arith.index_cast %swap3A_1098 : i32 to index
        %swap3A_1102 = arith.index_cast %swap3A_1099 : i32 to index
        %swap3A_1103 = arith.index_cast %swap3A_1100 : i32 to index
        %swap3A_1104 = arith.index_cast %mul3A_1097 : i32 to index
        %swap3A_1105 = tpu.vector_load %arg8[%swap3A_1101, %swap3A_1102, %swap3A_1103, %swap3A_1104] {strides = array<i32>} : memref<2x4x8x128xf32, #tpu.memory_space<vmem>>, vector<16xf32>,
        tpu.vector_store %arg8[%swap3A_1101, %swap3A_1102, %swap3A_1103, %swap3A_1104], %mul3A_1095 {strides = array<i32>} : memref<2x4x8x128xf32, #tpu.memory_space<vmem>>, vector<16xf32>,
        %slice3A_1106 = vector.extract_strided_slice %get3A_593 {offsets = [9], sizes = [1], strides = [1]} : vector<16xf32> to vector<1xf32>
        %squeeze3A_1107 = vector.extract %slice3A_1106[0] : f32 from vector<1xf32>
        %add3A_1108 = vector.broadcast %squeeze3A_1107 : f32 to vector<16xf32>
        %add3A_1109 = arith.addf %gather3A_797, %add3A_1108 : vector<16xf32>
        %mul3A_1110 = arith.mulf %add3A_1109, %select_n3A : vector<16xf32>
        %mul3A_1111 = arith.constant 16 : i32
        %mul3A_1112 = arith.muli %scan3A_704, %mul3A_1111 : i32
        %swap3A_1113 = arith.constant 1 : i32
        %swap3A_1114 = arith.constant 1 : i32
        %swap3A_1115 = arith.constant 1 : i32
        %swap3A_1116 = arith.index_cast %swap3A_1113 : i32 to index
        %swap3A_1117 = arith.index_cast %swap3A_1114 : i32 to index
        %swap3A_1118 = arith.index_cast %swap3A_1115 : i32 to index
        %swap3A_1119 = arith.index_cast %mul3A_1112 : i32 to index
        %swap3A_1120 = tpu.vector_load %arg8[%swap3A_1116, %swap3A_1117, %swap3A_1118, %swap3A_1119] {strides = array<i32>} : memref<2x4x8x128xf32, #tpu.memory_space<vmem>>, vector<16xf32>,
        tpu.vector_store %arg8[%swap3A_1116, %swap3A_1117, %swap3A_1118, %swap3A_1119], %mul3A_1110 {strides = array<i32>} : memref<2x4x8x128xf32, #tpu.memory_space<vmem>>, vector<16xf32>,
        %slice3A_1121 = vector.extract_strided_slice %get3A_593 {offsets = [10], sizes = [1], strides = [1]} : vector<16xf32> to vector<1xf32>
        %squeeze3A_1122 = vector.extract %slice3A_1121[0] : f32 from vector<1xf32>
        %add3A_1123 = vector.broadcast %squeeze3A_1122 : f32 to vector<16xf32>
        %add3A_1124 = arith.addf %gather3A_805, %add3A_1123 : vector<16xf32>
        %mul3A_1125 = arith.mulf %add3A_1124, %select_n3A : vector<16xf32>
        %mul3A_1126 = arith.constant 16 : i32
        %mul3A_1127 = arith.muli %scan3A_704, %mul3A_1126 : i32
        %swap3A_1128 = arith.constant 1 : i32
        %swap3A_1129 = arith.constant 1 : i32
        %swap3A_1130 = arith.constant 2 : i32
        %swap3A_1131 = arith.index_cast %swap3A_1128 : i32 to index
        %swap3A_1132 = arith.index_cast %swap3A_1129 : i32 to index
        %swap3A_1133 = arith.index_cast %swap3A_1130 : i32 to index
        %swap3A_1134 = arith.index_cast %mul3A_1127 : i32 to index
        %swap3A_1135 = tpu.vector_load %arg8[%swap3A_1131, %swap3A_1132, %swap3A_1133, %swap3A_1134] {strides = array<i32>} : memref<2x4x8x128xf32, #tpu.memory_space<vmem>>, vector<16xf32>,
        tpu.vector_store %arg8[%swap3A_1131, %swap3A_1132, %swap3A_1133, %swap3A_1134], %mul3A_1125 {strides = array<i32>} : memref<2x4x8x128xf32, #tpu.memory_space<vmem>>, vector<16xf32>,
        %slice3A_1136 = vector.extract_strided_slice %get3A_593 {offsets = [11], sizes = [1], strides = [1]} : vector<16xf32> to vector<1xf32>
        %squeeze3A_1137 = vector.extract %slice3A_1136[0] : f32 from vector<1xf32>
        %add3A_1138 = vector.broadcast %squeeze3A_1137 : f32 to vector<16xf32>
        %add3A_1139 = arith.addf %gather3A_813, %add3A_1138 : vector<16xf32>
        %mul3A_1140 = arith.mulf %add3A_1139, %select_n3A : vector<16xf32>
        %mul3A_1141 = arith.constant 16 : i32
        %mul3A_1142 = arith.muli %scan3A_704, %mul3A_1141 : i32
        %swap3A_1143 = arith.constant 1 : i32
        %swap3A_1144 = arith.constant 1 : i32
        %swap3A_1145 = arith.constant 3 : i32
        %swap3A_1146 = arith.index_cast %swap3A_1143 : i32 to index
        %swap3A_1147 = arith.index_cast %swap3A_1144 : i32 to index
        %swap3A_1148 = arith.index_cast %swap3A_1145 : i32 to index
        %swap3A_1149 = arith.index_cast %mul3A_1142 : i32 to index
        %swap3A_1150 = tpu.vector_load %arg8[%swap3A_1146, %swap3A_1147, %swap3A_1148, %swap3A_1149] {strides = array<i32>} : memref<2x4x8x128xf32, #tpu.memory_space<vmem>>, vector<16xf32>,
        tpu.vector_store %arg8[%swap3A_1146, %swap3A_1147, %swap3A_1148, %swap3A_1149], %mul3A_1140 {strides = array<i32>} : memref<2x4x8x128xf32, #tpu.memory_space<vmem>>, vector<16xf32>,
        %slice3A_1151 = vector.extract_strided_slice %get3A_593 {offsets = [12], sizes = [1], strides = [1]} : vector<16xf32> to vector<1xf32>
        %squeeze3A_1152 = vector.extract %slice3A_1151[0] : f32 from vector<1xf32>
        %add3A_1153 = vector.broadcast %squeeze3A_1152 : f32 to vector<16xf32>
        %add3A_1154 = arith.addf %gather3A_821, %add3A_1153 : vector<16xf32>
        %mul3A_1155 = arith.mulf %add3A_1154, %select_n3A : vector<16xf32>
        %mul3A_1156 = arith.constant 16 : i32
        %mul3A_1157 = arith.muli %scan3A_704, %mul3A_1156 : i32
        %swap3A_1158 = arith.constant 1 : i32
        %swap3A_1159 = arith.constant 1 : i32
        %swap3A_1160 = arith.constant 4 : i32
        %swap3A_1161 = arith.index_cast %swap3A_1158 : i32 to index
        %swap3A_1162 = arith.index_cast %swap3A_1159 : i32 to index
        %swap3A_1163 = arith.index_cast %swap3A_1160 : i32 to index
        %swap3A_1164 = arith.index_cast %mul3A_1157 : i32 to index
        %swap3A_1165 = tpu.vector_load %arg8[%swap3A_1161, %swap3A_1162, %swap3A_1163, %swap3A_1164] {strides = array<i32>} : memref<2x4x8x128xf32, #tpu.memory_space<vmem>>, vector<16xf32>,
        tpu.vector_store %arg8[%swap3A_1161, %swap3A_1162, %swap3A_1163, %swap3A_1164], %mul3A_1155 {strides = array<i32>} : memref<2x4x8x128xf32, #tpu.memory_space<vmem>>, vector<16xf32>,
        %slice3A_1166 = vector.extract_strided_slice %get3A_593 {offsets = [13], sizes = [1], strides = [1]} : vector<16xf32> to vector<1xf32>
        %squeeze3A_1167 = vector.extract %slice3A_1166[0] : f32 from vector<1xf32>
        %add3A_1168 = vector.broadcast %squeeze3A_1167 : f32 to vector<16xf32>
        %add3A_1169 = arith.addf %gather3A_829, %add3A_1168 : vector<16xf32>
        %mul3A_1170 = arith.mulf %add3A_1169, %select_n3A : vector<16xf32>
        %mul3A_1171 = arith.constant 16 : i32
        %mul3A_1172 = arith.muli %scan3A_704, %mul3A_1171 : i32
        %swap3A_1173 = arith.constant 1 : i32
        %swap3A_1174 = arith.constant 1 : i32
        %swap3A_1175 = arith.constant 5 : i32
        %swap3A_1176 = arith.index_cast %swap3A_1173 : i32 to index
        %swap3A_1177 = arith.index_cast %swap3A_1174 : i32 to index
        %swap3A_1178 = arith.index_cast %swap3A_1175 : i32 to index
        %swap3A_1179 = arith.index_cast %mul3A_1172 : i32 to index
        %swap3A_1180 = tpu.vector_load %arg8[%swap3A_1176, %swap3A_1177, %swap3A_1178, %swap3A_1179] {strides = array<i32>} : memref<2x4x8x128xf32, #tpu.memory_space<vmem>>, vector<16xf32>,
        tpu.vector_store %arg8[%swap3A_1176, %swap3A_1177, %swap3A_1178, %swap3A_1179], %mul3A_1170 {strides = array<i32>} : memref<2x4x8x128xf32, #tpu.memory_space<vmem>>, vector<16xf32>,
        %slice3A_1181 = vector.extract_strided_slice %get3A_593 {offsets = [14], sizes = [1], strides = [1]} : vector<16xf32> to vector<1xf32>
        %squeeze3A_1182 = vector.extract %slice3A_1181[0] : f32 from vector<1xf32>
        %add3A_1183 = vector.broadcast %squeeze3A_1182 : f32 to vector<16xf32>
        %add3A_1184 = arith.addf %gather3A_837, %add3A_1183 : vector<16xf32>
        %mul3A_1185 = arith.mulf %add3A_1184, %select_n3A : vector<16xf32>
        %mul3A_1186 = arith.constant 16 : i32
        %mul3A_1187 = arith.muli %scan3A_704, %mul3A_1186 : i32
        %swap3A_1188 = arith.constant 1 : i32
        %swap3A_1189 = arith.constant 1 : i32
        %swap3A_1190 = arith.constant 6 : i32
        %swap3A_1191 = arith.index_cast %swap3A_1188 : i32 to index
        %swap3A_1192 = arith.index_cast %swap3A_1189 : i32 to index
        %swap3A_1193 = arith.index_cast %swap3A_1190 : i32 to index
        %swap3A_1194 = arith.index_cast %mul3A_1187 : i32 to index
        %swap3A_1195 = tpu.vector_load %arg8[%swap3A_1191, %swap3A_1192, %swap3A_1193, %swap3A_1194] {strides = array<i32>} : memref<2x4x8x128xf32, #tpu.memory_space<vmem>>, vector<16xf32>,
        tpu.vector_store %arg8[%swap3A_1191, %swap3A_1192, %swap3A_1193, %swap3A_1194], %mul3A_1185 {strides = array<i32>} : memref<2x4x8x128xf32, #tpu.memory_space<vmem>>, vector<16xf32>,
        %slice3A_1196 = vector.extract_strided_slice %get3A_593 {offsets = [15], sizes = [1], strides = [1]} : vector<16xf32> to vector<1xf32>
        %squeeze3A_1197 = vector.extract %slice3A_1196[0] : f32 from vector<1xf32>
        %add3A_1198 = vector.broadcast %squeeze3A_1197 : f32 to vector<16xf32>
        %add3A_1199 = arith.addf %gather3A_845, %add3A_1198 : vector<16xf32>
        %mul3A_1200 = arith.mulf %add3A_1199, %select_n3A : vector<16xf32>
        %mul3A_1201 = arith.constant 16 : i32
        %mul3A_1202 = arith.muli %scan3A_704, %mul3A_1201 : i32
        %swap3A_1203 = arith.constant 1 : i32
        %swap3A_1204 = arith.constant 1 : i32
        %swap3A_1205 = arith.constant 7 : i32
        %swap3A_1206 = arith.index_cast %swap3A_1203 : i32 to index
        %swap3A_1207 = arith.index_cast %swap3A_1204 : i32 to index
        %swap3A_1208 = arith.index_cast %swap3A_1205 : i32 to index
        %swap3A_1209 = arith.index_cast %mul3A_1202 : i32 to index
        %swap3A_1210 = tpu.vector_load %arg8[%swap3A_1206, %swap3A_1207, %swap3A_1208, %swap3A_1209] {strides = array<i32>} : memref<2x4x8x128xf32, #tpu.memory_space<vmem>>, vector<16xf32>,
        tpu.vector_store %arg8[%swap3A_1206, %swap3A_1207, %swap3A_1208, %swap3A_1209], %mul3A_1200 {strides = array<i32>} : memref<2x4x8x128xf32, #tpu.memory_space<vmem>>, vector<16xf32>,
        %slice3A_1211 = vector.extract_strided_slice %get3A_596 {offsets = [0], sizes = [1], strides = [1]} : vector<16xf32> to vector<1xf32>
        %squeeze3A_1212 = vector.extract %slice3A_1211[0] : f32 from vector<1xf32>
        %add3A_1213 = vector.broadcast %squeeze3A_1212 : f32 to vector<16xf32>
        %add3A_1214 = arith.addf %gather3A_853, %add3A_1213 : vector<16xf32>
        %mul3A_1215 = arith.mulf %add3A_1214, %select_n3A : vector<16xf32>
        %mul3A_1216 = arith.constant 16 : i32
        %mul3A_1217 = arith.muli %scan3A_704, %mul3A_1216 : i32
        %swap3A_1218 = arith.constant 1 : i32
        %swap3A_1219 = arith.constant 2 : i32
        %swap3A_1220 = arith.constant 0 : i32
        %swap3A_1221 = arith.index_cast %swap3A_1218 : i32 to index
        %swap3A_1222 = arith.index_cast %swap3A_1219 : i32 to index
        %swap3A_1223 = arith.index_cast %swap3A_1220 : i32 to index
        %swap3A_1224 = arith.index_cast %mul3A_1217 : i32 to index
        %swap3A_1225 = tpu.vector_load %arg8[%swap3A_1221, %swap3A_1222, %swap3A_1223, %swap3A_1224] {strides = array<i32>} : memref<2x4x8x128xf32, #tpu.memory_space<vmem>>, vector<16xf32>,
        tpu.vector_store %arg8[%swap3A_1221, %swap3A_1222, %swap3A_1223, %swap3A_1224], %mul3A_1215 {strides = array<i32>} : memref<2x4x8x128xf32, #tpu.memory_space<vmem>>, vector<16xf32>,
        %slice3A_1226 = vector.extract_strided_slice %get3A_596 {offsets = [1], sizes = [1], strides = [1]} : vector<16xf32> to vector<1xf32>
        %squeeze3A_1227 = vector.extract %slice3A_1226[0] : f32 from vector<1xf32>
        %add3A_1228 = vector.broadcast %squeeze3A_1227 : f32 to vector<16xf32>
        %add3A_1229 = arith.addf %gather3A_861, %add3A_1228 : vector<16xf32>
        %mul3A_1230 = arith.mulf %add3A_1229, %select_n3A : vector<16xf32>
        %mul3A_1231 = arith.constant 16 : i32
        %mul3A_1232 = arith.muli %scan3A_704, %mul3A_1231 : i32
        %swap3A_1233 = arith.constant 1 : i32
        %swap3A_1234 = arith.constant 2 : i32
        %swap3A_1235 = arith.constant 1 : i32
        %swap3A_1236 = arith.index_cast %swap3A_1233 : i32 to index
        %swap3A_1237 = arith.index_cast %swap3A_1234 : i32 to index
        %swap3A_1238 = arith.index_cast %swap3A_1235 : i32 to index
        %swap3A_1239 = arith.index_cast %mul3A_1232 : i32 to index
        %swap3A_1240 = tpu.vector_load %arg8[%swap3A_1236, %swap3A_1237, %swap3A_1238, %swap3A_1239] {strides = array<i32>} : memref<2x4x8x128xf32, #tpu.memory_space<vmem>>, vector<16xf32>,
        tpu.vector_store %arg8[%swap3A_1236, %swap3A_1237, %swap3A_1238, %swap3A_1239], %mul3A_1230 {strides = array<i32>} : memref<2x4x8x128xf32, #tpu.memory_space<vmem>>, vector<16xf32>,
        %slice3A_1241 = vector.extract_strided_slice %get3A_596 {offsets = [2], sizes = [1], strides = [1]} : vector<16xf32> to vector<1xf32>
        %squeeze3A_1242 = vector.extract %slice3A_1241[0] : f32 from vector<1xf32>
        %add3A_1243 = vector.broadcast %squeeze3A_1242 : f32 to vector<16xf32>
        %add3A_1244 = arith.addf %gather3A_869, %add3A_1243 : vector<16xf32>
        %mul3A_1245 = arith.mulf %add3A_1244, %select_n3A : vector<16xf32>
        %mul3A_1246 = arith.constant 16 : i32
        %mul3A_1247 = arith.muli %scan3A_704, %mul3A_1246 : i32
        %swap3A_1248 = arith.constant 1 : i32
        %swap3A_1249 = arith.constant 2 : i32
        %swap3A_1250 = arith.constant 2 : i32
        %swap3A_1251 = arith.index_cast %swap3A_1248 : i32 to index
        %swap3A_1252 = arith.index_cast %swap3A_1249 : i32 to index
        %swap3A_1253 = arith.index_cast %swap3A_1250 : i32 to index
        %swap3A_1254 = arith.index_cast %mul3A_1247 : i32 to index
        %swap3A_1255 = tpu.vector_load %arg8[%swap3A_1251, %swap3A_1252, %swap3A_1253, %swap3A_1254] {strides = array<i32>} : memref<2x4x8x128xf32, #tpu.memory_space<vmem>>, vector<16xf32>,
        tpu.vector_store %arg8[%swap3A_1251, %swap3A_1252, %swap3A_1253, %swap3A_1254], %mul3A_1245 {strides = array<i32>} : memref<2x4x8x128xf32, #tpu.memory_space<vmem>>, vector<16xf32>,
        %slice3A_1256 = vector.extract_strided_slice %get3A_596 {offsets = [3], sizes = [1], strides = [1]} : vector<16xf32> to vector<1xf32>
        %squeeze3A_1257 = vector.extract %slice3A_1256[0] : f32 from vector<1xf32>
        %add3A_1258 = vector.broadcast %squeeze3A_1257 : f32 to vector<16xf32>
        %add3A_1259 = arith.addf %gather3A_877, %add3A_1258 : vector<16xf32>
        %mul3A_1260 = arith.mulf %add3A_1259, %select_n3A : vector<16xf32>
        %mul3A_1261 = arith.constant 16 : i32
        %mul3A_1262 = arith.muli %scan3A_704, %mul3A_1261 : i32
        %swap3A_1263 = arith.constant 1 : i32
        %swap3A_1264 = arith.constant 2 : i32
        %swap3A_1265 = arith.constant 3 : i32
        %swap3A_1266 = arith.index_cast %swap3A_1263 : i32 to index
        %swap3A_1267 = arith.index_cast %swap3A_1264 : i32 to index
        %swap3A_1268 = arith.index_cast %swap3A_1265 : i32 to index
        %swap3A_1269 = arith.index_cast %mul3A_1262 : i32 to index
        %swap3A_1270 = tpu.vector_load %arg8[%swap3A_1266, %swap3A_1267, %swap3A_1268, %swap3A_1269] {strides = array<i32>} : memref<2x4x8x128xf32, #tpu.memory_space<vmem>>, vector<16xf32>,
        tpu.vector_store %arg8[%swap3A_1266, %swap3A_1267, %swap3A_1268, %swap3A_1269], %mul3A_1260 {strides = array<i32>} : memref<2x4x8x128xf32, #tpu.memory_space<vmem>>, vector<16xf32>,
        %slice3A_1271 = vector.extract_strided_slice %get3A_596 {offsets = [4], sizes = [1], strides = [1]} : vector<16xf32> to vector<1xf32>
        %squeeze3A_1272 = vector.extract %slice3A_1271[0] : f32 from vector<1xf32>
        %add3A_1273 = vector.broadcast %squeeze3A_1272 : f32 to vector<16xf32>
        %add3A_1274 = arith.addf %gather3A_885, %add3A_1273 : vector<16xf32>
        %mul3A_1275 = arith.mulf %add3A_1274, %select_n3A : vector<16xf32>
        %mul3A_1276 = arith.constant 16 : i32
        %mul3A_1277 = arith.muli %scan3A_704, %mul3A_1276 : i32
        %swap3A_1278 = arith.constant 1 : i32
        %swap3A_1279 = arith.constant 2 : i32
        %swap3A_1280 = arith.constant 4 : i32
        %swap3A_1281 = arith.index_cast %swap3A_1278 : i32 to index
        %swap3A_1282 = arith.index_cast %swap3A_1279 : i32 to index
        %swap3A_1283 = arith.index_cast %swap3A_1280 : i32 to index
        %swap3A_1284 = arith.index_cast %mul3A_1277 : i32 to index
        %swap3A_1285 = tpu.vector_load %arg8[%swap3A_1281, %swap3A_1282, %swap3A_1283, %swap3A_1284] {strides = array<i32>} : memref<2x4x8x128xf32, #tpu.memory_space<vmem>>, vector<16xf32>,
        tpu.vector_store %arg8[%swap3A_1281, %swap3A_1282, %swap3A_1283, %swap3A_1284], %mul3A_1275 {strides = array<i32>} : memref<2x4x8x128xf32, #tpu.memory_space<vmem>>, vector<16xf32>,
        %slice3A_1286 = vector.extract_strided_slice %get3A_596 {offsets = [5], sizes = [1], strides = [1]} : vector<16xf32> to vector<1xf32>
        %squeeze3A_1287 = vector.extract %slice3A_1286[0] : f32 from vector<1xf32>
        %add3A_1288 = vector.broadcast %squeeze3A_1287 : f32 to vector<16xf32>
        %add3A_1289 = arith.addf %gather3A_893, %add3A_1288 : vector<16xf32>
        %mul3A_1290 = arith.mulf %add3A_1289, %select_n3A : vector<16xf32>
        %mul3A_1291 = arith.constant 16 : i32
        %mul3A_1292 = arith.muli %scan3A_704, %mul3A_1291 : i32
        %swap3A_1293 = arith.constant 1 : i32
        %swap3A_1294 = arith.constant 2 : i32
        %swap3A_1295 = arith.constant 5 : i32
        %swap3A_1296 = arith.index_cast %swap3A_1293 : i32 to index
        %swap3A_1297 = arith.index_cast %swap3A_1294 : i32 to index
        %swap3A_1298 = arith.index_cast %swap3A_1295 : i32 to index
        %swap3A_1299 = arith.index_cast %mul3A_1292 : i32 to index
        %swap3A_1300 = tpu.vector_load %arg8[%swap3A_1296, %swap3A_1297, %swap3A_1298, %swap3A_1299] {strides = array<i32>} : memref<2x4x8x128xf32, #tpu.memory_space<vmem>>, vector<16xf32>,
        tpu.vector_store %arg8[%swap3A_1296, %swap3A_1297, %swap3A_1298, %swap3A_1299], %mul3A_1290 {strides = array<i32>} : memref<2x4x8x128xf32, #tpu.memory_space<vmem>>, vector<16xf32>,
        %slice3A_1301 = vector.extract_strided_slice %get3A_596 {offsets = [6], sizes = [1], strides = [1]} : vector<16xf32> to vector<1xf32>
        %squeeze3A_1302 = vector.extract %slice3A_1301[0] : f32 from vector<1xf32>
        %add3A_1303 = vector.broadcast %squeeze3A_1302 : f32 to vector<16xf32>
        %add3A_1304 = arith.addf %gather3A_901, %add3A_1303 : vector<16xf32>
        %mul3A_1305 = arith.mulf %add3A_1304, %select_n3A : vector<16xf32>
        %mul3A_1306 = arith.constant 16 : i32
        %mul3A_1307 = arith.muli %scan3A_704, %mul3A_1306 : i32
        %swap3A_1308 = arith.constant 1 : i32
        %swap3A_1309 = arith.constant 2 : i32
        %swap3A_1310 = arith.constant 6 : i32
        %swap3A_1311 = arith.index_cast %swap3A_1308 : i32 to index
        %swap3A_1312 = arith.index_cast %swap3A_1309 : i32 to index
        %swap3A_1313 = arith.index_cast %swap3A_1310 : i32 to index
        %swap3A_1314 = arith.index_cast %mul3A_1307 : i32 to index
        %swap3A_1315 = tpu.vector_load %arg8[%swap3A_1311, %swap3A_1312, %swap3A_1313, %swap3A_1314] {strides = array<i32>} : memref<2x4x8x128xf32, #tpu.memory_space<vmem>>, vector<16xf32>,
        tpu.vector_store %arg8[%swap3A_1311, %swap3A_1312, %swap3A_1313, %swap3A_1314], %mul3A_1305 {strides = array<i32>} : memref<2x4x8x128xf32, #tpu.memory_space<vmem>>, vector<16xf32>,
        %slice3A_1316 = vector.extract_strided_slice %get3A_596 {offsets = [7], sizes = [1], strides = [1]} : vector<16xf32> to vector<1xf32>
        %squeeze3A_1317 = vector.extract %slice3A_1316[0] : f32 from vector<1xf32>
        %add3A_1318 = vector.broadcast %squeeze3A_1317 : f32 to vector<16xf32>
        %add3A_1319 = arith.addf %gather3A_909, %add3A_1318 : vector<16xf32>
        %mul3A_1320 = arith.mulf %add3A_1319, %select_n3A : vector<16xf32>
        %mul3A_1321 = arith.constant 16 : i32
        %mul3A_1322 = arith.muli %scan3A_704, %mul3A_1321 : i32
        %swap3A_1323 = arith.constant 1 : i32
        %swap3A_1324 = arith.constant 2 : i32
        %swap3A_1325 = arith.constant 7 : i32
        %swap3A_1326 = arith.index_cast %swap3A_1323 : i32 to index
        %swap3A_1327 = arith.index_cast %swap3A_1324 : i32 to index
        %swap3A_1328 = arith.index_cast %swap3A_1325 : i32 to index
        %swap3A_1329 = arith.index_cast %mul3A_1322 : i32 to index
        %swap3A_1330 = tpu.vector_load %arg8[%swap3A_1326, %swap3A_1327, %swap3A_1328, %swap3A_1329] {strides = array<i32>} : memref<2x4x8x128xf32, #tpu.memory_space<vmem>>, vector<16xf32>,
        tpu.vector_store %arg8[%swap3A_1326, %swap3A_1327, %swap3A_1328, %swap3A_1329], %mul3A_1320 {strides = array<i32>} : memref<2x4x8x128xf32, #tpu.memory_space<vmem>>, vector<16xf32>,
        %slice3A_1331 = vector.extract_strided_slice %get3A_596 {offsets = [8], sizes = [1], strides = [1]} : vector<16xf32> to vector<1xf32>
        %squeeze3A_1332 = vector.extract %slice3A_1331[0] : f32 from vector<1xf32>
        %add3A_1333 = vector.broadcast %squeeze3A_1332 : f32 to vector<16xf32>
        %add3A_1334 = arith.addf %gather3A_917, %add3A_1333 : vector<16xf32>
        %mul3A_1335 = arith.mulf %add3A_1334, %select_n3A : vector<16xf32>
        %mul3A_1336 = arith.constant 16 : i32
        %mul3A_1337 = arith.muli %scan3A_704, %mul3A_1336 : i32
        %swap3A_1338 = arith.constant 1 : i32
        %swap3A_1339 = arith.constant 3 : i32
        %swap3A_1340 = arith.constant 0 : i32
        %swap3A_1341 = arith.index_cast %swap3A_1338 : i32 to index
        %swap3A_1342 = arith.index_cast %swap3A_1339 : i32 to index
        %swap3A_1343 = arith.index_cast %swap3A_1340 : i32 to index
        %swap3A_1344 = arith.index_cast %mul3A_1337 : i32 to index
        %swap3A_1345 = tpu.vector_load %arg8[%swap3A_1341, %swap3A_1342, %swap3A_1343, %swap3A_1344] {strides = array<i32>} : memref<2x4x8x128xf32, #tpu.memory_space<vmem>>, vector<16xf32>,
        tpu.vector_store %arg8[%swap3A_1341, %swap3A_1342, %swap3A_1343, %swap3A_1344], %mul3A_1335 {strides = array<i32>} : memref<2x4x8x128xf32, #tpu.memory_space<vmem>>, vector<16xf32>,
        %slice3A_1346 = vector.extract_strided_slice %get3A_596 {offsets = [9], sizes = [1], strides = [1]} : vector<16xf32> to vector<1xf32>
        %squeeze3A_1347 = vector.extract %slice3A_1346[0] : f32 from vector<1xf32>
        %add3A_1348 = vector.broadcast %squeeze3A_1347 : f32 to vector<16xf32>
        %add3A_1349 = arith.addf %gather3A_925, %add3A_1348 : vector<16xf32>
        %mul3A_1350 = arith.mulf %add3A_1349, %select_n3A : vector<16xf32>
        %mul3A_1351 = arith.constant 16 : i32
        %mul3A_1352 = arith.muli %scan3A_704, %mul3A_1351 : i32
        %swap3A_1353 = arith.constant 1 : i32
        %swap3A_1354 = arith.constant 3 : i32
        %swap3A_1355 = arith.constant 1 : i32
        %swap3A_1356 = arith.index_cast %swap3A_1353 : i32 to index
        %swap3A_1357 = arith.index_cast %swap3A_1354 : i32 to index
        %swap3A_1358 = arith.index_cast %swap3A_1355 : i32 to index
        %swap3A_1359 = arith.index_cast %mul3A_1352 : i32 to index
        %swap3A_1360 = tpu.vector_load %arg8[%swap3A_1356, %swap3A_1357, %swap3A_1358, %swap3A_1359] {strides = array<i32>} : memref<2x4x8x128xf32, #tpu.memory_space<vmem>>, vector<16xf32>,
        tpu.vector_store %arg8[%swap3A_1356, %swap3A_1357, %swap3A_1358, %swap3A_1359], %mul3A_1350 {strides = array<i32>} : memref<2x4x8x128xf32, #tpu.memory_space<vmem>>, vector<16xf32>,
        %slice3A_1361 = vector.extract_strided_slice %get3A_596 {offsets = [10], sizes = [1], strides = [1]} : vector<16xf32> to vector<1xf32>
        %squeeze3A_1362 = vector.extract %slice3A_1361[0] : f32 from vector<1xf32>
        %add3A_1363 = vector.broadcast %squeeze3A_1362 : f32 to vector<16xf32>
        %add3A_1364 = arith.addf %gather3A_933, %add3A_1363 : vector<16xf32>
        %mul3A_1365 = arith.mulf %add3A_1364, %select_n3A : vector<16xf32>
        %mul3A_1366 = arith.constant 16 : i32
        %mul3A_1367 = arith.muli %scan3A_704, %mul3A_1366 : i32
        %swap3A_1368 = arith.constant 1 : i32
        %swap3A_1369 = arith.constant 3 : i32
        %swap3A_1370 = arith.constant 2 : i32
        %swap3A_1371 = arith.index_cast %swap3A_1368 : i32 to index
        %swap3A_1372 = arith.index_cast %swap3A_1369 : i32 to index
        %swap3A_1373 = arith.index_cast %swap3A_1370 : i32 to index
        %swap3A_1374 = arith.index_cast %mul3A_1367 : i32 to index
        %swap3A_1375 = tpu.vector_load %arg8[%swap3A_1371, %swap3A_1372, %swap3A_1373, %swap3A_1374] {strides = array<i32>} : memref<2x4x8x128xf32, #tpu.memory_space<vmem>>, vector<16xf32>,
        tpu.vector_store %arg8[%swap3A_1371, %swap3A_1372, %swap3A_1373, %swap3A_1374], %mul3A_1365 {strides = array<i32>} : memref<2x4x8x128xf32, #tpu.memory_space<vmem>>, vector<16xf32>,
        %slice3A_1376 = vector.extract_strided_slice %get3A_596 {offsets = [11], sizes = [1], strides = [1]} : vector<16xf32> to vector<1xf32>
        %squeeze3A_1377 = vector.extract %slice3A_1376[0] : f32 from vector<1xf32>
        %add3A_1378 = vector.broadcast %squeeze3A_1377 : f32 to vector<16xf32>
        %add3A_1379 = arith.addf %gather3A_941, %add3A_1378 : vector<16xf32>
        %mul3A_1380 = arith.mulf %add3A_1379, %select_n3A : vector<16xf32>
        %mul3A_1381 = arith.constant 16 : i32
        %mul3A_1382 = arith.muli %scan3A_704, %mul3A_1381 : i32
        %swap3A_1383 = arith.constant 1 : i32
        %swap3A_1384 = arith.constant 3 : i32
        %swap3A_1385 = arith.constant 3 : i32
        %swap3A_1386 = arith.index_cast %swap3A_1383 : i32 to index
        %swap3A_1387 = arith.index_cast %swap3A_1384 : i32 to index
        %swap3A_1388 = arith.index_cast %swap3A_1385 : i32 to index
        %swap3A_1389 = arith.index_cast %mul3A_1382 : i32 to index
        %swap3A_1390 = tpu.vector_load %arg8[%swap3A_1386, %swap3A_1387, %swap3A_1388, %swap3A_1389] {strides = array<i32>} : memref<2x4x8x128xf32, #tpu.memory_space<vmem>>, vector<16xf32>,
        tpu.vector_store %arg8[%swap3A_1386, %swap3A_1387, %swap3A_1388, %swap3A_1389], %mul3A_1380 {strides = array<i32>} : memref<2x4x8x128xf32, #tpu.memory_space<vmem>>, vector<16xf32>,
        %slice3A_1391 = vector.extract_strided_slice %get3A_596 {offsets = [12], sizes = [1], strides = [1]} : vector<16xf32> to vector<1xf32>
        %squeeze3A_1392 = vector.extract %slice3A_1391[0] : f32 from vector<1xf32>
        %add3A_1393 = vector.broadcast %squeeze3A_1392 : f32 to vector<16xf32>
        %add3A_1394 = arith.addf %gather3A_949, %add3A_1393 : vector<16xf32>
        %mul3A_1395 = arith.mulf %add3A_1394, %select_n3A : vector<16xf32>
        %mul3A_1396 = arith.constant 16 : i32
        %mul3A_1397 = arith.muli %scan3A_704, %mul3A_1396 : i32
        %swap3A_1398 = arith.constant 1 : i32
        %swap3A_1399 = arith.constant 3 : i32
        %swap3A_1400 = arith.constant 4 : i32
        %swap3A_1401 = arith.index_cast %swap3A_1398 : i32 to index
        %swap3A_1402 = arith.index_cast %swap3A_1399 : i32 to index
        %swap3A_1403 = arith.index_cast %swap3A_1400 : i32 to index
        %swap3A_1404 = arith.index_cast %mul3A_1397 : i32 to index
        %swap3A_1405 = tpu.vector_load %arg8[%swap3A_1401, %swap3A_1402, %swap3A_1403, %swap3A_1404] {strides = array<i32>} : memref<2x4x8x128xf32, #tpu.memory_space<vmem>>, vector<16xf32>,
        tpu.vector_store %arg8[%swap3A_1401, %swap3A_1402, %swap3A_1403, %swap3A_1404], %mul3A_1395 {strides = array<i32>} : memref<2x4x8x128xf32, #tpu.memory_space<vmem>>, vector<16xf32>,
        %slice3A_1406 = vector.extract_strided_slice %get3A_596 {offsets = [13], sizes = [1], strides = [1]} : vector<16xf32> to vector<1xf32>
        %squeeze3A_1407 = vector.extract %slice3A_1406[0] : f32 from vector<1xf32>
        %add3A_1408 = vector.broadcast %squeeze3A_1407 : f32 to vector<16xf32>
        %add3A_1409 = arith.addf %gather3A_957, %add3A_1408 : vector<16xf32>
        %mul3A_1410 = arith.mulf %add3A_1409, %select_n3A : vector<16xf32>
        %mul3A_1411 = arith.constant 16 : i32
        %mul3A_1412 = arith.muli %scan3A_704, %mul3A_1411 : i32
        %swap3A_1413 = arith.constant 1 : i32
        %swap3A_1414 = arith.constant 3 : i32
        %swap3A_1415 = arith.constant 5 : i32
        %swap3A_1416 = arith.index_cast %swap3A_1413 : i32 to index
        %swap3A_1417 = arith.index_cast %swap3A_1414 : i32 to index
        %swap3A_1418 = arith.index_cast %swap3A_1415 : i32 to index
        %swap3A_1419 = arith.index_cast %mul3A_1412 : i32 to index
        %swap3A_1420 = tpu.vector_load %arg8[%swap3A_1416, %swap3A_1417, %swap3A_1418, %swap3A_1419] {strides = array<i32>} : memref<2x4x8x128xf32, #tpu.memory_space<vmem>>, vector<16xf32>,
        tpu.vector_store %arg8[%swap3A_1416, %swap3A_1417, %swap3A_1418, %swap3A_1419], %mul3A_1410 {strides = array<i32>} : memref<2x4x8x128xf32, #tpu.memory_space<vmem>>, vector<16xf32>,
        %slice3A_1421 = vector.extract_strided_slice %get3A_596 {offsets = [14], sizes = [1], strides = [1]} : vector<16xf32> to vector<1xf32>
        %squeeze3A_1422 = vector.extract %slice3A_1421[0] : f32 from vector<1xf32>
        %add3A_1423 = vector.broadcast %squeeze3A_1422 : f32 to vector<16xf32>
        %add3A_1424 = arith.addf %gather3A_965, %add3A_1423 : vector<16xf32>
        %mul3A_1425 = arith.mulf %add3A_1424, %select_n3A : vector<16xf32>
        %mul3A_1426 = arith.constant 16 : i32
        %mul3A_1427 = arith.muli %scan3A_704, %mul3A_1426 : i32
        %swap3A_1428 = arith.constant 1 : i32
        %swap3A_1429 = arith.constant 3 : i32
        %swap3A_1430 = arith.constant 6 : i32
        %swap3A_1431 = arith.index_cast %swap3A_1428 : i32 to index
        %swap3A_1432 = arith.index_cast %swap3A_1429 : i32 to index
        %swap3A_1433 = arith.index_cast %swap3A_1430 : i32 to index
        %swap3A_1434 = arith.index_cast %mul3A_1427 : i32 to index
        %swap3A_1435 = tpu.vector_load %arg8[%swap3A_1431, %swap3A_1432, %swap3A_1433, %swap3A_1434] {strides = array<i32>} : memref<2x4x8x128xf32, #tpu.memory_space<vmem>>, vector<16xf32>,
        tpu.vector_store %arg8[%swap3A_1431, %swap3A_1432, %swap3A_1433, %swap3A_1434], %mul3A_1425 {strides = array<i32>} : memref<2x4x8x128xf32, #tpu.memory_space<vmem>>, vector<16xf32>,
        %slice3A_1436 = vector.extract_strided_slice %get3A_596 {offsets = [15], sizes = [1], strides = [1]} : vector<16xf32> to vector<1xf32>
        %squeeze3A_1437 = vector.extract %slice3A_1436[0] : f32 from vector<1xf32>
        %add3A_1438 = vector.broadcast %squeeze3A_1437 : f32 to vector<16xf32>
        %add3A_1439 = arith.addf %gather3A_973, %add3A_1438 : vector<16xf32>
        %mul3A_1440 = arith.mulf %add3A_1439, %select_n3A : vector<16xf32>
        %mul3A_1441 = arith.constant 16 : i32
        %mul3A_1442 = arith.muli %scan3A_704, %mul3A_1441 : i32
        %swap3A_1443 = arith.constant 1 : i32
        %swap3A_1444 = arith.constant 3 : i32
        %swap3A_1445 = arith.constant 7 : i32
        %swap3A_1446 = arith.index_cast %swap3A_1443 : i32 to index
        %swap3A_1447 = arith.index_cast %swap3A_1444 : i32 to index
        %swap3A_1448 = arith.index_cast %swap3A_1445 : i32 to index
        %swap3A_1449 = arith.index_cast %mul3A_1442 : i32 to index
        %swap3A_1450 = tpu.vector_load %arg8[%swap3A_1446, %swap3A_1447, %swap3A_1448, %swap3A_1449] {strides = array<i32>} : memref<2x4x8x128xf32, #tpu.memory_space<vmem>>, vector<16xf32>,
        tpu.vector_store %arg8[%swap3A_1446, %swap3A_1447, %swap3A_1448, %swap3A_1449], %mul3A_1440 {strides = array<i32>} : memref<2x4x8x128xf32, #tpu.memory_space<vmem>>, vector<16xf32>,
      }
      %scan3A_603 = arith.constant 8 : i32
      %mul3A_604 = arith.constant 4 : i32
      %mul3A_605 = arith.muli %add3A_552, %mul3A_604 : i32
      %add3A_606 = arith.constant 0 : i32
      %add3A_607 = arith.addi %mul3A_605, %add3A_606 : i32
      %mul3A_608 = arith.constant 32 : i32
      %mul3A_609 = arith.muli %add3A_607, %mul3A_608 : i32
      %add3A_610 = arith.addi %mul3A_609, %add3A : i32
      %dma_start3A_611 = arith.constant 1 : i32
      %dma_start3A_612 = arith.constant 0 : i32
      %dma_start3A_613 = arith.constant 0 : i32
      %dma_start3A_614 = arith.constant 0 : i32
      %dma_start3A_615 = tpu.memref_slice %arg8[%dma_start3A_611, %dma_start3A_612, %dma_start3A_613, %dma_start3A_614] : memref<2x4x8x128xf32, #tpu.memory_space<vmem>> -> memref<1x1x8x128xf32, #tpu.memory_space<vmem>>
      %dma_start3A_616 = tpu.memref_squeeze %dma_start3A_615 : memref<1x1x8x128xf32, #tpu.memory_space<vmem>> -> memref<8x128xf32, #tpu.memory_space<vmem>>
      %dma_start3A_617 = arith.constant 0 : i32
      %dma_start3A_618 = arith.constant 0 : i32
      %dma_start3A_619 = tpu.memref_slice %arg5[%add3A_610, %dma_start3A_617, %dma_start3A_618] : memref<25600x8x128xf32, #tpu.memory_space<hbm>> -> memref<1x8x128xf32, #tpu.memory_space<hbm>>
      %dma_start3A_620 = tpu.memref_squeeze %dma_start3A_619 : memref<1x8x128xf32, #tpu.memory_space<hbm>> -> memref<8x128xf32, #tpu.memory_space<hbm>>
      %dma_start3A_621 = arith.constant 0 : i32
      %dma_start3A_622 = arith.constant 0 : i32
      %dma_start3A_623 = tpu.memref_slice %arg5[%add3A_610, %dma_start3A_621, %dma_start3A_622] : memref<25600x8x128xf32, #tpu.memory_space<hbm>> -> memref<1x8x128xf32, #tpu.memory_space<hbm>>
      %dma_start3A_624 = tpu.memref_squeeze %dma_start3A_623 : memref<1x8x128xf32, #tpu.memory_space<hbm>> -> memref<8x128xf32, #tpu.memory_space<hbm>>
      %dma_start3A_625 = arith.constant 0 : i32
      %dma_start3A_626 = arith.constant 0 : i32
      %dma_start3A_627 = tpu.memref_slice %arg8[%dma_start3A_611, %dma_start3A_612, %dma_start3A_625, %dma_start3A_626] : memref<2x4x8x128xf32, #tpu.memory_space<vmem>> -> memref<1x1x8x128xf32, #tpu.memory_space<vmem>>
      %dma_start3A_628 = tpu.memref_squeeze %dma_start3A_627 : memref<1x1x8x128xf32, #tpu.memory_space<vmem>> -> memref<8x128xf32, #tpu.memory_space<vmem>>
      tpu.enqueue_dma source(%dma_start3A_628 : memref<8x128xf32, #tpu.memory_space<vmem>>) target(%dma_start3A_624 : memref<8x128xf32, #tpu.memory_space<hbm>>) target_semaphore(%arg15 : memref<!tpu.dma_semaphore, #tpu.memory_space<semaphore_mem>>)
      %mul3A_629 = arith.constant 4 : i32
      %mul3A_630 = arith.muli %add3A_552, %mul3A_629 : i32
      %add3A_631 = arith.constant 1 : i32
      %add3A_632 = arith.addi %mul3A_630, %add3A_631 : i32
      %mul3A_633 = arith.constant 32 : i32
      %mul3A_634 = arith.muli %add3A_632, %mul3A_633 : i32
      %add3A_635 = arith.addi %mul3A_634, %add3A : i32
      %dma_start3A_636 = arith.constant 1 : i32
      %dma_start3A_637 = arith.constant 1 : i32
      %dma_start3A_638 = arith.constant 0 : i32
      %dma_start3A_639 = arith.constant 0 : i32
      %dma_start3A_640 = tpu.memref_slice %arg8[%dma_start3A_636, %dma_start3A_637, %dma_start3A_638, %dma_start3A_639] : memref<2x4x8x128xf32, #tpu.memory_space<vmem>> -> memref<1x1x8x128xf32, #tpu.memory_space<vmem>>
      %dma_start3A_641 = tpu.memref_squeeze %dma_start3A_640 : memref<1x1x8x128xf32, #tpu.memory_space<vmem>> -> memref<8x128xf32, #tpu.memory_space<vmem>>
      %dma_start3A_642 = arith.constant 0 : i32
      %dma_start3A_643 = arith.constant 0 : i32
      %dma_start3A_644 = tpu.memref_slice %arg5[%add3A_635, %dma_start3A_642, %dma_start3A_643] : memref<25600x8x128xf32, #tpu.memory_space<hbm>> -> memref<1x8x128xf32, #tpu.memory_space<hbm>>
      %dma_start3A_645 = tpu.memref_squeeze %dma_start3A_644 : memref<1x8x128xf32, #tpu.memory_space<hbm>> -> memref<8x128xf32, #tpu.memory_space<hbm>>
      %dma_start3A_646 = arith.constant 0 : i32
      %dma_start3A_647 = arith.constant 0 : i32
      %dma_start3A_648 = tpu.memref_slice %arg5[%add3A_635, %dma_start3A_646, %dma_start3A_647] : memref<25600x8x128xf32, #tpu.memory_space<hbm>> -> memref<1x8x128xf32, #tpu.memory_space<hbm>>
      %dma_start3A_649 = tpu.memref_squeeze %dma_start3A_648 : memref<1x8x128xf32, #tpu.memory_space<hbm>> -> memref<8x128xf32, #tpu.memory_space<hbm>>
      %dma_start3A_650 = arith.constant 0 : i32
      %dma_start3A_651 = arith.constant 0 : i32
      %dma_start3A_652 = tpu.memref_slice %arg8[%dma_start3A_636, %dma_start3A_637, %dma_start3A_650, %dma_start3A_651] : memref<2x4x8x128xf32, #tpu.memory_space<vmem>> -> memref<1x1x8x128xf32, #tpu.memory_space<vmem>>
      %dma_start3A_653 = tpu.memref_squeeze %dma_start3A_652 : memref<1x1x8x128xf32, #tpu.memory_space<vmem>> -> memref<8x128xf32, #tpu.memory_space<vmem>>
      tpu.enqueue_dma source(%dma_start3A_653 : memref<8x128xf32, #tpu.memory_space<vmem>>) target(%dma_start3A_649 : memref<8x128xf32, #tpu.memory_space<hbm>>) target_semaphore(%arg15 : memref<!tpu.dma_semaphore, #tpu.memory_space<semaphore_mem>>)
      %mul3A_654 = arith.constant 4 : i32
      %mul3A_655 = arith.muli %add3A_552, %mul3A_654 : i32
      %add3A_656 = arith.constant 2 : i32
      %add3A_657 = arith.addi %mul3A_655, %add3A_656 : i32
      %mul3A_658 = arith.constant 32 : i32
      %mul3A_659 = arith.muli %add3A_657, %mul3A_658 : i32
      %add3A_660 = arith.addi %mul3A_659, %add3A : i32
      %dma_start3A_661 = arith.constant 1 : i32
      %dma_start3A_662 = arith.constant 2 : i32
      %dma_start3A_663 = arith.constant 0 : i32
      %dma_start3A_664 = arith.constant 0 : i32
      %dma_start3A_665 = tpu.memref_slice %arg8[%dma_start3A_661, %dma_start3A_662, %dma_start3A_663, %dma_start3A_664] : memref<2x4x8x128xf32, #tpu.memory_space<vmem>> -> memref<1x1x8x128xf32, #tpu.memory_space<vmem>>
      %dma_start3A_666 = tpu.memref_squeeze %dma_start3A_665 : memref<1x1x8x128xf32, #tpu.memory_space<vmem>> -> memref<8x128xf32, #tpu.memory_space<vmem>>
      %dma_start3A_667 = arith.constant 0 : i32
      %dma_start3A_668 = arith.constant 0 : i32
      %dma_start3A_669 = tpu.memref_slice %arg5[%add3A_660, %dma_start3A_667, %dma_start3A_668] : memref<25600x8x128xf32, #tpu.memory_space<hbm>> -> memref<1x8x128xf32, #tpu.memory_space<hbm>>
      %dma_start3A_670 = tpu.memref_squeeze %dma_start3A_669 : memref<1x8x128xf32, #tpu.memory_space<hbm>> -> memref<8x128xf32, #tpu.memory_space<hbm>>
      %dma_start3A_671 = arith.constant 0 : i32
      %dma_start3A_672 = arith.constant 0 : i32
      %dma_start3A_673 = tpu.memref_slice %arg5[%add3A_660, %dma_start3A_671, %dma_start3A_672] : memref<25600x8x128xf32, #tpu.memory_space<hbm>> -> memref<1x8x128xf32, #tpu.memory_space<hbm>>
      %dma_start3A_674 = tpu.memref_squeeze %dma_start3A_673 : memref<1x8x128xf32, #tpu.memory_space<hbm>> -> memref<8x128xf32, #tpu.memory_space<hbm>>
      %dma_start3A_675 = arith.constant 0 : i32
      %dma_start3A_676 = arith.constant 0 : i32
      %dma_start3A_677 = tpu.memref_slice %arg8[%dma_start3A_661, %dma_start3A_662, %dma_start3A_675, %dma_start3A_676] : memref<2x4x8x128xf32, #tpu.memory_space<vmem>> -> memref<1x1x8x128xf32, #tpu.memory_space<vmem>>
      %dma_start3A_678 = tpu.memref_squeeze %dma_start3A_677 : memref<1x1x8x128xf32, #tpu.memory_space<vmem>> -> memref<8x128xf32, #tpu.memory_space<vmem>>
      tpu.enqueue_dma source(%dma_start3A_678 : memref<8x128xf32, #tpu.memory_space<vmem>>) target(%dma_start3A_674 : memref<8x128xf32, #tpu.memory_space<hbm>>) target_semaphore(%arg15 : memref<!tpu.dma_semaphore, #tpu.memory_space<semaphore_mem>>)
      %mul3A_679 = arith.constant 4 : i32
      %mul3A_680 = arith.muli %add3A_552, %mul3A_679 : i32
      %add3A_681 = arith.constant 3 : i32
      %add3A_682 = arith.addi %mul3A_680, %add3A_681 : i32
      %mul3A_683 = arith.constant 32 : i32
      %mul3A_684 = arith.muli %add3A_682, %mul3A_683 : i32
      %add3A_685 = arith.addi %mul3A_684, %add3A : i32
      %dma_start3A_686 = arith.constant 1 : i32
      %dma_start3A_687 = arith.constant 3 : i32
      %dma_start3A_688 = arith.constant 0 : i32
      %dma_start3A_689 = arith.constant 0 : i32
      %dma_start3A_690 = tpu.memref_slice %arg8[%dma_start3A_686, %dma_start3A_687, %dma_start3A_688, %dma_start3A_689] : memref<2x4x8x128xf32, #tpu.memory_space<vmem>> -> memref<1x1x8x128xf32, #tpu.memory_space<vmem>>
      %dma_start3A_691 = tpu.memref_squeeze %dma_start3A_690 : memref<1x1x8x128xf32, #tpu.memory_space<vmem>> -> memref<8x128xf32, #tpu.memory_space<vmem>>
      %dma_start3A_692 = arith.constant 0 : i32
      %dma_start3A_693 = arith.constant 0 : i32
      %dma_start3A_694 = tpu.memref_slice %arg5[%add3A_685, %dma_start3A_692, %dma_start3A_693] : memref<25600x8x128xf32, #tpu.memory_space<hbm>> -> memref<1x8x128xf32, #tpu.memory_space<hbm>>
      %dma_start3A_695 = tpu.memref_squeeze %dma_start3A_694 : memref<1x8x128xf32, #tpu.memory_space<hbm>> -> memref<8x128xf32, #tpu.memory_space<hbm>>
      %dma_start3A_696 = arith.constant 0 : i32
      %dma_start3A_697 = arith.constant 0 : i32
      %dma_start3A_698 = tpu.memref_slice %arg5[%add3A_685, %dma_start3A_696, %dma_start3A_697] : memref<25600x8x128xf32, #tpu.memory_space<hbm>> -> memref<1x8x128xf32, #tpu.memory_space<hbm>>
      %dma_start3A_699 = tpu.memref_squeeze %dma_start3A_698 : memref<1x8x128xf32, #tpu.memory_space<hbm>> -> memref<8x128xf32, #tpu.memory_space<hbm>>
      %dma_start3A_700 = arith.constant 0 : i32
      %dma_start3A_701 = arith.constant 0 : i32
      %dma_start3A_702 = tpu.memref_slice %arg8[%dma_start3A_686, %dma_start3A_687, %dma_start3A_700, %dma_start3A_701] : memref<2x4x8x128xf32, #tpu.memory_space<vmem>> -> memref<1x1x8x128xf32, #tpu.memory_space<vmem>>
      %dma_start3A_703 = tpu.memref_squeeze %dma_start3A_702 : memref<1x1x8x128xf32, #tpu.memory_space<vmem>> -> memref<8x128xf32, #tpu.memory_space<vmem>>
      tpu.enqueue_dma source(%dma_start3A_703 : memref<8x128xf32, #tpu.memory_space<vmem>>) target(%dma_start3A_699 : memref<8x128xf32, #tpu.memory_space<hbm>>) target_semaphore(%arg15 : memref<!tpu.dma_semaphore, #tpu.memory_space<semaphore_mem>>)
    }
    %scan3A_51 = arith.constant 50 : i32
    %dma_wait3A = arith.constant 0 : i32
    %dma_wait3A_52 = arith.constant 0 : i32
    %dma_wait3A_53 = arith.constant 0 : i32
    %dma_wait3A_54 = arith.constant 0 : i32
    %dma_wait3A_55 = tpu.memref_slice %arg8[%dma_wait3A, %dma_wait3A_52, %dma_wait3A_53, %dma_wait3A_54] : memref<2x4x8x128xf32, #tpu.memory_space<vmem>> -> memref<1x4x8x128xf32, #tpu.memory_space<vmem>>
    %dma_wait3A_56 = tpu.memref_squeeze %dma_wait3A_55 : memref<1x4x8x128xf32, #tpu.memory_space<vmem>> -> memref<4x8x128xf32, #tpu.memory_space<vmem>>
    %dma_wait3A_57 = arith.constant 0 : i32
    %dma_wait3A_58 = arith.constant 0 : i32
    %dma_wait3A_59 = arith.constant 0 : i32
    %dma_wait3A_60 = tpu.memref_slice %arg5[%dma_wait3A_57, %dma_wait3A_58, %dma_wait3A_59] : memref<25600x8x128xf32, #tpu.memory_space<hbm>> -> memref<4x8x128xf32, #tpu.memory_space<hbm>>
    %dma_wait3A_61 = arith.constant 0 : i32
    %dma_wait3A_62 = arith.constant 0 : i32
    %dma_wait3A_63 = arith.constant 0 : i32
    %dma_wait3A_64 = tpu.memref_slice %arg5[%dma_wait3A_61, %dma_wait3A_62, %dma_wait3A_63] : memref<25600x8x128xf32, #tpu.memory_space<hbm>> -> memref<4x8x128xf32, #tpu.memory_space<hbm>>
    %dma_wait3A_65 = arith.constant 0 : i32
    %dma_wait3A_66 = arith.constant 0 : i32
    %dma_wait3A_67 = arith.constant 0 : i32
    %dma_wait3A_68 = tpu.memref_slice %arg8[%dma_wait3A, %dma_wait3A_65, %dma_wait3A_66, %dma_wait3A_67] : memref<2x4x8x128xf32, #tpu.memory_space<vmem>> -> memref<1x4x8x128xf32, #tpu.memory_space<vmem>>
    %dma_wait3A_69 = tpu.memref_squeeze %dma_wait3A_68 : memref<1x4x8x128xf32, #tpu.memory_space<vmem>> -> memref<4x8x128xf32, #tpu.memory_space<vmem>>
    tpu.wait_dma2 semaphore(%arg14 : memref<!tpu.dma_semaphore, #tpu.memory_space<semaphore_mem>>) src(%dma_wait3A_69 : memref<4x8x128xf32, #tpu.memory_space<vmem>>) dst(%dma_wait3A_64 : memref<4x8x128xf32, #tpu.memory_space<hbm>>)
    %dma_wait3A_70 = arith.constant 1 : i32
    %dma_wait3A_71 = arith.constant 0 : i32
    %dma_wait3A_72 = arith.constant 0 : i32
    %dma_wait3A_73 = arith.constant 0 : i32
    %dma_wait3A_74 = tpu.memref_slice %arg8[%dma_wait3A_70, %dma_wait3A_71, %dma_wait3A_72, %dma_wait3A_73] : memref<2x4x8x128xf32, #tpu.memory_space<vmem>> -> memref<1x4x8x128xf32, #tpu.memory_space<vmem>>
    %dma_wait3A_75 = tpu.memref_squeeze %dma_wait3A_74 : memref<1x4x8x128xf32, #tpu.memory_space<vmem>> -> memref<4x8x128xf32, #tpu.memory_space<vmem>>
    %dma_wait3A_76 = arith.constant 0 : i32
    %dma_wait3A_77 = arith.constant 0 : i32
    %dma_wait3A_78 = arith.constant 0 : i32
    %dma_wait3A_79 = tpu.memref_slice %arg5[%dma_wait3A_76, %dma_wait3A_77, %dma_wait3A_78] : memref<25600x8x128xf32, #tpu.memory_space<hbm>> -> memref<4x8x128xf32, #tpu.memory_space<hbm>>
    %dma_wait3A_80 = arith.constant 0 : i32
    %dma_wait3A_81 = arith.constant 0 : i32
    %dma_wait3A_82 = arith.constant 0 : i32
    %dma_wait3A_83 = tpu.memref_slice %arg5[%dma_wait3A_80, %dma_wait3A_81, %dma_wait3A_82] : memref<25600x8x128xf32, #tpu.memory_space<hbm>> -> memref<4x8x128xf32, #tpu.memory_space<hbm>>
    %dma_wait3A_84 = arith.constant 0 : i32
    %dma_wait3A_85 = arith.constant 0 : i32
    %dma_wait3A_86 = arith.constant 0 : i32
    %dma_wait3A_87 = tpu.memref_slice %arg8[%dma_wait3A_70, %dma_wait3A_84, %dma_wait3A_85, %dma_wait3A_86] : memref<2x4x8x128xf32, #tpu.memory_space<vmem>> -> memref<1x4x8x128xf32, #tpu.memory_space<vmem>>
    %dma_wait3A_88 = tpu.memref_squeeze %dma_wait3A_87 : memref<1x4x8x128xf32, #tpu.memory_space<vmem>> -> memref<4x8x128xf32, #tpu.memory_space<vmem>>
    tpu.wait_dma2 semaphore(%arg15 : memref<!tpu.dma_semaphore, #tpu.memory_space<semaphore_mem>>) src(%dma_wait3A_88 : memref<4x8x128xf32, #tpu.memory_space<vmem>>) dst(%dma_wait3A_83 : memref<4x8x128xf32, #tpu.memory_space<hbm>>)
    return
  }
}

</mosaic_0001>

<sc_bundles>
// kernel: kernel.3.cloned.1.call-start
scs
__scs_entry_jumppad:
0x0: {  	(pc) =	sbr.rel $0x88, $3  }
0x1: {  	(tag) =	ssettag $0x0;
	lr =	simm.s32 $0x1  }
0x2: {  	[smem:$0x3F9E] =	sst lr;
	_ =	strace $0xD0000000  }
0x3: {  	_ = 	snop  }
0x4: {  	_ = 	snop  }
0x5: {  	_ = 	snop  }
0x6: {  	_ = 	snop  }
0x7: {  	_ = 	snop  }
__scs_overlays_trampoline_lowered:
0x8: {  	[smem:$0x3FAD] =	sst s0  }
0x9: {  	[smem:$0x3FAE] =	sst s1  }
0xa: {  	[smem:$0x3FAF] =	sst s2  }
0xb: {  	[smem:$0x3FB0] =	sst s3  }
0xc: {  	[smem:$0x3FB1] =	sst s4  }
0xd: {  	[smem:$0x3FB2] =	sst s5  }
0xe: {  	[smem:$0x3FB3] =	sst s6  }
0xf: {  	[smem:$0x3FB4] =	sst s7  }
0x10: {  	[smem:$0x3FB5] =	sst s8  }
0x11: {  	[smem:$0x3FB6] =	sst s9;
	s0 =	simm.s32 @!p0 $0x0  }
0x12: {  	s1 =	sld [smem:$0x3F9C];
	s0 =	simm.s32 @p0 $0x1  }
0x13: {  	[smem:$0x3FB7] =	sst s0;
	s0 =	simm.s32 @!p1 $0x0  }
0x14: {  	s2 =	sld [smem:$0x3F9B];
	s0 =	simm.s32 @p1 $0x1  }
0x15: {  	[smem:$0x3FB8] =	sst s0;
	s0 =	simm.s32 @!p2 $0x0  }
0x16: {  	s3 =	sld [smem:$0x3FDB];
	s0 =	simm.s32 @p2 $0x1  }
0x17: {  	s4 =	simm.s32 $0x1BF5;
	[smem:$0x3FBA] =	sst s0  }
0x18: {  	s0 =	sld [smem:$0x3F9D];
	_ =	swait.ge [sflag:s4], $0x0  }
0x19: {  	s7 =	sld [smem:$0x3F9E]  }
0x1a: {  	s8 =	sadd.s32 $0xFFFFE003, lr  }
0x1b: {  	s9 =	sadd.s32 $0xFFFFFEF7, lr;
	s5 =	simm.s32 $0xFFFFFFFF;
	p2 =	slt.u32 s8, $0xFFFFF086  }
0x1c: {  	p1 =	slt.u32 s9, $0xF7A;
	s5 =	simm.s32 @!p2 $0x0  }
0x1d: {  	s5 =	simm.s32 @p1 $0x1;
	p0 =	seq.s32 s7, s2  }
0x1e: {  	s7 =	smul.u32 @!p0 $0xF7A, s2;
	p2 =	seq.s32 @!p0 s5, $0x0  }
0x1f: {  	s9 =	smul.u32 $0xF7A, s1;
	s8 =	simm.s32 @!p0 $0x1BF5;
	p2 =	por !p2, p0  }
0x20: {  	[sflag:s8] =	ssyncset.s32 @!p0 $0xFFFFF086;
	s6 =	sadd.s32 @!p0 s3, s7;
	s7 =	simm.s32 @!p0 $0x108  }
0x21: {  	s3 =	sadd.s32 s3, s9;
	s6 =	sadd.s32 @!p0 $0x88, s6;
	s7 =	simm.s32 @p2 $0x1082  }
0x22: {  	[simem:s7], [sflag:s8] =	dma.local @!p0 [hbm:s6], $0xF7A  }
0x23: {  	s9 =	sor.u32 $0xD0000000, s2;
	s6 =	simm.s32 $0x108;
	_ =	swait.ge @!p0 [sflag:s8], $0x0  }
0x24: {  	s3 =	sadd.s32 $0x88, s3;
	s6 =	simm.s32 @!p1 $0x1082;
	[sflag:s4] =	ssyncset.s32 $0xFFFFF086  }
0x25: {  	[simem:s6], [sflag:s4] =	dma.local [hbm:s3], $0xF7A  }
0x26: {  	[smem:$0x3F9E] =	sst s1;
	(tag) =	ssettag s2;
	_ =	strace s9  }
0x27: {  	s1 =	sld [smem:$0x3FAE]  }
0x28: {  	s2 =	sld [smem:$0x3FAF]  }
0x29: {  	s4 =	sld [smem:$0x3FB1]  }
0x2a: {  	p0 =	seq.s32 s5, $0x0;
	s5 =	sld [smem:$0x3FB2]  }
0x2b: {  	s6 =	sld [smem:$0x3FB3]  }
0x2c: {  	s7 =	sld [smem:$0x3FB4]  }
0x2d: {  	s3 =	simm.s32 $0x108;
	s8 =	sld [smem:$0x3FB5]  }
0x2e: {  	s3 =	simm.s32 @!p0 $0x1082;
	s9 =	sld [smem:$0x3FB6]  }
0x2f: {  	lr =	sadd.s32 s0, s3;
	s0 =	sld [smem:$0x3FAD]  }
0x30: {  	s3 =	sld [smem:$0x3FB0]  }
0x31: {  	[smem:$0x3FB9] =	sst s10  }
0x32: {  	s10 =	sld [smem:$0x3FB7];
	_ =	sdelay $0x3  }
0x33: {  	p0 =	seq.s32 s10, $0x1;
	s10 =	sld [smem:$0x3FB9];
	_ =	sdelay $0x3  }
0x34: {  	[smem:$0x3FB9] =	sst s10  }
0x35: {  	s10 =	sld [smem:$0x3FB8];
	_ =	sdelay $0x3  }
0x36: {  	p1 =	seq.s32 s10, $0x1;
	s10 =	sld [smem:$0x3FB9];
	_ =	sdelay $0x3  }
0x37: {  	[smem:$0x3FB9] =	sst s10  }
0x38: {  	s10 =	sld [smem:$0x3FBA]  }
0x39: {  	_ = 	snop;
	(pc) =	sbr.ind lr, $3  }
0x3a: {  	_ = 	snop  }
0x3b: {  	_ = 	snop  }
0x3c: {  	p2 =	seq.s32 s10, $0x1;
	s10 =	sld [smem:$0x3FB9]  }
0x3d: {  	_ =	shalt  }
0x3e: {  	_ =	shalt  }
0x3f: {  	_ =	shalt  }
0x40: {  	_ =	shalt  }
0x41: {  	_ =	shalt  }
0x42: {  	_ =	shalt  }
0x43: {  	_ =	shalt  }
0x44: {  	_ =	shalt  }
0x45: {  	_ =	shalt  }
0x46: {  	_ =	shalt  }
0x47: {  	_ =	shalt  }
0x48: {  	_ =	shalt  }
0x49: {  	_ =	shalt  }
0x4a: {  	_ =	shalt  }
0x4b: {  	_ =	shalt  }
0x4c: {  	_ =	shalt  }
0x4d: {  	_ =	shalt  }
0x4e: {  	_ =	shalt  }
0x4f: {  	_ =	shalt  }
0x50: {  	_ =	shalt  }
0x51: {  	_ =	shalt  }
0x52: {  	_ =	shalt  }
0x53: {  	_ =	shalt  }
0x54: {  	_ =	shalt  }
0x55: {  	_ =	shalt  }
0x56: {  	_ =	shalt  }
0x57: {  	_ =	shalt  }
0x58: {  	_ =	shalt  }
0x59: {  	_ =	shalt  }
0x5a: {  	_ =	shalt  }
0x5b: {  	_ =	shalt  }
0x5c: {  	_ =	shalt  }
0x5d: {  	_ =	shalt  }
0x5e: {  	_ =	shalt  }
0x5f: {  	_ =	shalt  }
0x60: {  	_ =	shalt  }
0x61: {  	_ =	shalt  }
0x62: {  	_ =	shalt  }
0x63: {  	_ =	shalt  }
0x64: {  	_ =	shalt  }
0x65: {  	_ =	shalt  }
0x66: {  	_ =	shalt  }
0x67: {  	_ =	shalt  }
0x68: {  	_ =	shalt  }
0x69: {  	_ =	shalt  }
0x6a: {  	_ =	shalt  }
0x6b: {  	_ =	shalt  }
0x6c: {  	_ =	shalt  }
0x6d: {  	_ =	shalt  }
0x6e: {  	_ =	shalt  }
0x6f: {  	_ =	shalt  }
0x70: {  	_ =	shalt  }
0x71: {  	_ =	shalt  }
0x72: {  	_ =	shalt  }
0x73: {  	_ =	shalt  }
0x74: {  	_ =	shalt  }
0x75: {  	_ =	shalt  }
0x76: {  	_ =	shalt  }
0x77: {  	_ =	shalt  }
0x78: {  	_ =	shalt  }
0x79: {  	_ =	shalt  }
0x7a: {  	_ =	shalt  }
0x7b: {  	_ =	shalt  }
0x7c: {  	_ =	shalt  }
0x7d: {  	_ =	shalt  }
0x7e: {  	_ =	shalt  }
0x7f: {  	_ =	shalt  }
0x80: {  	_ =	shalt  }
0x81: {  	_ =	shalt  }
0x82: {  	_ =	shalt  }
0x83: {  	_ =	shalt  }
0x84: {  	_ =	shalt  }
0x85: {  	_ =	shalt  }
0x86: {  	_ =	shalt  }
0x87: {  	_ =	shalt  }
.Lfunc_end0:
.L_simem_size_0:
called_computation_lowered:
.L_overlay_start_0:
0x88: {  	s2 =	sld [smem:$0x3FD9]  }
0x89: {  	s3 =	sld [smem:$0x3FFE];
	_ =	sdelay $0x1  }
0x8a: {  	s1 =	srdreg.scid  }
0x8b: {  	s0 =	sand.u32 $0x1, s1  }
0x8c: {  	s17 =	sshll.u32 s0, $0xA;
	s2 =	sadd.s32 s3, s2  }
0x8d: {  	s2 =	sadd.s32 s2, s17  }
0x8e: {  	[smem:$0x3FC5] =	sst s2  }
0x8f: {  	_ = 	snop  }
0x90: {  	s2 =	sld [smem:$0x3FD0];
	(tm) =	ssettm $0x1  }
0x91: {  	s18 =	sld [smem:$0x3FFB];
	_ =	sdelay $0x3  }
0x92: {  	_ =	strace s18  }
0x93: {  	s3 =	sld [smem:$0x3FFC];
	_ =	sdelay $0x3  }
0x94: {  	_ =	strace s3  }
0x95: {  	s3 =	sld [smem:$0x3FFD];
	_ =	sdelay $0x3  }
0x96: {  	_ =	strace s3  }
0x97: {  	_ =	strace $0x8FFFFFFF  }
0x98: {  	s19 =	sld [smem:$0x3FDB];
	_ =	sdelay $0x1  }
0x99: {  	s4 =	simm.s32 $_scs_section_size  }
0x9a: {  	s5 =	simm.s32 $_size__tile_overlayer_lowered;
	s6 =	simm.s32 $_tile_overlayer_lowered  }
0x9b: {  	s22 =	simm.s32 $0x1BFF;
	s21 =	sshll.u32 s6, $0x1;
	s3 =	sadd.s32 s4, s19  }
0x9c: {  	s7 =	simm.s32 $0x0;
	s20 =	sshll.u32 s5, $0x1;
	s5 =	sadd.s32 s21, s3  }
0x9d: {  	[timem:s7], [sflag:s22] =	dma.local [hbm:s5], s20  }
0x9e: {  	_ =	swait.ge [sflag:s22], s20  }
0x9f: {  	s4 =	ssub.s32 $0x0, s20;
	[sflag:s22] =	ssyncset.done $0x0  }
0xa0: {  	[sflag:s22] =	ssyncadd.s32 s4;
	_ =	sdelay $0x1  }
0xa1: {  	s23 =	simm.s32 $0x1B8B  }
0xa2: {  	_ =	swait.ge [sflag:s23], $0x1  }
0xa3: {  	[sflag:s23] =	ssyncset.done $0x0  }
0xa4: {  	s25 =	simm.s32 $0x1B8E;
	s24 =	sld [smem:$0x3FFE];
	[sflag:s23] =	ssyncadd.s32 $0xFFFFFFFF  }
0xa5: {  	s26 =	simm.s32 $execute0_lowered;
	[smem:$0x3FD2] =	sst s25  }
0xa6: {  	s5 =	sshll.u32 s26, $0x1;
	_ =	strace $0x80000046;
	[dreg:$0x1] =	wrdreg $0xFFFFFFFF  }
0xa7: {  	s28 =	simm.s32 $_size_execute0_lowered;
	s3 =	sadd.s32 s3, s5;
	[dreg:$0x0] =	wrdreg $0x0  }
0xa8: {  	s5 =	sshll.u32 s28, $0x1;
	[dreg:$0x2] =	wrdreg s3  }
0xa9: {  	[dreg:$0x3] =	wrdreg s5  }
0xaa: {  	[dreg:$0x4] =	wrdreg $0xC0  }
0xab: {  	_ =	task [dreg:s7], $0x5FFFF  }
0xac: {  	[dreg:$0x1] =	wrdreg $0xFFFFFFFF  }
0xad: {  	[dreg:$0x0] =	wrdreg $0x60  }
0xae: {  	[dreg:$0x2] =	wrdreg s24  }
0xaf: {  	[dreg:$0x3] =	wrdreg s2  }
0xb0: {  	[dreg:$0x4] =	wrdreg $0x9  }
0xb1: {  	_ =	task.clear_ibuf [dreg:s7], $0x5FFFF;
	_ =	strace $0x90000046  }
0xb2: {  	s29 =	simm.s32 $0x9;
	_ =	strace $0x80000048  }
0xb3: {  	_ =	swait.ge [sflag:s29], $0x1  }
0xb4: {  	[sflag:s29] =	ssyncadd.s32 $0xFFFFFFFF  }
0xb5: {  	_ =	strace $0x90000048  }
0xb6: {  	_ =	sfence  }
0xb7: {  	s30 =	sld [smem:$0x0];
	_ =	sdelay $0x2  }
0xb8: {  	s31 =	sshll.u32 s1, $0xD;
	s1 =	sshrl.u32 s1, $0x2  }
0xb9: {  	s3 =	sand.u32 $0x4000, s31;
	s1 =	sadd.s32 s1, s30  }
0xba: {  	s0 =	sor.u32 s3, s0;
	s1 =	sshll.u32 s1, $0x11  }
0xbb: {  	s0 =	sor.u32 s1, s0  }
0xbc: {  	s0 =	sadd.s32 $0x8F2B, s0  }
0xbd: {  	[sflag:s0] =	ssyncadd.remote.s32 $0x1  }
0xbe: {  	_ =	sfence.sel $0xFFFF  }
0xbf: {  	[dreg:$0x0] =	wrdreg $0xFFFFFFFF;
	(pc) =	sbr.abs _section_cstart, $3  }
0xc0: {  	[dreg:$0x1] =	wrdreg $0xFFFFFFFF  }
0xc1: {  	_ =	task.clear_ibuf [dreg:s7], $0x2FFFF;
	_ =	strace $0x9FFFFFFF  }
0xc2: {  	(tm) =	ssettm $0x7FFFFFFF  }
0xc3: {  	_ =	shalt  }
tec
execute0_lowered:
.L_overlay_start_1:
0x0: {  	(tag) =	ssettag $0x1  }
0x1: {  	s0 =	rddreg [dreg:$0x0]  }
0x2: {  	s13 =	rddreg [dreg:$0x1];
	s3 =	simm.s32 $0x0  }
0x3: {  	s1 =	srdreg.scid;
	s2 =	stileid.u32;
	s29 =	simm.s32 $0x80  }
0x4: {  	s30 =	simm.s32 $0x200;
	s31 =	simm.s32 $0x1200;
	[smem:$0x7FF] =	sst s3  }
0x5: {  	s4 =	sadd.s32 $0x800, s0;
	s5 =	sadd.s32 $0xF42C00, s0;
	s0 =	sadd.s32 $0x19800, s0  }
0x6: {  	s19 =	sadd.s32 $0x4000, s13;
	_ =	strace $0x80000047;
	[dreg:$0x3] =	wrdreg s0  }
0x7: {  	s28 =	simm.s32 $0x180;
	s20 =	sadd.s32 $0x5000, s13;
	[dreg:$0xa] =	wrdreg s19  }
0x8: {  	s9 =	simm.s32 $0x2200;
	s21 =	sadd.s32 $0x6000, s13;
	[dreg:$0xb] =	wrdreg s20  }
0x9: {  	s11 =	simm.s32 $0x3200;
	s22 =	sadd.s32 $0x7000, s13;
	[dreg:$0xc] =	wrdreg s21  }
0xa: {  	s10 =	simm.s32 $0x0;
	s23 =	sadd.s32 $0x8000, s13;
	[dreg:$0xd] =	wrdreg s22  }
0xb: {  	s1 =	sand.u32 $0x1, s1;
	s24 =	sadd.s32 $0x9000, s13;
	[dreg:$0xe] =	wrdreg s23  }
0xc: {  	s2 =	sshll.u32 s2, $0x1;
	s25 =	sadd.s32 $0xA000, s13;
	[dreg:$0xf] =	wrdreg s24  }
0xd: {  	s26 =	sadd.s32 $0xB000, s13;
	s2 =	sor.u32 s1, s2;
	[dreg:$0x10] =	wrdreg s25  }
0xe: {  	s1 =	ssub.s32 $0x2, s1;
	[dreg:$0x11] =	wrdreg s26;
	s19 =	simm.s32 $0x3  }
0xf: {  	s20 =	simm.s32 $0x5;
	s21 =	simm.s32 $0x4;
	s22 =	simm.s32 $0x6  }
0x10: {  	s23 =	simm.s32 $0x0;
	s6 =	sshll.u32 s2, $0x4;
	s12 =	sshrl.u32 s1, $0x1  }
0x11: {  	s8 =	sshll.u32 s2, $0x7;
	s2 =	simm.s32 $0xA;
	s6 =	sadd.s32 s4, s6  }
0x12: {  	s0 =	ssub.s32 s1, s12;
	s16 =	sor.u32 $0x4000, s8;
	[dreg:$0x4] =	wrdreg s6  }
0x13: {  	s17 =	sor.u32 $0x5000, s8;
	s18 =	sor.u32 $0x6000, s8;
	[dreg:$0x7] =	wrdreg s16  }
0x14: {  	s1 =	simm.s32 $0x1;
	s14 =	sadd.s32 $0x200, s6;
	[dreg:$0x8] =	wrdreg s17  }
0x15: {  	s15 =	sadd.s32 $0x400, s6;
	[dreg:$0x9] =	wrdreg s18;
	s16 =	sadd.s32 $0x3000, s13  }
0x16: {  	s0 =	smax.u32 s0, $0x1;
	s17 =	simm.s32 $0xB;
	[dreg:$0x5] =	wrdreg s14  }
0x17: {  	v1 =	vlaneseq.u32;
	s6 =	simm.s32 $0x9;
	[dreg:$0x6] =	wrdreg s15;
	s14 =	sadd.s32 $0x1000, s13  }
0x18: {  	v0 =	vimm.f32 $5.656854150e+00;
	v57 =	vmul.u32 $0x20, v1;
	s15 =	sadd.s32 $0x2000, s13;
	[dreg:$0x12] =	wrdreg s0;
	s0 =	simm.s32 $0x2  }
.LBB2_1:
0x19: {  	[dreg:$0x13] =	wrdreg s10  }
0x1a: {  	s7 =	rddreg [dreg:$0x3];
	s26 =	simm.s32 $0x6200  }
0x1b: {  	[tilespmem:s26], [sflag:$0xB] =	stream.linear.gather [hbm4b:s7+s3], $0x1900, $0x38;
	[tilespmem:$0x7B00] =	vst v63  }
0x1c: {  	_ =	swait.ge [sflag:s17], $0x1900  }
0x1d: {  	[sflag:s17] =	ssyncset.done $0x0  }
0x1e: {  	s7 =	simm.s32 $0x0;
	[sflag:s17] =	ssyncadd.s32 $0xFFFFE700  }
0x1f: {  	v5 =	vld [tilespmem:s7+$0x6200]  }
0x20: {  	v7 =	vld [tilespmem:s7+$0x6210]  }
0x21: {  	v6 =	vld [tilespmem:s7+$0x6220]  }
0x22: {  	v4 =	vld [tilespmem:s7+$0x6230]  }
0x23: {  	v2 =	vld [tilespmem:s7+$0x6240]  }
0x24: {  	v3 =	vld [tilespmem:s7+$0x6250];
	v8 =	vmul.f32 $1.767766920e-01, v5  }
0x25: {  	s10 =	simm.s32 $0x200;
	v7 =	vmul.f32 $1.767766920e-01, v7;
	v5 =	vld [tilespmem:s7+$0x6260]  }
.LBB2_2:
0x26: {  	s12 =	sshra.s32 s10, $0x2;
	p0 =	sne.s32 s10, $0x6200;
	[tilespmem:s7+$0x6200] =	vst v8;
	v6 =	vmul.f32 $1.767766920e-01, v6;
	v8 =	vld [tilespmem:s7+$0x6270]  }
0x27: {  	v9 =	vld [tilespmem:s12+$0x6200];
	[tilespmem:s7+$0x6210] =	vst v7;
	v4 =	vmul.f32 $1.767766920e-01, v4  }
0x28: {  	v7 =	vld [tilespmem:s12+$0x6210];
	[tilespmem:s7+$0x6220] =	vst v6;
	v2 =	vmul.f32 $1.767766920e-01, v2  }
.Ltmp0:
0x29: {  	v6 =	vld [tilespmem:s12+$0x6220];
	[tilespmem:s7+$0x6230] =	vst v4;
	v3 =	vmul.f32 $1.767766920e-01, v3;
	(pc) =	sbr.rel @p0 .LBB2_2-.Ltmp0, $4  }
0x2a: {  	v4 =	vld [tilespmem:s12+$0x6230];
	[tilespmem:s7+$0x6240] =	vst v2;
	v5 =	vmul.f32 $1.767766920e-01, v5  }
0x2b: {  	v2 =	vld [tilespmem:s12+$0x6240];
	[tilespmem:s7+$0x6250] =	vst v3;
	v10 =	vmul.f32 $1.767766920e-01, v8  }
0x2c: {  	v8 =	vmul.f32 $1.767766920e-01, v9;
	v3 =	vld [tilespmem:s12+$0x6250];
	[tilespmem:s7+$0x6260] =	vst v5  }
0x2d: {  	s10 =	sadd.s32 $0x200, s10;
	v7 =	vmul.f32 $1.767766920e-01, v7;
	v5 =	vld [tilespmem:s12+$0x6260];
	[tilespmem:s7+$0x6270] =	vst v10;
	s7 =	smov.u32 s12  }
0x2e: {  	[tilespmem:s7+$0x6200] =	vst v8;
	v6 =	vmul.f32 $1.767766920e-01, v6;
	v63 =	vld [tilespmem:s7+$0x6270]  }
0x2f: {  	[tilespmem:s7+$0x6210] =	vst v7;
	v4 =	vmul.f32 $1.767766920e-01, v4  }
0x30: {  	[tilespmem:s7+$0x6220] =	vst v6;
	v2 =	vmul.f32 $1.767766920e-01, v2  }
0x31: {  	[tilespmem:s7+$0x6230] =	vst v4;
	v3 =	vmul.f32 $1.767766920e-01, v3  }
0x32: {  	[tilespmem:s7+$0x6240] =	vst v2;
	v2 =	vmul.f32 $1.767766920e-01, v5  }
0x33: {  	[tilespmem:s7+$0x6250] =	vst v3;
	v3 =	vmul.f32 $1.767766920e-01, v63  }
0x34: {  	[tilespmem:s7+$0x6260] =	vst v2  }
0x35: {  	s24 =	rddreg [dreg:$0x4];
	[tilespmem:s7+$0x6270] =	vst v3  }
0x36: {  	[tilespmem:s23], [sflag:$0xB] =	stream.linear.gather [hbm4b:s24+s23], $0x80, $0x38;
	[tilespmem:$0x7B00] =	vst v63  }
0x37: {  	_ =	swait.ge [sflag:s17], $0x80  }
0x38: {  	[sflag:s17] =	ssyncset.done $0x0  }
0x39: {  	s25 =	rddreg [dreg:$0x5];
	[sflag:s17] =	ssyncadd.s32 $0xFFFFFF80  }
0x3a: {  	[tilespmem:s29], [sflag:$0xB] =	stream.linear.gather [hbm4b:s25+s23], $0x80, $0x38;
	[tilespmem:$0x7B00] =	vst v63  }
0x3b: {  	_ =	swait.ge [sflag:s17], $0x80  }
0x3c: {  	[sflag:s17] =	ssyncset.done $0x0  }
0x3d: {  	[sflag:s17] =	ssyncadd.s32 $0xFFFFFF80  }
0x3e: {  	[tilespmem:s30], [sflag:$0x1] =	stream.indirect.gather [hbm4b:s5+s29], $0x20, s23, s29, $0xb8;
	[tilespmem:$0x7B00] =	vst v63  }
0x3f: {  	_ = 	snop  }
0x40: {  	[tilespmem:s31], [sflag:$0x2] =	stream.indirect.gather [hbm4b:s5+s29], $0x20, s29, s29, $0xb8;
	[tilespmem:$0x7B00] =	vst v63  }
0x41: {  	s10 =	simm.s32 $0x100;
	s24 =	simm.s32 $0x0;
	s26 =	rddreg [dreg:$0x6]  }
0x42: {  	[tilespmem:s10], [sflag:$0x9] =	stream.linear.gather [hbm4b:s26+s23], $0x80, $0x38;
	[tilespmem:$0x7B00] =	vst v63  }
.LBB2_4:
0x43: {  	s26 =	sshllo.u32 s24, $0x2  }
0x44: {  	s7 =	sshll.u32 s26, $0xC  }
0x45: {  	_ =	swait.ge [sflag:s1], $0x1000;
	s7 =	sor.u32 s8, s7  }
0x46: {  	[sflag:s1] =	ssyncset.done $0x0;
	s7 =	sshrl.u32 s7, $0x3  }
0x47: {  	[sflag:s1] =	ssyncadd.s32 $0xFFFFF000;
	s7 =	sadd.s32 s4, s7  }
0x48: {  	[tilespmem:s28], [sflag:$0xA] =	stream.linear.gather [hbm4b:s7+s3], $0x80, $0x38;
	[tilespmem:$0x7B00] =	vst v63  }
0x49: {  	_ =	swait.ge [sflag:s6], $0x80  }
0x4a: {  	v2 =	vmov s23;
	p1 =	seq.s32 s24, $0x0;
	[sflag:s6] =	ssyncset.done $0x0  }
0x4b: {  	s25 =	simm.s32 $0x100;
	v2 =	vshll.u32 v2, $0x5;
	s7 =	simm.s32 @!p1 $0x5;
	[sflag:s6] =	ssyncadd.s32 $0xFFFFFF80  }
0x4c: {  	v3 =	vor.u32 v57, v2;
	[tilespmem:s9], [sflag:$0x3] =	stream.indirect.gather [hbm4b:s5+s29], $0x20, s25, s29, $0xb8;
	[tilespmem:$0x7B00] =	vst v63  }
0x4d: {  	v2 =	vor.u32 $0x1C, v3;
	_ =	swait.ge @!p1 [sflag:s7], $0x1000  }
0x4e: {  	s10 =	sshll.u32 s24, $0x7;
	[sflag:s7] =	ssyncset.done @!p1 $0x0  }
0x4f: {  	s10 =	sand.u32 $0x3FFFFF80, s10;
	[sflag:s7] =	ssyncadd.s32 @!p1 $0xFFFFF000  }
0x50: {  	v4 =	vor.u32 $0x1, v3;
	v11 =	vld [tilespmem:s10+$0x6200]  }
0x51: {  	v5 =	vor.u32 $0x2, v3;
	v27 =	vld [tilespmem:s10+$0x6210]  }
0x52: {  	v6 =	vor.u32 $0x3, v3;
	v35 =	vld.idx.msk [tilespmem:v2+s30+$0x0], $0xffff  }
0x53: {  	v8 =	vor.u32 $0x5, v3;
	v7 =	vld [tilespmem:s23+$0x0]  }
0x54: {  	v9 =	vor.u32 $0x6, v3;
	v34 =	vld.idx.msk [tilespmem:v3+s30+$0x0], $0xffff  }
0x55: {  	v10 =	vor.u32 $0x7, v3;
	v1 =	vld.idx.msk [tilespmem:v4+s30+$0x0], $0xffff  }
0x56: {  	v12 =	vor.u32 $0x8, v3;
	v5 =	vld.idx.msk [tilespmem:v5+s30+$0x0], $0xffff  }
0x57: {  	v14 =	vor.u32 $0xA, v3;
	v6 =	vld.idx.msk [tilespmem:v6+s30+$0x0], $0xffff  }
0x58: {  	v2 =	vor.u32 $0x4, v3;
	v8 =	vld.idx.msk [tilespmem:v8+s30+$0x0], $0xffff  }
0x59: {  	v15 =	vor.u32 $0xB, v3;
	v9 =	vld.idx.msk [tilespmem:v9+s30+$0x0], $0xffff  }
0x5a: {  	v16 =	vor.u32 $0xC, v3;
	v10 =	vld.idx.msk [tilespmem:v10+s30+$0x0], $0xffff  }
0x5b: {  	v17 =	vor.u32 $0xD, v3;
	v12 =	vld.idx.msk [tilespmem:v12+s30+$0x0], $0xffff  }
0x5c: {  	v19 =	vor.u32 $0xF, v3;
	v14 =	vld.idx.msk [tilespmem:v14+s30+$0x0], $0xffff  }
0x5d: {  	v13 =	vld.idx.msk [tilespmem:v2+s30+$0x0], $0xffff;
	v2 =	vor.u32 $0x9, v3  }
0x5e: {  	v20 =	vor.u32 $0x10, v3;
	v15 =	vld.idx.msk [tilespmem:v15+s30+$0x0], $0xffff  }
0x5f: {  	v21 =	vor.u32 $0x11, v3;
	v16 =	vld.idx.msk [tilespmem:v16+s30+$0x0], $0xffff  }
0x60: {  	v22 =	vor.u32 $0x12, v3;
	v17 =	vld.idx.msk [tilespmem:v17+s30+$0x0], $0xffff  }
0x61: {  	v24 =	vor.u32 $0x1F, v3;
	v19 =	vld.idx.msk [tilespmem:v19+s30+$0x0], $0xffff  }
0x62: {  	v18 =	vld.idx.msk [tilespmem:v2+s30+$0x0], $0xffff;
	v2 =	vor.u32 $0xE, v3  }
0x63: {  	v25 =	vor.u32 $0x14, v3;
	v20 =	vld.idx.msk [tilespmem:v20+s30+$0x0], $0xffff  }
0x64: {  	v26 =	vor.u32 $0x15, v3;
	v21 =	vld.idx.msk [tilespmem:v21+s30+$0x0], $0xffff  }
0x65: {  	v28 =	vor.u32 $0x16, v3;
	v22 =	vld.idx.msk [tilespmem:v22+s30+$0x0], $0xffff  }
0x66: {  	v29 =	vor.u32 $0x18, v3;
	v31 =	vld.idx.msk [tilespmem:v24+s30+$0x0], $0xffff  }
0x67: {  	v23 =	vld.idx.msk [tilespmem:v2+s30+$0x0], $0xffff;
	v2 =	vor.u32 $0x13, v3  }
0x68: {  	v30 =	vor.u32 $0x19, v3;
	v25 =	vld.idx.msk [tilespmem:v25+s30+$0x0], $0xffff  }
0x69: {  	v33 =	vor.u32 $0x1B, v3;
	v26 =	vld.idx.msk [tilespmem:v26+s30+$0x0], $0xffff  }
0x6a: {  	v32 =	vor.u32 $0x1A, v3;
	v37 =	vld.idx.msk [tilespmem:v28+s30+$0x0], $0xffff  }
0x6b: {  	v39 =	vor.u32 $0x1D, v3;
	v40 =	vld.idx.msk [tilespmem:v29+s30+$0x0], $0xffff;
	v28 =	vbroadcast v11, $0x1  }
0x6c: {  	v29 =	vbroadcast v11, $0x2;
	v36 =	vld.idx.msk [tilespmem:v2+s30+$0x0], $0xffff;
	v2 =	vor.u32 $0x17, v3  }
0x6d: {  	v41 =	vld.idx.msk [tilespmem:v30+s30+$0x0], $0xffff;
	vm0 =	veq.s32 v7, $0x0;
	v1 =	vadd.f32 v1, v28;
	v3 =	vor.u32 $0x1E, v3  }
0x6e: {  	v44 =	vld.idx.msk [tilespmem:v33+s30+$0x0], $0xffff;
	v33 =	vbroadcast v11, $0x6;
	v43 =	vsel vm0, $0x0, v0;
	v0 =	vbroadcast v11, $0x7  }
0x6f: {  	v42 =	vld.idx.msk [tilespmem:v32+s30+$0x0], $0xffff;
	v5 =	vadd.f32 v5, v29;
	v45 =	vmul.f32 v1, v43;
	v1 =	vbroadcast v11, $0x8  }
0x70: {  	v39 =	vld.idx.msk [tilespmem:v39+s30+$0x0], $0xffff;
	v9 =	vadd.f32 v9, v33;
	[tilespmem:$0x1FFF0] =	vst v0;
	v10 =	vadd.f32 v10, v0;
	v0 =	vbroadcast v11, $0xB  }
0x71: {  	s7 =	simm.s32 $0x4A00;
	v24 =	vbroadcast v11, $0x0;
	v47 =	vmul.f32 v5, v43;
	v12 =	vadd.f32 v12, v1;
	v38 =	vld.idx.msk [tilespmem:v2+s30+$0x0], $0xffff  }
0x72: {  	v30 =	vbroadcast v11, $0x3;
	v54 =	vmul.f32 v9, v43;
	v15 =	vadd.f32 v15, v0;
	v46 =	vld.idx.msk [tilespmem:v3+s30+$0x0], $0xffff;
	[tilespmem:s7+$0xFFFFF880] =	vst v45  }
0x73: {  	v34 =	vadd.f32 v34, v24;
	v12 =	vmul.f32 v12, v43;
	v2 =	vbroadcast v27, $0xF;
	[tilespmem:s7+$0xFFFFF900] =	vst v47  }
0x74: {  	v15 =	vmul.f32 v15, v43;
	v3 =	vbroadcast v11, $0xA;
	[tilespmem:s7+$0xFFFFFB00] =	vst v54  }
0x75: {  	v34 =	vmul.f32 v43, v34;
	[tilespmem:s7+$0xFFFFFC00] =	vst v12;
	v7 =	vadd.f32 v31, v2;
	v31 =	vbroadcast v11, $0x4  }
0x76: {  	v6 =	vadd.f32 v6, v30;
	[tilespmem:s7+$0xFFFFFD80] =	vst v15;
	v14 =	vadd.f32 v14, v3  }
0x77: {  	v32 =	vbroadcast v11, $0x5;
	[tilespmem:s7+$0xFFFFF800] =	vst v34;
	v7 =	vmul.f32 v7, v43;
	v13 =	vadd.f32 v13, v31  }
0x78: {  	[tilespmem:$0x1FFE0] =	vst v2;
	v14 =	vmul.f32 v14, v43  }
0x79: {  	v2 =	vbroadcast v11, $0x9;
	[tilespmem:s7+$0x780] =	vst v7;
	v7 =	vadd.f32 v8, v32;
	v13 =	vmul.f32 v13, v43  }
0x7a: {  	v8 =	vmul.f32 v6, v43;
	v6 =	vmov v1;
	v1 =	vbroadcast v11, $0xC;
	[tilespmem:s7+$0xFFFFFD00] =	vst v14  }
0x7b: {  	v4 =	vmovc v2;
	v53 =	vmul.f32 v7, v43;
	[tilespmem:s7+$0xFFFFFA00] =	vst v13;
	v13 =	vadd.f32 v18, v2;
	v2 =	vbroadcast v11, $0xD  }
0x7c: {  	v55 =	vbroadcast v11, $0xE;
	[tilespmem:s7+$0xFFFFF980] =	vst v8;
	v18 =	vmul.f32 v10, v43;
	v16 =	vadd.f32 v16, v1  }
0x7d: {  	v9 =	vmovc v1;
	v1 =	vbroadcast v27, $0x0;
	[tilespmem:s7+$0xFFFFFA80] =	vst v53;
	v13 =	vmul.f32 v13, v43;
	v17 =	vadd.f32 v17, v2  }
0x7e: {  	v8 =	vmovc v0;
	[tilespmem:s7+$0xFFFFFB80] =	vst v18;
	v0 =	vbroadcast v11, $0xF;
	v18 =	vadd.f32 v23, v55;
	v16 =	vmul.f32 v16, v43  }
0x7f: {  	v10 =	vmovc v2;
	v2 =	vbroadcast v27, $0x1;
	v20 =	vadd.f32 v20, v1;
	[tilespmem:s7+$0xFFFFFC80] =	vst v13;
	v17 =	vmul.f32 v17, v43  }
0x80: {  	v11 =	vbroadcast v27, $0x2;
	v19 =	vadd.f32 v19, v0;
	v18 =	vmul.f32 v18, v43;
	[tilespmem:s7+$0xFFFFFE00] =	vst v16  }
0x81: {  	v12 =	vmovc v0;
	v0 =	vbroadcast v27, $0x3;
	v21 =	vadd.f32 v21, v2;
	v20 =	vmul.f32 v20, v43;
	[tilespmem:s7+$0xFFFFFE80] =	vst v17  }
0x82: {  	v14 =	vmovc v2;
	v2 =	vbroadcast v27, $0x5;
	v22 =	vadd.f32 v22, v11;
	v19 =	vmul.f32 v19, v43;
	[tilespmem:s7+$0xFFFFFF00] =	vst v18  }
0x83: {  	v15 =	vmovc v11;
	v11 =	vbroadcast v27, $0x6;
	v23 =	vadd.f32 v36, v0;
	v21 =	vmul.f32 v21, v43;
	[tilespmem:s7+$0x0] =	vst v20  }
0x84: {  	v13 =	vmovc v1;
	v1 =	vbroadcast v27, $0x4;
	v22 =	vmul.f32 v22, v43;
	v26 =	vadd.f32 v26, v2;
	[tilespmem:s7+$0xFFFFFF80] =	vst v19  }
0x85: {  	v16 =	vmovc v0;
	v0 =	vbroadcast v27, $0x7;
	v56 =	vadd.f32 v37, v11;
	v23 =	vmul.f32 v23, v43;
	[tilespmem:s7+$0x80] =	vst v21  }
0x86: {  	v20 =	vbroadcast v27, $0x8;
	v25 =	vadd.f32 v25, v1;
	[tilespmem:s7+$0x100] =	vst v22;
	v26 =	vmul.f32 v26, v43  }
0x87: {  	v21 =	vbroadcast v27, $0x9;
	v58 =	vadd.f32 v38, v0;
	v36 =	vmul.f32 v56, v43;
	[tilespmem:s7+$0x180] =	vst v23  }
0x88: {  	v22 =	vbroadcast v27, $0xA;
	v59 =	vadd.f32 v40, v20;
	v25 =	vmul.f32 v25, v43;
	[tilespmem:s7+$0x280] =	vst v26  }
0x89: {  	v23 =	vbroadcast v27, $0xB;
	v60 =	vadd.f32 v41, v21;
	v37 =	vmul.f32 v58, v43;
	[tilespmem:s7+$0x300] =	vst v36  }
0x8a: {  	v26 =	vbroadcast v27, $0xD;
	v61 =	vadd.f32 v42, v22;
	v38 =	vmul.f32 v59, v43;
	[tilespmem:s7+$0x200] =	vst v25  }
0x8b: {  	v25 =	vbroadcast v27, $0xC;
	v62 =	vadd.f32 v44, v23;
	v40 =	vmul.f32 v60, v43;
	[tilespmem:s7+$0x380] =	vst v37  }
0x8c: {  	s25 =	simm.s32 $0x10;
	v27 =	vbroadcast v27, $0xE;
	v63 =	vmul.f32 v61, v43;
	[tilespmem:s7+$0x400] =	vst v38;
	v45 =	vadd.f32 v39, v26  }
0x8d: {  	v44 =	vmov s25;
	v35 =	vadd.f32 v35, v25;
	v47 =	vmul.f32 v62, v43;
	[tilespmem:s7+$0x480] =	vst v40  }
0x8e: {  	v48 =	vshll.u32 v44, $0x5;
	v49 =	vadd.f32 v46, v27;
	[tilespmem:s7+$0x500] =	vst v63;
	v50 =	vmul.f32 v45, v43  }
0x8f: {  	v36 =	vor.u32 v57, v48;
	v35 =	vmul.f32 v35, v43;
	[tilespmem:s7+$0x580] =	vst v47  }
0x90: {  	v51 =	vor.u32 $0x1C, v36;
	v52 =	vmul.f32 v49, v43;
	[tilespmem:s7+$0x680] =	vst v50  }
0x91: {  	v53 =	vor.u32 $0x1, v36;
	[tilespmem:s7+$0x600] =	vst v35  }
0x92: {  	v54 =	vor.u32 $0x2, v36;
	[tilespmem:s7+$0x700] =	vst v52  }
0x93: {  	v7 =	vmov v3;
	v3 =	vmov v55;
	v55 =	vor.u32 $0x3, v36;
	v37 =	vld [tilespmem:s25+$0x0]  }
0x94: {  	v56 =	vor.u32 $0x4, v36;
	v41 =	vld.idx.msk [tilespmem:v36+s30+$0x0], $0xffff  }
0x95: {  	v58 =	vor.u32 $0x5, v36;
	v34 =	vld.idx.msk [tilespmem:v51+s30+$0x0], $0xffff  }
0x96: {  	v60 =	vor.u32 $0x6, v36;
	v59 =	vld.idx.msk [tilespmem:v53+s30+$0x0], $0xffff  }
0x97: {  	v61 =	vor.u32 $0x7, v36;
	v47 =	vld.idx.msk [tilespmem:v54+s30+$0x0], $0xffff  }
0x98: {  	v62 =	vor.u32 $0x8, v36;
	v40 =	vld.idx.msk [tilespmem:v55+s30+$0x0], $0xffff  }
0x99: {  	v63 =	vor.u32 $0x9, v36;
	v48 =	vld.idx.msk [tilespmem:v56+s30+$0x0], $0xffff  }
0x9a: {  	v49 =	vor.u32 $0xA, v36;
	v42 =	vld.idx.msk [tilespmem:v58+s30+$0x0], $0xffff  }
0x9b: {  	v55 =	vld.idx.msk [tilespmem:v60+s30+$0x0], $0xffff;
	v53 =	vor.u32 $0xB, v36  }
0x9c: {  	v45 =	vld.idx.msk [tilespmem:v61+s30+$0x0], $0xffff;
	v54 =	vor.u32 $0xC, v36  }
0x9d: {  	v44 =	vld.idx.msk [tilespmem:v62+s30+$0x0], $0xffff  }
0x9e: {  	v17 =	vmovc v1;
	v50 =	vor.u32 $0xD, v36;
	v52 =	vor.u32 $0xF, v36;
	v46 =	vld.idx.msk [tilespmem:v63+s30+$0x0], $0xffff;
	v35 =	vadd.f32 v41, v24  }
0x9f: {  	v18 =	vmovc v2;
	v51 =	vor.u32 $0xE, v36;
	v39 =	vadd.f32 v59, v28;
	v38 =	vadd.f32 v47, v29;
	v47 =	vld.idx.msk [tilespmem:v49+s30+$0x0], $0xffff  }
0xa0: {  	v5 =	vmovc v0;
	v40 =	vadd.f32 v40, v30;
	v41 =	vadd.f32 v48, v31;
	v48 =	vld.idx.msk [tilespmem:v53+s30+$0x0], $0xffff;
	v53 =	vor.u32 $0x10, v36  }
0xa1: {  	s12 =	simm.s32 $0x20;
	v19 =	vmovc v11;
	v42 =	vadd.f32 v42, v32;
	v49 =	vld.idx.msk [tilespmem:v54+s30+$0x0], $0xffff;
	v54 =	vor.u32 $0x11, v36;
	v43 =	vadd.f32 v55, v33  }
.LBB2_5:
0xa2: {  	_ = 	snop  }
0xa3: {  	v50 =	vld.idx.msk [tilespmem:v50+s30+$0x0], $0xffff  }
0xa4: {  	v55 =	vor.u32 $0x12, v36;
	v0 =	vld [tilespmem:$0x1FFF0]  }
0xa5: {  	v51 =	vld.idx.msk [tilespmem:v51+s30+$0x0], $0xffff;
	v56 =	vor.u32 $0x13, v36  }
0xa6: {  	v52 =	vld.idx.msk [tilespmem:v52+s30+$0x0], $0xffff;
	v11 =	vmov v57;
	v57 =	vor.u32 $0x1F, v36  }
0xa7: {  	v53 =	vld.idx.msk [tilespmem:v53+s30+$0x0], $0xffff;
	v63 =	vor.u32 $0x19, v36  }
0xa8: {  	v54 =	vld.idx.msk [tilespmem:v54+s30+$0x0], $0xffff  }
0xa9: {  	v58 =	vor.u32 $0x14, v36;
	v55 =	vld.idx.msk [tilespmem:v55+s30+$0x0], $0xffff  }
0xaa: {  	v59 =	vor.u32 $0x15, v36;
	v56 =	vld.idx.msk [tilespmem:v56+s30+$0x0], $0xffff  }
0xab: {  	v60 =	vor.u32 $0x16, v36;
	v57 =	vld.idx.msk [tilespmem:v57+s30+$0x0], $0xffff  }
0xac: {  	v61 =	vor.u32 $0x17, v36;
	vm0 =	veq.s32 v37, $0x0;
	v37 =	vld.idx.msk [tilespmem:v63+s30+$0x0], $0xffff  }
0xad: {  	v62 =	vor.u32 $0x18, v36;
	v63 =	vld [tilespmem:$0x1FFE0]  }
0xae: {  	v1 =	vor.u32 $0x1B, v36;
	v58 =	vld.idx.msk [tilespmem:v58+s30+$0x0], $0xffff  }
0xaf: {  	v2 =	vor.u32 $0x1D, v36;
	v59 =	vld.idx.msk [tilespmem:v59+s30+$0x0], $0xffff  }
0xb0: {  	v45 =	vadd.f32 v45, v0;
	v0 =	vor.u32 $0x1A, v36;
	v60 =	vld.idx.msk [tilespmem:v60+s30+$0x0], $0xffff  }
0xb1: {  	v61 =	vld.idx.msk [tilespmem:v61+s30+$0x0], $0xffff;
	v36 =	vor.u32 $0x1E, v36  }
0xb2: {  	v62 =	vld.idx.msk [tilespmem:v62+s30+$0x0], $0xffff;
	v57 =	vadd.f32 v57, v63;
	v63 =	vimm.f32 $5.656854150e+00  }
0xb3: {  	v1 =	vld.idx.msk [tilespmem:v1+s30+$0x0], $0xffff;
	v63 =	vsel vm0, $0x0, v63  }
0xb4: {  	v2 =	vld.idx.msk [tilespmem:v2+s30+$0x0], $0xffff;
	v57 =	vmul.f32 v57, v63  }
0xb5: {  	s7 =	sadd.s32 $0x10, s7;
	v0 =	vld.idx.msk [tilespmem:v0+s30+$0x0], $0xffff;
	v39 =	vmul.f32 v39, v63  }
0xb6: {  	v36 =	vld.idx.msk [tilespmem:v36+s30+$0x0], $0xffff;
	v38 =	vmul.f32 v38, v63;
	[tilespmem:s7+$0x780] =	vst v57  }
0xb7: {  	v44 =	vadd.f32 v44, v6;
	v40 =	vmul.f32 v40, v63;
	[tilespmem:s7+$0xFFFFF880] =	vst v39  }
0xb8: {  	v37 =	vadd.f32 v37, v21;
	v41 =	vmul.f32 v41, v63;
	[tilespmem:s7+$0xFFFFF900] =	vst v38  }
0xb9: {  	v1 =	vadd.f32 v1, v23;
	v44 =	vmul.f32 v44, v63;
	[tilespmem:s7+$0xFFFFF980] =	vst v40  }
0xba: {  	v34 =	vadd.f32 v34, v25;
	v37 =	vmul.f32 v37, v63;
	[tilespmem:s7+$0xFFFFFA00] =	vst v41  }
0xbb: {  	v2 =	vadd.f32 v2, v26;
	v1 =	vmul.f32 v1, v63;
	[tilespmem:s7+$0xFFFFFC00] =	vst v44  }
0xbc: {  	v34 =	vmul.f32 v34, v63;
	[tilespmem:s7+$0x480] =	vst v37  }
0xbd: {  	v2 =	vmul.f32 v2, v63;
	[tilespmem:s7+$0x580] =	vst v1  }
0xbe: {  	v35 =	vmul.f32 v63, v35;
	[tilespmem:s7+$0x600] =	vst v34  }
0xbf: {  	v39 =	vmul.f32 v42, v63;
	[tilespmem:s7+$0x680] =	vst v2  }
0xc0: {  	v46 =	vadd.f32 v46, v4;
	v42 =	vmul.f32 v43, v63;
	[tilespmem:s7+$0xFFFFF800] =	vst v35  }
0xc1: {  	v47 =	vadd.f32 v47, v7;
	v43 =	vadd.f32 v62, v20;
	v62 =	vmul.f32 v45, v63;
	[tilespmem:s7+$0xFFFFFA80] =	vst v39  }
0xc2: {  	v48 =	vadd.f32 v48, v8;
	v40 =	vmul.f32 v46, v63;
	[tilespmem:s7+$0xFFFFFB00] =	vst v42  }
0xc3: {  	v49 =	vadd.f32 v49, v9;
	v45 =	vmul.f32 v47, v63;
	[tilespmem:s7+$0xFFFFFB80] =	vst v62  }
0xc4: {  	v51 =	vadd.f32 v51, v3;
	v41 =	vmul.f32 v48, v63;
	[tilespmem:s7+$0xFFFFFC80] =	vst v40  }
0xc5: {  	v53 =	vadd.f32 v53, v13;
	v46 =	vmul.f32 v49, v63;
	[tilespmem:s7+$0xFFFFFD00] =	vst v45  }
0xc6: {  	v54 =	vadd.f32 v54, v14;
	v47 =	vmul.f32 v51, v63;
	[tilespmem:s7+$0xFFFFFD80] =	vst v41  }
0xc7: {  	v55 =	vadd.f32 v55, v15;
	v48 =	vmul.f32 v53, v63;
	[tilespmem:s7+$0xFFFFFE00] =	vst v46  }
0xc8: {  	v56 =	vadd.f32 v56, v16;
	v38 =	vmul.f32 v54, v63;
	[tilespmem:s7+$0xFFFFFF00] =	vst v47  }
0xc9: {  	v59 =	vadd.f32 v59, v18;
	v49 =	vmul.f32 v55, v63;
	[tilespmem:s7+$0x0] =	vst v48  }
0xca: {  	v60 =	vadd.f32 v60, v19;
	v44 =	vmul.f32 v56, v63;
	[tilespmem:s7+$0x80] =	vst v38  }
0xcb: {  	v61 =	vadd.f32 v61, v5;
	v54 =	vmul.f32 v59, v63;
	[tilespmem:s7+$0x100] =	vst v49  }
0xcc: {  	v50 =	vadd.f32 v50, v10;
	v55 =	vmul.f32 v60, v63;
	[tilespmem:s7+$0x180] =	vst v44  }
0xcd: {  	v52 =	vadd.f32 v52, v12;
	v56 =	vmul.f32 v61, v63;
	[tilespmem:s7+$0x280] =	vst v54  }
0xce: {  	v58 =	vadd.f32 v58, v17;
	v39 =	vmul.f32 v50, v63;
	[tilespmem:s7+$0x300] =	vst v55  }
0xcf: {  	v0 =	vadd.f32 v0, v22;
	v36 =	vadd.f32 v36, v27;
	v42 =	vmul.f32 v52, v63;
	[tilespmem:s7+$0x380] =	vst v56  }
0xd0: {  	v59 =	vmov s12;
	v62 =	vmul.f32 v58, v63;
	[tilespmem:s7+$0xFFFFFE80] =	vst v39  }
0xd1: {  	v0 =	vmul.f32 v0, v63;
	v58 =	vmul.f32 v36, v63;
	v36 =	vshll.u32 v59, $0x5;
	[tilespmem:s7+$0xFFFFFF80] =	vst v42  }
0xd2: {  	v43 =	vmul.f32 v43, v63;
	[tilespmem:s7+$0x200] =	vst v62;
	v36 =	vor.u32 v11, v36  }
0xd3: {  	[tilespmem:s7+$0x500] =	vst v0;
	v0 =	vor.u32 $0x1C, v36  }
0xd4: {  	[tilespmem:s7+$0x400] =	vst v43;
	v1 =	vor.u32 $0x1, v36  }
0xd5: {  	s25 =	sadd.s32 $0x10, s25;
	[tilespmem:s7+$0x700] =	vst v58;
	v2 =	vor.u32 $0x2, v36  }
0xd6: {  	v60 =	vor.u32 $0x3, v36;
	v37 =	vld [tilespmem:s25+$0x0]  }
0xd7: {  	v61 =	vor.u32 $0x5, v36;
	v38 =	vld.idx.msk [tilespmem:v36+s30+$0x0], $0xffff  }
0xd8: {  	v62 =	vor.u32 $0x6, v36;
	v34 =	vld.idx.msk [tilespmem:v0+s30+$0x0], $0xffff  }
0xd9: {  	v63 =	vor.u32 $0x7, v36;
	v1 =	vld.idx.msk [tilespmem:v1+s30+$0x0], $0xffff  }
0xda: {  	v0 =	vor.u32 $0x4, v36;
	v2 =	vld.idx.msk [tilespmem:v2+s30+$0x0], $0xffff  }
0xdb: {  	v58 =	vor.u32 $0x8, v36;
	v42 =	vld.idx.msk [tilespmem:v60+s30+$0x0], $0xffff  }
0xdc: {  	v59 =	vor.u32 $0x9, v36;
	v49 =	vld.idx.msk [tilespmem:v61+s30+$0x0], $0xffff  }
0xdd: {  	v60 =	vor.u32 $0xA, v36;
	v61 =	vld.idx.msk [tilespmem:v62+s30+$0x0], $0xffff  }
0xde: {  	v62 =	vor.u32 $0xB, v36;
	v45 =	vld.idx.msk [tilespmem:v63+s30+$0x0], $0xffff  }
0xdf: {  	p0 =	sne.s32 s12, $0x70;
	v63 =	vor.u32 $0xC, v36;
	v0 =	vld.idx.msk [tilespmem:v0+s30+$0x0], $0xffff  }
.Ltmp1:
0xe0: {  	v44 =	vld.idx.msk [tilespmem:v58+s30+$0x0], $0xffff;
	(pc) =	sbr.rel @p0 .LBB2_5-.Ltmp1, $4  }
0xe1: {  	v50 =	vor.u32 $0xD, v36;
	v51 =	vor.u32 $0xE, v36;
	v46 =	vld.idx.msk [tilespmem:v59+s30+$0x0], $0xffff;
	v35 =	vadd.f32 v38, v24  }
0xe2: {  	v52 =	vor.u32 $0xF, v36;
	v39 =	vadd.f32 v1, v28;
	v38 =	vadd.f32 v2, v29;
	v47 =	vld.idx.msk [tilespmem:v60+s30+$0x0], $0xffff  }
0xe3: {  	v53 =	vor.u32 $0x10, v36;
	v40 =	vadd.f32 v42, v30;
	v48 =	vld.idx.msk [tilespmem:v62+s30+$0x0], $0xffff;
	v42 =	vadd.f32 v49, v32  }
0xe4: {  	s12 =	sadd.s32 $0x10, s12;
	v57 =	vmovc v11;
	v54 =	vor.u32 $0x11, v36;
	v49 =	vld.idx.msk [tilespmem:v63+s30+$0x0], $0xffff;
	v43 =	vadd.f32 v61, v33;
	v41 =	vadd.f32 v0, v31  }
0xe5: {  	_ =	sdelay $0x3  }
0xe6: {  	v0 =	vld.idx.msk [tilespmem:v50+s30+$0x0], $0xffff;
	v1 =	vor.u32 $0x12, v36  }
0xe7: {  	v2 =	vld.idx.msk [tilespmem:v51+s30+$0x0], $0xffff;
	v24 =	vor.u32 $0x13, v36  }
0xe8: {  	v28 =	vld.idx.msk [tilespmem:v52+s30+$0x0], $0xffff;
	v29 =	vor.u32 $0x1F, v36  }
0xe9: {  	v30 =	vld.idx.msk [tilespmem:v53+s30+$0x0], $0xffff;
	v31 =	vor.u32 $0x14, v36  }
0xea: {  	v32 =	vld.idx.msk [tilespmem:v54+s30+$0x0], $0xffff;
	v58 =	vor.u32 $0x16, v36  }
0xeb: {  	v1 =	vld.idx.msk [tilespmem:v1+s30+$0x0], $0xffff  }
0xec: {  	v33 =	vor.u32 $0x15, v36;
	v24 =	vld.idx.msk [tilespmem:v24+s30+$0x0], $0xffff  }
0xed: {  	v59 =	vor.u32 $0x17, v36;
	v29 =	vld.idx.msk [tilespmem:v29+s30+$0x0], $0xffff  }
0xee: {  	v60 =	vor.u32 $0x18, v36;
	v31 =	vld.idx.msk [tilespmem:v31+s30+$0x0], $0xffff  }
0xef: {  	v61 =	vor.u32 $0x19, v36;
	v50 =	vld.idx.msk [tilespmem:v58+s30+$0x0], $0xffff  }
0xf0: {  	v62 =	vor.u32 $0x1A, v36;
	v58 =	vld [tilespmem:$0x1FFE0]  }
0xf1: {  	v33 =	vld.idx.msk [tilespmem:v33+s30+$0x0], $0xffff  }
0xf2: {  	v55 =	vor.u32 $0x1B, v36;
	v51 =	vld.idx.msk [tilespmem:v59+s30+$0x0], $0xffff  }
0xf3: {  	v56 =	vor.u32 $0x1D, v36;
	v52 =	vld.idx.msk [tilespmem:v60+s30+$0x0], $0xffff  }
0xf4: {  	v63 =	vor.u32 $0x1E, v36;
	v53 =	vld.idx.msk [tilespmem:v61+s30+$0x0], $0xffff  }
0xf5: {  	vm0 =	veq.s32 v37, $0x0;
	v37 =	vld.idx.msk [tilespmem:v62+s30+$0x0], $0xffff;
	v29 =	vadd.f32 v29, v58;
	v58 =	vimm.f32 $5.656854150e+00  }
0xf6: {  	v60 =	vld [tilespmem:$0x1FFF0];
	v54 =	vsel vm0, $0x0, v58  }
0xf7: {  	v55 =	vld.idx.msk [tilespmem:v55+s30+$0x0], $0xffff;
	v29 =	vmul.f32 v29, v54  }
0xf8: {  	s7 =	sadd.s32 $0x10, s7;
	v56 =	vld.idx.msk [tilespmem:v56+s30+$0x0], $0xffff;
	v39 =	vmul.f32 v39, v54  }
0xf9: {  	v36 =	vld.idx.msk [tilespmem:v63+s30+$0x0], $0xffff;
	v59 =	vmul.f32 v40, v54;
	[tilespmem:s7+$0x780] =	vst v29  }
0xfa: {  	v63 =	vadd.f32 v44, v6;
	v62 =	vmul.f32 v42, v54;
	[tilespmem:s7+$0xFFFFF880] =	vst v39  }
0xfb: {  	v46 =	vadd.f32 v46, v4;
	v61 =	vadd.f32 v45, v60;
	v45 =	vmul.f32 v43, v54;
	[tilespmem:s7+$0xFFFFF980] =	vst v59  }
0xfc: {  	v6 =	vadd.f32 v47, v7;
	v4 =	vmul.f32 v63, v54;
	[tilespmem:s7+$0xFFFFFA80] =	vst v62  }
0xfd: {  	v7 =	vadd.f32 v48, v8;
	v0 =	vadd.f32 v0, v10;
	v48 =	vmul.f32 v46, v54;
	[tilespmem:s7+$0xFFFFFB00] =	vst v45  }
0xfe: {  	v2 =	vadd.f32 v2, v3;
	v6 =	vmul.f32 v6, v54;
	[tilespmem:s7+$0xFFFFFC00] =	vst v4  }
0xff: {  	v3 =	vadd.f32 v32, v14;
	v0 =	vmul.f32 v0, v54;
	[tilespmem:s7+$0xFFFFFC80] =	vst v48  }
0x100: {  	v2 =	vmul.f32 v2, v54;
	[tilespmem:s7+$0xFFFFFD00] =	vst v6  }
0x101: {  	v3 =	vmul.f32 v3, v54;
	[tilespmem:s7+$0xFFFFFE80] =	vst v0  }
0x102: {  	v8 =	vadd.f32 v49, v9;
	v29 =	vmul.f32 v38, v54;
	[tilespmem:s7+$0xFFFFFF00] =	vst v2  }
0x103: {  	v4 =	vmul.f32 v7, v54;
	[tilespmem:s7+$0x80] =	vst v3  }
0x104: {  	v7 =	vmul.f32 v8, v54;
	v6 =	vadd.f32 v28, v12;
	[tilespmem:s7+$0xFFFFF900] =	vst v29  }
0x105: {  	v0 =	vadd.f32 v1, v15;
	v29 =	vmul.f32 v41, v54;
	[tilespmem:s7+$0xFFFFFD80] =	vst v4  }
0x106: {  	v2 =	vadd.f32 v24, v16;
	[tilespmem:s7+$0xFFFFFE00] =	vst v7;
	v6 =	vmul.f32 v6, v54  }
0x107: {  	v3 =	vadd.f32 v50, v19;
	v0 =	vmul.f32 v0, v54;
	[tilespmem:s7+$0xFFFFFA00] =	vst v29  }
0x108: {  	v4 =	vadd.f32 v30, v13;
	v2 =	vmul.f32 v2, v54;
	[tilespmem:s7+$0xFFFFFF80] =	vst v6  }
0x109: {  	v3 =	vmul.f32 v3, v54;
	[tilespmem:s7+$0x100] =	vst v0  }
0x10a: {  	v29 =	vmul.f32 v61, v54;
	v1 =	vmul.f32 v4, v54;
	v4 =	vadd.f32 v31, v17;
	[tilespmem:s7+$0x180] =	vst v2  }
0x10b: {  	v0 =	vadd.f32 v51, v5;
	[tilespmem:s7+$0x300] =	vst v3  }
0x10c: {  	v2 =	vadd.f32 v52, v20;
	[tilespmem:s7+$0xFFFFFB80] =	vst v29;
	v4 =	vmul.f32 v4, v54  }
0x10d: {  	[tilespmem:s7+$0x0] =	vst v1;
	v1 =	vadd.f32 v33, v18;
	v0 =	vmul.f32 v0, v54  }
0x10e: {  	v3 =	vadd.f32 v55, v23;
	v2 =	vmul.f32 v2, v54;
	[tilespmem:s7+$0x200] =	vst v4  }
0x10f: {  	v1 =	vmul.f32 v1, v54;
	v4 =	vadd.f32 v53, v21;
	[tilespmem:s7+$0x380] =	vst v0  }
0x110: {  	v3 =	vmul.f32 v3, v54;
	v0 =	vadd.f32 v34, v25;
	[tilespmem:s7+$0x400] =	vst v2  }
0x111: {  	[tilespmem:s7+$0x280] =	vst v1;
	v1 =	vadd.f32 v37, v22;
	v4 =	vmul.f32 v4, v54  }
0x112: {  	[tilespmem:s7+$0x580] =	vst v3;
	v0 =	vmul.f32 v0, v54  }
0x113: {  	v2 =	vadd.f32 v56, v26;
	v1 =	vmul.f32 v1, v54;
	[tilespmem:s7+$0x480] =	vst v4  }
0x114: {  	v4 =	vadd.f32 v36, v27;
	[tilespmem:s7+$0x600] =	vst v0;
	v0 =	vmul.f32 v54, v35  }
0x115: {  	[tilespmem:s7+$0x500] =	vst v1;
	v1 =	vmul.f32 v2, v54  }
0x116: {  	s12 =	sshll.u32 s24, $0x10;
	v2 =	vmul.f32 v4, v54;
	[tilespmem:s7+$0xFFFFF800] =	vst v0  }
0x117: {  	s25 =	sor.u32 s8, s12;
	[tilespmem:s7+$0x680] =	vst v1  }
0x118: {  	s18 =	smov.u32 s13;
	s17 =	simm.s32 $0x4200;
	s13 =	sadd.s32 s13, s25;
	[tilespmem:s7+$0x700] =	vst v2  }
0x119: {  	[hbm4b:s13+s3] =	stream.linear.scatter [tilespmem:s17], [sflag:$0x5], $0x400, $0x38;
	[tilespmem:$0x7B00] =	vst v63  }
0x11a: {  	s13 =	sadd.s32 s25, s14;
	s17 =	simm.s32 $0x4600  }
0x11b: {  	[hbm4b:s13+s3] =	stream.linear.scatter [tilespmem:s17], [sflag:$0x5], $0x400, $0x38;
	[tilespmem:$0x7B00] =	vst v63  }
0x11c: {  	s13 =	sadd.s32 s25, s15;
	s17 =	simm.s32 $0x4A00  }
0x11d: {  	[hbm4b:s13+s3] =	stream.linear.scatter [tilespmem:s17], [sflag:$0x5], $0x400, $0x38;
	[tilespmem:$0x7B00] =	vst v63  }
0x11e: {  	s12 =	sadd.s32 s25, s16;
	s13 =	simm.s32 $0x4E00  }
0x11f: {  	[hbm4b:s12+s3] =	stream.linear.scatter [tilespmem:s13], [sflag:$0x5], $0x400, $0x38;
	[tilespmem:$0x7B00] =	vst v63  }
0x120: {  	p0 =	seq.s32 s24, $0x31;
	_ =	swait.ge [sflag:s0], $0x1000  }
0x121: {  	s7 =	sshll.u32 @!p0 s24, $0xE;
	s12 =	rddreg [dreg:$0x7]  }
0x122: {  	s12 =	sadd.s32 @!p0 s12, s7  }
0x123: {  	[sflag:s0] =	ssyncset.done $0x0;
	s12 =	sshrl.u32 @!p0 s12, $0x3  }
0x124: {  	s13 =	simm.s32 @!p0 $0x0;
	[sflag:s0] =	ssyncadd.s32 $0xFFFFF000;
	s12 =	sadd.s32 @!p0 s4, s12  }
0x125: {  	[tilespmem:s13], [sflag:$0x7] =	stream.linear.gather @!p0 [hbm4b:s12+s13], $0x80, $0x38;
	[tilespmem:$0x7B00] =	vst v63  }
0x126: {  	s17 =	simm.s32 $0x0;
	_ =	swait.ge [sflag:s2], $0x80  }
0x127: {  	v0 =	vmov s17;
	[sflag:s2] =	ssyncset.done $0x0  }
0x128: {  	v0 =	vshll.u32 v0, $0x5;
	s12 =	simm.s32 @!p1 $0x6;
	[sflag:s2] =	ssyncadd.s32 $0xFFFFFF80  }
0x129: {  	v0 =	vor.u32 v57, v0;
	[tilespmem:s11], [sflag:$0x4] =	stream.indirect.gather [hbm4b:s5+s29], $0x20, s28, s29, $0xb8;
	[tilespmem:$0x7B00] =	vst v63  }
0x12a: {  	v1 =	vor.u32 $0x1C, v0;
	_ =	swait.ge @!p1 [sflag:s12], $0x1000  }
0x12b: {  	[sflag:s12] =	ssyncset.done @!p1 $0x0  }
0x12c: {  	[sflag:s12] =	ssyncadd.s32 @!p1 $0xFFFFF000  }
0x12d: {  	v2 =	vor.u32 $0x1, v0;
	v46 =	vld [tilespmem:s10+$0x6220]  }
0x12e: {  	v3 =	vor.u32 $0x2, v0;
	v27 =	vld [tilespmem:s10+$0x6230]  }
0x12f: {  	v4 =	vor.u32 $0x3, v0;
	s13 =	simm.s32 $0x80;
	v35 =	vld.idx.msk [tilespmem:v1+s31+$0x0], $0xffff  }
0x130: {  	v5 =	vor.u32 $0x4, v0;
	v1 =	vld [tilespmem:s13+$0x0]  }
0x131: {  	v6 =	vor.u32 $0x5, v0;
	v34 =	vld.idx.msk [tilespmem:v0+s31+$0x0], $0xffff  }
0x132: {  	v8 =	vor.u32 $0x7, v0;
	v7 =	vld.idx.msk [tilespmem:v2+s31+$0x0], $0xffff  }
0x133: {  	v9 =	vor.u32 $0x8, v0;
	v3 =	vld.idx.msk [tilespmem:v3+s31+$0x0], $0xffff  }
0x134: {  	v10 =	vor.u32 $0x9, v0;
	v54 =	vld.idx.msk [tilespmem:v4+s31+$0x0], $0xffff  }
0x135: {  	v12 =	vor.u32 $0xA, v0;
	v5 =	vld.idx.msk [tilespmem:v5+s31+$0x0], $0xffff  }
0x136: {  	v14 =	vor.u32 $0xC, v0;
	v6 =	vld.idx.msk [tilespmem:v6+s31+$0x0], $0xffff  }
0x137: {  	v15 =	vor.u32 $0xD, v0;
	v8 =	vld.idx.msk [tilespmem:v8+s31+$0x0], $0xffff  }
0x138: {  	v16 =	vor.u32 $0xE, v0;
	v9 =	vld.idx.msk [tilespmem:v9+s31+$0x0], $0xffff  }
0x139: {  	v17 =	vor.u32 $0xF, v0;
	v10 =	vld.idx.msk [tilespmem:v10+s31+$0x0], $0xffff  }
0x13a: {  	v2 =	vor.u32 $0x6, v0;
	v12 =	vld.idx.msk [tilespmem:v12+s31+$0x0], $0xffff  }
0x13b: {  	v19 =	vor.u32 $0x11, v0;
	v14 =	vld.idx.msk [tilespmem:v14+s31+$0x0], $0xffff  }
0x13c: {  	v20 =	vor.u32 $0x12, v0;
	v15 =	vld.idx.msk [tilespmem:v15+s31+$0x0], $0xffff  }
0x13d: {  	v21 =	vor.u32 $0x13, v0;
	v16 =	vld.idx.msk [tilespmem:v16+s31+$0x0], $0xffff  }
0x13e: {  	v22 =	vor.u32 $0x1F, v0;
	v17 =	vld.idx.msk [tilespmem:v17+s31+$0x0], $0xffff  }
0x13f: {  	v13 =	vld.idx.msk [tilespmem:v2+s31+$0x0], $0xffff;
	v2 =	vor.u32 $0xB, v0  }
0x140: {  	v24 =	vor.u32 $0x15, v0;
	v19 =	vld.idx.msk [tilespmem:v19+s31+$0x0], $0xffff  }
0x141: {  	v25 =	vor.u32 $0x16, v0;
	v20 =	vld.idx.msk [tilespmem:v20+s31+$0x0], $0xffff  }
0x142: {  	v26 =	vor.u32 $0x17, v0;
	v21 =	vld.idx.msk [tilespmem:v21+s31+$0x0], $0xffff  }
0x143: {  	v28 =	vor.u32 $0x18, v0;
	v22 =	vld.idx.msk [tilespmem:v22+s31+$0x0], $0xffff  }
0x144: {  	v18 =	vld.idx.msk [tilespmem:v2+s31+$0x0], $0xffff;
	v2 =	vor.u32 $0x10, v0  }
0x145: {  	v30 =	vor.u32 $0x19, v0;
	v37 =	vld.idx.msk [tilespmem:v24+s31+$0x0], $0xffff  }
0x146: {  	v31 =	vor.u32 $0x1A, v0;
	v25 =	vld.idx.msk [tilespmem:v25+s31+$0x0], $0xffff  }
0x147: {  	v55 =	vor.u32 $0x1B, v0;
	v26 =	vld.idx.msk [tilespmem:v26+s31+$0x0], $0xffff  }
0x148: {  	v56 =	vor.u32 $0x1D, v0;
	v38 =	vld.idx.msk [tilespmem:v28+s31+$0x0], $0xffff  }
0x149: {  	v28 =	vbroadcast v46, $0x1;
	v23 =	vld.idx.msk [tilespmem:v2+s31+$0x0], $0xffff;
	v2 =	vor.u32 $0x14, v0  }
0x14a: {  	v39 =	vld.idx.msk [tilespmem:v30+s31+$0x0], $0xffff;
	v24 =	vbroadcast v46, $0x0;
	v30 =	vbroadcast v46, $0x3;
	v0 =	vor.u32 $0x1E, v0  }
0x14b: {  	v40 =	vld.idx.msk [tilespmem:v31+s31+$0x0], $0xffff;
	vm15 =	veq.s32 v1, $0x0;
	v31 =	vbroadcast v46, $0x4;
	v7 =	vadd.f32 v7, v28  }
0x14c: {  	v42 =	vld.idx.msk [tilespmem:v55+s31+$0x0], $0xffff;
	v33 =	vbroadcast v46, $0x6;
	v41 =	vsel vm15, $0x0, v58;
	v44 =	vadd.f32 v54, v30  }
0x14d: {  	v43 =	vld.idx.msk [tilespmem:v56+s31+$0x0], $0xffff;
	v29 =	vbroadcast v46, $0x2;
	v59 =	vadd.f32 v5, v31;
	v7 =	vmul.f32 v7, v41  }
0x14e: {  	s28 =	simm.s32 $0x6180;
	v44 =	vmul.f32 v44, v41;
	v13 =	vadd.f32 v13, v33;
	v36 =	vld.idx.msk [tilespmem:v2+s31+$0x0], $0xffff;
	v2 =	vbroadcast v27, $0xF  }
0x14f: {  	v60 =	vbroadcast v46, $0x9;
	v45 =	vmul.f32 v59, v41;
	v0 =	vld.idx.msk [tilespmem:v0+s31+$0x0], $0xffff;
	[tilespmem:s28+$0xFFFFF100] =	vst v7  }
0x150: {  	v32 =	vbroadcast v46, $0x5;
	v13 =	vmul.f32 v13, v41;
	[tilespmem:s28+$0xFFFFF200] =	vst v44;
	v1 =	vadd.f32 v22, v2  }
0x151: {  	v4 =	vmovc v60;
	v52 =	vadd.f32 v10, v60;
	v60 =	vbroadcast v27, $0x5;
	[tilespmem:s28+$0xFFFFF280] =	vst v45;
	v22 =	vadd.f32 v3, v29  }
0x152: {  	v61 =	vbroadcast v46, $0xA;
	[tilespmem:s28+$0xFFFFF380] =	vst v13;
	v1 =	vmul.f32 v1, v41  }
0x153: {  	v37 =	vadd.f32 v37, v60;
	[tilespmem:$0x1FFC0] =	vst v2;
	v2 =	vbroadcast v46, $0x7;
	v22 =	vmul.f32 v22, v41  }
0x154: {  	v63 =	vbroadcast v46, $0xC;
	v53 =	vbroadcast v46, $0xD;
	[tilespmem:s28+$0x0] =	vst v1;
	v1 =	vadd.f32 v6, v32  }
0x155: {  	v48 =	vmul.f32 v37, v41;
	v3 =	vbroadcast v46, $0x8;
	[tilespmem:s28+$0xFFFFF180] =	vst v22;
	v22 =	vadd.f32 v8, v2  }
0x156: {  	[tilespmem:$0x1FFD0] =	vst v2;
	v2 =	vbroadcast v46, $0xB;
	v1 =	vmul.f32 v1, v41  }
0x157: {  	v55 =	vbroadcast v27, $0x0;
	[tilespmem:s28+$0xFFFFFB00] =	vst v48;
	v62 =	vadd.f32 v9, v3;
	v22 =	vmul.f32 v22, v41  }
0x158: {  	v58 =	vbroadcast v27, $0x2;
	v13 =	vadd.f32 v18, v2;
	v18 =	vmul.f32 v52, v41;
	[tilespmem:s28+$0xFFFFF300] =	vst v1  }
0x159: {  	v14 =	vadd.f32 v14, v63;
	v1 =	vadd.f32 v12, v61;
	v12 =	vmul.f32 v62, v41;
	[tilespmem:s28+$0xFFFFF400] =	vst v22  }
0x15a: {  	v54 =	vbroadcast v46, $0xE;
	v20 =	vadd.f32 v20, v58;
	v22 =	vmul.f32 v13, v41;
	[tilespmem:s28+$0xFFFFF500] =	vst v18  }
0x15b: {  	v56 =	vbroadcast v27, $0x1;
	v18 =	vmul.f32 v14, v41;
	[tilespmem:s28+$0xFFFFF480] =	vst v12  }
0x15c: {  	v15 =	vadd.f32 v15, v53;
	v16 =	vadd.f32 v16, v54;
	v62 =	vmul.f32 v20, v41;
	[tilespmem:s28+$0xFFFFF600] =	vst v22  }
0x15d: {  	v19 =	vadd.f32 v19, v56;
	v8 =	vmovc v2;
	v2 =	vbroadcast v46, $0xF;
	v1 =	vmul.f32 v1, v41;
	[tilespmem:s28+$0xFFFFF680] =	vst v18  }
0x15e: {  	v59 =	vbroadcast v27, $0x4;
	v22 =	vadd.f32 v23, v55;
	v23 =	vmul.f32 v16, v41;
	[tilespmem:s28+$0xFFFFF980] =	vst v62  }
0x15f: {  	v7 =	vmovc v61;
	v61 =	vbroadcast v27, $0x6;
	[tilespmem:s28+$0xFFFFF580] =	vst v1;
	v1 =	vadd.f32 v17, v2;
	v17 =	vmul.f32 v15, v41  }
0x160: {  	v20 =	vbroadcast v27, $0x8;
	v22 =	vmul.f32 v22, v41;
	[tilespmem:s28+$0xFFFFF780] =	vst v23  }
0x161: {  	s17 =	simm.s32 $0x10;
	v25 =	vadd.f32 v25, v61;
	v12 =	vmovc v2;
	v2 =	vbroadcast v27, $0x3;
	v23 =	vmul.f32 v19, v41;
	[tilespmem:s28+$0xFFFFF700] =	vst v17  }
0x162: {  	v13 =	vmovc v55;
	v49 =	vadd.f32 v38, v20;
	v55 =	vmov s17;
	v1 =	vmul.f32 v1, v41;
	[tilespmem:s28+$0xFFFFF880] =	vst v22  }
0x163: {  	v50 =	vmul.f32 v25, v41;
	v16 =	vmovc v2;
	v21 =	vadd.f32 v21, v2;
	v2 =	vbroadcast v27, $0x7;
	[tilespmem:s28+$0xFFFFF900] =	vst v23  }
0x164: {  	v37 =	vmul.f32 v49, v41;
	v22 =	vbroadcast v27, $0xA;
	[tilespmem:s28+$0xFFFFF800] =	vst v1;
	v1 =	vadd.f32 v36, v59  }
0x165: {  	v9 =	vmovc v63;
	v23 =	vbroadcast v27, $0xB;
	[tilespmem:s28+$0xFFFFFB80] =	vst v50;
	v63 =	vmul.f32 v21, v41;
	v26 =	vadd.f32 v26, v2  }
0x166: {  	v10 =	vmovc v53;
	[tilespmem:s28+$0xFFFFFC80] =	vst v37;
	v21 =	vbroadcast v27, $0x9;
	v52 =	vadd.f32 v40, v22;
	v1 =	vmul.f32 v1, v41  }
0x167: {  	v6 =	vmovc v3;
	v53 =	vadd.f32 v42, v23;
	[tilespmem:s28+$0xFFFFFA00] =	vst v63;
	v51 =	vmul.f32 v26, v41;
	v26 =	vbroadcast v27, $0xD  }
0x168: {  	v3 =	vmovc v54;
	v25 =	vbroadcast v27, $0xC;
	v54 =	vmul.f32 v52, v41;
	[tilespmem:s28+$0xFFFFFA80] =	vst v1;
	v1 =	vadd.f32 v39, v21  }
0x169: {  	v14 =	vmovc v56;
	v27 =	vbroadcast v27, $0xE;
	v38 =	vmul.f32 v53, v41;
	[tilespmem:s28+$0xFFFFFC00] =	vst v51;
	v56 =	vadd.f32 v43, v26  }
0x16a: {  	v35 =	vadd.f32 v35, v25;
	v36 =	vshll.u32 v55, $0x5;
	[tilespmem:s28+$0xFFFFFD80] =	vst v54;
	v1 =	vmul.f32 v1, v41  }
0x16b: {  	v36 =	vor.u32 v57, v36;
	v0 =	vadd.f32 v0, v27;
	[tilespmem:s28+$0xFFFFFE00] =	vst v38;
	v57 =	vmul.f32 v56, v41  }
0x16c: {  	v34 =	vadd.f32 v34, v24;
	v15 =	vmovc v58;
	v58 =	vor.u32 $0x1C, v36;
	[tilespmem:s28+$0xFFFFFD00] =	vst v1;
	v1 =	vmul.f32 v35, v41  }
0x16d: {  	v0 =	vmul.f32 v0, v41;
	[tilespmem:s28+$0xFFFFFF00] =	vst v57  }
0x16e: {  	[tilespmem:s28+$0xFFFFFE80] =	vst v1;
	v1 =	vmul.f32 v41, v34  }
0x16f: {  	v17 =	vmov v59;
	v59 =	vor.u32 $0x1, v36;
	[tilespmem:s28+$0xFFFFFF80] =	vst v0  }
0x170: {  	v0 =	vor.u32 $0x2, v36;
	[tilespmem:s28+$0xFFFFF080] =	vst v1  }
0x171: {  	s12 =	simm.s32 $0x90;
	v18 =	vmov v60;
	v60 =	vor.u32 $0x4, v36;
	v34 =	vld.idx.msk [tilespmem:v58+s31+$0x0], $0xffff  }
0x172: {  	v19 =	vmov v61;
	v61 =	vor.u32 $0x5, v36;
	v37 =	vld [tilespmem:s12+$0x0]  }
0x173: {  	v62 =	vor.u32 $0x6, v36;
	v39 =	vld.idx.msk [tilespmem:v36+s31+$0x0], $0xffff  }
0x174: {  	v63 =	vor.u32 $0x7, v36;
	v41 =	vld.idx.msk [tilespmem:v59+s31+$0x0], $0xffff  }
0x175: {  	v1 =	vor.u32 $0x3, v36;
	v0 =	vld.idx.msk [tilespmem:v0+s31+$0x0], $0xffff  }
0x176: {  	v43 =	vor.u32 $0x8, v36;
	v57 =	vld.idx.msk [tilespmem:v60+s31+$0x0], $0xffff  }
0x177: {  	v58 =	vor.u32 $0x9, v36;
	v59 =	vld.idx.msk [tilespmem:v61+s31+$0x0], $0xffff  }
0x178: {  	v60 =	vor.u32 $0xA, v36;
	v61 =	vld.idx.msk [tilespmem:v62+s31+$0x0], $0xffff  }
0x179: {  	v62 =	vor.u32 $0xB, v36;
	v45 =	vld.idx.msk [tilespmem:v63+s31+$0x0], $0xffff  }
0x17a: {  	v63 =	vor.u32 $0xC, v36;
	v1 =	vld.idx.msk [tilespmem:v1+s31+$0x0], $0xffff  }
0x17b: {  	v44 =	vld.idx.msk [tilespmem:v43+s31+$0x0], $0xffff  }
0x17c: {  	v50 =	vor.u32 $0xD, v36;
	v52 =	vor.u32 $0xF, v36;
	v35 =	vadd.f32 v39, v24;
	v46 =	vld.idx.msk [tilespmem:v58+s31+$0x0], $0xffff  }
0x17d: {  	v53 =	vor.u32 $0x10, v36;
	v39 =	vadd.f32 v41, v28;
	v38 =	vadd.f32 v0, v29;
	v47 =	vld.idx.msk [tilespmem:v60+s31+$0x0], $0xffff  }
0x17e: {  	v51 =	vor.u32 $0xE, v36;
	v41 =	vadd.f32 v57, v31;
	v48 =	vld.idx.msk [tilespmem:v62+s31+$0x0], $0xffff;
	v42 =	vadd.f32 v59, v32  }
0x17f: {  	s13 =	simm.s32 $0x20;
	v5 =	vmovc v2;
	v54 =	vor.u32 $0x11, v36;
	v49 =	vld.idx.msk [tilespmem:v63+s31+$0x0], $0xffff;
	v43 =	vadd.f32 v61, v33;
	v40 =	vadd.f32 v1, v30  }
.LBB2_7:
0x180: {  	_ = 	snop  }
0x181: {  	v0 =	vld.idx.msk [tilespmem:v50+s31+$0x0], $0xffff  }
0x182: {  	v1 =	vor.u32 $0x12, v36;
	v2 =	vld [tilespmem:$0x1FFD0]  }
0x183: {  	v50 =	vld.idx.msk [tilespmem:v51+s31+$0x0], $0xffff;
	v63 =	vor.u32 $0x13, v36  }
0x184: {  	v52 =	vld.idx.msk [tilespmem:v52+s31+$0x0], $0xffff;
	v55 =	vor.u32 $0x1F, v36  }
0x185: {  	v53 =	vld.idx.msk [tilespmem:v53+s31+$0x0], $0xffff;
	v61 =	vor.u32 $0x19, v36  }
0x186: {  	v54 =	vld.idx.msk [tilespmem:v54+s31+$0x0], $0xffff  }
0x187: {  	v56 =	vor.u32 $0x14, v36;
	v1 =	vld.idx.msk [tilespmem:v1+s31+$0x0], $0xffff  }
0x188: {  	v57 =	vor.u32 $0x15, v36;
	v51 =	vld.idx.msk [tilespmem:v63+s31+$0x0], $0xffff  }
0x189: {  	v58 =	vor.u32 $0x16, v36;
	v55 =	vld.idx.msk [tilespmem:v55+s31+$0x0], $0xffff  }
0x18a: {  	v59 =	vor.u32 $0x17, v36;
	vm0 =	veq.s32 v37, $0x0;
	v37 =	vld.idx.msk [tilespmem:v61+s31+$0x0], $0xffff  }
0x18b: {  	v60 =	vor.u32 $0x18, v36;
	v61 =	vld [tilespmem:$0x1FFC0]  }
0x18c: {  	v62 =	vor.u32 $0x1A, v36;
	v56 =	vld.idx.msk [tilespmem:v56+s31+$0x0], $0xffff  }
0x18d: {  	v57 =	vld.idx.msk [tilespmem:v57+s31+$0x0], $0xffff;
	v63 =	vor.u32 $0x1B, v36  }
0x18e: {  	v45 =	vadd.f32 v45, v2;
	v58 =	vld.idx.msk [tilespmem:v58+s31+$0x0], $0xffff;
	v2 =	vor.u32 $0x1D, v36  }
0x18f: {  	v59 =	vld.idx.msk [tilespmem:v59+s31+$0x0], $0xffff;
	v36 =	vor.u32 $0x1E, v36  }
0x190: {  	v60 =	vld.idx.msk [tilespmem:v60+s31+$0x0], $0xffff;
	v55 =	vadd.f32 v55, v61;
	v61 =	vimm.f32 $5.656854150e+00  }
0x191: {  	v62 =	vld.idx.msk [tilespmem:v62+s31+$0x0], $0xffff;
	v61 =	vsel vm0, $0x0, v61  }
0x192: {  	v63 =	vld.idx.msk [tilespmem:v63+s31+$0x0], $0xffff;
	v55 =	vmul.f32 v55, v61  }
0x193: {  	s28 =	sadd.s32 $0x10, s28;
	v2 =	vld.idx.msk [tilespmem:v2+s31+$0x0], $0xffff;
	v39 =	vmul.f32 v39, v61  }
0x194: {  	v36 =	vld.idx.msk [tilespmem:v36+s31+$0x0], $0xffff;
	v38 =	vmul.f32 v38, v61;
	[tilespmem:s28+$0x0] =	vst v55  }
0x195: {  	v44 =	vadd.f32 v44, v6;
	v40 =	vmul.f32 v40, v61;
	[tilespmem:s28+$0xFFFFF100] =	vst v39  }
0x196: {  	v0 =	vadd.f32 v0, v10;
	v41 =	vmul.f32 v41, v61;
	[tilespmem:s28+$0xFFFFF180] =	vst v38  }
0x197: {  	v1 =	vadd.f32 v1, v15;
	v44 =	vmul.f32 v44, v61;
	[tilespmem:s28+$0xFFFFF200] =	vst v40  }
0x198: {  	v37 =	vadd.f32 v37, v21;
	v0 =	vmul.f32 v0, v61;
	[tilespmem:s28+$0xFFFFF280] =	vst v41  }
0x199: {  	v34 =	vadd.f32 v34, v25;
	v1 =	vmul.f32 v1, v61;
	[tilespmem:s28+$0xFFFFF480] =	vst v44  }
0x19a: {  	v37 =	vmul.f32 v37, v61;
	[tilespmem:s28+$0xFFFFF700] =	vst v0  }
0x19b: {  	v34 =	vmul.f32 v34, v61;
	[tilespmem:s28+$0xFFFFF980] =	vst v1  }
0x19c: {  	v35 =	vmul.f32 v61, v35;
	[tilespmem:s28+$0xFFFFFD00] =	vst v37  }
0x19d: {  	v39 =	vmul.f32 v42, v61;
	[tilespmem:s28+$0xFFFFFE80] =	vst v34  }
0x19e: {  	v46 =	vadd.f32 v46, v4;
	v55 =	vmul.f32 v43, v61;
	[tilespmem:s28+$0xFFFFF080] =	vst v35  }
0x19f: {  	v47 =	vadd.f32 v47, v7;
	v43 =	vadd.f32 v60, v20;
	v60 =	vmul.f32 v45, v61;
	[tilespmem:s28+$0xFFFFF300] =	vst v39  }
0x1a0: {  	v48 =	vadd.f32 v48, v8;
	v40 =	vmul.f32 v46, v61;
	[tilespmem:s28+$0xFFFFF380] =	vst v55  }
0x1a1: {  	v49 =	vadd.f32 v49, v9;
	v45 =	vmul.f32 v47, v61;
	[tilespmem:s28+$0xFFFFF400] =	vst v60  }
0x1a2: {  	v52 =	vadd.f32 v52, v12;
	v41 =	vmul.f32 v48, v61;
	[tilespmem:s28+$0xFFFFF500] =	vst v40  }
0x1a3: {  	v53 =	vadd.f32 v53, v13;
	v47 =	vmul.f32 v49, v61;
	[tilespmem:s28+$0xFFFFF580] =	vst v45  }
0x1a4: {  	v54 =	vadd.f32 v54, v14;
	v42 =	vmul.f32 v52, v61;
	[tilespmem:s28+$0xFFFFF600] =	vst v41  }
0x1a5: {  	v57 =	vadd.f32 v57, v18;
	v49 =	vmul.f32 v53, v61;
	[tilespmem:s28+$0xFFFFF680] =	vst v47  }
0x1a6: {  	v59 =	vadd.f32 v59, v5;
	v38 =	vmul.f32 v54, v61;
	[tilespmem:s28+$0xFFFFF800] =	vst v42  }
0x1a7: {  	v58 =	vadd.f32 v58, v19;
	v46 =	vadd.f32 v62, v22;
	v62 =	vmul.f32 v57, v61;
	[tilespmem:s28+$0xFFFFF880] =	vst v49  }
0x1a8: {  	v50 =	vadd.f32 v50, v3;
	v52 =	vmul.f32 v59, v61;
	[tilespmem:s28+$0xFFFFF900] =	vst v38  }
0x1a9: {  	v51 =	vadd.f32 v51, v16;
	v48 =	vadd.f32 v63, v23;
	v63 =	vmul.f32 v58, v61;
	[tilespmem:s28+$0xFFFFFB00] =	vst v62  }
0x1aa: {  	v56 =	vadd.f32 v56, v17;
	v39 =	vmul.f32 v50, v61;
	[tilespmem:s28+$0xFFFFFC00] =	vst v52  }
0x1ab: {  	v55 =	vmul.f32 v51, v61;
	[tilespmem:s28+$0xFFFFFB80] =	vst v63  }
0x1ac: {  	v60 =	vmul.f32 v56, v61;
	[tilespmem:s28+$0xFFFFF780] =	vst v39  }
0x1ad: {  	v1 =	vmov s13;
	v43 =	vmul.f32 v43, v61;
	[tilespmem:s28+$0xFFFFFA00] =	vst v55  }
0x1ae: {  	v2 =	vadd.f32 v2, v26;
	v36 =	vadd.f32 v36, v27;
	v53 =	vmul.f32 v46, v61;
	[tilespmem:s28+$0xFFFFFA80] =	vst v60  }
0x1af: {  	v1 =	vshll.u32 v1, $0x5;
	v54 =	vmul.f32 v48, v61;
	[tilespmem:s28+$0xFFFFFC80] =	vst v43  }
0x1b0: {  	v0 =	vmul.f32 v2, v61;
	v2 =	vmul.f32 v36, v61;
	v36 =	vor.u32 v11, v1;
	[tilespmem:s28+$0xFFFFFD80] =	vst v53  }
0x1b1: {  	v1 =	vor.u32 $0x1C, v36;
	[tilespmem:s28+$0xFFFFFE00] =	vst v54  }
0x1b2: {  	v55 =	vor.u32 $0x3, v36;
	[tilespmem:s28+$0xFFFFFF00] =	vst v0  }
0x1b3: {  	s12 =	sadd.s32 $0x10, s12;
	v56 =	vor.u32 $0x5, v36;
	[tilespmem:s28+$0xFFFFFF80] =	vst v2  }
0x1b4: {  	v57 =	vor.u32 $0x6, v36;
	v37 =	vld [tilespmem:s12+$0x0]  }
0x1b5: {  	v58 =	vor.u32 $0x7, v36;
	v38 =	vld.idx.msk [tilespmem:v36+s31+$0x0], $0xffff  }
0x1b6: {  	v0 =	vor.u32 $0x1, v36;
	v34 =	vld.idx.msk [tilespmem:v1+s31+$0x0], $0xffff  }
0x1b7: {  	v2 =	vor.u32 $0x2, v36;
	v42 =	vld.idx.msk [tilespmem:v55+s31+$0x0], $0xffff  }
0x1b8: {  	v1 =	vor.u32 $0x4, v36;
	v49 =	vld.idx.msk [tilespmem:v56+s31+$0x0], $0xffff  }
0x1b9: {  	v59 =	vor.u32 $0x8, v36;
	v55 =	vld.idx.msk [tilespmem:v57+s31+$0x0], $0xffff  }
0x1ba: {  	v60 =	vor.u32 $0x9, v36;
	v45 =	vld.idx.msk [tilespmem:v58+s31+$0x0], $0xffff  }
0x1bb: {  	v61 =	vor.u32 $0xA, v36;
	v0 =	vld.idx.msk [tilespmem:v0+s31+$0x0], $0xffff  }
0x1bc: {  	v62 =	vor.u32 $0xB, v36;
	v2 =	vld.idx.msk [tilespmem:v2+s31+$0x0], $0xffff  }
0x1bd: {  	p1 =	sne.s32 s13, $0x70;
	v63 =	vor.u32 $0xC, v36;
	v1 =	vld.idx.msk [tilespmem:v1+s31+$0x0], $0xffff  }
.Ltmp2:
0x1be: {  	v44 =	vld.idx.msk [tilespmem:v59+s31+$0x0], $0xffff;
	(pc) =	sbr.rel @p1 .LBB2_7-.Ltmp2, $4  }
0x1bf: {  	v50 =	vor.u32 $0xD, v36;
	v51 =	vor.u32 $0xE, v36;
	v46 =	vld.idx.msk [tilespmem:v60+s31+$0x0], $0xffff;
	v35 =	vadd.f32 v38, v24  }
0x1c0: {  	v52 =	vor.u32 $0xF, v36;
	v47 =	vld.idx.msk [tilespmem:v61+s31+$0x0], $0xffff;
	v40 =	vadd.f32 v42, v30;
	v42 =	vadd.f32 v49, v32  }
0x1c1: {  	v53 =	vor.u32 $0x10, v36;
	v48 =	vld.idx.msk [tilespmem:v62+s31+$0x0], $0xffff;
	v43 =	vadd.f32 v55, v33;
	v39 =	vadd.f32 v0, v28  }
0x1c2: {  	s13 =	sadd.s32 $0x10, s13;
	v54 =	vor.u32 $0x11, v36;
	v49 =	vld.idx.msk [tilespmem:v63+s31+$0x0], $0xffff;
	v38 =	vadd.f32 v2, v29;
	v41 =	vadd.f32 v1, v31  }
0x1c3: {  	_ =	sdelay $0x3  }
0x1c4: {  	v0 =	vld.idx.msk [tilespmem:v50+s31+$0x0], $0xffff;
	v1 =	vor.u32 $0x12, v36  }
0x1c5: {  	v2 =	vld.idx.msk [tilespmem:v51+s31+$0x0], $0xffff;
	v24 =	vor.u32 $0x13, v36  }
0x1c6: {  	v28 =	vld.idx.msk [tilespmem:v52+s31+$0x0], $0xffff;
	v29 =	vor.u32 $0x1F, v36  }
0x1c7: {  	v30 =	vld.idx.msk [tilespmem:v53+s31+$0x0], $0xffff;
	v31 =	vor.u32 $0x14, v36  }
0x1c8: {  	v32 =	vld.idx.msk [tilespmem:v54+s31+$0x0], $0xffff;
	v58 =	vor.u32 $0x16, v36  }
0x1c9: {  	v1 =	vld.idx.msk [tilespmem:v1+s31+$0x0], $0xffff  }
0x1ca: {  	v33 =	vor.u32 $0x15, v36;
	v24 =	vld.idx.msk [tilespmem:v24+s31+$0x0], $0xffff  }
0x1cb: {  	v59 =	vor.u32 $0x17, v36;
	v29 =	vld.idx.msk [tilespmem:v29+s31+$0x0], $0xffff  }
0x1cc: {  	v60 =	vor.u32 $0x18, v36;
	v31 =	vld.idx.msk [tilespmem:v31+s31+$0x0], $0xffff  }
0x1cd: {  	v61 =	vor.u32 $0x19, v36;
	v50 =	vld.idx.msk [tilespmem:v58+s31+$0x0], $0xffff  }
0x1ce: {  	v62 =	vor.u32 $0x1A, v36;
	v58 =	vld [tilespmem:$0x1FFC0]  }
0x1cf: {  	v33 =	vld.idx.msk [tilespmem:v33+s31+$0x0], $0xffff  }
0x1d0: {  	v55 =	vor.u32 $0x1B, v36;
	v51 =	vld.idx.msk [tilespmem:v59+s31+$0x0], $0xffff  }
0x1d1: {  	v56 =	vor.u32 $0x1D, v36;
	v52 =	vld.idx.msk [tilespmem:v60+s31+$0x0], $0xffff  }
0x1d2: {  	v63 =	vor.u32 $0x1E, v36;
	v53 =	vld.idx.msk [tilespmem:v61+s31+$0x0], $0xffff  }
0x1d3: {  	vm0 =	veq.s32 v37, $0x0;
	v37 =	vld.idx.msk [tilespmem:v62+s31+$0x0], $0xffff;
	v29 =	vadd.f32 v29, v58;
	v58 =	vimm.f32 $5.656854150e+00  }
0x1d4: {  	v60 =	vld [tilespmem:$0x1FFD0];
	v54 =	vsel vm0, $0x0, v58  }
0x1d5: {  	v55 =	vld.idx.msk [tilespmem:v55+s31+$0x0], $0xffff;
	v29 =	vmul.f32 v29, v54  }
0x1d6: {  	s12 =	sadd.s32 $0x10, s28;
	v56 =	vld.idx.msk [tilespmem:v56+s31+$0x0], $0xffff;
	v39 =	vmul.f32 v39, v54  }
0x1d7: {  	v36 =	vld.idx.msk [tilespmem:v63+s31+$0x0], $0xffff;
	v59 =	vmul.f32 v40, v54;
	[tilespmem:s12+$0x0] =	vst v29  }
0x1d8: {  	v63 =	vadd.f32 v44, v6;
	v62 =	vmul.f32 v42, v54;
	[tilespmem:s12+$0xFFFFF100] =	vst v39  }
0x1d9: {  	v46 =	vadd.f32 v46, v4;
	v61 =	vadd.f32 v45, v60;
	v45 =	vmul.f32 v43, v54;
	[tilespmem:s12+$0xFFFFF200] =	vst v59  }
0x1da: {  	v6 =	vadd.f32 v47, v7;
	v4 =	vmul.f32 v63, v54;
	[tilespmem:s12+$0xFFFFF300] =	vst v62  }
0x1db: {  	v7 =	vadd.f32 v48, v8;
	v0 =	vadd.f32 v0, v10;
	v48 =	vmul.f32 v46, v54;
	[tilespmem:s12+$0xFFFFF380] =	vst v45  }
0x1dc: {  	v2 =	vadd.f32 v2, v3;
	v6 =	vmul.f32 v6, v54;
	[tilespmem:s12+$0xFFFFF480] =	vst v4  }
0x1dd: {  	v3 =	vadd.f32 v32, v14;
	v0 =	vmul.f32 v0, v54;
	[tilespmem:s12+$0xFFFFF500] =	vst v48  }
0x1de: {  	v2 =	vmul.f32 v2, v54;
	[tilespmem:s12+$0xFFFFF580] =	vst v6  }
0x1df: {  	v3 =	vmul.f32 v3, v54;
	[tilespmem:s12+$0xFFFFF700] =	vst v0  }
0x1e0: {  	v8 =	vadd.f32 v49, v9;
	v29 =	vmul.f32 v38, v54;
	[tilespmem:s12+$0xFFFFF780] =	vst v2  }
0x1e1: {  	v4 =	vmul.f32 v7, v54;
	[tilespmem:s12+$0xFFFFF900] =	vst v3  }
0x1e2: {  	v7 =	vmul.f32 v8, v54;
	v6 =	vadd.f32 v28, v12;
	[tilespmem:s12+$0xFFFFF180] =	vst v29  }
0x1e3: {  	v0 =	vadd.f32 v1, v15;
	v29 =	vmul.f32 v41, v54;
	[tilespmem:s12+$0xFFFFF600] =	vst v4  }
0x1e4: {  	v2 =	vadd.f32 v24, v16;
	[tilespmem:s12+$0xFFFFF680] =	vst v7;
	v6 =	vmul.f32 v6, v54  }
0x1e5: {  	v3 =	vadd.f32 v50, v19;
	v0 =	vmul.f32 v0, v54;
	[tilespmem:s12+$0xFFFFF280] =	vst v29  }
0x1e6: {  	v4 =	vadd.f32 v30, v13;
	v2 =	vmul.f32 v2, v54;
	[tilespmem:s12+$0xFFFFF800] =	vst v6  }
0x1e7: {  	v3 =	vmul.f32 v3, v54;
	[tilespmem:s12+$0xFFFFF980] =	vst v0  }
0x1e8: {  	v29 =	vmul.f32 v61, v54;
	v1 =	vmul.f32 v4, v54;
	v4 =	vadd.f32 v31, v17;
	[tilespmem:s12+$0xFFFFFA00] =	vst v2  }
0x1e9: {  	v0 =	vadd.f32 v51, v5;
	[tilespmem:s12+$0xFFFFFB80] =	vst v3  }
0x1ea: {  	v2 =	vadd.f32 v52, v20;
	[tilespmem:s12+$0xFFFFF400] =	vst v29;
	v4 =	vmul.f32 v4, v54  }
0x1eb: {  	[tilespmem:s12+$0xFFFFF880] =	vst v1;
	v1 =	vadd.f32 v33, v18;
	v0 =	vmul.f32 v0, v54  }
0x1ec: {  	v3 =	vadd.f32 v55, v23;
	v2 =	vmul.f32 v2, v54;
	[tilespmem:s12+$0xFFFFFA80] =	vst v4  }
0x1ed: {  	v1 =	vmul.f32 v1, v54;
	v4 =	vadd.f32 v53, v21;
	[tilespmem:s12+$0xFFFFFC00] =	vst v0  }
0x1ee: {  	v3 =	vmul.f32 v3, v54;
	v0 =	vadd.f32 v34, v25;
	[tilespmem:s12+$0xFFFFFC80] =	vst v2  }
0x1ef: {  	[tilespmem:s12+$0xFFFFFB00] =	vst v1;
	v1 =	vadd.f32 v37, v22;
	v4 =	vmul.f32 v4, v54  }
0x1f0: {  	[tilespmem:s12+$0xFFFFFE00] =	vst v3;
	v0 =	vmul.f32 v0, v54  }
0x1f1: {  	v2 =	vadd.f32 v56, v26;
	v1 =	vmul.f32 v1, v54;
	[tilespmem:s12+$0xFFFFFD00] =	vst v4  }
0x1f2: {  	v4 =	vadd.f32 v36, v27;
	[tilespmem:s12+$0xFFFFFE80] =	vst v0;
	v0 =	vmul.f32 v54, v35  }
0x1f3: {  	[tilespmem:s12+$0xFFFFFD80] =	vst v1;
	v1 =	vmul.f32 v2, v54  }
0x1f4: {  	v2 =	vmul.f32 v4, v54;
	[tilespmem:s12+$0xFFFFF080] =	vst v0  }
0x1f5: {  	s17 =	rddreg [dreg:$0xa];
	[tilespmem:s12+$0xFFFFFF00] =	vst v1  }
0x1f6: {  	s13 =	simm.s32 $0x5200;
	[tilespmem:s12+$0xFFFFFF80] =	vst v2;
	s12 =	sadd.s32 s25, s17  }
0x1f7: {  	[hbm4b:s12+s3] =	stream.linear.scatter [tilespmem:s13], [sflag:$0x6], $0x400, $0x38;
	[tilespmem:$0x7B00] =	vst v63  }
0x1f8: {  	s13 =	rddreg [dreg:$0xb]  }
0x1f9: {  	s17 =	simm.s32 $0x5600;
	s12 =	sadd.s32 s25, s13;
	s13 =	rddreg [dreg:$0xc]  }
0x1fa: {  	[hbm4b:s12+s3] =	stream.linear.scatter [tilespmem:s17], [sflag:$0x6], $0x400, $0x38;
	[tilespmem:$0x7B00] =	vst v63  }
0x1fb: {  	s12 =	sadd.s32 s25, s13;
	s17 =	simm.s32 $0x5A00;
	s13 =	rddreg [dreg:$0xd]  }
0x1fc: {  	[hbm4b:s12+s3] =	stream.linear.scatter [tilespmem:s17], [sflag:$0x6], $0x400, $0x38;
	[tilespmem:$0x7B00] =	vst v63  }
0x1fd: {  	s12 =	sadd.s32 s25, s13;
	s17 =	simm.s32 $0x5E00  }
0x1fe: {  	[hbm4b:s12+s3] =	stream.linear.scatter [tilespmem:s17], [sflag:$0x6], $0x400, $0x38;
	[tilespmem:$0x7B00] =	vst v63  }
0x1ff: {  	_ =	swait.ge [sflag:s19], $0x1000  }
0x200: {  	s12 =	rddreg [dreg:$0x8]  }
0x201: {  	s12 =	sadd.s32 @!p0 s12, s7  }
0x202: {  	s28 =	simm.s32 @!p0 $0x80;
	[sflag:s19] =	ssyncset.done $0x0;
	s12 =	sshrl.u32 @!p0 s12, $0x3  }
0x203: {  	s13 =	simm.s32 @!p0 $0x0;
	[sflag:s19] =	ssyncadd.s32 $0xFFFFF000;
	s12 =	sadd.s32 @!p0 s4, s12  }
0x204: {  	[tilespmem:s28], [sflag:$0x8] =	stream.linear.gather @!p0 [hbm4b:s12+s13], $0x80, $0x38;
	[tilespmem:$0x7B00] =	vst v63  }
0x205: {  	s12 =	simm.s32 @!p0 $0x7  }
0x206: {  	s17 =	simm.s32 $0x0;
	_ =	swait.ge @!p0 [sflag:s12], $0x80  }
0x207: {  	v0 =	vmov s17;
	[sflag:s12] =	ssyncset.done @!p0 $0x0  }
0x208: {  	v0 =	vshll.u32 v0, $0x5;
	[sflag:s12] =	ssyncadd.s32 @!p0 $0xFFFFFF80;
	s12 =	simm.s32 @!p0 $0x200  }
0x209: {  	v0 =	vor.u32 v11, v0;
	[tilespmem:s12], [sflag:$0x1] =	stream.indirect.gather @!p0 [hbm4b:s5+s28], $0x20, s13, s28, $0xb8;
	[tilespmem:$0x7B00] =	vst v63  }
0x20a: {  	v1 =	vor.u32 $0x1C, v0;
	_ =	swait.ge [sflag:s20], $0x1000  }
0x20b: {  	[sflag:s20] =	ssyncset.done $0x0  }
0x20c: {  	[sflag:s20] =	ssyncadd.s32 $0xFFFFF000  }
0x20d: {  	v2 =	vor.u32 $0x1, v0;
	v46 =	vld [tilespmem:s10+$0x6240]  }
0x20e: {  	v3 =	vor.u32 $0x2, v0;
	v27 =	vld [tilespmem:s10+$0x6250]  }
0x20f: {  	v4 =	vor.u32 $0x3, v0;
	s13 =	simm.s32 $0x100;
	v35 =	vld.idx.msk [tilespmem:v1+s9+$0x0], $0xffff  }
0x210: {  	v5 =	vor.u32 $0x4, v0;
	v1 =	vld [tilespmem:s13+$0x0]  }
0x211: {  	v6 =	vor.u32 $0x5, v0;
	v34 =	vld.idx.msk [tilespmem:v0+s9+$0x0], $0xffff  }
0x212: {  	v8 =	vor.u32 $0x7, v0;
	v7 =	vld.idx.msk [tilespmem:v2+s9+$0x0], $0xffff  }
0x213: {  	v9 =	vor.u32 $0x8, v0;
	v3 =	vld.idx.msk [tilespmem:v3+s9+$0x0], $0xffff  }
0x214: {  	v10 =	vor.u32 $0x9, v0;
	v56 =	vld.idx.msk [tilespmem:v4+s9+$0x0], $0xffff  }
0x215: {  	v12 =	vor.u32 $0xA, v0;
	v5 =	vld.idx.msk [tilespmem:v5+s9+$0x0], $0xffff  }
0x216: {  	v14 =	vor.u32 $0xC, v0;
	v6 =	vld.idx.msk [tilespmem:v6+s9+$0x0], $0xffff  }
0x217: {  	v15 =	vor.u32 $0xD, v0;
	v8 =	vld.idx.msk [tilespmem:v8+s9+$0x0], $0xffff  }
0x218: {  	v16 =	vor.u32 $0xE, v0;
	v9 =	vld.idx.msk [tilespmem:v9+s9+$0x0], $0xffff  }
0x219: {  	v17 =	vor.u32 $0xF, v0;
	v10 =	vld.idx.msk [tilespmem:v10+s9+$0x0], $0xffff  }
0x21a: {  	v2 =	vor.u32 $0x6, v0;
	v12 =	vld.idx.msk [tilespmem:v12+s9+$0x0], $0xffff  }
0x21b: {  	v19 =	vor.u32 $0x11, v0;
	v14 =	vld.idx.msk [tilespmem:v14+s9+$0x0], $0xffff  }
0x21c: {  	v20 =	vor.u32 $0x12, v0;
	v15 =	vld.idx.msk [tilespmem:v15+s9+$0x0], $0xffff  }
0x21d: {  	v21 =	vor.u32 $0x13, v0;
	v16 =	vld.idx.msk [tilespmem:v16+s9+$0x0], $0xffff  }
0x21e: {  	v22 =	vor.u32 $0x1F, v0;
	v17 =	vld.idx.msk [tilespmem:v17+s9+$0x0], $0xffff  }
0x21f: {  	v13 =	vld.idx.msk [tilespmem:v2+s9+$0x0], $0xffff;
	v2 =	vor.u32 $0xB, v0  }
0x220: {  	v24 =	vor.u32 $0x15, v0;
	v19 =	vld.idx.msk [tilespmem:v19+s9+$0x0], $0xffff  }
0x221: {  	v28 =	vor.u32 $0x18, v0;
	v20 =	vld.idx.msk [tilespmem:v20+s9+$0x0], $0xffff  }
0x222: {  	v30 =	vor.u32 $0x19, v0;
	v21 =	vld.idx.msk [tilespmem:v21+s9+$0x0], $0xffff  }
0x223: {  	v31 =	vor.u32 $0x1A, v0;
	v22 =	vld.idx.msk [tilespmem:v22+s9+$0x0], $0xffff  }
0x224: {  	v18 =	vld.idx.msk [tilespmem:v2+s9+$0x0], $0xffff;
	v2 =	vor.u32 $0x10, v0  }
0x225: {  	v25 =	vor.u32 $0x16, v0;
	v37 =	vld.idx.msk [tilespmem:v24+s9+$0x0], $0xffff  }
0x226: {  	v26 =	vor.u32 $0x17, v0;
	v38 =	vld.idx.msk [tilespmem:v28+s9+$0x0], $0xffff  }
0x227: {  	v57 =	vor.u32 $0x1B, v0;
	v39 =	vld.idx.msk [tilespmem:v30+s9+$0x0], $0xffff  }
0x228: {  	v59 =	vor.u32 $0x1D, v0;
	v40 =	vld.idx.msk [tilespmem:v31+s9+$0x0], $0xffff;
	v28 =	vbroadcast v46, $0x1  }
0x229: {  	v30 =	vbroadcast v46, $0x3;
	v31 =	vbroadcast v46, $0x4;
	v23 =	vld.idx.msk [tilespmem:v2+s9+$0x0], $0xffff;
	v2 =	vor.u32 $0x14, v0  }
0x22a: {  	v25 =	vld.idx.msk [tilespmem:v25+s9+$0x0], $0xffff;
	vm15 =	veq.s32 v1, $0x0;
	v7 =	vadd.f32 v7, v28;
	v0 =	vor.u32 $0x1E, v0  }
0x22b: {  	v26 =	vld.idx.msk [tilespmem:v26+s9+$0x0], $0xffff;
	v41 =	vsel vm15, $0x0, v58;
	v60 =	vadd.f32 v5, v31  }
0x22c: {  	v42 =	vld.idx.msk [tilespmem:v57+s9+$0x0], $0xffff;
	v33 =	vbroadcast v46, $0x6;
	v44 =	vadd.f32 v56, v30;
	v7 =	vmul.f32 v7, v41  }
0x22d: {  	v43 =	vld.idx.msk [tilespmem:v59+s9+$0x0], $0xffff;
	v45 =	vmul.f32 v60, v41;
	v60 =	vbroadcast v27, $0x5  }
0x22e: {  	s28 =	simm.s32 $0x4A00;
	v44 =	vmul.f32 v44, v41;
	v13 =	vadd.f32 v13, v33;
	v36 =	vld.idx.msk [tilespmem:v2+s9+$0x0], $0xffff  }
0x22f: {  	v29 =	vbroadcast v46, $0x2;
	v37 =	vadd.f32 v37, v60;
	v2 =	vbroadcast v27, $0xF;
	v0 =	vld.idx.msk [tilespmem:v0+s9+$0x0], $0xffff;
	[tilespmem:s28+$0xFFFFF880] =	vst v7  }
0x230: {  	v61 =	vbroadcast v46, $0x9;
	v13 =	vmul.f32 v13, v41;
	[tilespmem:s28+$0xFFFFF980] =	vst v44  }
0x231: {  	v24 =	vbroadcast v46, $0x0;
	v48 =	vmul.f32 v37, v41;
	[tilespmem:s28+$0xFFFFFA00] =	vst v45;
	v1 =	vadd.f32 v22, v2  }
0x232: {  	v4 =	vmovc v61;
	v53 =	vadd.f32 v10, v61;
	v61 =	vbroadcast v27, $0x6;
	[tilespmem:s28+$0xFFFFFB00] =	vst v13;
	v22 =	vadd.f32 v3, v29  }
0x233: {  	v32 =	vbroadcast v46, $0x5;
	[tilespmem:s28+$0x280] =	vst v48;
	v1 =	vmul.f32 v1, v41  }
0x234: {  	v25 =	vadd.f32 v25, v61;
	[tilespmem:$0x1FFA0] =	vst v2;
	v2 =	vbroadcast v46, $0x7;
	v22 =	vmul.f32 v22, v41  }
0x235: {  	v62 =	vbroadcast v46, $0xA;
	v52 =	vbroadcast v46, $0xC;
	[tilespmem:s28+$0x780] =	vst v1;
	v1 =	vadd.f32 v6, v32  }
0x236: {  	v50 =	vmul.f32 v25, v41;
	v3 =	vbroadcast v46, $0x8;
	[tilespmem:s28+$0xFFFFF900] =	vst v22;
	v22 =	vadd.f32 v8, v2  }
0x237: {  	[tilespmem:$0x1FFB0] =	vst v2;
	v2 =	vbroadcast v46, $0xB;
	v1 =	vmul.f32 v1, v41  }
0x238: {  	v54 =	vbroadcast v46, $0xD;
	[tilespmem:s28+$0x300] =	vst v50;
	v63 =	vadd.f32 v9, v3;
	v22 =	vmul.f32 v22, v41  }
0x239: {  	v58 =	vbroadcast v27, $0x2;
	v13 =	vadd.f32 v18, v2;
	v18 =	vmul.f32 v53, v41;
	[tilespmem:s28+$0xFFFFFA80] =	vst v1  }
0x23a: {  	v14 =	vadd.f32 v14, v52;
	v1 =	vadd.f32 v12, v62;
	v12 =	vmul.f32 v63, v41;
	[tilespmem:s28+$0xFFFFFB80] =	vst v22  }
0x23b: {  	v55 =	vbroadcast v46, $0xE;
	v20 =	vadd.f32 v20, v58;
	v22 =	vmul.f32 v13, v41;
	[tilespmem:s28+$0xFFFFFC80] =	vst v18  }
0x23c: {  	v57 =	vbroadcast v27, $0x1;
	v18 =	vmul.f32 v14, v41;
	[tilespmem:s28+$0xFFFFFC00] =	vst v12  }
0x23d: {  	v56 =	vbroadcast v27, $0x0;
	v16 =	vadd.f32 v16, v55;
	v7 =	vmovc v62;
	v62 =	vmul.f32 v20, v41;
	[tilespmem:s28+$0xFFFFFD80] =	vst v22  }
0x23e: {  	v15 =	vadd.f32 v15, v54;
	v8 =	vmovc v2;
	v2 =	vbroadcast v46, $0xF;
	v1 =	vmul.f32 v1, v41;
	[tilespmem:s28+$0xFFFFFE00] =	vst v18  }
0x23f: {  	v59 =	vbroadcast v27, $0x4;
	v22 =	vadd.f32 v23, v56;
	v23 =	vmul.f32 v16, v41;
	[tilespmem:s28+$0x100] =	vst v62  }
0x240: {  	v20 =	vbroadcast v27, $0x8;
	[tilespmem:s28+$0xFFFFFD00] =	vst v1;
	v1 =	vadd.f32 v17, v2;
	v17 =	vmul.f32 v15, v41  }
0x241: {  	v19 =	vadd.f32 v19, v57;
	v12 =	vmovc v2;
	v2 =	vbroadcast v27, $0x3;
	v22 =	vmul.f32 v22, v41;
	[tilespmem:s28+$0xFFFFFF00] =	vst v23  }
0x242: {  	v25 =	vbroadcast v27, $0xC;
	v49 =	vadd.f32 v38, v20;
	v1 =	vmul.f32 v1, v41;
	[tilespmem:s28+$0xFFFFFE80] =	vst v17  }
0x243: {  	v23 =	vmul.f32 v19, v41;
	v16 =	vmovc v2;
	v21 =	vadd.f32 v21, v2;
	v2 =	vbroadcast v27, $0x7;
	[tilespmem:s28+$0x0] =	vst v22  }
0x244: {  	v37 =	vmul.f32 v49, v41;
	v22 =	vbroadcast v27, $0xA;
	[tilespmem:s28+$0xFFFFFF80] =	vst v1;
	v1 =	vadd.f32 v36, v59  }
0x245: {  	[tilespmem:s28+$0x80] =	vst v23;
	v23 =	vbroadcast v27, $0xB;
	v63 =	vmul.f32 v21, v41;
	v26 =	vadd.f32 v26, v2  }
0x246: {  	v9 =	vmovc v52;
	[tilespmem:s28+$0x400] =	vst v37;
	v21 =	vbroadcast v27, $0x9;
	v52 =	vadd.f32 v40, v22;
	v1 =	vmul.f32 v1, v41  }
0x247: {  	s17 =	simm.s32 $0x10;
	v10 =	vmovc v54;
	v53 =	vadd.f32 v42, v23;
	[tilespmem:s28+$0x180] =	vst v63;
	v51 =	vmul.f32 v26, v41;
	v26 =	vbroadcast v27, $0xD  }
0x248: {  	v6 =	vmovc v3;
	v3 =	vmovc v55;
	v55 =	vmov s17;
	v54 =	vmul.f32 v52, v41;
	[tilespmem:s28+$0x200] =	vst v1;
	v1 =	vadd.f32 v39, v21  }
0x249: {  	v13 =	vmovc v56;
	v27 =	vbroadcast v27, $0xE;
	v38 =	vmul.f32 v53, v41;
	[tilespmem:s28+$0x380] =	vst v51;
	v56 =	vadd.f32 v43, v26  }
0x24a: {  	v35 =	vadd.f32 v35, v25;
	v14 =	vmovc v57;
	v36 =	vshll.u32 v55, $0x5;
	[tilespmem:s28+$0x500] =	vst v54;
	v1 =	vmul.f32 v1, v41  }
0x24b: {  	v36 =	vor.u32 v11, v36;
	v0 =	vadd.f32 v0, v27;
	[tilespmem:s28+$0x580] =	vst v38;
	v57 =	vmul.f32 v56, v41  }
0x24c: {  	v34 =	vadd.f32 v34, v24;
	v15 =	vmovc v58;
	v58 =	vor.u32 $0x1C, v36;
	[tilespmem:s28+$0x480] =	vst v1;
	v1 =	vmul.f32 v35, v41  }
0x24d: {  	v0 =	vmul.f32 v0, v41;
	[tilespmem:s28+$0x680] =	vst v57  }
0x24e: {  	[tilespmem:s28+$0x600] =	vst v1;
	v1 =	vmul.f32 v41, v34  }
0x24f: {  	v17 =	vmov v59;
	v59 =	vor.u32 $0x1, v36;
	[tilespmem:s28+$0x700] =	vst v0  }
0x250: {  	v0 =	vor.u32 $0x2, v36;
	[tilespmem:s28+$0xFFFFF800] =	vst v1  }
0x251: {  	s12 =	simm.s32 $0x110;
	v18 =	vmov v60;
	v60 =	vor.u32 $0x4, v36;
	v34 =	vld.idx.msk [tilespmem:v58+s9+$0x0], $0xffff  }
0x252: {  	v19 =	vmov v61;
	v61 =	vor.u32 $0x5, v36;
	v37 =	vld [tilespmem:s12+$0x0]  }
0x253: {  	v62 =	vor.u32 $0x6, v36;
	v39 =	vld.idx.msk [tilespmem:v36+s9+$0x0], $0xffff  }
0x254: {  	v63 =	vor.u32 $0x7, v36;
	v41 =	vld.idx.msk [tilespmem:v59+s9+$0x0], $0xffff  }
0x255: {  	v1 =	vor.u32 $0x3, v36;
	v0 =	vld.idx.msk [tilespmem:v0+s9+$0x0], $0xffff  }
0x256: {  	v43 =	vor.u32 $0x8, v36;
	v57 =	vld.idx.msk [tilespmem:v60+s9+$0x0], $0xffff  }
0x257: {  	v58 =	vor.u32 $0x9, v36;
	v59 =	vld.idx.msk [tilespmem:v61+s9+$0x0], $0xffff  }
0x258: {  	v60 =	vor.u32 $0xA, v36;
	v61 =	vld.idx.msk [tilespmem:v62+s9+$0x0], $0xffff  }
0x259: {  	v62 =	vor.u32 $0xB, v36;
	v45 =	vld.idx.msk [tilespmem:v63+s9+$0x0], $0xffff  }
0x25a: {  	v63 =	vor.u32 $0xC, v36;
	v1 =	vld.idx.msk [tilespmem:v1+s9+$0x0], $0xffff  }
0x25b: {  	v44 =	vld.idx.msk [tilespmem:v43+s9+$0x0], $0xffff  }
0x25c: {  	v50 =	vor.u32 $0xD, v36;
	v52 =	vor.u32 $0xF, v36;
	v35 =	vadd.f32 v39, v24;
	v46 =	vld.idx.msk [tilespmem:v58+s9+$0x0], $0xffff  }
0x25d: {  	v53 =	vor.u32 $0x10, v36;
	v39 =	vadd.f32 v41, v28;
	v38 =	vadd.f32 v0, v29;
	v47 =	vld.idx.msk [tilespmem:v60+s9+$0x0], $0xffff  }
0x25e: {  	v51 =	vor.u32 $0xE, v36;
	v41 =	vadd.f32 v57, v31;
	v48 =	vld.idx.msk [tilespmem:v62+s9+$0x0], $0xffff;
	v42 =	vadd.f32 v59, v32  }
0x25f: {  	s13 =	simm.s32 $0x20;
	v5 =	vmovc v2;
	v54 =	vor.u32 $0x11, v36;
	v49 =	vld.idx.msk [tilespmem:v63+s9+$0x0], $0xffff;
	v43 =	vadd.f32 v61, v33;
	v40 =	vadd.f32 v1, v30  }
.LBB2_9:
0x260: {  	_ = 	snop  }
0x261: {  	v0 =	vld.idx.msk [tilespmem:v50+s9+$0x0], $0xffff  }
0x262: {  	v1 =	vor.u32 $0x12, v36;
	v2 =	vld [tilespmem:$0x1FFB0]  }
0x263: {  	v50 =	vld.idx.msk [tilespmem:v51+s9+$0x0], $0xffff;
	v63 =	vor.u32 $0x13, v36  }
0x264: {  	v52 =	vld.idx.msk [tilespmem:v52+s9+$0x0], $0xffff;
	v55 =	vor.u32 $0x1F, v36  }
0x265: {  	v53 =	vld.idx.msk [tilespmem:v53+s9+$0x0], $0xffff;
	v61 =	vor.u32 $0x19, v36  }
0x266: {  	v54 =	vld.idx.msk [tilespmem:v54+s9+$0x0], $0xffff  }
0x267: {  	v56 =	vor.u32 $0x14, v36;
	v1 =	vld.idx.msk [tilespmem:v1+s9+$0x0], $0xffff  }
0x268: {  	v57 =	vor.u32 $0x15, v36;
	v51 =	vld.idx.msk [tilespmem:v63+s9+$0x0], $0xffff  }
0x269: {  	v58 =	vor.u32 $0x16, v36;
	v55 =	vld.idx.msk [tilespmem:v55+s9+$0x0], $0xffff  }
0x26a: {  	v59 =	vor.u32 $0x17, v36;
	vm0 =	veq.s32 v37, $0x0;
	v37 =	vld.idx.msk [tilespmem:v61+s9+$0x0], $0xffff  }
0x26b: {  	v60 =	vor.u32 $0x18, v36;
	v61 =	vld [tilespmem:$0x1FFA0]  }
0x26c: {  	v62 =	vor.u32 $0x1A, v36;
	v56 =	vld.idx.msk [tilespmem:v56+s9+$0x0], $0xffff  }
0x26d: {  	v57 =	vld.idx.msk [tilespmem:v57+s9+$0x0], $0xffff;
	v63 =	vor.u32 $0x1B, v36  }
0x26e: {  	v45 =	vadd.f32 v45, v2;
	v58 =	vld.idx.msk [tilespmem:v58+s9+$0x0], $0xffff;
	v2 =	vor.u32 $0x1D, v36  }
0x26f: {  	v59 =	vld.idx.msk [tilespmem:v59+s9+$0x0], $0xffff;
	v36 =	vor.u32 $0x1E, v36  }
0x270: {  	v60 =	vld.idx.msk [tilespmem:v60+s9+$0x0], $0xffff;
	v55 =	vadd.f32 v55, v61;
	v61 =	vimm.f32 $5.656854150e+00  }
0x271: {  	v62 =	vld.idx.msk [tilespmem:v62+s9+$0x0], $0xffff;
	v61 =	vsel vm0, $0x0, v61  }
0x272: {  	v63 =	vld.idx.msk [tilespmem:v63+s9+$0x0], $0xffff;
	v55 =	vmul.f32 v55, v61  }
0x273: {  	s28 =	sadd.s32 $0x10, s28;
	v2 =	vld.idx.msk [tilespmem:v2+s9+$0x0], $0xffff;
	v39 =	vmul.f32 v39, v61  }
0x274: {  	v36 =	vld.idx.msk [tilespmem:v36+s9+$0x0], $0xffff;
	v38 =	vmul.f32 v38, v61;
	[tilespmem:s28+$0x780] =	vst v55  }
0x275: {  	v44 =	vadd.f32 v44, v6;
	v40 =	vmul.f32 v40, v61;
	[tilespmem:s28+$0xFFFFF880] =	vst v39  }
0x276: {  	v0 =	vadd.f32 v0, v10;
	v41 =	vmul.f32 v41, v61;
	[tilespmem:s28+$0xFFFFF900] =	vst v38  }
0x277: {  	v1 =	vadd.f32 v1, v15;
	v44 =	vmul.f32 v44, v61;
	[tilespmem:s28+$0xFFFFF980] =	vst v40  }
0x278: {  	v37 =	vadd.f32 v37, v21;
	v0 =	vmul.f32 v0, v61;
	[tilespmem:s28+$0xFFFFFA00] =	vst v41  }
0x279: {  	v34 =	vadd.f32 v34, v25;
	v1 =	vmul.f32 v1, v61;
	[tilespmem:s28+$0xFFFFFC00] =	vst v44  }
0x27a: {  	v37 =	vmul.f32 v37, v61;
	[tilespmem:s28+$0xFFFFFE80] =	vst v0  }
0x27b: {  	v34 =	vmul.f32 v34, v61;
	[tilespmem:s28+$0x100] =	vst v1  }
0x27c: {  	v35 =	vmul.f32 v61, v35;
	[tilespmem:s28+$0x480] =	vst v37  }
0x27d: {  	v39 =	vmul.f32 v42, v61;
	[tilespmem:s28+$0x600] =	vst v34  }
0x27e: {  	v46 =	vadd.f32 v46, v4;
	v55 =	vmul.f32 v43, v61;
	[tilespmem:s28+$0xFFFFF800] =	vst v35  }
0x27f: {  	v47 =	vadd.f32 v47, v7;
	v43 =	vadd.f32 v60, v20;
	v60 =	vmul.f32 v45, v61;
	[tilespmem:s28+$0xFFFFFA80] =	vst v39  }
0x280: {  	v48 =	vadd.f32 v48, v8;
	v40 =	vmul.f32 v46, v61;
	[tilespmem:s28+$0xFFFFFB00] =	vst v55  }
0x281: {  	v49 =	vadd.f32 v49, v9;
	v45 =	vmul.f32 v47, v61;
	[tilespmem:s28+$0xFFFFFB80] =	vst v60  }
0x282: {  	v52 =	vadd.f32 v52, v12;
	v41 =	vmul.f32 v48, v61;
	[tilespmem:s28+$0xFFFFFC80] =	vst v40  }
0x283: {  	v53 =	vadd.f32 v53, v13;
	v47 =	vmul.f32 v49, v61;
	[tilespmem:s28+$0xFFFFFD00] =	vst v45  }
0x284: {  	v54 =	vadd.f32 v54, v14;
	v42 =	vmul.f32 v52, v61;
	[tilespmem:s28+$0xFFFFFD80] =	vst v41  }
0x285: {  	v57 =	vadd.f32 v57, v18;
	v49 =	vmul.f32 v53, v61;
	[tilespmem:s28+$0xFFFFFE00] =	vst v47  }
0x286: {  	v59 =	vadd.f32 v59, v5;
	v38 =	vmul.f32 v54, v61;
	[tilespmem:s28+$0xFFFFFF80] =	vst v42  }
0x287: {  	v58 =	vadd.f32 v58, v19;
	v46 =	vadd.f32 v62, v22;
	v62 =	vmul.f32 v57, v61;
	[tilespmem:s28+$0x0] =	vst v49  }
0x288: {  	v50 =	vadd.f32 v50, v3;
	v52 =	vmul.f32 v59, v61;
	[tilespmem:s28+$0x80] =	vst v38  }
0x289: {  	v51 =	vadd.f32 v51, v16;
	v48 =	vadd.f32 v63, v23;
	v63 =	vmul.f32 v58, v61;
	[tilespmem:s28+$0x280] =	vst v62  }
0x28a: {  	v56 =	vadd.f32 v56, v17;
	v39 =	vmul.f32 v50, v61;
	[tilespmem:s28+$0x380] =	vst v52  }
0x28b: {  	v55 =	vmul.f32 v51, v61;
	[tilespmem:s28+$0x300] =	vst v63  }
0x28c: {  	v60 =	vmul.f32 v56, v61;
	[tilespmem:s28+$0xFFFFFF00] =	vst v39  }
0x28d: {  	v1 =	vmov s13;
	v43 =	vmul.f32 v43, v61;
	[tilespmem:s28+$0x180] =	vst v55  }
0x28e: {  	v2 =	vadd.f32 v2, v26;
	v36 =	vadd.f32 v36, v27;
	v53 =	vmul.f32 v46, v61;
	[tilespmem:s28+$0x200] =	vst v60  }
0x28f: {  	v1 =	vshll.u32 v1, $0x5;
	v54 =	vmul.f32 v48, v61;
	[tilespmem:s28+$0x400] =	vst v43  }
0x290: {  	v0 =	vmul.f32 v2, v61;
	v2 =	vmul.f32 v36, v61;
	v36 =	vor.u32 v11, v1;
	[tilespmem:s28+$0x500] =	vst v53  }
0x291: {  	v1 =	vor.u32 $0x1C, v36;
	[tilespmem:s28+$0x580] =	vst v54  }
0x292: {  	v55 =	vor.u32 $0x3, v36;
	[tilespmem:s28+$0x680] =	vst v0  }
0x293: {  	s12 =	sadd.s32 $0x10, s12;
	v56 =	vor.u32 $0x5, v36;
	[tilespmem:s28+$0x700] =	vst v2  }
0x294: {  	v57 =	vor.u32 $0x6, v36;
	v37 =	vld [tilespmem:s12+$0x0]  }
0x295: {  	v58 =	vor.u32 $0x7, v36;
	v38 =	vld.idx.msk [tilespmem:v36+s9+$0x0], $0xffff  }
0x296: {  	v0 =	vor.u32 $0x1, v36;
	v34 =	vld.idx.msk [tilespmem:v1+s9+$0x0], $0xffff  }
0x297: {  	v2 =	vor.u32 $0x2, v36;
	v42 =	vld.idx.msk [tilespmem:v55+s9+$0x0], $0xffff  }
0x298: {  	v1 =	vor.u32 $0x4, v36;
	v49 =	vld.idx.msk [tilespmem:v56+s9+$0x0], $0xffff  }
0x299: {  	v59 =	vor.u32 $0x8, v36;
	v55 =	vld.idx.msk [tilespmem:v57+s9+$0x0], $0xffff  }
0x29a: {  	v60 =	vor.u32 $0x9, v36;
	v45 =	vld.idx.msk [tilespmem:v58+s9+$0x0], $0xffff  }
0x29b: {  	v61 =	vor.u32 $0xA, v36;
	v0 =	vld.idx.msk [tilespmem:v0+s9+$0x0], $0xffff  }
0x29c: {  	v62 =	vor.u32 $0xB, v36;
	v2 =	vld.idx.msk [tilespmem:v2+s9+$0x0], $0xffff  }
0x29d: {  	p1 =	sne.s32 s13, $0x70;
	v63 =	vor.u32 $0xC, v36;
	v1 =	vld.idx.msk [tilespmem:v1+s9+$0x0], $0xffff  }
.Ltmp3:
0x29e: {  	v44 =	vld.idx.msk [tilespmem:v59+s9+$0x0], $0xffff;
	(pc) =	sbr.rel @p1 .LBB2_9-.Ltmp3, $4  }
0x29f: {  	v50 =	vor.u32 $0xD, v36;
	v51 =	vor.u32 $0xE, v36;
	v46 =	vld.idx.msk [tilespmem:v60+s9+$0x0], $0xffff;
	v35 =	vadd.f32 v38, v24  }
0x2a0: {  	v52 =	vor.u32 $0xF, v36;
	v47 =	vld.idx.msk [tilespmem:v61+s9+$0x0], $0xffff;
	v40 =	vadd.f32 v42, v30;
	v42 =	vadd.f32 v49, v32  }
0x2a1: {  	v53 =	vor.u32 $0x10, v36;
	v48 =	vld.idx.msk [tilespmem:v62+s9+$0x0], $0xffff;
	v43 =	vadd.f32 v55, v33;
	v39 =	vadd.f32 v0, v28  }
0x2a2: {  	s13 =	sadd.s32 $0x10, s13;
	v54 =	vor.u32 $0x11, v36;
	v49 =	vld.idx.msk [tilespmem:v63+s9+$0x0], $0xffff;
	v38 =	vadd.f32 v2, v29;
	v41 =	vadd.f32 v1, v31  }
0x2a3: {  	_ =	sdelay $0x3  }
0x2a4: {  	v0 =	vld.idx.msk [tilespmem:v50+s9+$0x0], $0xffff;
	v1 =	vor.u32 $0x12, v36  }
0x2a5: {  	v2 =	vld.idx.msk [tilespmem:v51+s9+$0x0], $0xffff;
	v24 =	vor.u32 $0x13, v36  }
0x2a6: {  	v28 =	vld.idx.msk [tilespmem:v52+s9+$0x0], $0xffff;
	v29 =	vor.u32 $0x1F, v36  }
0x2a7: {  	v30 =	vld.idx.msk [tilespmem:v53+s9+$0x0], $0xffff;
	v31 =	vor.u32 $0x14, v36  }
0x2a8: {  	v32 =	vld.idx.msk [tilespmem:v54+s9+$0x0], $0xffff;
	v58 =	vor.u32 $0x16, v36  }
0x2a9: {  	v1 =	vld.idx.msk [tilespmem:v1+s9+$0x0], $0xffff  }
0x2aa: {  	v33 =	vor.u32 $0x15, v36;
	v24 =	vld.idx.msk [tilespmem:v24+s9+$0x0], $0xffff  }
0x2ab: {  	v59 =	vor.u32 $0x17, v36;
	v29 =	vld.idx.msk [tilespmem:v29+s9+$0x0], $0xffff  }
0x2ac: {  	v60 =	vor.u32 $0x18, v36;
	v31 =	vld.idx.msk [tilespmem:v31+s9+$0x0], $0xffff  }
0x2ad: {  	v61 =	vor.u32 $0x19, v36;
	v50 =	vld.idx.msk [tilespmem:v58+s9+$0x0], $0xffff  }
0x2ae: {  	v62 =	vor.u32 $0x1A, v36;
	v58 =	vld [tilespmem:$0x1FFA0]  }
0x2af: {  	v33 =	vld.idx.msk [tilespmem:v33+s9+$0x0], $0xffff  }
0x2b0: {  	v55 =	vor.u32 $0x1B, v36;
	v51 =	vld.idx.msk [tilespmem:v59+s9+$0x0], $0xffff  }
0x2b1: {  	v56 =	vor.u32 $0x1D, v36;
	v52 =	vld.idx.msk [tilespmem:v60+s9+$0x0], $0xffff  }
0x2b2: {  	v63 =	vor.u32 $0x1E, v36;
	v53 =	vld.idx.msk [tilespmem:v61+s9+$0x0], $0xffff  }
0x2b3: {  	vm0 =	veq.s32 v37, $0x0;
	v37 =	vld.idx.msk [tilespmem:v62+s9+$0x0], $0xffff;
	v29 =	vadd.f32 v29, v58;
	v58 =	vimm.f32 $5.656854150e+00  }
0x2b4: {  	v60 =	vld [tilespmem:$0x1FFB0];
	v54 =	vsel vm0, $0x0, v58  }
0x2b5: {  	v55 =	vld.idx.msk [tilespmem:v55+s9+$0x0], $0xffff;
	v29 =	vmul.f32 v29, v54  }
0x2b6: {  	s12 =	sadd.s32 $0x10, s28;
	v56 =	vld.idx.msk [tilespmem:v56+s9+$0x0], $0xffff;
	v39 =	vmul.f32 v39, v54  }
0x2b7: {  	v36 =	vld.idx.msk [tilespmem:v63+s9+$0x0], $0xffff;
	v59 =	vmul.f32 v40, v54;
	[tilespmem:s12+$0x780] =	vst v29  }
0x2b8: {  	v63 =	vadd.f32 v44, v6;
	v62 =	vmul.f32 v42, v54;
	[tilespmem:s12+$0xFFFFF880] =	vst v39  }
0x2b9: {  	v46 =	vadd.f32 v46, v4;
	v61 =	vadd.f32 v45, v60;
	v45 =	vmul.f32 v43, v54;
	[tilespmem:s12+$0xFFFFF980] =	vst v59  }
0x2ba: {  	v6 =	vadd.f32 v47, v7;
	v4 =	vmul.f32 v63, v54;
	[tilespmem:s12+$0xFFFFFA80] =	vst v62  }
0x2bb: {  	v7 =	vadd.f32 v48, v8;
	v0 =	vadd.f32 v0, v10;
	v48 =	vmul.f32 v46, v54;
	[tilespmem:s12+$0xFFFFFB00] =	vst v45  }
0x2bc: {  	v2 =	vadd.f32 v2, v3;
	v6 =	vmul.f32 v6, v54;
	[tilespmem:s12+$0xFFFFFC00] =	vst v4  }
0x2bd: {  	v3 =	vadd.f32 v32, v14;
	v0 =	vmul.f32 v0, v54;
	[tilespmem:s12+$0xFFFFFC80] =	vst v48  }
0x2be: {  	v2 =	vmul.f32 v2, v54;
	[tilespmem:s12+$0xFFFFFD00] =	vst v6  }
0x2bf: {  	v3 =	vmul.f32 v3, v54;
	[tilespmem:s12+$0xFFFFFE80] =	vst v0  }
0x2c0: {  	v8 =	vadd.f32 v49, v9;
	v29 =	vmul.f32 v38, v54;
	[tilespmem:s12+$0xFFFFFF00] =	vst v2  }
0x2c1: {  	v4 =	vmul.f32 v7, v54;
	[tilespmem:s12+$0x80] =	vst v3  }
0x2c2: {  	v7 =	vmul.f32 v8, v54;
	v6 =	vadd.f32 v28, v12;
	[tilespmem:s12+$0xFFFFF900] =	vst v29  }
0x2c3: {  	v0 =	vadd.f32 v1, v15;
	v29 =	vmul.f32 v41, v54;
	[tilespmem:s12+$0xFFFFFD80] =	vst v4  }
0x2c4: {  	v2 =	vadd.f32 v24, v16;
	[tilespmem:s12+$0xFFFFFE00] =	vst v7;
	v6 =	vmul.f32 v6, v54  }
0x2c5: {  	v3 =	vadd.f32 v50, v19;
	v0 =	vmul.f32 v0, v54;
	[tilespmem:s12+$0xFFFFFA00] =	vst v29  }
0x2c6: {  	v4 =	vadd.f32 v30, v13;
	v2 =	vmul.f32 v2, v54;
	[tilespmem:s12+$0xFFFFFF80] =	vst v6  }
0x2c7: {  	v3 =	vmul.f32 v3, v54;
	[tilespmem:s12+$0x100] =	vst v0  }
0x2c8: {  	v29 =	vmul.f32 v61, v54;
	v1 =	vmul.f32 v4, v54;
	v4 =	vadd.f32 v31, v17;
	[tilespmem:s12+$0x180] =	vst v2  }
0x2c9: {  	v0 =	vadd.f32 v51, v5;
	[tilespmem:s12+$0x300] =	vst v3  }
0x2ca: {  	v2 =	vadd.f32 v52, v20;
	[tilespmem:s12+$0xFFFFFB80] =	vst v29;
	v4 =	vmul.f32 v4, v54  }
0x2cb: {  	[tilespmem:s12+$0x0] =	vst v1;
	v1 =	vadd.f32 v33, v18;
	v0 =	vmul.f32 v0, v54  }
0x2cc: {  	v3 =	vadd.f32 v55, v23;
	v2 =	vmul.f32 v2, v54;
	[tilespmem:s12+$0x200] =	vst v4  }
0x2cd: {  	v1 =	vmul.f32 v1, v54;
	v4 =	vadd.f32 v53, v21;
	[tilespmem:s12+$0x380] =	vst v0  }
0x2ce: {  	v3 =	vmul.f32 v3, v54;
	v0 =	vadd.f32 v34, v25;
	[tilespmem:s12+$0x400] =	vst v2  }
0x2cf: {  	[tilespmem:s12+$0x280] =	vst v1;
	v1 =	vadd.f32 v37, v22;
	v4 =	vmul.f32 v4, v54  }
0x2d0: {  	[tilespmem:s12+$0x580] =	vst v3;
	v0 =	vmul.f32 v0, v54  }
0x2d1: {  	v2 =	vadd.f32 v56, v26;
	v1 =	vmul.f32 v1, v54;
	[tilespmem:s12+$0x480] =	vst v4  }
0x2d2: {  	v4 =	vadd.f32 v36, v27;
	[tilespmem:s12+$0x600] =	vst v0;
	v0 =	vmul.f32 v54, v35  }
0x2d3: {  	[tilespmem:s12+$0x500] =	vst v1;
	v1 =	vmul.f32 v2, v54  }
0x2d4: {  	v2 =	vmul.f32 v4, v54;
	[tilespmem:s12+$0xFFFFF800] =	vst v0  }
0x2d5: {  	s13 =	rddreg [dreg:$0xe];
	[tilespmem:s12+$0x680] =	vst v1  }
0x2d6: {  	s17 =	rddreg [dreg:$0xf];
	[tilespmem:s12+$0x700] =	vst v2;
	s12 =	sadd.s32 s25, s13;
	s13 =	simm.s32 $0x4200  }
0x2d7: {  	[hbm4b:s12+s3] =	stream.linear.scatter [tilespmem:s13], [sflag:$0x5], $0x400, $0x38;
	[tilespmem:$0x7B00] =	vst v63  }
0x2d8: {  	s28 =	simm.s32 $0x4600;
	s12 =	sadd.s32 s25, s17;
	s17 =	rddreg [dreg:$0x10]  }
0x2d9: {  	[hbm4b:s12+s3] =	stream.linear.scatter [tilespmem:s28], [sflag:$0x5], $0x400, $0x38;
	[tilespmem:$0x7B00] =	vst v63  }
0x2da: {  	s12 =	sadd.s32 s25, s17;
	s28 =	simm.s32 $0x4A00;
	s17 =	rddreg [dreg:$0x11]  }
0x2db: {  	[hbm4b:s12+s3] =	stream.linear.scatter [tilespmem:s28], [sflag:$0x5], $0x400, $0x38;
	[tilespmem:$0x7B00] =	vst v63  }
0x2dc: {  	s12 =	sadd.s32 s25, s17;
	s28 =	simm.s32 $0x4E00  }
0x2dd: {  	[hbm4b:s12+s3] =	stream.linear.scatter [tilespmem:s28], [sflag:$0x5], $0x400, $0x38;
	[tilespmem:$0x7B00] =	vst v63  }
0x2de: {  	_ =	swait.ge [sflag:s21], $0x1000  }
0x2df: {  	s12 =	rddreg [dreg:$0x9]  }
0x2e0: {  	s7 =	sadd.s32 @!p0 s12, s7  }
0x2e1: {  	s13 =	simm.s32 @!p0 $0x100;
	[sflag:s21] =	ssyncset.done $0x0;
	s7 =	sshrl.u32 @!p0 s7, $0x3  }
0x2e2: {  	[sflag:s21] =	ssyncadd.s32 $0xFFFFF000;
	s12 =	simm.s32 @!p0 $0x0;
	s7 =	sadd.s32 @!p0 s4, s7  }
0x2e3: {  	[tilespmem:s13], [sflag:$0x9] =	stream.linear.gather @!p0 [hbm4b:s7+s12], $0x80, $0x38;
	[tilespmem:$0x7B00] =	vst v63  }
0x2e4: {  	s7 =	simm.s32 @!p0 $0x8  }
0x2e5: {  	s17 =	simm.s32 $0x0;
	_ =	swait.ge @!p0 [sflag:s7], $0x80  }
0x2e6: {  	v0 =	vmov s17;
	[sflag:s7] =	ssyncset.done @!p0 $0x0  }
0x2e7: {  	v0 =	vshll.u32 v0, $0x5;
	s12 =	simm.s32 @!p0 $0x1200;
	[sflag:s7] =	ssyncadd.s32 @!p0 $0xFFFFFF80;
	s7 =	simm.s32 @!p0 $0x80  }
0x2e8: {  	v0 =	vor.u32 v11, v0;
	[tilespmem:s12], [sflag:$0x2] =	stream.indirect.gather @!p0 [hbm4b:s5+s7], $0x20, s7, s7, $0xb8;
	[tilespmem:$0x7B00] =	vst v63  }
0x2e9: {  	v1 =	vor.u32 $0x1C, v0;
	_ =	swait.ge [sflag:s22], $0x1000  }
0x2ea: {  	[sflag:s22] =	ssyncset.done $0x0  }
0x2eb: {  	[sflag:s22] =	ssyncadd.s32 $0xFFFFF000  }
0x2ec: {  	v2 =	vor.u32 $0x1, v0;
	v46 =	vld [tilespmem:s10+$0x6260]  }
0x2ed: {  	v3 =	vor.u32 $0x2, v0;
	v27 =	vld [tilespmem:s10+$0x6270]  }
0x2ee: {  	s25 =	simm.s32 $0x180;
	v4 =	vor.u32 $0x3, v0;
	v35 =	vld.idx.msk [tilespmem:v1+s11+$0x0], $0xffff  }
0x2ef: {  	v5 =	vor.u32 $0x4, v0;
	v1 =	vld [tilespmem:s25+$0x0]  }
0x2f0: {  	v6 =	vor.u32 $0x5, v0;
	v34 =	vld.idx.msk [tilespmem:v0+s11+$0x0], $0xffff  }
0x2f1: {  	v8 =	vor.u32 $0x7, v0;
	v7 =	vld.idx.msk [tilespmem:v2+s11+$0x0], $0xffff  }
0x2f2: {  	v9 =	vor.u32 $0x8, v0;
	v3 =	vld.idx.msk [tilespmem:v3+s11+$0x0], $0xffff  }
0x2f3: {  	v10 =	vor.u32 $0x9, v0;
	v56 =	vld.idx.msk [tilespmem:v4+s11+$0x0], $0xffff  }
0x2f4: {  	v12 =	vor.u32 $0xA, v0;
	v5 =	vld.idx.msk [tilespmem:v5+s11+$0x0], $0xffff  }
0x2f5: {  	v14 =	vor.u32 $0xC, v0;
	v6 =	vld.idx.msk [tilespmem:v6+s11+$0x0], $0xffff  }
0x2f6: {  	v15 =	vor.u32 $0xD, v0;
	v8 =	vld.idx.msk [tilespmem:v8+s11+$0x0], $0xffff  }
0x2f7: {  	v16 =	vor.u32 $0xE, v0;
	v9 =	vld.idx.msk [tilespmem:v9+s11+$0x0], $0xffff  }
0x2f8: {  	v17 =	vor.u32 $0xF, v0;
	v10 =	vld.idx.msk [tilespmem:v10+s11+$0x0], $0xffff  }
0x2f9: {  	v2 =	vor.u32 $0x6, v0;
	v12 =	vld.idx.msk [tilespmem:v12+s11+$0x0], $0xffff  }
0x2fa: {  	v19 =	vor.u32 $0x11, v0;
	v14 =	vld.idx.msk [tilespmem:v14+s11+$0x0], $0xffff  }
0x2fb: {  	v20 =	vor.u32 $0x12, v0;
	v15 =	vld.idx.msk [tilespmem:v15+s11+$0x0], $0xffff  }
0x2fc: {  	v21 =	vor.u32 $0x13, v0;
	v16 =	vld.idx.msk [tilespmem:v16+s11+$0x0], $0xffff  }
0x2fd: {  	v22 =	vor.u32 $0x1F, v0;
	v17 =	vld.idx.msk [tilespmem:v17+s11+$0x0], $0xffff  }
0x2fe: {  	v13 =	vld.idx.msk [tilespmem:v2+s11+$0x0], $0xffff;
	v2 =	vor.u32 $0xB, v0  }
0x2ff: {  	v24 =	vor.u32 $0x15, v0;
	v19 =	vld.idx.msk [tilespmem:v19+s11+$0x0], $0xffff  }
0x300: {  	v28 =	vor.u32 $0x18, v0;
	v20 =	vld.idx.msk [tilespmem:v20+s11+$0x0], $0xffff  }
0x301: {  	v30 =	vor.u32 $0x19, v0;
	v21 =	vld.idx.msk [tilespmem:v21+s11+$0x0], $0xffff  }
0x302: {  	v31 =	vor.u32 $0x1A, v0;
	v22 =	vld.idx.msk [tilespmem:v22+s11+$0x0], $0xffff  }
0x303: {  	v18 =	vld.idx.msk [tilespmem:v2+s11+$0x0], $0xffff;
	v2 =	vor.u32 $0x10, v0  }
0x304: {  	v25 =	vor.u32 $0x16, v0;
	v37 =	vld.idx.msk [tilespmem:v24+s11+$0x0], $0xffff  }
0x305: {  	v26 =	vor.u32 $0x17, v0;
	v38 =	vld.idx.msk [tilespmem:v28+s11+$0x0], $0xffff  }
0x306: {  	v57 =	vor.u32 $0x1B, v0;
	v39 =	vld.idx.msk [tilespmem:v30+s11+$0x0], $0xffff  }
0x307: {  	v59 =	vor.u32 $0x1D, v0;
	v40 =	vld.idx.msk [tilespmem:v31+s11+$0x0], $0xffff;
	v28 =	vbroadcast v46, $0x1  }
0x308: {  	v30 =	vbroadcast v46, $0x3;
	v31 =	vbroadcast v46, $0x4;
	v23 =	vld.idx.msk [tilespmem:v2+s11+$0x0], $0xffff;
	v2 =	vor.u32 $0x14, v0  }
0x309: {  	v25 =	vld.idx.msk [tilespmem:v25+s11+$0x0], $0xffff;
	vm15 =	veq.s32 v1, $0x0;
	v7 =	vadd.f32 v7, v28;
	v0 =	vor.u32 $0x1E, v0  }
0x30a: {  	v26 =	vld.idx.msk [tilespmem:v26+s11+$0x0], $0xffff;
	v41 =	vsel vm15, $0x0, v58;
	v60 =	vadd.f32 v5, v31  }
0x30b: {  	v42 =	vld.idx.msk [tilespmem:v57+s11+$0x0], $0xffff;
	v33 =	vbroadcast v46, $0x6;
	v44 =	vadd.f32 v56, v30;
	v7 =	vmul.f32 v7, v41  }
0x30c: {  	v43 =	vld.idx.msk [tilespmem:v59+s11+$0x0], $0xffff;
	v45 =	vmul.f32 v60, v41;
	v60 =	vbroadcast v27, $0x5  }
0x30d: {  	s7 =	simm.s32 $0x6180;
	v44 =	vmul.f32 v44, v41;
	v13 =	vadd.f32 v13, v33;
	v36 =	vld.idx.msk [tilespmem:v2+s11+$0x0], $0xffff  }
0x30e: {  	v29 =	vbroadcast v46, $0x2;
	v37 =	vadd.f32 v37, v60;
	v2 =	vbroadcast v27, $0xF;
	v0 =	vld.idx.msk [tilespmem:v0+s11+$0x0], $0xffff;
	[tilespmem:s7+$0xFFFFF100] =	vst v7  }
0x30f: {  	v61 =	vbroadcast v46, $0x9;
	v13 =	vmul.f32 v13, v41;
	[tilespmem:s7+$0xFFFFF200] =	vst v44  }
0x310: {  	v24 =	vbroadcast v46, $0x0;
	v48 =	vmul.f32 v37, v41;
	[tilespmem:s7+$0xFFFFF280] =	vst v45;
	v1 =	vadd.f32 v22, v2  }
0x311: {  	v53 =	vadd.f32 v10, v61;
	v7 =	vmovc v61;
	[tilespmem:s7+$0xFFFFF380] =	vst v13;
	v61 =	vbroadcast v27, $0x6;
	v22 =	vadd.f32 v3, v29  }
0x312: {  	v32 =	vbroadcast v46, $0x5;
	[tilespmem:s7+$0xFFFFFB00] =	vst v48;
	v1 =	vmul.f32 v1, v41  }
0x313: {  	[tilespmem:$0x1FF80] =	vst v2;
	v2 =	vbroadcast v46, $0x7;
	v25 =	vadd.f32 v25, v61;
	v22 =	vmul.f32 v22, v41  }
0x314: {  	v62 =	vbroadcast v46, $0xA;
	v52 =	vbroadcast v46, $0xC;
	[tilespmem:s7+$0x0] =	vst v1;
	v1 =	vadd.f32 v6, v32  }
0x315: {  	v3 =	vbroadcast v46, $0x8;
	v50 =	vmul.f32 v25, v41;
	[tilespmem:s7+$0xFFFFF180] =	vst v22;
	v22 =	vadd.f32 v8, v2  }
0x316: {  	[tilespmem:$0x1FF90] =	vst v2;
	v2 =	vbroadcast v46, $0xB;
	v1 =	vmul.f32 v1, v41  }
0x317: {  	v54 =	vbroadcast v46, $0xD;
	v63 =	vadd.f32 v9, v3;
	[tilespmem:s7+$0xFFFFFB80] =	vst v50;
	v22 =	vmul.f32 v22, v41  }
0x318: {  	v58 =	vbroadcast v27, $0x2;
	v13 =	vadd.f32 v18, v2;
	v18 =	vmul.f32 v53, v41;
	[tilespmem:s7+$0xFFFFF300] =	vst v1  }
0x319: {  	v14 =	vadd.f32 v14, v52;
	v1 =	vadd.f32 v12, v62;
	v12 =	vmul.f32 v63, v41;
	[tilespmem:s7+$0xFFFFF400] =	vst v22  }
0x31a: {  	v55 =	vbroadcast v46, $0xE;
	v20 =	vadd.f32 v20, v58;
	v22 =	vmul.f32 v13, v41;
	[tilespmem:s7+$0xFFFFF500] =	vst v18  }
0x31b: {  	v57 =	vbroadcast v27, $0x1;
	v18 =	vmul.f32 v14, v41;
	[tilespmem:s7+$0xFFFFF480] =	vst v12  }
0x31c: {  	v4 =	vmovc v62;
	v56 =	vbroadcast v27, $0x0;
	v16 =	vadd.f32 v16, v55;
	v62 =	vmul.f32 v20, v41;
	[tilespmem:s7+$0xFFFFF600] =	vst v22  }
0x31d: {  	v15 =	vadd.f32 v15, v54;
	v8 =	vmovc v2;
	v2 =	vbroadcast v46, $0xF;
	v1 =	vmul.f32 v1, v41;
	[tilespmem:s7+$0xFFFFF680] =	vst v18  }
0x31e: {  	v59 =	vbroadcast v27, $0x4;
	v22 =	vadd.f32 v23, v56;
	v23 =	vmul.f32 v16, v41;
	[tilespmem:s7+$0xFFFFF980] =	vst v62  }
0x31f: {  	v20 =	vbroadcast v27, $0x8;
	[tilespmem:s7+$0xFFFFF580] =	vst v1;
	v1 =	vadd.f32 v17, v2;
	v17 =	vmul.f32 v15, v41  }
0x320: {  	v19 =	vadd.f32 v19, v57;
	v12 =	vmovc v2;
	v2 =	vbroadcast v27, $0x3;
	v22 =	vmul.f32 v22, v41;
	[tilespmem:s7+$0xFFFFF780] =	vst v23  }
0x321: {  	v25 =	vbroadcast v27, $0xC;
	v49 =	vadd.f32 v38, v20;
	v1 =	vmul.f32 v1, v41;
	[tilespmem:s7+$0xFFFFF700] =	vst v17  }
0x322: {  	v23 =	vmul.f32 v19, v41;
	v16 =	vmovc v2;
	v21 =	vadd.f32 v21, v2;
	v2 =	vbroadcast v27, $0x7;
	[tilespmem:s7+$0xFFFFF880] =	vst v22  }
0x323: {  	v37 =	vmul.f32 v49, v41;
	v22 =	vbroadcast v27, $0xA;
	[tilespmem:s7+$0xFFFFF800] =	vst v1;
	v1 =	vadd.f32 v36, v59  }
0x324: {  	[tilespmem:s7+$0xFFFFF900] =	vst v23;
	v23 =	vbroadcast v27, $0xB;
	v63 =	vmul.f32 v21, v41;
	v26 =	vadd.f32 v26, v2  }
0x325: {  	v9 =	vmovc v52;
	[tilespmem:s7+$0xFFFFFC80] =	vst v37;
	v21 =	vbroadcast v27, $0x9;
	v52 =	vadd.f32 v40, v22;
	v1 =	vmul.f32 v1, v41  }
0x326: {  	s28 =	simm.s32 $0x10;
	v10 =	vmovc v54;
	v53 =	vadd.f32 v42, v23;
	[tilespmem:s7+$0xFFFFFA00] =	vst v63;
	v51 =	vmul.f32 v26, v41;
	v26 =	vbroadcast v27, $0xD  }
0x327: {  	v6 =	vmovc v3;
	v3 =	vmovc v55;
	v55 =	vmov s28;
	v54 =	vmul.f32 v52, v41;
	[tilespmem:s7+$0xFFFFFA80] =	vst v1;
	v1 =	vadd.f32 v39, v21  }
0x328: {  	v13 =	vmovc v56;
	v27 =	vbroadcast v27, $0xE;
	v38 =	vmul.f32 v53, v41;
	[tilespmem:s7+$0xFFFFFC00] =	vst v51;
	v56 =	vadd.f32 v43, v26  }
0x329: {  	v35 =	vadd.f32 v35, v25;
	v14 =	vmovc v57;
	v36 =	vshll.u32 v55, $0x5;
	[tilespmem:s7+$0xFFFFFD80] =	vst v54;
	v1 =	vmul.f32 v1, v41  }
0x32a: {  	v36 =	vor.u32 v11, v36;
	v0 =	vadd.f32 v0, v27;
	[tilespmem:s7+$0xFFFFFE00] =	vst v38;
	v57 =	vmul.f32 v56, v41  }
0x32b: {  	v34 =	vadd.f32 v34, v24;
	v15 =	vmovc v58;
	v58 =	vor.u32 $0x1C, v36;
	[tilespmem:s7+$0xFFFFFD00] =	vst v1;
	v1 =	vmul.f32 v35, v41  }
0x32c: {  	v0 =	vmul.f32 v0, v41;
	[tilespmem:s7+$0xFFFFFF00] =	vst v57  }
0x32d: {  	[tilespmem:s7+$0xFFFFFE80] =	vst v1;
	v1 =	vmul.f32 v41, v34  }
0x32e: {  	v17 =	vmov v59;
	v59 =	vor.u32 $0x1, v36;
	[tilespmem:s7+$0xFFFFFF80] =	vst v0  }
0x32f: {  	v0 =	vor.u32 $0x2, v36;
	[tilespmem:s7+$0xFFFFF080] =	vst v1  }
0x330: {  	s10 =	simm.s32 $0x190;
	v18 =	vmov v60;
	v60 =	vor.u32 $0x4, v36;
	v34 =	vld.idx.msk [tilespmem:v58+s11+$0x0], $0xffff  }
0x331: {  	v19 =	vmov v61;
	v61 =	vor.u32 $0x5, v36;
	v37 =	vld [tilespmem:s10+$0x0]  }
0x332: {  	v62 =	vor.u32 $0x6, v36;
	v39 =	vld.idx.msk [tilespmem:v36+s11+$0x0], $0xffff  }
0x333: {  	v63 =	vor.u32 $0x7, v36;
	v41 =	vld.idx.msk [tilespmem:v59+s11+$0x0], $0xffff  }
0x334: {  	v1 =	vor.u32 $0x3, v36;
	v0 =	vld.idx.msk [tilespmem:v0+s11+$0x0], $0xffff  }
0x335: {  	v57 =	vor.u32 $0x8, v36;
	v58 =	vld.idx.msk [tilespmem:v60+s11+$0x0], $0xffff  }
0x336: {  	v59 =	vor.u32 $0x9, v36;
	v40 =	vld.idx.msk [tilespmem:v61+s11+$0x0], $0xffff  }
0x337: {  	v60 =	vor.u32 $0xA, v36;
	v61 =	vld.idx.msk [tilespmem:v62+s11+$0x0], $0xffff  }
0x338: {  	v62 =	vor.u32 $0xB, v36;
	v45 =	vld.idx.msk [tilespmem:v63+s11+$0x0], $0xffff  }
0x339: {  	v63 =	vor.u32 $0xC, v36;
	v1 =	vld.idx.msk [tilespmem:v1+s11+$0x0], $0xffff  }
0x33a: {  	v44 =	vld.idx.msk [tilespmem:v57+s11+$0x0], $0xffff  }
0x33b: {  	v50 =	vor.u32 $0xD, v36;
	v52 =	vor.u32 $0xF, v36;
	v35 =	vadd.f32 v39, v24;
	v46 =	vld.idx.msk [tilespmem:v59+s11+$0x0], $0xffff  }
0x33c: {  	v53 =	vor.u32 $0x10, v36;
	v39 =	vadd.f32 v41, v28;
	v38 =	vadd.f32 v0, v29;
	v47 =	vld.idx.msk [tilespmem:v60+s11+$0x0], $0xffff  }
0x33d: {  	v51 =	vor.u32 $0xE, v36;
	v42 =	vadd.f32 v58, v31;
	v48 =	vld.idx.msk [tilespmem:v62+s11+$0x0], $0xffff;
	v40 =	vadd.f32 v40, v32  }
0x33e: {  	s12 =	simm.s32 $0x20;
	v5 =	vmovc v2;
	v54 =	vor.u32 $0x11, v36;
	v49 =	vld.idx.msk [tilespmem:v63+s11+$0x0], $0xffff;
	v43 =	vadd.f32 v61, v33;
	v41 =	vadd.f32 v1, v30  }
.LBB2_11:
0x33f: {  	_ = 	snop  }
0x340: {  	v0 =	vld.idx.msk [tilespmem:v50+s11+$0x0], $0xffff  }
0x341: {  	v1 =	vor.u32 $0x12, v36;
	v2 =	vld [tilespmem:$0x1FF90]  }
0x342: {  	v50 =	vld.idx.msk [tilespmem:v51+s11+$0x0], $0xffff;
	v63 =	vor.u32 $0x13, v36  }
0x343: {  	v52 =	vld.idx.msk [tilespmem:v52+s11+$0x0], $0xffff;
	v55 =	vor.u32 $0x1F, v36  }
0x344: {  	v53 =	vld.idx.msk [tilespmem:v53+s11+$0x0], $0xffff;
	v61 =	vor.u32 $0x19, v36  }
0x345: {  	v54 =	vld.idx.msk [tilespmem:v54+s11+$0x0], $0xffff  }
0x346: {  	v56 =	vor.u32 $0x14, v36;
	v1 =	vld.idx.msk [tilespmem:v1+s11+$0x0], $0xffff  }
0x347: {  	v57 =	vor.u32 $0x15, v36;
	v51 =	vld.idx.msk [tilespmem:v63+s11+$0x0], $0xffff  }
0x348: {  	v58 =	vor.u32 $0x16, v36;
	v55 =	vld.idx.msk [tilespmem:v55+s11+$0x0], $0xffff  }
0x349: {  	v59 =	vor.u32 $0x17, v36;
	vm0 =	veq.s32 v37, $0x0;
	v37 =	vld.idx.msk [tilespmem:v61+s11+$0x0], $0xffff  }
0x34a: {  	v60 =	vor.u32 $0x18, v36;
	v61 =	vld [tilespmem:$0x1FF80]  }
0x34b: {  	v62 =	vor.u32 $0x1A, v36;
	v56 =	vld.idx.msk [tilespmem:v56+s11+$0x0], $0xffff  }
0x34c: {  	v57 =	vld.idx.msk [tilespmem:v57+s11+$0x0], $0xffff;
	v63 =	vor.u32 $0x1B, v36  }
0x34d: {  	v45 =	vadd.f32 v45, v2;
	v58 =	vld.idx.msk [tilespmem:v58+s11+$0x0], $0xffff;
	v2 =	vor.u32 $0x1D, v36  }
0x34e: {  	v59 =	vld.idx.msk [tilespmem:v59+s11+$0x0], $0xffff;
	v36 =	vor.u32 $0x1E, v36  }
0x34f: {  	v60 =	vld.idx.msk [tilespmem:v60+s11+$0x0], $0xffff;
	v55 =	vadd.f32 v55, v61;
	v61 =	vimm.f32 $5.656854150e+00  }
0x350: {  	v62 =	vld.idx.msk [tilespmem:v62+s11+$0x0], $0xffff;
	v61 =	vsel vm0, $0x0, v61  }
0x351: {  	v63 =	vld.idx.msk [tilespmem:v63+s11+$0x0], $0xffff;
	v55 =	vmul.f32 v55, v61  }
0x352: {  	s7 =	sadd.s32 $0x10, s7;
	v2 =	vld.idx.msk [tilespmem:v2+s11+$0x0], $0xffff;
	v39 =	vmul.f32 v39, v61  }
0x353: {  	v36 =	vld.idx.msk [tilespmem:v36+s11+$0x0], $0xffff;
	v38 =	vmul.f32 v38, v61;
	[tilespmem:s7+$0x0] =	vst v55  }
0x354: {  	v44 =	vadd.f32 v44, v6;
	v41 =	vmul.f32 v41, v61;
	[tilespmem:s7+$0xFFFFF100] =	vst v39  }
0x355: {  	v0 =	vadd.f32 v0, v10;
	v42 =	vmul.f32 v42, v61;
	[tilespmem:s7+$0xFFFFF180] =	vst v38  }
0x356: {  	v1 =	vadd.f32 v1, v15;
	v44 =	vmul.f32 v44, v61;
	[tilespmem:s7+$0xFFFFF200] =	vst v41  }
0x357: {  	v37 =	vadd.f32 v37, v21;
	v0 =	vmul.f32 v0, v61;
	[tilespmem:s7+$0xFFFFF280] =	vst v42  }
0x358: {  	v34 =	vadd.f32 v34, v25;
	v1 =	vmul.f32 v1, v61;
	[tilespmem:s7+$0xFFFFF480] =	vst v44  }
0x359: {  	v37 =	vmul.f32 v37, v61;
	[tilespmem:s7+$0xFFFFF700] =	vst v0  }
0x35a: {  	v34 =	vmul.f32 v34, v61;
	[tilespmem:s7+$0xFFFFF980] =	vst v1  }
0x35b: {  	v35 =	vmul.f32 v61, v35;
	[tilespmem:s7+$0xFFFFFD00] =	vst v37  }
0x35c: {  	v39 =	vmul.f32 v40, v61;
	[tilespmem:s7+$0xFFFFFE80] =	vst v34  }
0x35d: {  	v46 =	vadd.f32 v46, v7;
	v55 =	vmul.f32 v43, v61;
	[tilespmem:s7+$0xFFFFF080] =	vst v35  }
0x35e: {  	v47 =	vadd.f32 v47, v4;
	v43 =	vadd.f32 v60, v20;
	v60 =	vmul.f32 v45, v61;
	[tilespmem:s7+$0xFFFFF300] =	vst v39  }
0x35f: {  	v48 =	vadd.f32 v48, v8;
	v41 =	vmul.f32 v46, v61;
	[tilespmem:s7+$0xFFFFF380] =	vst v55  }
0x360: {  	v49 =	vadd.f32 v49, v9;
	v45 =	vmul.f32 v47, v61;
	[tilespmem:s7+$0xFFFFF400] =	vst v60  }
0x361: {  	v52 =	vadd.f32 v52, v12;
	v42 =	vmul.f32 v48, v61;
	[tilespmem:s7+$0xFFFFF500] =	vst v41  }
0x362: {  	v53 =	vadd.f32 v53, v13;
	v47 =	vmul.f32 v49, v61;
	[tilespmem:s7+$0xFFFFF580] =	vst v45  }
0x363: {  	v54 =	vadd.f32 v54, v14;
	v40 =	vmul.f32 v52, v61;
	[tilespmem:s7+$0xFFFFF600] =	vst v42  }
0x364: {  	v57 =	vadd.f32 v57, v18;
	v49 =	vmul.f32 v53, v61;
	[tilespmem:s7+$0xFFFFF680] =	vst v47  }
0x365: {  	v59 =	vadd.f32 v59, v5;
	v38 =	vmul.f32 v54, v61;
	[tilespmem:s7+$0xFFFFF800] =	vst v40  }
0x366: {  	v58 =	vadd.f32 v58, v19;
	v46 =	vadd.f32 v62, v22;
	v62 =	vmul.f32 v57, v61;
	[tilespmem:s7+$0xFFFFF880] =	vst v49  }
0x367: {  	v50 =	vadd.f32 v50, v3;
	v52 =	vmul.f32 v59, v61;
	[tilespmem:s7+$0xFFFFF900] =	vst v38  }
0x368: {  	v51 =	vadd.f32 v51, v16;
	v48 =	vadd.f32 v63, v23;
	v63 =	vmul.f32 v58, v61;
	[tilespmem:s7+$0xFFFFFB00] =	vst v62  }
0x369: {  	v56 =	vadd.f32 v56, v17;
	v39 =	vmul.f32 v50, v61;
	[tilespmem:s7+$0xFFFFFC00] =	vst v52  }
0x36a: {  	v55 =	vmul.f32 v51, v61;
	[tilespmem:s7+$0xFFFFFB80] =	vst v63  }
0x36b: {  	v60 =	vmul.f32 v56, v61;
	[tilespmem:s7+$0xFFFFF780] =	vst v39  }
0x36c: {  	v1 =	vmov s12;
	v43 =	vmul.f32 v43, v61;
	[tilespmem:s7+$0xFFFFFA00] =	vst v55  }
0x36d: {  	v2 =	vadd.f32 v2, v26;
	v36 =	vadd.f32 v36, v27;
	v53 =	vmul.f32 v46, v61;
	[tilespmem:s7+$0xFFFFFA80] =	vst v60  }
0x36e: {  	v1 =	vshll.u32 v1, $0x5;
	v54 =	vmul.f32 v48, v61;
	[tilespmem:s7+$0xFFFFFC80] =	vst v43  }
0x36f: {  	v0 =	vmul.f32 v2, v61;
	v2 =	vmul.f32 v36, v61;
	v36 =	vor.u32 v11, v1;
	[tilespmem:s7+$0xFFFFFD80] =	vst v53  }
0x370: {  	v1 =	vor.u32 $0x1C, v36;
	[tilespmem:s7+$0xFFFFFE00] =	vst v54  }
0x371: {  	v55 =	vor.u32 $0x3, v36;
	[tilespmem:s7+$0xFFFFFF00] =	vst v0  }
0x372: {  	s10 =	sadd.s32 $0x10, s10;
	v56 =	vor.u32 $0x5, v36;
	[tilespmem:s7+$0xFFFFFF80] =	vst v2  }
0x373: {  	v57 =	vor.u32 $0x6, v36;
	v37 =	vld [tilespmem:s10+$0x0]  }
0x374: {  	v58 =	vor.u32 $0x7, v36;
	v38 =	vld.idx.msk [tilespmem:v36+s11+$0x0], $0xffff  }
0x375: {  	v0 =	vor.u32 $0x1, v36;
	v34 =	vld.idx.msk [tilespmem:v1+s11+$0x0], $0xffff  }
0x376: {  	v2 =	vor.u32 $0x2, v36;
	v42 =	vld.idx.msk [tilespmem:v55+s11+$0x0], $0xffff  }
0x377: {  	v1 =	vor.u32 $0x4, v36;
	v49 =	vld.idx.msk [tilespmem:v56+s11+$0x0], $0xffff  }
0x378: {  	v59 =	vor.u32 $0x8, v36;
	v55 =	vld.idx.msk [tilespmem:v57+s11+$0x0], $0xffff  }
0x379: {  	v60 =	vor.u32 $0x9, v36;
	v45 =	vld.idx.msk [tilespmem:v58+s11+$0x0], $0xffff  }
0x37a: {  	v61 =	vor.u32 $0xA, v36;
	v0 =	vld.idx.msk [tilespmem:v0+s11+$0x0], $0xffff  }
0x37b: {  	v62 =	vor.u32 $0xB, v36;
	v2 =	vld.idx.msk [tilespmem:v2+s11+$0x0], $0xffff  }
0x37c: {  	p0 =	sne.s32 s12, $0x70;
	v63 =	vor.u32 $0xC, v36;
	v1 =	vld.idx.msk [tilespmem:v1+s11+$0x0], $0xffff  }
.Ltmp4:
0x37d: {  	v44 =	vld.idx.msk [tilespmem:v59+s11+$0x0], $0xffff;
	(pc) =	sbr.rel @p0 .LBB2_11-.Ltmp4, $4  }
0x37e: {  	v50 =	vor.u32 $0xD, v36;
	v51 =	vor.u32 $0xE, v36;
	v46 =	vld.idx.msk [tilespmem:v60+s11+$0x0], $0xffff;
	v35 =	vadd.f32 v38, v24  }
0x37f: {  	v52 =	vor.u32 $0xF, v36;
	v47 =	vld.idx.msk [tilespmem:v61+s11+$0x0], $0xffff;
	v41 =	vadd.f32 v42, v30;
	v40 =	vadd.f32 v49, v32  }
0x380: {  	v53 =	vor.u32 $0x10, v36;
	v48 =	vld.idx.msk [tilespmem:v62+s11+$0x0], $0xffff;
	v43 =	vadd.f32 v55, v33;
	v39 =	vadd.f32 v0, v28  }
0x381: {  	s12 =	sadd.s32 $0x10, s12;
	v54 =	vor.u32 $0x11, v36;
	v49 =	vld.idx.msk [tilespmem:v63+s11+$0x0], $0xffff;
	v38 =	vadd.f32 v2, v29;
	v42 =	vadd.f32 v1, v31  }
0x382: {  	_ =	sdelay $0x3  }
0x383: {  	v0 =	vld.idx.msk [tilespmem:v50+s11+$0x0], $0xffff;
	v1 =	vor.u32 $0x12, v36  }
0x384: {  	v2 =	vld.idx.msk [tilespmem:v51+s11+$0x0], $0xffff;
	v24 =	vor.u32 $0x13, v36  }
0x385: {  	v28 =	vld.idx.msk [tilespmem:v52+s11+$0x0], $0xffff;
	v29 =	vor.u32 $0x1F, v36  }
0x386: {  	v30 =	vld.idx.msk [tilespmem:v53+s11+$0x0], $0xffff;
	v31 =	vor.u32 $0x14, v36  }
0x387: {  	v32 =	vld.idx.msk [tilespmem:v54+s11+$0x0], $0xffff;
	v33 =	vor.u32 $0x15, v36  }
0x388: {  	v61 =	vor.u32 $0x16, v36;
	v1 =	vld.idx.msk [tilespmem:v1+s11+$0x0], $0xffff  }
0x389: {  	v62 =	vor.u32 $0x17, v36;
	v24 =	vld.idx.msk [tilespmem:v24+s11+$0x0], $0xffff  }
0x38a: {  	v63 =	vor.u32 $0x18, v36;
	v29 =	vld.idx.msk [tilespmem:v29+s11+$0x0], $0xffff  }
0x38b: {  	v57 =	vmov v11;
	v11 =	vor.u32 $0x19, v36;
	v31 =	vld.idx.msk [tilespmem:v31+s11+$0x0], $0xffff  }
0x38c: {  	v60 =	vor.u32 $0x1A, v36;
	v33 =	vld.idx.msk [tilespmem:v33+s11+$0x0], $0xffff  }
0x38d: {  	v55 =	vor.u32 $0x1B, v36;
	v50 =	vld.idx.msk [tilespmem:v61+s11+$0x0], $0xffff  }
0x38e: {  	v56 =	vor.u32 $0x1D, v36;
	v51 =	vld.idx.msk [tilespmem:v62+s11+$0x0], $0xffff  }
0x38f: {  	v52 =	vld.idx.msk [tilespmem:v63+s11+$0x0], $0xffff;
	v61 =	vor.u32 $0x1E, v36  }
0x390: {  	vm0 =	veq.s32 v37, $0x0;
	v53 =	vld.idx.msk [tilespmem:v11+s11+$0x0], $0xffff;
	v63 =	vimm.f32 $5.656854150e+00  }
0x391: {  	v37 =	vld.idx.msk [tilespmem:v60+s11+$0x0], $0xffff;
	v54 =	vsel vm0, $0x0, v63  }
0x392: {  	v55 =	vld.idx.msk [tilespmem:v55+s11+$0x0], $0xffff;
	v39 =	vmul.f32 v39, v54  }
0x393: {  	s7 =	sadd.s32 $0x10, s7;
	v56 =	vld.idx.msk [tilespmem:v56+s11+$0x0], $0xffff;
	v11 =	vmul.f32 v38, v54  }
0x394: {  	v41 =	vmul.f32 v41, v54;
	v36 =	vld.idx.msk [tilespmem:v61+s11+$0x0], $0xffff;
	[tilespmem:s7+$0xFFFFF100] =	vst v39  }
0x395: {  	v63 =	vadd.f32 v46, v7;
	v46 =	vadd.f32 v48, v8;
	v58 =	vmul.f32 v42, v54;
	[tilespmem:s7+$0xFFFFF180] =	vst v11  }
0x396: {  	v62 =	vld [tilespmem:$0x1FF80];
	v0 =	vadd.f32 v0, v10;
	v60 =	vmul.f32 v40, v54;
	[tilespmem:s7+$0xFFFFF200] =	vst v41  }
0x397: {  	v2 =	vadd.f32 v2, v3;
	v48 =	vadd.f32 v49, v9;
	v49 =	vmul.f32 v46, v54;
	[tilespmem:s7+$0xFFFFF280] =	vst v58  }
0x398: {  	v59 =	vld [tilespmem:$0x1FF90];
	v3 =	vadd.f32 v32, v14;
	v0 =	vmul.f32 v0, v54;
	[tilespmem:s7+$0xFFFFF300] =	vst v60  }
0x399: {  	v2 =	vmul.f32 v2, v54;
	[tilespmem:s7+$0xFFFFF600] =	vst v49  }
0x39a: {  	v3 =	vmul.f32 v3, v54;
	[tilespmem:s7+$0xFFFFF700] =	vst v0  }
0x39b: {  	v29 =	vadd.f32 v29, v62;
	v62 =	vmul.f32 v43, v54;
	[tilespmem:s7+$0xFFFFF780] =	vst v2  }
0x39c: {  	v61 =	vadd.f32 v44, v6;
	v44 =	vadd.f32 v47, v4;
	v47 =	vmul.f32 v63, v54;
	[tilespmem:s7+$0xFFFFF900] =	vst v3  }
0x39d: {  	v11 =	vadd.f32 v45, v59;
	v58 =	vmul.f32 v48, v54;
	[tilespmem:s7+$0xFFFFF380] =	vst v62  }
0x39e: {  	v29 =	vmul.f32 v29, v54;
	[tilespmem:s7+$0xFFFFF500] =	vst v47  }
0x39f: {  	v11 =	vmul.f32 v11, v54;
	[tilespmem:s7+$0xFFFFF680] =	vst v58  }
0x3a0: {  	v60 =	vadd.f32 v30, v13;
	v45 =	vmul.f32 v61, v54;
	[tilespmem:s7+$0x0] =	vst v29  }
0x3a1: {  	v0 =	vadd.f32 v1, v15;
	v6 =	vmul.f32 v44, v54;
	[tilespmem:s7+$0xFFFFF400] =	vst v11  }
0x3a2: {  	v2 =	vadd.f32 v24, v16;
	v1 =	vmul.f32 v60, v54;
	[tilespmem:s7+$0xFFFFF480] =	vst v45  }
0x3a3: {  	v3 =	vadd.f32 v50, v19;
	v0 =	vmul.f32 v0, v54;
	[tilespmem:s7+$0xFFFFF580] =	vst v6  }
0x3a4: {  	v59 =	vadd.f32 v28, v12;
	v2 =	vmul.f32 v2, v54;
	[tilespmem:s7+$0xFFFFF880] =	vst v1  }
0x3a5: {  	v61 =	vadd.f32 v31, v17;
	v3 =	vmul.f32 v3, v54;
	[tilespmem:s7+$0xFFFFF980] =	vst v0  }
0x3a6: {  	v6 =	vmul.f32 v59, v54;
	v1 =	vadd.f32 v33, v18;
	[tilespmem:s7+$0xFFFFFA00] =	vst v2  }
0x3a7: {  	v4 =	vmul.f32 v61, v54;
	v0 =	vadd.f32 v51, v5;
	[tilespmem:s7+$0xFFFFFB80] =	vst v3  }
0x3a8: {  	v2 =	vadd.f32 v52, v20;
	[tilespmem:s7+$0xFFFFF800] =	vst v6;
	v1 =	vmul.f32 v1, v54  }
0x3a9: {  	v62 =	vadd.f32 v53, v21;
	[tilespmem:s7+$0xFFFFFA80] =	vst v4;
	v0 =	vmul.f32 v0, v54  }
0x3aa: {  	v3 =	vadd.f32 v55, v23;
	v2 =	vmul.f32 v2, v54;
	[tilespmem:s7+$0xFFFFFB00] =	vst v1  }
0x3ab: {  	v4 =	vmul.f32 v62, v54;
	v1 =	vadd.f32 v37, v22;
	[tilespmem:s7+$0xFFFFFC00] =	vst v0  }
0x3ac: {  	v3 =	vmul.f32 v3, v54;
	v0 =	vadd.f32 v34, v25;
	[tilespmem:s7+$0xFFFFFC80] =	vst v2  }
0x3ad: {  	v2 =	vadd.f32 v56, v26;
	[tilespmem:s7+$0xFFFFFD00] =	vst v4;
	v1 =	vmul.f32 v1, v54  }
0x3ae: {  	v63 =	vadd.f32 v36, v27;
	[tilespmem:s7+$0xFFFFFE00] =	vst v3;
	v0 =	vmul.f32 v0, v54  }
0x3af: {  	[tilespmem:s7+$0xFFFFFD80] =	vst v1;
	v1 =	vmul.f32 v2, v54  }
0x3b0: {  	v2 =	vmul.f32 v63, v54;
	[tilespmem:s7+$0xFFFFFE80] =	vst v0  }
0x3b1: {  	s10 =	sshll.u32 s26, $0xE;
	v0 =	vmul.f32 v54, v35;
	[tilespmem:s7+$0xFFFFFF00] =	vst v1  }
0x3b2: {  	s13 =	smov.u32 s18;
	s10 =	sor.u32 s8, s10;
	[tilespmem:s7+$0xFFFFFF80] =	vst v2  }
0x3b3: {  	s12 =	simm.s32 $0x5200;
	s24 =	sadd.s32 $0x1, s24;
	s18 =	sadd.s32 s18, s10;
	[tilespmem:s7+$0xFFFFF080] =	vst v0  }
0x3b4: {  	[hbm4b:s18+s3] =	stream.linear.scatter [tilespmem:s12], [sflag:$0x6], $0x400, $0x38;
	[tilespmem:$0x7B00] =	vst v63  }
0x3b5: {  	s26 =	simm.s32 $0x5600;
	p0 =	sne.s32 s24, $0x32;
	s25 =	sadd.s32 s10, s14  }
0x3b6: {  	[hbm4b:s25+s3] =	stream.linear.scatter [tilespmem:s26], [sflag:$0x6], $0x400, $0x38;
	[tilespmem:$0x7B00] =	vst v63  }
.Ltmp5:
0x3b7: {  	_ = 	snop;
	(pc) =	sbr.rel @p0 .LBB2_4-.Ltmp5, $4  }
0x3b8: {  	s17 =	sadd.s32 s10, s15;
	s18 =	simm.s32 $0x5A00  }
0x3b9: {  	[hbm4b:s17+s3] =	stream.linear.scatter [tilespmem:s18], [sflag:$0x6], $0x400, $0x38;
	[tilespmem:$0x7B00] =	vst v63  }
0x3ba: {  	s28 =	simm.s32 $0x180;
	s25 =	sadd.s32 s10, s16;
	s26 =	simm.s32 $0x5E00  }
0x3bb: {  	v0 =	vimm.f32 $5.656854150e+00;
	[hbm4b:s25+s3] =	stream.linear.scatter [tilespmem:s26], [sflag:$0x6], $0x400, $0x38;
	[tilespmem:$0x7B00] =	vst v63  }
0x3bc: {  	_ =	swait.ge [sflag:s20], $0x1000  }
0x3bd: {  	[sflag:s20] =	ssyncset.done $0x0  }
0x3be: {  	[sflag:s20] =	ssyncadd.s32 $0xFFFFF000  }
0x3bf: {  	_ =	swait.ge [sflag:s22], $0x1000  }
0x3c0: {  	s10 =	rddreg [dreg:$0x13]  }
0x3c1: {  	s7 =	rddreg [dreg:$0x12];
	s10 =	sadd.s32 $0x1, s10  }
0x3c2: {  	p0 =	sne.s32 s10, s7  }
.Ltmp6:
0x3c3: {  	_ = 	snop;
	(pc) =	sbr.rel @p0 .LBB2_1-.Ltmp6, $3  }
0x3c4: {  	_ =	sdelay $0x1  }
0x3c5: {  	[sflag:s22] =	ssyncset.done $0x0  }
0x3c6: {  	s17 =	simm.s32 $0xB;
	[sflag:s22] =	ssyncadd.s32 $0xFFFFF000  }
0x3c7: {  	_ =	sfence.sel $0x180000  }
0x3c8: {  	[bflag:$0x0] =	sbarrier.arrive $0xFFFF  }
0x3c9: {  	_ =	strace $0x90000047  }
0x3ca: {  	s0 =	stileid.u32;
	[bflag:$0x2] =	sbarrier.arrive $0xFFFF  }
0x3cb: {  	p0 =	sne.s32 s0, $0x0;
	s0 =	rddreg [dreg:$0x2]  }
0x3cc: {  	s0 =	sadd.s32 @!p0 $0x100000, s0  }
0x3cd: {  	[sflag:s0] =	ssyncadd.tile.s32 @!p0 $0x1;
	_ =	shalt  }
.Lfunc_end2:
_tile_overlayer_lowered:
.L_overlay_start_2:
0x3ce: {  	(tag) =	ssettag $0x2  }
0x3cf: {  	s0 =	rddreg [dreg:$0x0];
	s2 =	stileid.u32  }
0x3d0: {  	s1 =	rddreg [dreg:$0x1];
	p0 =	sne.s32 s2, $0x0  }
0x3d1: {  	s3 =	rddreg [dreg:$0x2];
	[bflag:$0x3] =	sbarrier.arrive $0xFFFF;
	s2 =	simm.s32 @!p0 $0x1C0B  }
0x3d2: {  	[timem:s3], [sflag:s2] =	dma.local @!p0 [hbm:s0], s1  }
0x3d3: {  	s0 =	simm.s32 @!p0 $0xB  }
0x3d4: {  	_ =	swait.ge @!p0 [sflag:s0], s1  }
0x3d5: {  	s1 =	ssub.s32 @!p0 $0x0, s1;
	[sflag:s0] =	ssyncset.done @!p0 $0x0  }
0x3d6: {  	[sflag:s0] =	ssyncadd.s32 @!p0 s1  }
0x3d7: {  	[bflag:$0x3] =	sbarrier.arrive $0xFFFF  }
0x3d8: {  	_ =	shalt  }

</sc_bundles>
